<compile_context>
chip_gen: v7x
topology: tpu7x:2x2x1
jax: 0.10.2.dev20260603
libtpu: 0.0.44.dev20260713+nightly
codegen_flags: <defaults>
</compile_context>

<pallas_src>
import jax
import jax.numpy as jnp
from jax import lax
from jax.experimental import pallas as pl
from jax.experimental.pallas import tpu as pltpu
from jax.experimental.pallas import tpu_sc as plsc

N = 10000
E = 320000
G = 64
EMB = 128
HEADS = 4
NC = 2
NS = 16
FH = EMB // NC
CH = 128
EPT = E // NS
NCHUNK = -(-EPT // CH)
PAD = NCHUNK * CH - EPT
NBUF = 3
R8 = (N // NS) // 8 * 8
RREM = N - NS * R8
BN = 2000


def _leaky(v):
    return jnp.where(v > 0, v, 0.1 * v)


def _b16(v):
    return v.astype(jnp.bfloat16)


def _dot(a, b):
    return lax.dot_general(_b16(a), _b16(b), (((1,), (0,)), ((), ())),
                           preferred_element_type=jnp.float32)


def _sc_body(h_hbm, src_hbm, dst_hbm, zeros_hbm, agg_hbm,
             idx_src, idx_dst, rows,
             g0, g1, g2, s0, s1, s2, acc):
    gsem = (g0, g1, g2)
    ssem = (s0, s1, s2)
    c = lax.axis_index("c")
    s = lax.axis_index("s")
    r0 = s * R8
    pltpu.sync_copy(zeros_hbm.at[pl.ds(r0, R8)], acc.at[pl.ds(r0, R8)])

    @pl.when(s == NS - 1)
    def _zero_rem():
        pltpu.sync_copy(zeros_hbm.at[pl.ds(NS * R8, RREM)],
                        acc.at[pl.ds(NS * R8, RREM)])

    pltpu.sync_copy(src_hbm.at[c, s], idx_src)
    pltpu.sync_copy(dst_hbm.at[s], idx_dst)
    plsc.subcore_barrier()

    def start_gather(j, bi, b):
        pltpu.async_copy(h_hbm.at[idx_src.at[j]], rows.at[bi], gsem[b])

    def wait_gather(bi, b):
        pltpu.make_async_copy(h_hbm.at[idx_src.at[0]], rows.at[bi],
                              gsem[b]).wait()

    def start_scatter(j, bi, b):
        pltpu.async_copy(rows.at[bi], acc.at[idx_dst.at[j]], ssem[b], add=True)

    def wait_scatter(b):
        pltpu.make_async_copy(rows.at[0], acc.at[idx_dst.at[0]],
                              ssem[b]).wait()

    QL = -(-NCHUNK // NBUF)
    ends = [min((b + 1) * QL, NCHUNK) for b in range(NBUF)]
    for b in range(NBUF):
        start_gather(b * QL, 2 * b, b)

    def step(m, carry):
        mb = lax.rem(m, 2)
        for b in range(NBUF):
            j = b * QL + m

            @pl.when(j < ends[b])
            def _chunk(j=j, b=b, end=ends[b]):
                bi = 2 * b + mb
                wait_gather(bi, b)

                @pl.when(m > 0)
                def _ws():
                    wait_scatter(b)

                start_scatter(j, bi, b)

                @pl.when(j + 1 < end)
                def _refill():
                    start_gather(j + 1, 2 * b + (1 - mb), b)
        return carry

    lax.fori_loop(0, QL, step, 0, unroll=False)
    for b in range(NBUF):
        wait_scatter(b)
    plsc.subcore_barrier()

    cN = c * N
    pltpu.sync_copy(acc.at[pl.ds(r0, R8)], agg_hbm.at[pl.ds(cN + r0, R8)])

    @pl.when(s == NS - 1)
    def _copy_rem():
        pltpu.sync_copy(acc.at[pl.ds(NS * R8, RREM)],
                        agg_hbm.at[pl.ds(cN + NS * R8, RREM)])


def _sc_spmm(h_flat, src4, dst3, zeros):
    mesh = plsc.VectorSubcoreMesh(core_axis_name="c", subcore_axis_name="s",
                                  num_cores=NC, num_subcores=NS)
    scratch = [
        pltpu.VMEM((NCHUNK, CH), jnp.int32),
        pltpu.VMEM((NCHUNK, CH), jnp.int32),
        pltpu.VMEM((2 * NBUF, CH, FH), jnp.float32),
    ] + [pltpu.SemaphoreType.DMA] * (2 * NBUF) + [
        pltpu.VMEM_SHARED((N + 8, FH), jnp.float32),
    ]
    fn = pl.kernel(_sc_body,
                   out_type=jax.ShapeDtypeStruct((NC * N, FH), jnp.float32),
                   mesh=mesh, scratch_types=scratch,
                   compiler_params=pltpu.CompilerParams(use_tc_tiling_on_sc=False))
    return fn(h_flat, src4, dst3, zeros)


def _tc_layer_body(a0, a1, p0, p1, Wrel_r, Wroot_r, brel_r, out_ref):
    agg = jnp.concatenate([a0[...], a1[...]], axis=1)
    hp = jnp.concatenate([p0[...], p1[...]], axis=1)
    hn = _dot(agg, Wrel_r[...]) + brel_r[...] + _dot(hp, Wroot_r[...])
    out_ref[0] = hn[:, :FH]
    out_ref[1] = hn[:, FH:]


def _tc_layer(a0, a1, p0, p1, Wrel, Wroot, brel):
    def nmap(i):
        return (i, 0)

    def cmap(i):
        return (0, 0)

    half = pl.BlockSpec((BN, FH), nmap)
    return pl.pallas_call(
        _tc_layer_body,
        grid=(N // BN,),
        in_specs=[half, half, half, half,
                  pl.BlockSpec(Wrel.shape, cmap), pl.BlockSpec(Wroot.shape, cmap),
                  pl.BlockSpec((1, EMB), cmap)],
        out_specs=pl.BlockSpec((2, BN, FH), lambda i: (0, i, 0)),
        out_shape=jax.ShapeDtypeStruct((2, N, FH), jnp.float32),
        compiler_params=pltpu.CompilerParams(
            dimension_semantics=("arbitrary",)),
    )(a0, a1, p0, p1, Wrel, Wroot, brel)


def _tc_final_body(h30, h31, u_ref, seq_ref, gf_ref,
                   Wsr, bsr, Wgr, bgr,
                   Wqr, bqr, Wkr, bkr, Wvr, bvr, Wpr, bpr, scaler,
                   W1r, b1fr, W2r, b2fr,
                   out_ref, acc_ref):
    i = pl.program_id(0)

    @pl.when(i == 0)
    def _init():
        acc_ref[...] = jnp.zeros_like(acc_ref)

    ub = u_ref[...]
    dn = (((0,), (0,)), ((), ()))
    for k, r in enumerate((h30, h31)):
        acc_ref[k] += lax.dot_general(ub, r[...], dn,
                                      precision=lax.Precision.HIGHEST,
                                      preferred_element_type=jnp.float32)

    @pl.when(i == pl.num_programs(0) - 1)
    def _tail():
        g = jnp.concatenate([acc_ref[0], acc_ref[1]], axis=1)
        seq_rep = _leaky(_dot(seq_ref[...], Wsr[...]) + bsr[...])
        glob = _leaky(_dot(gf_ref[...], Wgr[...]) + bgr[...])
        toks = (g, seq_rep, glob)
        Q = [_dot(t, Wqr[...]) + bqr[...] for t in toks]
        K = [_dot(t, Wkr[...]) + bkr[...] for t in toks]
        V = [_dot(t, Wvr[...]) + bvr[...] for t in toks]
        scale = scaler[...]
        a1 = jnp.zeros((G, EMB), dtype=jnp.float32)
        for q in range(3):
            o_parts = []
            for h in range(HEADS):
                sl = slice(h * EMB, (h + 1) * EMB)
                Qb = _b16(Q[q][:, sl]).astype(jnp.float32)
                sc = [jnp.sum(Qb * _b16(K[kk][:, sl]).astype(jnp.float32),
                              axis=1, keepdims=True) / scale
                      for kk in range(3)]
                m = jnp.maximum(jnp.maximum(sc[0], sc[1]), sc[2])
                e = [jnp.exp(sv - m) for sv in sc]
                den = e[0] + e[1] + e[2]
                oh = jnp.zeros((G, EMB), dtype=jnp.float32)
                for kk in range(3):
                    ab = _b16(e[kk] / den).astype(jnp.float32)
                    vb = _b16(V[kk][:, sl]).astype(jnp.float32)
                    oh += ab * vb
                o_parts.append(oh)
            o_q = jnp.concatenate(o_parts, axis=1)
            a1 += _dot(o_q, Wpr[...]) + bpr[...]
        h1 = _leaky(_dot(a1, W1r[...]) + b1fr[...])
        out_ref[...] = _dot(h1, W2r[...]) + b2fr[...]


def _tc_final(h30, h31, u, seq, gf, pvals):
    def nmap(i):
        return (i, 0)

    def cmap(i):
        return (0, 0)

    half = pl.BlockSpec((BN, FH), nmap)
    in_specs = [half, half, pl.BlockSpec((BN, G), nmap)]
    in_specs += [pl.BlockSpec(t.shape, cmap) for t in (seq, gf)]
    in_specs += [pl.BlockSpec(t.shape, cmap) for t in pvals]
    return pl.pallas_call(
        _tc_final_body,
        grid=(N // BN,),
        in_specs=in_specs,
        out_specs=pl.BlockSpec((G, EMB), cmap),
        out_shape=jax.ShapeDtypeStruct((G, EMB), jnp.float32),
        scratch_shapes=[pltpu.VMEM((2, G, FH), jnp.float32)],
        compiler_params=pltpu.CompilerParams(
            dimension_semantics=("arbitrary",)),
    )(h30, h31, u, seq, gf, *pvals)


def kernel(x, edge_index, batch, seq, global_f, params):
    srcp = jnp.pad(edge_index[0], (0, NS * PAD), constant_values=0)
    dstp = jnp.pad(edge_index[1], (0, NS * PAD), constant_values=N)
    perm = jnp.argsort(dstp, stable=True)
    srcs, dsts = srcp[perm], dstp[perm]
    src4 = jnp.stack([srcs, srcs + N]).reshape(NC, NS, NCHUNK, CH)
    dst3 = dsts.reshape(NS, NCHUNK, CH)
    zeros = jnp.zeros((N, FH), dtype=jnp.float32)
    u = jax.nn.one_hot(batch, G, dtype=jnp.float32)
    p = params
    row = lambda a: a.reshape(1, -1)

    h = jnp.stack([x[:, :FH], x[:, FH:]])
    for l in range(3):
        agg_flat = _sc_spmm(h.reshape(NC * N, FH), src4, dst3, zeros)
        h = _tc_layer(agg_flat[:N], agg_flat[N:], h[0], h[1],
                      p['Wrel%d' % l], p['Wroot%d' % l], row(p['brel%d' % l]))

    pvals = (
        p['Ws'], row(p['bs']), p['Wg'], row(p['bg']),
        p['Wq'], row(p['bq']), p['Wk'], row(p['bk']),
        p['Wv'], row(p['bv']), p['Wp'], row(p['bp']),
        p['scale'].reshape(1, 1),
        p['W1'], row(p['b1']),
        jnp.broadcast_to(p['W2'], (EMB, EMB)), jnp.broadcast_to(p['b2'], (1, EMB)),
    )
    out128 = _tc_final(h[0], h[1], u, seq, global_f, pvals)
    return out128[:, :1]

# --- scband reference (transcript-rebuilt; emitter-appended) ---
"""Pipeline reference for scband-mmgraph-18176301596808 (READ-ONLY COPY).

The authoritative reference and input builder live on the scoring server;
editing this copy changes nothing except your own understanding.
"""

import jax, jax.numpy as jnp
import numpy as np

N_NODES = 10000
N_EDGES = 320000
D_IN = 128
EMB = 128
OUT = 1
NGRAPH = 64
MAXLEN = 50
HEADS = 4
NLAYER = 3


def leaky(x):
    return jnp.where(x > 0, x, 0.1 * x)


def setup_inputs(seed: int = 0) -> dict:
    key = jax.random.key(seed)
    ks = jax.random.split(key, 40)
    s = 0.05
    x = jax.random.normal(ks[0], (N_NODES, D_IN), dtype=jnp.float32)
    edge_index = jax.random.randint(ks[1], (2, N_EDGES), 0, N_NODES, dtype=jnp.int32)
    batch = jnp.sort(jax.random.randint(ks[2], (N_NODES,), 0, NGRAPH, dtype=jnp.int32))
    seq = jax.random.normal(ks[3], (NGRAPH, MAXLEN), dtype=jnp.float32)
    global_f = jax.random.normal(ks[4], (NGRAPH, 10), dtype=jnp.float32)
    params = {}
    for l in range(NLAYER):
        in_dim = D_IN if l == 0 else EMB
        params['Wrel%d' % l] = jax.random.normal(ks[5 + l], (in_dim, EMB), dtype=jnp.float32) * s
        params['brel%d' % l] = jnp.zeros((EMB,), dtype=jnp.float32)
        params['Wroot%d' % l] = jax.random.normal(ks[8 + l], (in_dim, EMB), dtype=jnp.float32) * s
    params['Ws'] = jax.random.normal(ks[11], (MAXLEN, EMB), dtype=jnp.float32) * s
    params['bs'] = jnp.zeros((EMB,), dtype=jnp.float32)
    params['Wg'] = jax.random.normal(ks[12], (10, EMB), dtype=jnp.float32) * s
    params['bg'] = jnp.zeros((EMB,), dtype=jnp.float32)
    params['Wq'] = jax.random.normal(ks[13], (EMB, EMB * HEADS), dtype=jnp.float32) * s
    params['bq'] = jnp.zeros((EMB * HEADS,), dtype=jnp.float32)
    params['Wk'] = jax.random.normal(ks[14], (EMB, EMB * HEADS), dtype=jnp.float32) * s
    params['bk'] = jnp.zeros((EMB * HEADS,), dtype=jnp.float32)
    params['Wv'] = jax.random.normal(ks[15], (EMB, EMB * HEADS), dtype=jnp.float32) * s
    params['bv'] = jnp.zeros((EMB * HEADS,), dtype=jnp.float32)
    params['Wp'] = jax.random.normal(ks[16], (EMB * HEADS, EMB), dtype=jnp.float32) * s
    params['bp'] = jnp.zeros((EMB,), dtype=jnp.float32)
    params['scale'] = jnp.array([np.sqrt(EMB // HEADS)], dtype=jnp.float32)
    params['W1'] = jax.random.normal(ks[17], (EMB, EMB), dtype=jnp.float32) * s
    params['b1'] = jnp.zeros((EMB,), dtype=jnp.float32)
    params['W2'] = jax.random.normal(ks[18], (EMB, OUT), dtype=jnp.float32) * s
    params['b2'] = jnp.zeros((OUT,), dtype=jnp.float32)
    return {'x': x, 'edge_index': edge_index, 'batch': batch, 'seq': seq, 'global_f': global_f, 'params': params}


def _forward(x, seq, global_f, params, edge_index, batch):
    # GNN stack: 3x PyG GraphConv (aggr='add'): out = lin_rel(sum_j x_j) + lin_root(x)
    src = edge_index[0]
    dst = edge_index[1]
    h = x
    for l in range(NLAYER):
        msg = h[src]  # gather (SparseCore)
        agg = jax.ops.segment_sum(msg, dst, num_segments=N_NODES)  # scatter-add
        h = agg @ params['Wrel%d' % l] + params['brel%d' % l] + h @ params['Wroot%d' % l]
    # global_add_pool per graph
    graph_rep = jax.ops.segment_sum(h, batch, num_segments=NGRAPH)
    # seq / global encoders (Dropout is identity in eval mode)
    seq_rep = leaky(seq @ params['Ws'] + params['bs'])
    glob = leaky(global_f @ params['Wg'] + params['bg'])
    # SimpleSelfAttention over the 3 modality tokens, 4 heads
    xs = jnp.stack([graph_rep, seq_rep, glob], axis=1)  # [B,3,EMB]
    Q = (xs @ params['Wq'] + params['bq']).reshape(NGRAPH, 3, HEADS, EMB).transpose(0, 2, 1, 3)
    K = (xs @ params['Wk'] + params['bk']).reshape(NGRAPH, 3, HEADS, EMB).transpose(0, 2, 1, 3)
    V = (xs @ params['Wv'] + params['bv']).reshape(NGRAPH, 3, HEADS, EMB).transpose(0, 2, 1, 3)
    scores = jnp.einsum('bhqd,bhkd->bhqk', Q, K) / params['scale'][0]
    attn = jax.nn.softmax(scores, axis=-1)
    o = jnp.einsum('bhqk,bhkd->bhqd', attn, V)
    o = o.transpose(0, 2, 1, 3).reshape(NGRAPH, 3, HEADS * EMB)
    o = o @ params['Wp'] + params['bp']
    a1 = o.sum(axis=1)  # [B,EMB]
    # fc head (Dropout identity)
    h1 = leaky(a1 @ params['W1'] + params['b1'])
    out = h1 @ params['W2'] + params['b2']
    return out


def reference(x, edge_index, batch, seq, global_f, params):
    return _forward(x, seq, global_f, params, edge_index, batch)

if __name__ == "__main__":
    import jax
    _d = setup_inputs()
    print(jax.jit(kernel)(*tuple(_d.values())))

</pallas_src>

<mosaic_0001>
#map = affine_map<(d0, d1) -> (0, 0)>
#map1 = affine_map<(d0, d1) -> (0, 0, 0, 0)>
#map2 = affine_map<(d0, d1) -> (0, 0, 0)>
module attributes {stable_mosaic.version = 14 : i64} {
  func.func @_sc_body(%arg0: i32, %arg1: i32, %arg2: memref<20000x64xf32, #tpu.memory_space<hbm>>, %arg3: memref<2x16x157x128xi32, #tpu.memory_space<hbm>>, %arg4: memref<16x157x128xi32, #tpu.memory_space<hbm>>, %arg5: memref<10000x64xf32, #tpu.memory_space<hbm>>, %arg6: memref<20000x64xf32, #tpu.memory_space<hbm>>, %arg7: memref<157x128xi32, #tpu.memory_space<vmem>>, %arg8: memref<157x128xi32, #tpu.memory_space<vmem>>, %arg9: memref<6x128x64xf32, #tpu.memory_space<vmem>>, %arg10: memref<!tpu.dma_semaphore, #tpu.memory_space<semaphore_mem>>, %arg11: memref<!tpu.dma_semaphore, #tpu.memory_space<semaphore_mem>>, %arg12: memref<!tpu.dma_semaphore, #tpu.memory_space<semaphore_mem>>, %arg13: memref<!tpu.dma_semaphore, #tpu.memory_space<semaphore_mem>>, %arg14: memref<!tpu.dma_semaphore, #tpu.memory_space<semaphore_mem>>, %arg15: memref<!tpu.dma_semaphore, #tpu.memory_space<semaphore_mem>>, %arg16: memref<10008x64xf32, #tpu.memory_space<vmem_shared>>) attributes {dimension_semantics = [#tpu.dimension_semantics<core_parallel>, #tpu.dimension_semantics<subcore_parallel>], iteration_bounds = array<i64: 2, 16>, scalar_prefetch = 0 : i64, scratch_operands = 10 : i64, tpu.core_type = #tpu.core_type<sc_vector_subcore>, window_params = [{transform_indices = #map}, {transform_indices = #map1}, {transform_indices = #map2}, {transform_indices = #map}, {transform_indices = #map}]} {
    %mul3A = arith.constant 624 : i32
    %mul3A_0 = arith.muli %arg1, %mul3A : i32
    "tpu.region"() ({
      %run_scoped3A = tpu.sem_alloc : memref<!tpu.dma_semaphore, #tpu.memory_space<semaphore_mem>>
      %dma_start3A_86 = arith.constant 0 : i32
      %dma_start3A_87 = tpu.memref_slice %arg16[%mul3A_0, %dma_start3A_86] : memref<10008x64xf32, #tpu.memory_space<vmem_shared>> -> memref<624x64xf32, #tpu.memory_space<vmem_shared>>
      %dma_start3A_88 = arith.constant 0 : i32
      %dma_start3A_89 = tpu.memref_slice %arg5[%mul3A_0, %dma_start3A_88] : memref<10000x64xf32, #tpu.memory_space<hbm>> -> memref<624x64xf32, #tpu.memory_space<hbm>>
      tpu.enqueue_dma source(%dma_start3A_89 : memref<624x64xf32, #tpu.memory_space<hbm>>) target(%dma_start3A_87 : memref<624x64xf32, #tpu.memory_space<vmem_shared>>) target_semaphore(%run_scoped3A : memref<!tpu.dma_semaphore, #tpu.memory_space<semaphore_mem>>)
      %dma_wait3A_90 = arith.constant 0 : i32
      %dma_wait3A_91 = tpu.memref_slice %arg16[%mul3A_0, %dma_wait3A_90] : memref<10008x64xf32, #tpu.memory_space<vmem_shared>> -> memref<624x64xf32, #tpu.memory_space<vmem_shared>>
      %dma_wait3A_92 = arith.constant 0 : i32
      %dma_wait3A_93 = tpu.memref_slice %arg5[%mul3A_0, %dma_wait3A_92] : memref<10000x64xf32, #tpu.memory_space<hbm>> -> memref<624x64xf32, #tpu.memory_space<hbm>>
      tpu.wait_dma2 semaphore(%run_scoped3A : memref<!tpu.dma_semaphore, #tpu.memory_space<semaphore_mem>>) src(%dma_wait3A_93 : memref<624x64xf32, #tpu.memory_space<hbm>>) dst(%dma_wait3A_91 : memref<624x64xf32, #tpu.memory_space<vmem_shared>>)
      tpu.yield
    }) : () -> ()
    %eq3A = arith.constant 15 : i32
    %eq3A_1 = arith.cmpi eq, %arg1, %eq3A : i32
    %convert_element_type3A = arith.extui %eq3A_1 : i1 to i32
    %cond3A = arith.constant 0 : i32
    %cond3A_2 = arith.cmpi ne, %convert_element_type3A, %cond3A : i32
    scf.if %cond3A_2 {
      "tpu.region"() ({
        %run_scoped3A = tpu.sem_alloc : memref<!tpu.dma_semaphore, #tpu.memory_space<semaphore_mem>>
        %dma_start3A_86 = arith.constant 9984 : i32
        %dma_start3A_87 = arith.constant 0 : i32
        %dma_start3A_88 = tpu.memref_slice %arg16[%dma_start3A_86, %dma_start3A_87] : memref<10008x64xf32, #tpu.memory_space<vmem_shared>> -> memref<16x64xf32, #tpu.memory_space<vmem_shared>>
        %dma_start3A_89 = arith.constant 9984 : i32
        %dma_start3A_90 = arith.constant 0 : i32
        %dma_start3A_91 = tpu.memref_slice %arg5[%dma_start3A_89, %dma_start3A_90] : memref<10000x64xf32, #tpu.memory_space<hbm>> -> memref<16x64xf32, #tpu.memory_space<hbm>>
        tpu.enqueue_dma source(%dma_start3A_91 : memref<16x64xf32, #tpu.memory_space<hbm>>) target(%dma_start3A_88 : memref<16x64xf32, #tpu.memory_space<vmem_shared>>) target_semaphore(%run_scoped3A : memref<!tpu.dma_semaphore, #tpu.memory_space<semaphore_mem>>)
        %dma_wait3A_92 = arith.constant 9984 : i32
        %dma_wait3A_93 = arith.constant 0 : i32
        %dma_wait3A_94 = tpu.memref_slice %arg16[%dma_wait3A_92, %dma_wait3A_93] : memref<10008x64xf32, #tpu.memory_space<vmem_shared>> -> memref<16x64xf32, #tpu.memory_space<vmem_shared>>
        %dma_wait3A_95 = arith.constant 9984 : i32
        %dma_wait3A_96 = arith.constant 0 : i32
        %dma_wait3A_97 = tpu.memref_slice %arg5[%dma_wait3A_95, %dma_wait3A_96] : memref<10000x64xf32, #tpu.memory_space<hbm>> -> memref<16x64xf32, #tpu.memory_space<hbm>>
        tpu.wait_dma2 semaphore(%run_scoped3A : memref<!tpu.dma_semaphore, #tpu.memory_space<semaphore_mem>>) src(%dma_wait3A_97 : memref<16x64xf32, #tpu.memory_space<hbm>>) dst(%dma_wait3A_94 : memref<16x64xf32, #tpu.memory_space<vmem_shared>>)
        tpu.yield
      }) : () -> ()
    } else {
    }
    "tpu.region"() ({
      %run_scoped3A = tpu.sem_alloc : memref<!tpu.dma_semaphore, #tpu.memory_space<semaphore_mem>>
      %dma_start3A_86 = arith.constant 0 : i32
      %dma_start3A_87 = arith.constant 0 : i32
      %dma_start3A_88 = tpu.memref_slice %arg3[%arg0, %arg1, %dma_start3A_86, %dma_start3A_87] : memref<2x16x157x128xi32, #tpu.memory_space<hbm>> -> memref<1x1x157x128xi32, #tpu.memory_space<hbm>>
      %dma_start3A_89 = tpu.memref_squeeze %dma_start3A_88 : memref<1x1x157x128xi32, #tpu.memory_space<hbm>> -> memref<157x128xi32, #tpu.memory_space<hbm>>
      %dma_start3A_90 = arith.constant 0 : i32
      %dma_start3A_91 = arith.constant 0 : i32
      %dma_start3A_92 = tpu.memref_slice %arg3[%arg0, %arg1, %dma_start3A_90, %dma_start3A_91] : memref<2x16x157x128xi32, #tpu.memory_space<hbm>> -> memref<1x1x157x128xi32, #tpu.memory_space<hbm>>
      %dma_start3A_93 = tpu.memref_squeeze %dma_start3A_92 : memref<1x1x157x128xi32, #tpu.memory_space<hbm>> -> memref<157x128xi32, #tpu.memory_space<hbm>>
      tpu.enqueue_dma source(%dma_start3A_93 : memref<157x128xi32, #tpu.memory_space<hbm>>) target(%arg7 : memref<157x128xi32, #tpu.memory_space<vmem>>) target_semaphore(%run_scoped3A : memref<!tpu.dma_semaphore, #tpu.memory_space<semaphore_mem>>)
      %dma_wait3A_94 = arith.constant 0 : i32
      %dma_wait3A_95 = arith.constant 0 : i32
      %dma_wait3A_96 = tpu.memref_slice %arg3[%arg0, %arg1, %dma_wait3A_94, %dma_wait3A_95] : memref<2x16x157x128xi32, #tpu.memory_space<hbm>> -> memref<1x1x157x128xi32, #tpu.memory_space<hbm>>
      %dma_wait3A_97 = tpu.memref_squeeze %dma_wait3A_96 : memref<1x1x157x128xi32, #tpu.memory_space<hbm>> -> memref<157x128xi32, #tpu.memory_space<hbm>>
      %dma_wait3A_98 = arith.constant 0 : i32
      %dma_wait3A_99 = arith.constant 0 : i32
      %dma_wait3A_100 = tpu.memref_slice %arg3[%arg0, %arg1, %dma_wait3A_98, %dma_wait3A_99] : memref<2x16x157x128xi32, #tpu.memory_space<hbm>> -> memref<1x1x157x128xi32, #tpu.memory_space<hbm>>
      %dma_wait3A_101 = tpu.memref_squeeze %dma_wait3A_100 : memref<1x1x157x128xi32, #tpu.memory_space<hbm>> -> memref<157x128xi32, #tpu.memory_space<hbm>>
      tpu.wait_dma2 semaphore(%run_scoped3A : memref<!tpu.dma_semaphore, #tpu.memory_space<semaphore_mem>>) src(%dma_wait3A_101 : memref<157x128xi32, #tpu.memory_space<hbm>>) dst(%arg7 : memref<157x128xi32, #tpu.memory_space<vmem>>)
      tpu.yield
    }) : () -> ()
    "tpu.region"() ({
      %run_scoped3A = tpu.sem_alloc : memref<!tpu.dma_semaphore, #tpu.memory_space<semaphore_mem>>
      %dma_start3A_86 = arith.constant 0 : i32
      %dma_start3A_87 = arith.constant 0 : i32
      %dma_start3A_88 = tpu.memref_slice %arg4[%arg1, %dma_start3A_86, %dma_start3A_87] : memref<16x157x128xi32, #tpu.memory_space<hbm>> -> memref<1x157x128xi32, #tpu.memory_space<hbm>>
      %dma_start3A_89 = tpu.memref_squeeze %dma_start3A_88 : memref<1x157x128xi32, #tpu.memory_space<hbm>> -> memref<157x128xi32, #tpu.memory_space<hbm>>
      %dma_start3A_90 = arith.constant 0 : i32
      %dma_start3A_91 = arith.constant 0 : i32
      %dma_start3A_92 = tpu.memref_slice %arg4[%arg1, %dma_start3A_90, %dma_start3A_91] : memref<16x157x128xi32, #tpu.memory_space<hbm>> -> memref<1x157x128xi32, #tpu.memory_space<hbm>>
      %dma_start3A_93 = tpu.memref_squeeze %dma_start3A_92 : memref<1x157x128xi32, #tpu.memory_space<hbm>> -> memref<157x128xi32, #tpu.memory_space<hbm>>
      tpu.enqueue_dma source(%dma_start3A_93 : memref<157x128xi32, #tpu.memory_space<hbm>>) target(%arg8 : memref<157x128xi32, #tpu.memory_space<vmem>>) target_semaphore(%run_scoped3A : memref<!tpu.dma_semaphore, #tpu.memory_space<semaphore_mem>>)
      %dma_wait3A_94 = arith.constant 0 : i32
      %dma_wait3A_95 = arith.constant 0 : i32
      %dma_wait3A_96 = tpu.memref_slice %arg4[%arg1, %dma_wait3A_94, %dma_wait3A_95] : memref<16x157x128xi32, #tpu.memory_space<hbm>> -> memref<1x157x128xi32, #tpu.memory_space<hbm>>
      %dma_wait3A_97 = tpu.memref_squeeze %dma_wait3A_96 : memref<1x157x128xi32, #tpu.memory_space<hbm>> -> memref<157x128xi32, #tpu.memory_space<hbm>>
      %dma_wait3A_98 = arith.constant 0 : i32
      %dma_wait3A_99 = arith.constant 0 : i32
      %dma_wait3A_100 = tpu.memref_slice %arg4[%arg1, %dma_wait3A_98, %dma_wait3A_99] : memref<16x157x128xi32, #tpu.memory_space<hbm>> -> memref<1x157x128xi32, #tpu.memory_space<hbm>>
      %dma_wait3A_101 = tpu.memref_squeeze %dma_wait3A_100 : memref<1x157x128xi32, #tpu.memory_space<hbm>> -> memref<157x128xi32, #tpu.memory_space<hbm>>
      tpu.wait_dma2 semaphore(%run_scoped3A : memref<!tpu.dma_semaphore, #tpu.memory_space<semaphore_mem>>) src(%dma_wait3A_101 : memref<157x128xi32, #tpu.memory_space<hbm>>) dst(%arg8 : memref<157x128xi32, #tpu.memory_space<vmem>>)
      tpu.yield
    }) : () -> ()
    %barrier3A = arith.constant 0 : index
    tpu.barrier barrier_id(%barrier3A)
    %dma_start3A = arith.constant 0 : i32
    %dma_start3A_3 = arith.constant 0 : i32
    %dma_start3A_4 = arith.constant 0 : i32
    %dma_start3A_5 = arith.constant 0 : i32
    %dma_start3A_6 = tpu.memref_slice %arg9[%dma_start3A_3, %dma_start3A_4, %dma_start3A_5] : memref<6x128x64xf32, #tpu.memory_space<vmem>> -> memref<1x128x64xf32, #tpu.memory_space<vmem>>
    %dma_start3A_7 = tpu.memref_squeeze %dma_start3A_6 : memref<1x128x64xf32, #tpu.memory_space<vmem>> -> memref<128x64xf32, #tpu.memory_space<vmem>>
    %dma_start3A_8 = arith.constant 0 : i32
    %dma_start3A_9 = tpu.memref_slice %arg7[%dma_start3A, %dma_start3A_8] : memref<157x128xi32, #tpu.memory_space<vmem>> -> memref<1x128xi32, #tpu.memory_space<vmem>>
    %dma_start3A_10 = tpu.memref_squeeze %dma_start3A_9 : memref<1x128xi32, #tpu.memory_space<vmem>> -> memref<128xi32, #tpu.memory_space<vmem>>
    %dma_start3A_11 = arith.constant 0 : i32
    %dma_start3A_12 = arith.constant 0 : i32
    %dma_start3A_13 = tpu.memref_slice %arg2[%dma_start3A_11, %dma_start3A_12] : memref<20000x64xf32, #tpu.memory_space<hbm>> -> memref<20000x64xf32, #tpu.memory_space<hbm>>
    tpu.enqueue_indirect_dma source(%dma_start3A_13 : memref<20000x64xf32, #tpu.memory_space<hbm>>) target(%dma_start3A_7 : memref<128x64xf32, #tpu.memory_space<vmem>>) offsets(%dma_start3A_10 : memref<128xi32, #tpu.memory_space<vmem>>) semaphore(%arg10 : memref<!tpu.dma_semaphore, #tpu.memory_space<semaphore_mem>>)
    %dma_start3A_14 = arith.constant 53 : i32
    %dma_start3A_15 = arith.constant 2 : i32
    %dma_start3A_16 = arith.constant 0 : i32
    %dma_start3A_17 = arith.constant 0 : i32
    %dma_start3A_18 = tpu.memref_slice %arg9[%dma_start3A_15, %dma_start3A_16, %dma_start3A_17] : memref<6x128x64xf32, #tpu.memory_space<vmem>> -> memref<1x128x64xf32, #tpu.memory_space<vmem>>
    %dma_start3A_19 = tpu.memref_squeeze %dma_start3A_18 : memref<1x128x64xf32, #tpu.memory_space<vmem>> -> memref<128x64xf32, #tpu.memory_space<vmem>>
    %dma_start3A_20 = arith.constant 0 : i32
    %dma_start3A_21 = tpu.memref_slice %arg7[%dma_start3A_14, %dma_start3A_20] : memref<157x128xi32, #tpu.memory_space<vmem>> -> memref<1x128xi32, #tpu.memory_space<vmem>>
    %dma_start3A_22 = tpu.memref_squeeze %dma_start3A_21 : memref<1x128xi32, #tpu.memory_space<vmem>> -> memref<128xi32, #tpu.memory_space<vmem>>
    %dma_start3A_23 = arith.constant 0 : i32
    %dma_start3A_24 = arith.constant 0 : i32
    %dma_start3A_25 = tpu.memref_slice %arg2[%dma_start3A_23, %dma_start3A_24] : memref<20000x64xf32, #tpu.memory_space<hbm>> -> memref<20000x64xf32, #tpu.memory_space<hbm>>
    tpu.enqueue_indirect_dma source(%dma_start3A_25 : memref<20000x64xf32, #tpu.memory_space<hbm>>) target(%dma_start3A_19 : memref<128x64xf32, #tpu.memory_space<vmem>>) offsets(%dma_start3A_22 : memref<128xi32, #tpu.memory_space<vmem>>) semaphore(%arg11 : memref<!tpu.dma_semaphore, #tpu.memory_space<semaphore_mem>>)
    %dma_start3A_26 = arith.constant 106 : i32
    %dma_start3A_27 = arith.constant 4 : i32
    %dma_start3A_28 = arith.constant 0 : i32
    %dma_start3A_29 = arith.constant 0 : i32
    %dma_start3A_30 = tpu.memref_slice %arg9[%dma_start3A_27, %dma_start3A_28, %dma_start3A_29] : memref<6x128x64xf32, #tpu.memory_space<vmem>> -> memref<1x128x64xf32, #tpu.memory_space<vmem>>
    %dma_start3A_31 = tpu.memref_squeeze %dma_start3A_30 : memref<1x128x64xf32, #tpu.memory_space<vmem>> -> memref<128x64xf32, #tpu.memory_space<vmem>>
    %dma_start3A_32 = arith.constant 0 : i32
    %dma_start3A_33 = tpu.memref_slice %arg7[%dma_start3A_26, %dma_start3A_32] : memref<157x128xi32, #tpu.memory_space<vmem>> -> memref<1x128xi32, #tpu.memory_space<vmem>>
    %dma_start3A_34 = tpu.memref_squeeze %dma_start3A_33 : memref<1x128xi32, #tpu.memory_space<vmem>> -> memref<128xi32, #tpu.memory_space<vmem>>
    %dma_start3A_35 = arith.constant 0 : i32
    %dma_start3A_36 = arith.constant 0 : i32
    %dma_start3A_37 = tpu.memref_slice %arg2[%dma_start3A_35, %dma_start3A_36] : memref<20000x64xf32, #tpu.memory_space<hbm>> -> memref<20000x64xf32, #tpu.memory_space<hbm>>
    tpu.enqueue_indirect_dma source(%dma_start3A_37 : memref<20000x64xf32, #tpu.memory_space<hbm>>) target(%dma_start3A_31 : memref<128x64xf32, #tpu.memory_space<vmem>>) offsets(%dma_start3A_34 : memref<128xi32, #tpu.memory_space<vmem>>) semaphore(%arg12 : memref<!tpu.dma_semaphore, #tpu.memory_space<semaphore_mem>>)
    %scan3A = arith.constant 0 : i32
    %scan3A_38 = arith.constant 0 : i32
    %scan3A_39 = arith.constant 53 : i32
    %scan3A_40 = arith.addi %scan3A_38, %scan3A_39 : i32
    %scan3A_41 = arith.constant 1 : i32
    scf.for %scan3A_86 = %scan3A_38 to %scan3A_40 step %scan3A_41  : i32 {
      %rem3A = arith.constant 2 : i32
      %rem3A_87 = arith.remsi %scan3A_86, %rem3A : i32
      %add3A_88 = arith.constant 0 : i32
      %add3A_89 = arith.addi %add3A_88, %scan3A_86 : i32
      %lt3A = arith.constant 53 : i32
      %lt3A_90 = arith.cmpi slt, %add3A_89, %lt3A : i32
      %convert_element_type3A_91 = arith.extui %lt3A_90 : i1 to i32
      %cond3A_92 = arith.constant 0 : i32
      %cond3A_93 = arith.cmpi ne, %convert_element_type3A_91, %cond3A_92 : i32
      scf.if %cond3A_93 {
        %add3A_108 = arith.constant 0 : i32
        %add3A_109 = arith.addi %add3A_108, %rem3A_87 : i32
        %dma_wait3A_110 = arith.constant 0 : i32
        %dma_wait3A_111 = arith.constant 0 : i32
        %dma_wait3A_112 = arith.constant 0 : i32
        %dma_wait3A_113 = tpu.memref_slice %arg9[%add3A_109, %dma_wait3A_111, %dma_wait3A_112] : memref<6x128x64xf32, #tpu.memory_space<vmem>> -> memref<1x128x64xf32, #tpu.memory_space<vmem>>
        %dma_wait3A_114 = tpu.memref_squeeze %dma_wait3A_113 : memref<1x128x64xf32, #tpu.memory_space<vmem>> -> memref<128x64xf32, #tpu.memory_space<vmem>>
        %dma_wait3A_115 = arith.constant 0 : i32
        %dma_wait3A_116 = tpu.memref_slice %arg7[%dma_wait3A_110, %dma_wait3A_115] : memref<157x128xi32, #tpu.memory_space<vmem>> -> memref<1x128xi32, #tpu.memory_space<vmem>>
        %dma_wait3A_117 = tpu.memref_squeeze %dma_wait3A_116 : memref<1x128xi32, #tpu.memory_space<vmem>> -> memref<128xi32, #tpu.memory_space<vmem>>
        %dma_wait3A_118 = arith.constant 0 : i32
        %dma_wait3A_119 = arith.constant 0 : i32
        %dma_wait3A_120 = tpu.memref_slice %arg2[%dma_wait3A_118, %dma_wait3A_119] : memref<20000x64xf32, #tpu.memory_space<hbm>> -> memref<20000x64xf32, #tpu.memory_space<hbm>>
        tpu.wait_indirect_dma semaphore(%arg10 : memref<!tpu.dma_semaphore, #tpu.memory_space<semaphore_mem>>) src(%dma_wait3A_120 : memref<20000x64xf32, #tpu.memory_space<hbm>>) dst(%dma_wait3A_114 : memref<128x64xf32, #tpu.memory_space<vmem>>)
        %gt3A = arith.constant 0 : i32
        %gt3A_121 = arith.cmpi sgt, %scan3A_86, %gt3A : i32
        %convert_element_type3A_122 = arith.extui %gt3A_121 : i1 to i32
        %cond3A_123 = arith.constant 0 : i32
        %cond3A_124 = arith.cmpi ne, %convert_element_type3A_122, %cond3A_123 : i32
        scf.if %cond3A_124 {
          %dma_wait3A_142 = arith.constant 0 : i32
          %dma_wait3A_143 = arith.constant 0 : i32
          %dma_wait3A_144 = arith.constant 0 : i32
          %dma_wait3A_145 = arith.constant 0 : i32
          %dma_wait3A_146 = tpu.memref_slice %arg9[%dma_wait3A_142, %dma_wait3A_144, %dma_wait3A_145] : memref<6x128x64xf32, #tpu.memory_space<vmem>> -> memref<1x128x64xf32, #tpu.memory_space<vmem>>
          %dma_wait3A_147 = tpu.memref_squeeze %dma_wait3A_146 : memref<1x128x64xf32, #tpu.memory_space<vmem>> -> memref<128x64xf32, #tpu.memory_space<vmem>>
          %dma_wait3A_148 = arith.constant 0 : i32
          %dma_wait3A_149 = tpu.memref_slice %arg8[%dma_wait3A_143, %dma_wait3A_148] : memref<157x128xi32, #tpu.memory_space<vmem>> -> memref<1x128xi32, #tpu.memory_space<vmem>>
          %dma_wait3A_150 = tpu.memref_squeeze %dma_wait3A_149 : memref<1x128xi32, #tpu.memory_space<vmem>> -> memref<128xi32, #tpu.memory_space<vmem>>
          %dma_wait3A_151 = arith.constant 0 : i32
          %dma_wait3A_152 = arith.constant 0 : i32
          %dma_wait3A_153 = tpu.memref_slice %arg16[%dma_wait3A_151, %dma_wait3A_152] : memref<10008x64xf32, #tpu.memory_space<vmem_shared>> -> memref<10008x64xf32, #tpu.memory_space<vmem_shared>>
          tpu.wait_indirect_dma semaphore(%arg13 : memref<!tpu.dma_semaphore, #tpu.memory_space<semaphore_mem>>) src(%dma_wait3A_147 : memref<128x64xf32, #tpu.memory_space<vmem>>) dst(%dma_wait3A_153 : memref<10008x64xf32, #tpu.memory_space<vmem_shared>>)
        } else {
        }
        %dma_start3A_125 = arith.constant 0 : i32
        %dma_start3A_126 = arith.constant 0 : i32
        %dma_start3A_127 = tpu.memref_slice %arg9[%add3A_109, %dma_start3A_125, %dma_start3A_126] : memref<6x128x64xf32, #tpu.memory_space<vmem>> -> memref<1x128x64xf32, #tpu.memory_space<vmem>>
        %dma_start3A_128 = tpu.memref_squeeze %dma_start3A_127 : memref<1x128x64xf32, #tpu.memory_space<vmem>> -> memref<128x64xf32, #tpu.memory_space<vmem>>
        %dma_start3A_129 = arith.constant 0 : i32
        %dma_start3A_130 = tpu.memref_slice %arg8[%add3A_89, %dma_start3A_129] : memref<157x128xi32, #tpu.memory_space<vmem>> -> memref<1x128xi32, #tpu.memory_space<vmem>>
        %dma_start3A_131 = tpu.memref_squeeze %dma_start3A_130 : memref<1x128xi32, #tpu.memory_space<vmem>> -> memref<128xi32, #tpu.memory_space<vmem>>
        %dma_start3A_132 = arith.constant 0 : i32
        %dma_start3A_133 = arith.constant 0 : i32
        %dma_start3A_134 = tpu.memref_slice %arg16[%dma_start3A_132, %dma_start3A_133] : memref<10008x64xf32, #tpu.memory_space<vmem_shared>> -> memref<10008x64xf32, #tpu.memory_space<vmem_shared>>
        tpu.enqueue_indirect_dma source(%dma_start3A_128 : memref<128x64xf32, #tpu.memory_space<vmem>>) target(%dma_start3A_134 : memref<10008x64xf32, #tpu.memory_space<vmem_shared>>) offsets(%dma_start3A_131 : memref<128xi32, #tpu.memory_space<vmem>>) semaphore(%arg13 : memref<!tpu.dma_semaphore, #tpu.memory_space<semaphore_mem>>) {add = true}
        %add3A_135 = arith.constant 1 : i32
        %add3A_136 = arith.addi %add3A_89, %add3A_135 : i32
        %lt3A_137 = arith.constant 53 : i32
        %lt3A_138 = arith.cmpi slt, %add3A_136, %lt3A_137 : i32
        %convert_element_type3A_139 = arith.extui %lt3A_138 : i1 to i32
        %cond3A_140 = arith.constant 0 : i32
        %cond3A_141 = arith.cmpi ne, %convert_element_type3A_139, %cond3A_140 : i32
        scf.if %cond3A_141 {
          %add3A_142 = arith.constant 1 : i32
          %add3A_143 = arith.addi %add3A_89, %add3A_142 : i32
          %sub3A = arith.constant 1 : i32
          %sub3A_144 = arith.subi %sub3A, %rem3A_87 : i32
          %add3A_145 = arith.constant 0 : i32
          %add3A_146 = arith.addi %add3A_145, %sub3A_144 : i32
          %dma_start3A_147 = arith.constant 0 : i32
          %dma_start3A_148 = arith.constant 0 : i32
          %dma_start3A_149 = tpu.memref_slice %arg9[%add3A_146, %dma_start3A_147, %dma_start3A_148] : memref<6x128x64xf32, #tpu.memory_space<vmem>> -> memref<1x128x64xf32, #tpu.memory_space<vmem>>
          %dma_start3A_150 = tpu.memref_squeeze %dma_start3A_149 : memref<1x128x64xf32, #tpu.memory_space<vmem>> -> memref<128x64xf32, #tpu.memory_space<vmem>>
          %dma_start3A_151 = arith.constant 0 : i32
          %dma_start3A_152 = tpu.memref_slice %arg7[%add3A_143, %dma_start3A_151] : memref<157x128xi32, #tpu.memory_space<vmem>> -> memref<1x128xi32, #tpu.memory_space<vmem>>
          %dma_start3A_153 = tpu.memref_squeeze %dma_start3A_152 : memref<1x128xi32, #tpu.memory_space<vmem>> -> memref<128xi32, #tpu.memory_space<vmem>>
          %dma_start3A_154 = arith.constant 0 : i32
          %dma_start3A_155 = arith.constant 0 : i32
          %dma_start3A_156 = tpu.memref_slice %arg2[%dma_start3A_154, %dma_start3A_155] : memref<20000x64xf32, #tpu.memory_space<hbm>> -> memref<20000x64xf32, #tpu.memory_space<hbm>>
          tpu.enqueue_indirect_dma source(%dma_start3A_156 : memref<20000x64xf32, #tpu.memory_space<hbm>>) target(%dma_start3A_150 : memref<128x64xf32, #tpu.memory_space<vmem>>) offsets(%dma_start3A_153 : memref<128xi32, #tpu.memory_space<vmem>>) semaphore(%arg10 : memref<!tpu.dma_semaphore, #tpu.memory_space<semaphore_mem>>)
        } else {
        }
      } else {
      }
      %add3A_94 = arith.constant 53 : i32
      %add3A_95 = arith.addi %add3A_94, %scan3A_86 : i32
      %lt3A_96 = arith.constant 106 : i32
      %lt3A_97 = arith.cmpi slt, %add3A_95, %lt3A_96 : i32
      %convert_element_type3A_98 = arith.extui %lt3A_97 : i1 to i32
      %cond3A_99 = arith.constant 0 : i32
      %cond3A_100 = arith.cmpi ne, %convert_element_type3A_98, %cond3A_99 : i32
      scf.if %cond3A_100 {
        %add3A_108 = arith.constant 2 : i32
        %add3A_109 = arith.addi %add3A_108, %rem3A_87 : i32
        %dma_wait3A_110 = arith.constant 0 : i32
        %dma_wait3A_111 = arith.constant 0 : i32
        %dma_wait3A_112 = arith.constant 0 : i32
        %dma_wait3A_113 = tpu.memref_slice %arg9[%add3A_109, %dma_wait3A_111, %dma_wait3A_112] : memref<6x128x64xf32, #tpu.memory_space<vmem>> -> memref<1x128x64xf32, #tpu.memory_space<vmem>>
        %dma_wait3A_114 = tpu.memref_squeeze %dma_wait3A_113 : memref<1x128x64xf32, #tpu.memory_space<vmem>> -> memref<128x64xf32, #tpu.memory_space<vmem>>
        %dma_wait3A_115 = arith.constant 0 : i32
        %dma_wait3A_116 = tpu.memref_slice %arg7[%dma_wait3A_110, %dma_wait3A_115] : memref<157x128xi32, #tpu.memory_space<vmem>> -> memref<1x128xi32, #tpu.memory_space<vmem>>
        %dma_wait3A_117 = tpu.memref_squeeze %dma_wait3A_116 : memref<1x128xi32, #tpu.memory_space<vmem>> -> memref<128xi32, #tpu.memory_space<vmem>>
        %dma_wait3A_118 = arith.constant 0 : i32
        %dma_wait3A_119 = arith.constant 0 : i32
        %dma_wait3A_120 = tpu.memref_slice %arg2[%dma_wait3A_118, %dma_wait3A_119] : memref<20000x64xf32, #tpu.memory_space<hbm>> -> memref<20000x64xf32, #tpu.memory_space<hbm>>
        tpu.wait_indirect_dma semaphore(%arg11 : memref<!tpu.dma_semaphore, #tpu.memory_space<semaphore_mem>>) src(%dma_wait3A_120 : memref<20000x64xf32, #tpu.memory_space<hbm>>) dst(%dma_wait3A_114 : memref<128x64xf32, #tpu.memory_space<vmem>>)
        %gt3A = arith.constant 0 : i32
        %gt3A_121 = arith.cmpi sgt, %scan3A_86, %gt3A : i32
        %convert_element_type3A_122 = arith.extui %gt3A_121 : i1 to i32
        %cond3A_123 = arith.constant 0 : i32
        %cond3A_124 = arith.cmpi ne, %convert_element_type3A_122, %cond3A_123 : i32
        scf.if %cond3A_124 {
          %dma_wait3A_142 = arith.constant 0 : i32
          %dma_wait3A_143 = arith.constant 0 : i32
          %dma_wait3A_144 = arith.constant 0 : i32
          %dma_wait3A_145 = arith.constant 0 : i32
          %dma_wait3A_146 = tpu.memref_slice %arg9[%dma_wait3A_142, %dma_wait3A_144, %dma_wait3A_145] : memref<6x128x64xf32, #tpu.memory_space<vmem>> -> memref<1x128x64xf32, #tpu.memory_space<vmem>>
          %dma_wait3A_147 = tpu.memref_squeeze %dma_wait3A_146 : memref<1x128x64xf32, #tpu.memory_space<vmem>> -> memref<128x64xf32, #tpu.memory_space<vmem>>
          %dma_wait3A_148 = arith.constant 0 : i32
          %dma_wait3A_149 = tpu.memref_slice %arg8[%dma_wait3A_143, %dma_wait3A_148] : memref<157x128xi32, #tpu.memory_space<vmem>> -> memref<1x128xi32, #tpu.memory_space<vmem>>
          %dma_wait3A_150 = tpu.memref_squeeze %dma_wait3A_149 : memref<1x128xi32, #tpu.memory_space<vmem>> -> memref<128xi32, #tpu.memory_space<vmem>>
          %dma_wait3A_151 = arith.constant 0 : i32
          %dma_wait3A_152 = arith.constant 0 : i32
          %dma_wait3A_153 = tpu.memref_slice %arg16[%dma_wait3A_151, %dma_wait3A_152] : memref<10008x64xf32, #tpu.memory_space<vmem_shared>> -> memref<10008x64xf32, #tpu.memory_space<vmem_shared>>
          tpu.wait_indirect_dma semaphore(%arg14 : memref<!tpu.dma_semaphore, #tpu.memory_space<semaphore_mem>>) src(%dma_wait3A_147 : memref<128x64xf32, #tpu.memory_space<vmem>>) dst(%dma_wait3A_153 : memref<10008x64xf32, #tpu.memory_space<vmem_shared>>)
        } else {
        }
        %dma_start3A_125 = arith.constant 0 : i32
        %dma_start3A_126 = arith.constant 0 : i32
        %dma_start3A_127 = tpu.memref_slice %arg9[%add3A_109, %dma_start3A_125, %dma_start3A_126] : memref<6x128x64xf32, #tpu.memory_space<vmem>> -> memref<1x128x64xf32, #tpu.memory_space<vmem>>
        %dma_start3A_128 = tpu.memref_squeeze %dma_start3A_127 : memref<1x128x64xf32, #tpu.memory_space<vmem>> -> memref<128x64xf32, #tpu.memory_space<vmem>>
        %dma_start3A_129 = arith.constant 0 : i32
        %dma_start3A_130 = tpu.memref_slice %arg8[%add3A_95, %dma_start3A_129] : memref<157x128xi32, #tpu.memory_space<vmem>> -> memref<1x128xi32, #tpu.memory_space<vmem>>
        %dma_start3A_131 = tpu.memref_squeeze %dma_start3A_130 : memref<1x128xi32, #tpu.memory_space<vmem>> -> memref<128xi32, #tpu.memory_space<vmem>>
        %dma_start3A_132 = arith.constant 0 : i32
        %dma_start3A_133 = arith.constant 0 : i32
        %dma_start3A_134 = tpu.memref_slice %arg16[%dma_start3A_132, %dma_start3A_133] : memref<10008x64xf32, #tpu.memory_space<vmem_shared>> -> memref<10008x64xf32, #tpu.memory_space<vmem_shared>>
        tpu.enqueue_indirect_dma source(%dma_start3A_128 : memref<128x64xf32, #tpu.memory_space<vmem>>) target(%dma_start3A_134 : memref<10008x64xf32, #tpu.memory_space<vmem_shared>>) offsets(%dma_start3A_131 : memref<128xi32, #tpu.memory_space<vmem>>) semaphore(%arg14 : memref<!tpu.dma_semaphore, #tpu.memory_space<semaphore_mem>>) {add = true}
        %add3A_135 = arith.constant 1 : i32
        %add3A_136 = arith.addi %add3A_95, %add3A_135 : i32
        %lt3A_137 = arith.constant 106 : i32
        %lt3A_138 = arith.cmpi slt, %add3A_136, %lt3A_137 : i32
        %convert_element_type3A_139 = arith.extui %lt3A_138 : i1 to i32
        %cond3A_140 = arith.constant 0 : i32
        %cond3A_141 = arith.cmpi ne, %convert_element_type3A_139, %cond3A_140 : i32
        scf.if %cond3A_141 {
          %add3A_142 = arith.constant 1 : i32
          %add3A_143 = arith.addi %add3A_95, %add3A_142 : i32
          %sub3A = arith.constant 1 : i32
          %sub3A_144 = arith.subi %sub3A, %rem3A_87 : i32
          %add3A_145 = arith.constant 2 : i32
          %add3A_146 = arith.addi %add3A_145, %sub3A_144 : i32
          %dma_start3A_147 = arith.constant 0 : i32
          %dma_start3A_148 = arith.constant 0 : i32
          %dma_start3A_149 = tpu.memref_slice %arg9[%add3A_146, %dma_start3A_147, %dma_start3A_148] : memref<6x128x64xf32, #tpu.memory_space<vmem>> -> memref<1x128x64xf32, #tpu.memory_space<vmem>>
          %dma_start3A_150 = tpu.memref_squeeze %dma_start3A_149 : memref<1x128x64xf32, #tpu.memory_space<vmem>> -> memref<128x64xf32, #tpu.memory_space<vmem>>
          %dma_start3A_151 = arith.constant 0 : i32
          %dma_start3A_152 = tpu.memref_slice %arg7[%add3A_143, %dma_start3A_151] : memref<157x128xi32, #tpu.memory_space<vmem>> -> memref<1x128xi32, #tpu.memory_space<vmem>>
          %dma_start3A_153 = tpu.memref_squeeze %dma_start3A_152 : memref<1x128xi32, #tpu.memory_space<vmem>> -> memref<128xi32, #tpu.memory_space<vmem>>
          %dma_start3A_154 = arith.constant 0 : i32
          %dma_start3A_155 = arith.constant 0 : i32
          %dma_start3A_156 = tpu.memref_slice %arg2[%dma_start3A_154, %dma_start3A_155] : memref<20000x64xf32, #tpu.memory_space<hbm>> -> memref<20000x64xf32, #tpu.memory_space<hbm>>
          tpu.enqueue_indirect_dma source(%dma_start3A_156 : memref<20000x64xf32, #tpu.memory_space<hbm>>) target(%dma_start3A_150 : memref<128x64xf32, #tpu.memory_space<vmem>>) offsets(%dma_start3A_153 : memref<128xi32, #tpu.memory_space<vmem>>) semaphore(%arg11 : memref<!tpu.dma_semaphore, #tpu.memory_space<semaphore_mem>>)
        } else {
        }
      } else {
      }
      %add3A_101 = arith.constant 106 : i32
      %add3A_102 = arith.addi %add3A_101, %scan3A_86 : i32
      %lt3A_103 = arith.constant 157 : i32
      %lt3A_104 = arith.cmpi slt, %add3A_102, %lt3A_103 : i32
      %convert_element_type3A_105 = arith.extui %lt3A_104 : i1 to i32
      %cond3A_106 = arith.constant 0 : i32
      %cond3A_107 = arith.cmpi ne, %convert_element_type3A_105, %cond3A_106 : i32
      scf.if %cond3A_107 {
        %add3A_108 = arith.constant 4 : i32
        %add3A_109 = arith.addi %add3A_108, %rem3A_87 : i32
        %dma_wait3A_110 = arith.constant 0 : i32
        %dma_wait3A_111 = arith.constant 0 : i32
        %dma_wait3A_112 = arith.constant 0 : i32
        %dma_wait3A_113 = tpu.memref_slice %arg9[%add3A_109, %dma_wait3A_111, %dma_wait3A_112] : memref<6x128x64xf32, #tpu.memory_space<vmem>> -> memref<1x128x64xf32, #tpu.memory_space<vmem>>
        %dma_wait3A_114 = tpu.memref_squeeze %dma_wait3A_113 : memref<1x128x64xf32, #tpu.memory_space<vmem>> -> memref<128x64xf32, #tpu.memory_space<vmem>>
        %dma_wait3A_115 = arith.constant 0 : i32
        %dma_wait3A_116 = tpu.memref_slice %arg7[%dma_wait3A_110, %dma_wait3A_115] : memref<157x128xi32, #tpu.memory_space<vmem>> -> memref<1x128xi32, #tpu.memory_space<vmem>>
        %dma_wait3A_117 = tpu.memref_squeeze %dma_wait3A_116 : memref<1x128xi32, #tpu.memory_space<vmem>> -> memref<128xi32, #tpu.memory_space<vmem>>
        %dma_wait3A_118 = arith.constant 0 : i32
        %dma_wait3A_119 = arith.constant 0 : i32
        %dma_wait3A_120 = tpu.memref_slice %arg2[%dma_wait3A_118, %dma_wait3A_119] : memref<20000x64xf32, #tpu.memory_space<hbm>> -> memref<20000x64xf32, #tpu.memory_space<hbm>>
        tpu.wait_indirect_dma semaphore(%arg12 : memref<!tpu.dma_semaphore, #tpu.memory_space<semaphore_mem>>) src(%dma_wait3A_120 : memref<20000x64xf32, #tpu.memory_space<hbm>>) dst(%dma_wait3A_114 : memref<128x64xf32, #tpu.memory_space<vmem>>)
        %gt3A = arith.constant 0 : i32
        %gt3A_121 = arith.cmpi sgt, %scan3A_86, %gt3A : i32
        %convert_element_type3A_122 = arith.extui %gt3A_121 : i1 to i32
        %cond3A_123 = arith.constant 0 : i32
        %cond3A_124 = arith.cmpi ne, %convert_element_type3A_122, %cond3A_123 : i32
        scf.if %cond3A_124 {
          %dma_wait3A_142 = arith.constant 0 : i32
          %dma_wait3A_143 = arith.constant 0 : i32
          %dma_wait3A_144 = arith.constant 0 : i32
          %dma_wait3A_145 = arith.constant 0 : i32
          %dma_wait3A_146 = tpu.memref_slice %arg9[%dma_wait3A_142, %dma_wait3A_144, %dma_wait3A_145] : memref<6x128x64xf32, #tpu.memory_space<vmem>> -> memref<1x128x64xf32, #tpu.memory_space<vmem>>
          %dma_wait3A_147 = tpu.memref_squeeze %dma_wait3A_146 : memref<1x128x64xf32, #tpu.memory_space<vmem>> -> memref<128x64xf32, #tpu.memory_space<vmem>>
          %dma_wait3A_148 = arith.constant 0 : i32
          %dma_wait3A_149 = tpu.memref_slice %arg8[%dma_wait3A_143, %dma_wait3A_148] : memref<157x128xi32, #tpu.memory_space<vmem>> -> memref<1x128xi32, #tpu.memory_space<vmem>>
          %dma_wait3A_150 = tpu.memref_squeeze %dma_wait3A_149 : memref<1x128xi32, #tpu.memory_space<vmem>> -> memref<128xi32, #tpu.memory_space<vmem>>
          %dma_wait3A_151 = arith.constant 0 : i32
          %dma_wait3A_152 = arith.constant 0 : i32
          %dma_wait3A_153 = tpu.memref_slice %arg16[%dma_wait3A_151, %dma_wait3A_152] : memref<10008x64xf32, #tpu.memory_space<vmem_shared>> -> memref<10008x64xf32, #tpu.memory_space<vmem_shared>>
          tpu.wait_indirect_dma semaphore(%arg15 : memref<!tpu.dma_semaphore, #tpu.memory_space<semaphore_mem>>) src(%dma_wait3A_147 : memref<128x64xf32, #tpu.memory_space<vmem>>) dst(%dma_wait3A_153 : memref<10008x64xf32, #tpu.memory_space<vmem_shared>>)
        } else {
        }
        %dma_start3A_125 = arith.constant 0 : i32
        %dma_start3A_126 = arith.constant 0 : i32
        %dma_start3A_127 = tpu.memref_slice %arg9[%add3A_109, %dma_start3A_125, %dma_start3A_126] : memref<6x128x64xf32, #tpu.memory_space<vmem>> -> memref<1x128x64xf32, #tpu.memory_space<vmem>>
        %dma_start3A_128 = tpu.memref_squeeze %dma_start3A_127 : memref<1x128x64xf32, #tpu.memory_space<vmem>> -> memref<128x64xf32, #tpu.memory_space<vmem>>
        %dma_start3A_129 = arith.constant 0 : i32
        %dma_start3A_130 = tpu.memref_slice %arg8[%add3A_102, %dma_start3A_129] : memref<157x128xi32, #tpu.memory_space<vmem>> -> memref<1x128xi32, #tpu.memory_space<vmem>>
        %dma_start3A_131 = tpu.memref_squeeze %dma_start3A_130 : memref<1x128xi32, #tpu.memory_space<vmem>> -> memref<128xi32, #tpu.memory_space<vmem>>
        %dma_start3A_132 = arith.constant 0 : i32
        %dma_start3A_133 = arith.constant 0 : i32
        %dma_start3A_134 = tpu.memref_slice %arg16[%dma_start3A_132, %dma_start3A_133] : memref<10008x64xf32, #tpu.memory_space<vmem_shared>> -> memref<10008x64xf32, #tpu.memory_space<vmem_shared>>
        tpu.enqueue_indirect_dma source(%dma_start3A_128 : memref<128x64xf32, #tpu.memory_space<vmem>>) target(%dma_start3A_134 : memref<10008x64xf32, #tpu.memory_space<vmem_shared>>) offsets(%dma_start3A_131 : memref<128xi32, #tpu.memory_space<vmem>>) semaphore(%arg15 : memref<!tpu.dma_semaphore, #tpu.memory_space<semaphore_mem>>) {add = true}
        %add3A_135 = arith.constant 1 : i32
        %add3A_136 = arith.addi %add3A_102, %add3A_135 : i32
        %lt3A_137 = arith.constant 157 : i32
        %lt3A_138 = arith.cmpi slt, %add3A_136, %lt3A_137 : i32
        %convert_element_type3A_139 = arith.extui %lt3A_138 : i1 to i32
        %cond3A_140 = arith.constant 0 : i32
        %cond3A_141 = arith.cmpi ne, %convert_element_type3A_139, %cond3A_140 : i32
        scf.if %cond3A_141 {
          %add3A_142 = arith.constant 1 : i32
          %add3A_143 = arith.addi %add3A_102, %add3A_142 : i32
          %sub3A = arith.constant 1 : i32
          %sub3A_144 = arith.subi %sub3A, %rem3A_87 : i32
          %add3A_145 = arith.constant 4 : i32
          %add3A_146 = arith.addi %add3A_145, %sub3A_144 : i32
          %dma_start3A_147 = arith.constant 0 : i32
          %dma_start3A_148 = arith.constant 0 : i32
          %dma_start3A_149 = tpu.memref_slice %arg9[%add3A_146, %dma_start3A_147, %dma_start3A_148] : memref<6x128x64xf32, #tpu.memory_space<vmem>> -> memref<1x128x64xf32, #tpu.memory_space<vmem>>
          %dma_start3A_150 = tpu.memref_squeeze %dma_start3A_149 : memref<1x128x64xf32, #tpu.memory_space<vmem>> -> memref<128x64xf32, #tpu.memory_space<vmem>>
          %dma_start3A_151 = arith.constant 0 : i32
          %dma_start3A_152 = tpu.memref_slice %arg7[%add3A_143, %dma_start3A_151] : memref<157x128xi32, #tpu.memory_space<vmem>> -> memref<1x128xi32, #tpu.memory_space<vmem>>
          %dma_start3A_153 = tpu.memref_squeeze %dma_start3A_152 : memref<1x128xi32, #tpu.memory_space<vmem>> -> memref<128xi32, #tpu.memory_space<vmem>>
          %dma_start3A_154 = arith.constant 0 : i32
          %dma_start3A_155 = arith.constant 0 : i32
          %dma_start3A_156 = tpu.memref_slice %arg2[%dma_start3A_154, %dma_start3A_155] : memref<20000x64xf32, #tpu.memory_space<hbm>> -> memref<20000x64xf32, #tpu.memory_space<hbm>>
          tpu.enqueue_indirect_dma source(%dma_start3A_156 : memref<20000x64xf32, #tpu.memory_space<hbm>>) target(%dma_start3A_150 : memref<128x64xf32, #tpu.memory_space<vmem>>) offsets(%dma_start3A_153 : memref<128xi32, #tpu.memory_space<vmem>>) semaphore(%arg12 : memref<!tpu.dma_semaphore, #tpu.memory_space<semaphore_mem>>)
        } else {
        }
      } else {
      }
    }
    %scan3A_42 = arith.constant 53 : i32
    %dma_wait3A = arith.constant 0 : i32
    %dma_wait3A_43 = arith.constant 0 : i32
    %dma_wait3A_44 = arith.constant 0 : i32
    %dma_wait3A_45 = arith.constant 0 : i32
    %dma_wait3A_46 = tpu.memref_slice %arg9[%dma_wait3A, %dma_wait3A_44, %dma_wait3A_45] : memref<6x128x64xf32, #tpu.memory_space<vmem>> -> memref<1x128x64xf32, #tpu.memory_space<vmem>>
    %dma_wait3A_47 = tpu.memref_squeeze %dma_wait3A_46 : memref<1x128x64xf32, #tpu.memory_space<vmem>> -> memref<128x64xf32, #tpu.memory_space<vmem>>
    %dma_wait3A_48 = arith.constant 0 : i32
    %dma_wait3A_49 = tpu.memref_slice %arg8[%dma_wait3A_43, %dma_wait3A_48] : memref<157x128xi32, #tpu.memory_space<vmem>> -> memref<1x128xi32, #tpu.memory_space<vmem>>
    %dma_wait3A_50 = tpu.memref_squeeze %dma_wait3A_49 : memref<1x128xi32, #tpu.memory_space<vmem>> -> memref<128xi32, #tpu.memory_space<vmem>>
    %dma_wait3A_51 = arith.constant 0 : i32
    %dma_wait3A_52 = arith.constant 0 : i32
    %dma_wait3A_53 = tpu.memref_slice %arg16[%dma_wait3A_51, %dma_wait3A_52] : memref<10008x64xf32, #tpu.memory_space<vmem_shared>> -> memref<10008x64xf32, #tpu.memory_space<vmem_shared>>
    tpu.wait_indirect_dma semaphore(%arg13 : memref<!tpu.dma_semaphore, #tpu.memory_space<semaphore_mem>>) src(%dma_wait3A_47 : memref<128x64xf32, #tpu.memory_space<vmem>>) dst(%dma_wait3A_53 : memref<10008x64xf32, #tpu.memory_space<vmem_shared>>)
    %dma_wait3A_54 = arith.constant 0 : i32
    %dma_wait3A_55 = arith.constant 0 : i32
    %dma_wait3A_56 = arith.constant 0 : i32
    %dma_wait3A_57 = arith.constant 0 : i32
    %dma_wait3A_58 = tpu.memref_slice %arg9[%dma_wait3A_54, %dma_wait3A_56, %dma_wait3A_57] : memref<6x128x64xf32, #tpu.memory_space<vmem>> -> memref<1x128x64xf32, #tpu.memory_space<vmem>>
    %dma_wait3A_59 = tpu.memref_squeeze %dma_wait3A_58 : memref<1x128x64xf32, #tpu.memory_space<vmem>> -> memref<128x64xf32, #tpu.memory_space<vmem>>
    %dma_wait3A_60 = arith.constant 0 : i32
    %dma_wait3A_61 = tpu.memref_slice %arg8[%dma_wait3A_55, %dma_wait3A_60] : memref<157x128xi32, #tpu.memory_space<vmem>> -> memref<1x128xi32, #tpu.memory_space<vmem>>
    %dma_wait3A_62 = tpu.memref_squeeze %dma_wait3A_61 : memref<1x128xi32, #tpu.memory_space<vmem>> -> memref<128xi32, #tpu.memory_space<vmem>>
    %dma_wait3A_63 = arith.constant 0 : i32
    %dma_wait3A_64 = arith.constant 0 : i32
    %dma_wait3A_65 = tpu.memref_slice %arg16[%dma_wait3A_63, %dma_wait3A_64] : memref<10008x64xf32, #tpu.memory_space<vmem_shared>> -> memref<10008x64xf32, #tpu.memory_space<vmem_shared>>
    tpu.wait_indirect_dma semaphore(%arg14 : memref<!tpu.dma_semaphore, #tpu.memory_space<semaphore_mem>>) src(%dma_wait3A_59 : memref<128x64xf32, #tpu.memory_space<vmem>>) dst(%dma_wait3A_65 : memref<10008x64xf32, #tpu.memory_space<vmem_shared>>)
    %dma_wait3A_66 = arith.constant 0 : i32
    %dma_wait3A_67 = arith.constant 0 : i32
    %dma_wait3A_68 = arith.constant 0 : i32
    %dma_wait3A_69 = arith.constant 0 : i32
    %dma_wait3A_70 = tpu.memref_slice %arg9[%dma_wait3A_66, %dma_wait3A_68, %dma_wait3A_69] : memref<6x128x64xf32, #tpu.memory_space<vmem>> -> memref<1x128x64xf32, #tpu.memory_space<vmem>>
    %dma_wait3A_71 = tpu.memref_squeeze %dma_wait3A_70 : memref<1x128x64xf32, #tpu.memory_space<vmem>> -> memref<128x64xf32, #tpu.memory_space<vmem>>
    %dma_wait3A_72 = arith.constant 0 : i32
    %dma_wait3A_73 = tpu.memref_slice %arg8[%dma_wait3A_67, %dma_wait3A_72] : memref<157x128xi32, #tpu.memory_space<vmem>> -> memref<1x128xi32, #tpu.memory_space<vmem>>
    %dma_wait3A_74 = tpu.memref_squeeze %dma_wait3A_73 : memref<1x128xi32, #tpu.memory_space<vmem>> -> memref<128xi32, #tpu.memory_space<vmem>>
    %dma_wait3A_75 = arith.constant 0 : i32
    %dma_wait3A_76 = arith.constant 0 : i32
    %dma_wait3A_77 = tpu.memref_slice %arg16[%dma_wait3A_75, %dma_wait3A_76] : memref<10008x64xf32, #tpu.memory_space<vmem_shared>> -> memref<10008x64xf32, #tpu.memory_space<vmem_shared>>
    tpu.wait_indirect_dma semaphore(%arg15 : memref<!tpu.dma_semaphore, #tpu.memory_space<semaphore_mem>>) src(%dma_wait3A_71 : memref<128x64xf32, #tpu.memory_space<vmem>>) dst(%dma_wait3A_77 : memref<10008x64xf32, #tpu.memory_space<vmem_shared>>)
    %barrier3A_78 = arith.constant 0 : index
    tpu.barrier barrier_id(%barrier3A_78)
    %mul3A_79 = arith.constant 10000 : i32
    %mul3A_80 = arith.muli %arg0, %mul3A_79 : i32
    %add3A = arith.addi %mul3A_80, %mul3A_0 : i32
    "tpu.region"() ({
      %run_scoped3A = tpu.sem_alloc : memref<!tpu.dma_semaphore, #tpu.memory_space<semaphore_mem>>
      %dma_start3A_86 = arith.constant 0 : i32
      %dma_start3A_87 = tpu.memref_slice %arg6[%add3A, %dma_start3A_86] : memref<20000x64xf32, #tpu.memory_space<hbm>> -> memref<624x64xf32, #tpu.memory_space<hbm>>
      %dma_start3A_88 = arith.constant 0 : i32
      %dma_start3A_89 = tpu.memref_slice %arg16[%mul3A_0, %dma_start3A_88] : memref<10008x64xf32, #tpu.memory_space<vmem_shared>> -> memref<624x64xf32, #tpu.memory_space<vmem_shared>>
      tpu.enqueue_dma source(%dma_start3A_89 : memref<624x64xf32, #tpu.memory_space<vmem_shared>>) target(%dma_start3A_87 : memref<624x64xf32, #tpu.memory_space<hbm>>) target_semaphore(%run_scoped3A : memref<!tpu.dma_semaphore, #tpu.memory_space<semaphore_mem>>)
      %dma_wait3A_90 = arith.constant 0 : i32
      %dma_wait3A_91 = tpu.memref_slice %arg6[%add3A, %dma_wait3A_90] : memref<20000x64xf32, #tpu.memory_space<hbm>> -> memref<624x64xf32, #tpu.memory_space<hbm>>
      %dma_wait3A_92 = arith.constant 0 : i32
      %dma_wait3A_93 = tpu.memref_slice %arg16[%mul3A_0, %dma_wait3A_92] : memref<10008x64xf32, #tpu.memory_space<vmem_shared>> -> memref<624x64xf32, #tpu.memory_space<vmem_shared>>
      tpu.wait_dma2 semaphore(%run_scoped3A : memref<!tpu.dma_semaphore, #tpu.memory_space<semaphore_mem>>) src(%dma_wait3A_93 : memref<624x64xf32, #tpu.memory_space<vmem_shared>>) dst(%dma_wait3A_91 : memref<624x64xf32, #tpu.memory_space<hbm>>)
      tpu.yield
    }) : () -> ()
    %eq3A_81 = arith.constant 15 : i32
    %eq3A_82 = arith.cmpi eq, %arg1, %eq3A_81 : i32
    %convert_element_type3A_83 = arith.extui %eq3A_82 : i1 to i32
    %cond3A_84 = arith.constant 0 : i32
    %cond3A_85 = arith.cmpi ne, %convert_element_type3A_83, %cond3A_84 : i32
    scf.if %cond3A_85 {
      %add3A_86 = arith.constant 9984 : i32
      %add3A_87 = arith.addi %mul3A_80, %add3A_86 : i32
      "tpu.region"() ({
        %run_scoped3A = tpu.sem_alloc : memref<!tpu.dma_semaphore, #tpu.memory_space<semaphore_mem>>
        %dma_start3A_88 = arith.constant 0 : i32
        %dma_start3A_89 = tpu.memref_slice %arg6[%add3A_87, %dma_start3A_88] : memref<20000x64xf32, #tpu.memory_space<hbm>> -> memref<16x64xf32, #tpu.memory_space<hbm>>
        %dma_start3A_90 = arith.constant 9984 : i32
        %dma_start3A_91 = arith.constant 0 : i32
        %dma_start3A_92 = tpu.memref_slice %arg16[%dma_start3A_90, %dma_start3A_91] : memref<10008x64xf32, #tpu.memory_space<vmem_shared>> -> memref<16x64xf32, #tpu.memory_space<vmem_shared>>
        tpu.enqueue_dma source(%dma_start3A_92 : memref<16x64xf32, #tpu.memory_space<vmem_shared>>) target(%dma_start3A_89 : memref<16x64xf32, #tpu.memory_space<hbm>>) target_semaphore(%run_scoped3A : memref<!tpu.dma_semaphore, #tpu.memory_space<semaphore_mem>>)
        %dma_wait3A_93 = arith.constant 0 : i32
        %dma_wait3A_94 = tpu.memref_slice %arg6[%add3A_87, %dma_wait3A_93] : memref<20000x64xf32, #tpu.memory_space<hbm>> -> memref<16x64xf32, #tpu.memory_space<hbm>>
        %dma_wait3A_95 = arith.constant 9984 : i32
        %dma_wait3A_96 = arith.constant 0 : i32
        %dma_wait3A_97 = tpu.memref_slice %arg16[%dma_wait3A_95, %dma_wait3A_96] : memref<10008x64xf32, #tpu.memory_space<vmem_shared>> -> memref<16x64xf32, #tpu.memory_space<vmem_shared>>
        tpu.wait_dma2 semaphore(%run_scoped3A : memref<!tpu.dma_semaphore, #tpu.memory_space<semaphore_mem>>) src(%dma_wait3A_97 : memref<16x64xf32, #tpu.memory_space<vmem_shared>>) dst(%dma_wait3A_94 : memref<16x64xf32, #tpu.memory_space<hbm>>)
        tpu.yield
      }) : () -> ()
    } else {
    }
    return
  }
}

#map = affine_map<(d0, d1) -> (0, 0)>
#map1 = affine_map<(d0, d1) -> (0, 0, 0, 0)>
#map2 = affine_map<(d0, d1) -> (0, 0, 0)>
module attributes {stable_mosaic.version = 14 : i64} {
  func.func @_sc_body(%arg0: i32, %arg1: i32, %arg2: memref<20000x64xf32, #tpu.memory_space<hbm>>, %arg3: memref<2x16x157x128xi32, #tpu.memory_space<hbm>>, %arg4: memref<16x157x128xi32, #tpu.memory_space<hbm>>, %arg5: memref<10000x64xf32, #tpu.memory_space<hbm>>, %arg6: memref<20000x64xf32, #tpu.memory_space<hbm>>, %arg7: memref<157x128xi32, #tpu.memory_space<vmem>>, %arg8: memref<157x128xi32, #tpu.memory_space<vmem>>, %arg9: memref<6x128x64xf32, #tpu.memory_space<vmem>>, %arg10: memref<!tpu.dma_semaphore, #tpu.memory_space<semaphore_mem>>, %arg11: memref<!tpu.dma_semaphore, #tpu.memory_space<semaphore_mem>>, %arg12: memref<!tpu.dma_semaphore, #tpu.memory_space<semaphore_mem>>, %arg13: memref<!tpu.dma_semaphore, #tpu.memory_space<semaphore_mem>>, %arg14: memref<!tpu.dma_semaphore, #tpu.memory_space<semaphore_mem>>, %arg15: memref<!tpu.dma_semaphore, #tpu.memory_space<semaphore_mem>>, %arg16: memref<10008x64xf32, #tpu.memory_space<vmem_shared>>) attributes {dimension_semantics = [#tpu.dimension_semantics<core_parallel>, #tpu.dimension_semantics<subcore_parallel>], iteration_bounds = array<i64: 2, 16>, scalar_prefetch = 0 : i64, scratch_operands = 10 : i64, tpu.core_type = #tpu.core_type<sc_vector_subcore>, window_params = [{transform_indices = #map}, {transform_indices = #map1}, {transform_indices = #map2}, {transform_indices = #map}, {transform_indices = #map}]} {
    %mul3A = arith.constant 624 : i32
    %mul3A_0 = arith.muli %arg1, %mul3A : i32
    "tpu.region"() ({
      %run_scoped3A = tpu.sem_alloc : memref<!tpu.dma_semaphore, #tpu.memory_space<semaphore_mem>>
      %dma_start3A_86 = arith.constant 0 : i32
      %dma_start3A_87 = tpu.memref_slice %arg16[%mul3A_0, %dma_start3A_86] : memref<10008x64xf32, #tpu.memory_space<vmem_shared>> -> memref<624x64xf32, #tpu.memory_space<vmem_shared>>
      %dma_start3A_88 = arith.constant 0 : i32
      %dma_start3A_89 = tpu.memref_slice %arg5[%mul3A_0, %dma_start3A_88] : memref<10000x64xf32, #tpu.memory_space<hbm>> -> memref<624x64xf32, #tpu.memory_space<hbm>>
      tpu.enqueue_dma source(%dma_start3A_89 : memref<624x64xf32, #tpu.memory_space<hbm>>) target(%dma_start3A_87 : memref<624x64xf32, #tpu.memory_space<vmem_shared>>) target_semaphore(%run_scoped3A : memref<!tpu.dma_semaphore, #tpu.memory_space<semaphore_mem>>)
      %dma_wait3A_90 = arith.constant 0 : i32
      %dma_wait3A_91 = tpu.memref_slice %arg16[%mul3A_0, %dma_wait3A_90] : memref<10008x64xf32, #tpu.memory_space<vmem_shared>> -> memref<624x64xf32, #tpu.memory_space<vmem_shared>>
      %dma_wait3A_92 = arith.constant 0 : i32
      %dma_wait3A_93 = tpu.memref_slice %arg5[%mul3A_0, %dma_wait3A_92] : memref<10000x64xf32, #tpu.memory_space<hbm>> -> memref<624x64xf32, #tpu.memory_space<hbm>>
      tpu.wait_dma2 semaphore(%run_scoped3A : memref<!tpu.dma_semaphore, #tpu.memory_space<semaphore_mem>>) src(%dma_wait3A_93 : memref<624x64xf32, #tpu.memory_space<hbm>>) dst(%dma_wait3A_91 : memref<624x64xf32, #tpu.memory_space<vmem_shared>>)
      tpu.yield
    }) : () -> ()
    %eq3A = arith.constant 15 : i32
    %eq3A_1 = arith.cmpi eq, %arg1, %eq3A : i32
    %convert_element_type3A = arith.extui %eq3A_1 : i1 to i32
    %cond3A = arith.constant 0 : i32
    %cond3A_2 = arith.cmpi ne, %convert_element_type3A, %cond3A : i32
    scf.if %cond3A_2 {
      "tpu.region"() ({
        %run_scoped3A = tpu.sem_alloc : memref<!tpu.dma_semaphore, #tpu.memory_space<semaphore_mem>>
        %dma_start3A_86 = arith.constant 9984 : i32
        %dma_start3A_87 = arith.constant 0 : i32
        %dma_start3A_88 = tpu.memref_slice %arg16[%dma_start3A_86, %dma_start3A_87] : memref<10008x64xf32, #tpu.memory_space<vmem_shared>> -> memref<16x64xf32, #tpu.memory_space<vmem_shared>>
        %dma_start3A_89 = arith.constant 9984 : i32
        %dma_start3A_90 = arith.constant 0 : i32
        %dma_start3A_91 = tpu.memref_slice %arg5[%dma_start3A_89, %dma_start3A_90] : memref<10000x64xf32, #tpu.memory_space<hbm>> -> memref<16x64xf32, #tpu.memory_space<hbm>>
        tpu.enqueue_dma source(%dma_start3A_91 : memref<16x64xf32, #tpu.memory_space<hbm>>) target(%dma_start3A_88 : memref<16x64xf32, #tpu.memory_space<vmem_shared>>) target_semaphore(%run_scoped3A : memref<!tpu.dma_semaphore, #tpu.memory_space<semaphore_mem>>)
        %dma_wait3A_92 = arith.constant 9984 : i32
        %dma_wait3A_93 = arith.constant 0 : i32
        %dma_wait3A_94 = tpu.memref_slice %arg16[%dma_wait3A_92, %dma_wait3A_93] : memref<10008x64xf32, #tpu.memory_space<vmem_shared>> -> memref<16x64xf32, #tpu.memory_space<vmem_shared>>
        %dma_wait3A_95 = arith.constant 9984 : i32
        %dma_wait3A_96 = arith.constant 0 : i32
        %dma_wait3A_97 = tpu.memref_slice %arg5[%dma_wait3A_95, %dma_wait3A_96] : memref<10000x64xf32, #tpu.memory_space<hbm>> -> memref<16x64xf32, #tpu.memory_space<hbm>>
        tpu.wait_dma2 semaphore(%run_scoped3A : memref<!tpu.dma_semaphore, #tpu.memory_space<semaphore_mem>>) src(%dma_wait3A_97 : memref<16x64xf32, #tpu.memory_space<hbm>>) dst(%dma_wait3A_94 : memref<16x64xf32, #tpu.memory_space<vmem_shared>>)
        tpu.yield
      }) : () -> ()
    } else {
    }
    "tpu.region"() ({
      %run_scoped3A = tpu.sem_alloc : memref<!tpu.dma_semaphore, #tpu.memory_space<semaphore_mem>>
      %dma_start3A_86 = arith.constant 0 : i32
      %dma_start3A_87 = arith.constant 0 : i32
      %dma_start3A_88 = tpu.memref_slice %arg3[%arg0, %arg1, %dma_start3A_86, %dma_start3A_87] : memref<2x16x157x128xi32, #tpu.memory_space<hbm>> -> memref<1x1x157x128xi32, #tpu.memory_space<hbm>>
      %dma_start3A_89 = tpu.memref_squeeze %dma_start3A_88 : memref<1x1x157x128xi32, #tpu.memory_space<hbm>> -> memref<157x128xi32, #tpu.memory_space<hbm>>
      %dma_start3A_90 = arith.constant 0 : i32
      %dma_start3A_91 = arith.constant 0 : i32
      %dma_start3A_92 = tpu.memref_slice %arg3[%arg0, %arg1, %dma_start3A_90, %dma_start3A_91] : memref<2x16x157x128xi32, #tpu.memory_space<hbm>> -> memref<1x1x157x128xi32, #tpu.memory_space<hbm>>
      %dma_start3A_93 = tpu.memref_squeeze %dma_start3A_92 : memref<1x1x157x128xi32, #tpu.memory_space<hbm>> -> memref<157x128xi32, #tpu.memory_space<hbm>>
      tpu.enqueue_dma source(%dma_start3A_93 : memref<157x128xi32, #tpu.memory_space<hbm>>) target(%arg7 : memref<157x128xi32, #tpu.memory_space<vmem>>) target_semaphore(%run_scoped3A : memref<!tpu.dma_semaphore, #tpu.memory_space<semaphore_mem>>)
      %dma_wait3A_94 = arith.constant 0 : i32
      %dma_wait3A_95 = arith.constant 0 : i32
      %dma_wait3A_96 = tpu.memref_slice %arg3[%arg0, %arg1, %dma_wait3A_94, %dma_wait3A_95] : memref<2x16x157x128xi32, #tpu.memory_space<hbm>> -> memref<1x1x157x128xi32, #tpu.memory_space<hbm>>
      %dma_wait3A_97 = tpu.memref_squeeze %dma_wait3A_96 : memref<1x1x157x128xi32, #tpu.memory_space<hbm>> -> memref<157x128xi32, #tpu.memory_space<hbm>>
      %dma_wait3A_98 = arith.constant 0 : i32
      %dma_wait3A_99 = arith.constant 0 : i32
      %dma_wait3A_100 = tpu.memref_slice %arg3[%arg0, %arg1, %dma_wait3A_98, %dma_wait3A_99] : memref<2x16x157x128xi32, #tpu.memory_space<hbm>> -> memref<1x1x157x128xi32, #tpu.memory_space<hbm>>
      %dma_wait3A_101 = tpu.memref_squeeze %dma_wait3A_100 : memref<1x1x157x128xi32, #tpu.memory_space<hbm>> -> memref<157x128xi32, #tpu.memory_space<hbm>>
      tpu.wait_dma2 semaphore(%run_scoped3A : memref<!tpu.dma_semaphore, #tpu.memory_space<semaphore_mem>>) src(%dma_wait3A_101 : memref<157x128xi32, #tpu.memory_space<hbm>>) dst(%arg7 : memref<157x128xi32, #tpu.memory_space<vmem>>)
      tpu.yield
    }) : () -> ()
    "tpu.region"() ({
      %run_scoped3A = tpu.sem_alloc : memref<!tpu.dma_semaphore, #tpu.memory_space<semaphore_mem>>
      %dma_start3A_86 = arith.constant 0 : i32
      %dma_start3A_87 = arith.constant 0 : i32
      %dma_start3A_88 = tpu.memref_slice %arg4[%arg1, %dma_start3A_86, %dma_start3A_87] : memref<16x157x128xi32, #tpu.memory_space<hbm>> -> memref<1x157x128xi32, #tpu.memory_space<hbm>>
      %dma_start3A_89 = tpu.memref_squeeze %dma_start3A_88 : memref<1x157x128xi32, #tpu.memory_space<hbm>> -> memref<157x128xi32, #tpu.memory_space<hbm>>
      %dma_start3A_90 = arith.constant 0 : i32
      %dma_start3A_91 = arith.constant 0 : i32
      %dma_start3A_92 = tpu.memref_slice %arg4[%arg1, %dma_start3A_90, %dma_start3A_91] : memref<16x157x128xi32, #tpu.memory_space<hbm>> -> memref<1x157x128xi32, #tpu.memory_space<hbm>>
      %dma_start3A_93 = tpu.memref_squeeze %dma_start3A_92 : memref<1x157x128xi32, #tpu.memory_space<hbm>> -> memref<157x128xi32, #tpu.memory_space<hbm>>
      tpu.enqueue_dma source(%dma_start3A_93 : memref<157x128xi32, #tpu.memory_space<hbm>>) target(%arg8 : memref<157x128xi32, #tpu.memory_space<vmem>>) target_semaphore(%run_scoped3A : memref<!tpu.dma_semaphore, #tpu.memory_space<semaphore_mem>>)
      %dma_wait3A_94 = arith.constant 0 : i32
      %dma_wait3A_95 = arith.constant 0 : i32
      %dma_wait3A_96 = tpu.memref_slice %arg4[%arg1, %dma_wait3A_94, %dma_wait3A_95] : memref<16x157x128xi32, #tpu.memory_space<hbm>> -> memref<1x157x128xi32, #tpu.memory_space<hbm>>
      %dma_wait3A_97 = tpu.memref_squeeze %dma_wait3A_96 : memref<1x157x128xi32, #tpu.memory_space<hbm>> -> memref<157x128xi32, #tpu.memory_space<hbm>>
      %dma_wait3A_98 = arith.constant 0 : i32
      %dma_wait3A_99 = arith.constant 0 : i32
      %dma_wait3A_100 = tpu.memref_slice %arg4[%arg1, %dma_wait3A_98, %dma_wait3A_99] : memref<16x157x128xi32, #tpu.memory_space<hbm>> -> memref<1x157x128xi32, #tpu.memory_space<hbm>>
      %dma_wait3A_101 = tpu.memref_squeeze %dma_wait3A_100 : memref<1x157x128xi32, #tpu.memory_space<hbm>> -> memref<157x128xi32, #tpu.memory_space<hbm>>
      tpu.wait_dma2 semaphore(%run_scoped3A : memref<!tpu.dma_semaphore, #tpu.memory_space<semaphore_mem>>) src(%dma_wait3A_101 : memref<157x128xi32, #tpu.memory_space<hbm>>) dst(%arg8 : memref<157x128xi32, #tpu.memory_space<vmem>>)
      tpu.yield
    }) : () -> ()
    %barrier3A = arith.constant 0 : index
    tpu.barrier barrier_id(%barrier3A)
    %dma_start3A = arith.constant 0 : i32
    %dma_start3A_3 = arith.constant 0 : i32
    %dma_start3A_4 = arith.constant 0 : i32
    %dma_start3A_5 = arith.constant 0 : i32
    %dma_start3A_6 = tpu.memref_slice %arg9[%dma_start3A_3, %dma_start3A_4, %dma_start3A_5] : memref<6x128x64xf32, #tpu.memory_space<vmem>> -> memref<1x128x64xf32, #tpu.memory_space<vmem>>
    %dma_start3A_7 = tpu.memref_squeeze %dma_start3A_6 : memref<1x128x64xf32, #tpu.memory_space<vmem>> -> memref<128x64xf32, #tpu.memory_space<vmem>>
    %dma_start3A_8 = arith.constant 0 : i32
    %dma_start3A_9 = tpu.memref_slice %arg7[%dma_start3A, %dma_start3A_8] : memref<157x128xi32, #tpu.memory_space<vmem>> -> memref<1x128xi32, #tpu.memory_space<vmem>>
    %dma_start3A_10 = tpu.memref_squeeze %dma_start3A_9 : memref<1x128xi32, #tpu.memory_space<vmem>> -> memref<128xi32, #tpu.memory_space<vmem>>
    %dma_start3A_11 = arith.constant 0 : i32
    %dma_start3A_12 = arith.constant 0 : i32
    %dma_start3A_13 = tpu.memref_slice %arg2[%dma_start3A_11, %dma_start3A_12] : memref<20000x64xf32, #tpu.memory_space<hbm>> -> memref<20000x64xf32, #tpu.memory_space<hbm>>
    tpu.enqueue_indirect_dma source(%dma_start3A_13 : memref<20000x64xf32, #tpu.memory_space<hbm>>) target(%dma_start3A_7 : memref<128x64xf32, #tpu.memory_space<vmem>>) offsets(%dma_start3A_10 : memref<128xi32, #tpu.memory_space<vmem>>) semaphore(%arg10 : memref<!tpu.dma_semaphore, #tpu.memory_space<semaphore_mem>>)
    %dma_start3A_14 = arith.constant 53 : i32
    %dma_start3A_15 = arith.constant 2 : i32
    %dma_start3A_16 = arith.constant 0 : i32
    %dma_start3A_17 = arith.constant 0 : i32
    %dma_start3A_18 = tpu.memref_slice %arg9[%dma_start3A_15, %dma_start3A_16, %dma_start3A_17] : memref<6x128x64xf32, #tpu.memory_space<vmem>> -> memref<1x128x64xf32, #tpu.memory_space<vmem>>
    %dma_start3A_19 = tpu.memref_squeeze %dma_start3A_18 : memref<1x128x64xf32, #tpu.memory_space<vmem>> -> memref<128x64xf32, #tpu.memory_space<vmem>>
    %dma_start3A_20 = arith.constant 0 : i32
    %dma_start3A_21 = tpu.memref_slice %arg7[%dma_start3A_14, %dma_start3A_20] : memref<157x128xi32, #tpu.memory_space<vmem>> -> memref<1x128xi32, #tpu.memory_space<vmem>>
    %dma_start3A_22 = tpu.memref_squeeze %dma_start3A_21 : memref<1x128xi32, #tpu.memory_space<vmem>> -> memref<128xi32, #tpu.memory_space<vmem>>
    %dma_start3A_23 = arith.constant 0 : i32
    %dma_start3A_24 = arith.constant 0 : i32
    %dma_start3A_25 = tpu.memref_slice %arg2[%dma_start3A_23, %dma_start3A_24] : memref<20000x64xf32, #tpu.memory_space<hbm>> -> memref<20000x64xf32, #tpu.memory_space<hbm>>
    tpu.enqueue_indirect_dma source(%dma_start3A_25 : memref<20000x64xf32, #tpu.memory_space<hbm>>) target(%dma_start3A_19 : memref<128x64xf32, #tpu.memory_space<vmem>>) offsets(%dma_start3A_22 : memref<128xi32, #tpu.memory_space<vmem>>) semaphore(%arg11 : memref<!tpu.dma_semaphore, #tpu.memory_space<semaphore_mem>>)
    %dma_start3A_26 = arith.constant 106 : i32
    %dma_start3A_27 = arith.constant 4 : i32
    %dma_start3A_28 = arith.constant 0 : i32
    %dma_start3A_29 = arith.constant 0 : i32
    %dma_start3A_30 = tpu.memref_slice %arg9[%dma_start3A_27, %dma_start3A_28, %dma_start3A_29] : memref<6x128x64xf32, #tpu.memory_space<vmem>> -> memref<1x128x64xf32, #tpu.memory_space<vmem>>
    %dma_start3A_31 = tpu.memref_squeeze %dma_start3A_30 : memref<1x128x64xf32, #tpu.memory_space<vmem>> -> memref<128x64xf32, #tpu.memory_space<vmem>>
    %dma_start3A_32 = arith.constant 0 : i32
    %dma_start3A_33 = tpu.memref_slice %arg7[%dma_start3A_26, %dma_start3A_32] : memref<157x128xi32, #tpu.memory_space<vmem>> -> memref<1x128xi32, #tpu.memory_space<vmem>>
    %dma_start3A_34 = tpu.memref_squeeze %dma_start3A_33 : memref<1x128xi32, #tpu.memory_space<vmem>> -> memref<128xi32, #tpu.memory_space<vmem>>
    %dma_start3A_35 = arith.constant 0 : i32
    %dma_start3A_36 = arith.constant 0 : i32
    %dma_start3A_37 = tpu.memref_slice %arg2[%dma_start3A_35, %dma_start3A_36] : memref<20000x64xf32, #tpu.memory_space<hbm>> -> memref<20000x64xf32, #tpu.memory_space<hbm>>
    tpu.enqueue_indirect_dma source(%dma_start3A_37 : memref<20000x64xf32, #tpu.memory_space<hbm>>) target(%dma_start3A_31 : memref<128x64xf32, #tpu.memory_space<vmem>>) offsets(%dma_start3A_34 : memref<128xi32, #tpu.memory_space<vmem>>) semaphore(%arg12 : memref<!tpu.dma_semaphore, #tpu.memory_space<semaphore_mem>>)
    %scan3A = arith.constant 0 : i32
    %scan3A_38 = arith.constant 0 : i32
    %scan3A_39 = arith.constant 53 : i32
    %scan3A_40 = arith.addi %scan3A_38, %scan3A_39 : i32
    %scan3A_41 = arith.constant 1 : i32
    scf.for %scan3A_86 = %scan3A_38 to %scan3A_40 step %scan3A_41  : i32 {
      %rem3A = arith.constant 2 : i32
      %rem3A_87 = arith.remsi %scan3A_86, %rem3A : i32
      %add3A_88 = arith.constant 0 : i32
      %add3A_89 = arith.addi %add3A_88, %scan3A_86 : i32
      %lt3A = arith.constant 53 : i32
      %lt3A_90 = arith.cmpi slt, %add3A_89, %lt3A : i32
      %convert_element_type3A_91 = arith.extui %lt3A_90 : i1 to i32
      %cond3A_92 = arith.constant 0 : i32
      %cond3A_93 = arith.cmpi ne, %convert_element_type3A_91, %cond3A_92 : i32
      scf.if %cond3A_93 {
        %add3A_108 = arith.constant 0 : i32
        %add3A_109 = arith.addi %add3A_108, %rem3A_87 : i32
        %dma_wait3A_110 = arith.constant 0 : i32
        %dma_wait3A_111 = arith.constant 0 : i32
        %dma_wait3A_112 = arith.constant 0 : i32
        %dma_wait3A_113 = tpu.memref_slice %arg9[%add3A_109, %dma_wait3A_111, %dma_wait3A_112] : memref<6x128x64xf32, #tpu.memory_space<vmem>> -> memref<1x128x64xf32, #tpu.memory_space<vmem>>
        %dma_wait3A_114 = tpu.memref_squeeze %dma_wait3A_113 : memref<1x128x64xf32, #tpu.memory_space<vmem>> -> memref<128x64xf32, #tpu.memory_space<vmem>>
        %dma_wait3A_115 = arith.constant 0 : i32
        %dma_wait3A_116 = tpu.memref_slice %arg7[%dma_wait3A_110, %dma_wait3A_115] : memref<157x128xi32, #tpu.memory_space<vmem>> -> memref<1x128xi32, #tpu.memory_space<vmem>>
        %dma_wait3A_117 = tpu.memref_squeeze %dma_wait3A_116 : memref<1x128xi32, #tpu.memory_space<vmem>> -> memref<128xi32, #tpu.memory_space<vmem>>
        %dma_wait3A_118 = arith.constant 0 : i32
        %dma_wait3A_119 = arith.constant 0 : i32
        %dma_wait3A_120 = tpu.memref_slice %arg2[%dma_wait3A_118, %dma_wait3A_119] : memref<20000x64xf32, #tpu.memory_space<hbm>> -> memref<20000x64xf32, #tpu.memory_space<hbm>>
        tpu.wait_indirect_dma semaphore(%arg10 : memref<!tpu.dma_semaphore, #tpu.memory_space<semaphore_mem>>) src(%dma_wait3A_120 : memref<20000x64xf32, #tpu.memory_space<hbm>>) dst(%dma_wait3A_114 : memref<128x64xf32, #tpu.memory_space<vmem>>)
        %gt3A = arith.constant 0 : i32
        %gt3A_121 = arith.cmpi sgt, %scan3A_86, %gt3A : i32
        %convert_element_type3A_122 = arith.extui %gt3A_121 : i1 to i32
        %cond3A_123 = arith.constant 0 : i32
        %cond3A_124 = arith.cmpi ne, %convert_element_type3A_122, %cond3A_123 : i32
        scf.if %cond3A_124 {
          %dma_wait3A_142 = arith.constant 0 : i32
          %dma_wait3A_143 = arith.constant 0 : i32
          %dma_wait3A_144 = arith.constant 0 : i32
          %dma_wait3A_145 = arith.constant 0 : i32
          %dma_wait3A_146 = tpu.memref_slice %arg9[%dma_wait3A_142, %dma_wait3A_144, %dma_wait3A_145] : memref<6x128x64xf32, #tpu.memory_space<vmem>> -> memref<1x128x64xf32, #tpu.memory_space<vmem>>
          %dma_wait3A_147 = tpu.memref_squeeze %dma_wait3A_146 : memref<1x128x64xf32, #tpu.memory_space<vmem>> -> memref<128x64xf32, #tpu.memory_space<vmem>>
          %dma_wait3A_148 = arith.constant 0 : i32
          %dma_wait3A_149 = tpu.memref_slice %arg8[%dma_wait3A_143, %dma_wait3A_148] : memref<157x128xi32, #tpu.memory_space<vmem>> -> memref<1x128xi32, #tpu.memory_space<vmem>>
          %dma_wait3A_150 = tpu.memref_squeeze %dma_wait3A_149 : memref<1x128xi32, #tpu.memory_space<vmem>> -> memref<128xi32, #tpu.memory_space<vmem>>
          %dma_wait3A_151 = arith.constant 0 : i32
          %dma_wait3A_152 = arith.constant 0 : i32
          %dma_wait3A_153 = tpu.memref_slice %arg16[%dma_wait3A_151, %dma_wait3A_152] : memref<10008x64xf32, #tpu.memory_space<vmem_shared>> -> memref<10008x64xf32, #tpu.memory_space<vmem_shared>>
          tpu.wait_indirect_dma semaphore(%arg13 : memref<!tpu.dma_semaphore, #tpu.memory_space<semaphore_mem>>) src(%dma_wait3A_147 : memref<128x64xf32, #tpu.memory_space<vmem>>) dst(%dma_wait3A_153 : memref<10008x64xf32, #tpu.memory_space<vmem_shared>>)
        } else {
        }
        %dma_start3A_125 = arith.constant 0 : i32
        %dma_start3A_126 = arith.constant 0 : i32
        %dma_start3A_127 = tpu.memref_slice %arg9[%add3A_109, %dma_start3A_125, %dma_start3A_126] : memref<6x128x64xf32, #tpu.memory_space<vmem>> -> memref<1x128x64xf32, #tpu.memory_space<vmem>>
        %dma_start3A_128 = tpu.memref_squeeze %dma_start3A_127 : memref<1x128x64xf32, #tpu.memory_space<vmem>> -> memref<128x64xf32, #tpu.memory_space<vmem>>
        %dma_start3A_129 = arith.constant 0 : i32
        %dma_start3A_130 = tpu.memref_slice %arg8[%add3A_89, %dma_start3A_129] : memref<157x128xi32, #tpu.memory_space<vmem>> -> memref<1x128xi32, #tpu.memory_space<vmem>>
        %dma_start3A_131 = tpu.memref_squeeze %dma_start3A_130 : memref<1x128xi32, #tpu.memory_space<vmem>> -> memref<128xi32, #tpu.memory_space<vmem>>
        %dma_start3A_132 = arith.constant 0 : i32
        %dma_start3A_133 = arith.constant 0 : i32
        %dma_start3A_134 = tpu.memref_slice %arg16[%dma_start3A_132, %dma_start3A_133] : memref<10008x64xf32, #tpu.memory_space<vmem_shared>> -> memref<10008x64xf32, #tpu.memory_space<vmem_shared>>
        tpu.enqueue_indirect_dma source(%dma_start3A_128 : memref<128x64xf32, #tpu.memory_space<vmem>>) target(%dma_start3A_134 : memref<10008x64xf32, #tpu.memory_space<vmem_shared>>) offsets(%dma_start3A_131 : memref<128xi32, #tpu.memory_space<vmem>>) semaphore(%arg13 : memref<!tpu.dma_semaphore, #tpu.memory_space<semaphore_mem>>) {add = true}
        %add3A_135 = arith.constant 1 : i32
        %add3A_136 = arith.addi %add3A_89, %add3A_135 : i32
        %lt3A_137 = arith.constant 53 : i32
        %lt3A_138 = arith.cmpi slt, %add3A_136, %lt3A_137 : i32
        %convert_element_type3A_139 = arith.extui %lt3A_138 : i1 to i32
        %cond3A_140 = arith.constant 0 : i32
        %cond3A_141 = arith.cmpi ne, %convert_element_type3A_139, %cond3A_140 : i32
        scf.if %cond3A_141 {
          %add3A_142 = arith.constant 1 : i32
          %add3A_143 = arith.addi %add3A_89, %add3A_142 : i32
          %sub3A = arith.constant 1 : i32
          %sub3A_144 = arith.subi %sub3A, %rem3A_87 : i32
          %add3A_145 = arith.constant 0 : i32
          %add3A_146 = arith.addi %add3A_145, %sub3A_144 : i32
          %dma_start3A_147 = arith.constant 0 : i32
          %dma_start3A_148 = arith.constant 0 : i32
          %dma_start3A_149 = tpu.memref_slice %arg9[%add3A_146, %dma_start3A_147, %dma_start3A_148] : memref<6x128x64xf32, #tpu.memory_space<vmem>> -> memref<1x128x64xf32, #tpu.memory_space<vmem>>
          %dma_start3A_150 = tpu.memref_squeeze %dma_start3A_149 : memref<1x128x64xf32, #tpu.memory_space<vmem>> -> memref<128x64xf32, #tpu.memory_space<vmem>>
          %dma_start3A_151 = arith.constant 0 : i32
          %dma_start3A_152 = tpu.memref_slice %arg7[%add3A_143, %dma_start3A_151] : memref<157x128xi32, #tpu.memory_space<vmem>> -> memref<1x128xi32, #tpu.memory_space<vmem>>
          %dma_start3A_153 = tpu.memref_squeeze %dma_start3A_152 : memref<1x128xi32, #tpu.memory_space<vmem>> -> memref<128xi32, #tpu.memory_space<vmem>>
          %dma_start3A_154 = arith.constant 0 : i32
          %dma_start3A_155 = arith.constant 0 : i32
          %dma_start3A_156 = tpu.memref_slice %arg2[%dma_start3A_154, %dma_start3A_155] : memref<20000x64xf32, #tpu.memory_space<hbm>> -> memref<20000x64xf32, #tpu.memory_space<hbm>>
          tpu.enqueue_indirect_dma source(%dma_start3A_156 : memref<20000x64xf32, #tpu.memory_space<hbm>>) target(%dma_start3A_150 : memref<128x64xf32, #tpu.memory_space<vmem>>) offsets(%dma_start3A_153 : memref<128xi32, #tpu.memory_space<vmem>>) semaphore(%arg10 : memref<!tpu.dma_semaphore, #tpu.memory_space<semaphore_mem>>)
        } else {
        }
      } else {
      }
      %add3A_94 = arith.constant 53 : i32
      %add3A_95 = arith.addi %add3A_94, %scan3A_86 : i32
      %lt3A_96 = arith.constant 106 : i32
      %lt3A_97 = arith.cmpi slt, %add3A_95, %lt3A_96 : i32
      %convert_element_type3A_98 = arith.extui %lt3A_97 : i1 to i32
      %cond3A_99 = arith.constant 0 : i32
      %cond3A_100 = arith.cmpi ne, %convert_element_type3A_98, %cond3A_99 : i32
      scf.if %cond3A_100 {
        %add3A_108 = arith.constant 2 : i32
        %add3A_109 = arith.addi %add3A_108, %rem3A_87 : i32
        %dma_wait3A_110 = arith.constant 0 : i32
        %dma_wait3A_111 = arith.constant 0 : i32
        %dma_wait3A_112 = arith.constant 0 : i32
        %dma_wait3A_113 = tpu.memref_slice %arg9[%add3A_109, %dma_wait3A_111, %dma_wait3A_112] : memref<6x128x64xf32, #tpu.memory_space<vmem>> -> memref<1x128x64xf32, #tpu.memory_space<vmem>>
        %dma_wait3A_114 = tpu.memref_squeeze %dma_wait3A_113 : memref<1x128x64xf32, #tpu.memory_space<vmem>> -> memref<128x64xf32, #tpu.memory_space<vmem>>
        %dma_wait3A_115 = arith.constant 0 : i32
        %dma_wait3A_116 = tpu.memref_slice %arg7[%dma_wait3A_110, %dma_wait3A_115] : memref<157x128xi32, #tpu.memory_space<vmem>> -> memref<1x128xi32, #tpu.memory_space<vmem>>
        %dma_wait3A_117 = tpu.memref_squeeze %dma_wait3A_116 : memref<1x128xi32, #tpu.memory_space<vmem>> -> memref<128xi32, #tpu.memory_space<vmem>>
        %dma_wait3A_118 = arith.constant 0 : i32
        %dma_wait3A_119 = arith.constant 0 : i32
        %dma_wait3A_120 = tpu.memref_slice %arg2[%dma_wait3A_118, %dma_wait3A_119] : memref<20000x64xf32, #tpu.memory_space<hbm>> -> memref<20000x64xf32, #tpu.memory_space<hbm>>
        tpu.wait_indirect_dma semaphore(%arg11 : memref<!tpu.dma_semaphore, #tpu.memory_space<semaphore_mem>>) src(%dma_wait3A_120 : memref<20000x64xf32, #tpu.memory_space<hbm>>) dst(%dma_wait3A_114 : memref<128x64xf32, #tpu.memory_space<vmem>>)
        %gt3A = arith.constant 0 : i32
        %gt3A_121 = arith.cmpi sgt, %scan3A_86, %gt3A : i32
        %convert_element_type3A_122 = arith.extui %gt3A_121 : i1 to i32
        %cond3A_123 = arith.constant 0 : i32
        %cond3A_124 = arith.cmpi ne, %convert_element_type3A_122, %cond3A_123 : i32
        scf.if %cond3A_124 {
          %dma_wait3A_142 = arith.constant 0 : i32
          %dma_wait3A_143 = arith.constant 0 : i32
          %dma_wait3A_144 = arith.constant 0 : i32
          %dma_wait3A_145 = arith.constant 0 : i32
          %dma_wait3A_146 = tpu.memref_slice %arg9[%dma_wait3A_142, %dma_wait3A_144, %dma_wait3A_145] : memref<6x128x64xf32, #tpu.memory_space<vmem>> -> memref<1x128x64xf32, #tpu.memory_space<vmem>>
          %dma_wait3A_147 = tpu.memref_squeeze %dma_wait3A_146 : memref<1x128x64xf32, #tpu.memory_space<vmem>> -> memref<128x64xf32, #tpu.memory_space<vmem>>
          %dma_wait3A_148 = arith.constant 0 : i32
          %dma_wait3A_149 = tpu.memref_slice %arg8[%dma_wait3A_143, %dma_wait3A_148] : memref<157x128xi32, #tpu.memory_space<vmem>> -> memref<1x128xi32, #tpu.memory_space<vmem>>
          %dma_wait3A_150 = tpu.memref_squeeze %dma_wait3A_149 : memref<1x128xi32, #tpu.memory_space<vmem>> -> memref<128xi32, #tpu.memory_space<vmem>>
          %dma_wait3A_151 = arith.constant 0 : i32
          %dma_wait3A_152 = arith.constant 0 : i32
          %dma_wait3A_153 = tpu.memref_slice %arg16[%dma_wait3A_151, %dma_wait3A_152] : memref<10008x64xf32, #tpu.memory_space<vmem_shared>> -> memref<10008x64xf32, #tpu.memory_space<vmem_shared>>
          tpu.wait_indirect_dma semaphore(%arg14 : memref<!tpu.dma_semaphore, #tpu.memory_space<semaphore_mem>>) src(%dma_wait3A_147 : memref<128x64xf32, #tpu.memory_space<vmem>>) dst(%dma_wait3A_153 : memref<10008x64xf32, #tpu.memory_space<vmem_shared>>)
        } else {
        }
        %dma_start3A_125 = arith.constant 0 : i32
        %dma_start3A_126 = arith.constant 0 : i32
        %dma_start3A_127 = tpu.memref_slice %arg9[%add3A_109, %dma_start3A_125, %dma_start3A_126] : memref<6x128x64xf32, #tpu.memory_space<vmem>> -> memref<1x128x64xf32, #tpu.memory_space<vmem>>
        %dma_start3A_128 = tpu.memref_squeeze %dma_start3A_127 : memref<1x128x64xf32, #tpu.memory_space<vmem>> -> memref<128x64xf32, #tpu.memory_space<vmem>>
        %dma_start3A_129 = arith.constant 0 : i32
        %dma_start3A_130 = tpu.memref_slice %arg8[%add3A_95, %dma_start3A_129] : memref<157x128xi32, #tpu.memory_space<vmem>> -> memref<1x128xi32, #tpu.memory_space<vmem>>
        %dma_start3A_131 = tpu.memref_squeeze %dma_start3A_130 : memref<1x128xi32, #tpu.memory_space<vmem>> -> memref<128xi32, #tpu.memory_space<vmem>>
        %dma_start3A_132 = arith.constant 0 : i32
        %dma_start3A_133 = arith.constant 0 : i32
        %dma_start3A_134 = tpu.memref_slice %arg16[%dma_start3A_132, %dma_start3A_133] : memref<10008x64xf32, #tpu.memory_space<vmem_shared>> -> memref<10008x64xf32, #tpu.memory_space<vmem_shared>>
        tpu.enqueue_indirect_dma source(%dma_start3A_128 : memref<128x64xf32, #tpu.memory_space<vmem>>) target(%dma_start3A_134 : memref<10008x64xf32, #tpu.memory_space<vmem_shared>>) offsets(%dma_start3A_131 : memref<128xi32, #tpu.memory_space<vmem>>) semaphore(%arg14 : memref<!tpu.dma_semaphore, #tpu.memory_space<semaphore_mem>>) {add = true}
        %add3A_135 = arith.constant 1 : i32
        %add3A_136 = arith.addi %add3A_95, %add3A_135 : i32
        %lt3A_137 = arith.constant 106 : i32
        %lt3A_138 = arith.cmpi slt, %add3A_136, %lt3A_137 : i32
        %convert_element_type3A_139 = arith.extui %lt3A_138 : i1 to i32
        %cond3A_140 = arith.constant 0 : i32
        %cond3A_141 = arith.cmpi ne, %convert_element_type3A_139, %cond3A_140 : i32
        scf.if %cond3A_141 {
          %add3A_142 = arith.constant 1 : i32
          %add3A_143 = arith.addi %add3A_95, %add3A_142 : i32
          %sub3A = arith.constant 1 : i32
          %sub3A_144 = arith.subi %sub3A, %rem3A_87 : i32
          %add3A_145 = arith.constant 2 : i32
          %add3A_146 = arith.addi %add3A_145, %sub3A_144 : i32
          %dma_start3A_147 = arith.constant 0 : i32
          %dma_start3A_148 = arith.constant 0 : i32
          %dma_start3A_149 = tpu.memref_slice %arg9[%add3A_146, %dma_start3A_147, %dma_start3A_148] : memref<6x128x64xf32, #tpu.memory_space<vmem>> -> memref<1x128x64xf32, #tpu.memory_space<vmem>>
          %dma_start3A_150 = tpu.memref_squeeze %dma_start3A_149 : memref<1x128x64xf32, #tpu.memory_space<vmem>> -> memref<128x64xf32, #tpu.memory_space<vmem>>
          %dma_start3A_151 = arith.constant 0 : i32
          %dma_start3A_152 = tpu.memref_slice %arg7[%add3A_143, %dma_start3A_151] : memref<157x128xi32, #tpu.memory_space<vmem>> -> memref<1x128xi32, #tpu.memory_space<vmem>>
          %dma_start3A_153 = tpu.memref_squeeze %dma_start3A_152 : memref<1x128xi32, #tpu.memory_space<vmem>> -> memref<128xi32, #tpu.memory_space<vmem>>
          %dma_start3A_154 = arith.constant 0 : i32
          %dma_start3A_155 = arith.constant 0 : i32
          %dma_start3A_156 = tpu.memref_slice %arg2[%dma_start3A_154, %dma_start3A_155] : memref<20000x64xf32, #tpu.memory_space<hbm>> -> memref<20000x64xf32, #tpu.memory_space<hbm>>
          tpu.enqueue_indirect_dma source(%dma_start3A_156 : memref<20000x64xf32, #tpu.memory_space<hbm>>) target(%dma_start3A_150 : memref<128x64xf32, #tpu.memory_space<vmem>>) offsets(%dma_start3A_153 : memref<128xi32, #tpu.memory_space<vmem>>) semaphore(%arg11 : memref<!tpu.dma_semaphore, #tpu.memory_space<semaphore_mem>>)
        } else {
        }
      } else {
      }
      %add3A_101 = arith.constant 106 : i32
      %add3A_102 = arith.addi %add3A_101, %scan3A_86 : i32
      %lt3A_103 = arith.constant 157 : i32
      %lt3A_104 = arith.cmpi slt, %add3A_102, %lt3A_103 : i32
      %convert_element_type3A_105 = arith.extui %lt3A_104 : i1 to i32
      %cond3A_106 = arith.constant 0 : i32
      %cond3A_107 = arith.cmpi ne, %convert_element_type3A_105, %cond3A_106 : i32
      scf.if %cond3A_107 {
        %add3A_108 = arith.constant 4 : i32
        %add3A_109 = arith.addi %add3A_108, %rem3A_87 : i32
        %dma_wait3A_110 = arith.constant 0 : i32
        %dma_wait3A_111 = arith.constant 0 : i32
        %dma_wait3A_112 = arith.constant 0 : i32
        %dma_wait3A_113 = tpu.memref_slice %arg9[%add3A_109, %dma_wait3A_111, %dma_wait3A_112] : memref<6x128x64xf32, #tpu.memory_space<vmem>> -> memref<1x128x64xf32, #tpu.memory_space<vmem>>
        %dma_wait3A_114 = tpu.memref_squeeze %dma_wait3A_113 : memref<1x128x64xf32, #tpu.memory_space<vmem>> -> memref<128x64xf32, #tpu.memory_space<vmem>>
        %dma_wait3A_115 = arith.constant 0 : i32
        %dma_wait3A_116 = tpu.memref_slice %arg7[%dma_wait3A_110, %dma_wait3A_115] : memref<157x128xi32, #tpu.memory_space<vmem>> -> memref<1x128xi32, #tpu.memory_space<vmem>>
        %dma_wait3A_117 = tpu.memref_squeeze %dma_wait3A_116 : memref<1x128xi32, #tpu.memory_space<vmem>> -> memref<128xi32, #tpu.memory_space<vmem>>
        %dma_wait3A_118 = arith.constant 0 : i32
        %dma_wait3A_119 = arith.constant 0 : i32
        %dma_wait3A_120 = tpu.memref_slice %arg2[%dma_wait3A_118, %dma_wait3A_119] : memref<20000x64xf32, #tpu.memory_space<hbm>> -> memref<20000x64xf32, #tpu.memory_space<hbm>>
        tpu.wait_indirect_dma semaphore(%arg12 : memref<!tpu.dma_semaphore, #tpu.memory_space<semaphore_mem>>) src(%dma_wait3A_120 : memref<20000x64xf32, #tpu.memory_space<hbm>>) dst(%dma_wait3A_114 : memref<128x64xf32, #tpu.memory_space<vmem>>)
        %gt3A = arith.constant 0 : i32
        %gt3A_121 = arith.cmpi sgt, %scan3A_86, %gt3A : i32
        %convert_element_type3A_122 = arith.extui %gt3A_121 : i1 to i32
        %cond3A_123 = arith.constant 0 : i32
        %cond3A_124 = arith.cmpi ne, %convert_element_type3A_122, %cond3A_123 : i32
        scf.if %cond3A_124 {
          %dma_wait3A_142 = arith.constant 0 : i32
          %dma_wait3A_143 = arith.constant 0 : i32
          %dma_wait3A_144 = arith.constant 0 : i32
          %dma_wait3A_145 = arith.constant 0 : i32
          %dma_wait3A_146 = tpu.memref_slice %arg9[%dma_wait3A_142, %dma_wait3A_144, %dma_wait3A_145] : memref<6x128x64xf32, #tpu.memory_space<vmem>> -> memref<1x128x64xf32, #tpu.memory_space<vmem>>
          %dma_wait3A_147 = tpu.memref_squeeze %dma_wait3A_146 : memref<1x128x64xf32, #tpu.memory_space<vmem>> -> memref<128x64xf32, #tpu.memory_space<vmem>>
          %dma_wait3A_148 = arith.constant 0 : i32
          %dma_wait3A_149 = tpu.memref_slice %arg8[%dma_wait3A_143, %dma_wait3A_148] : memref<157x128xi32, #tpu.memory_space<vmem>> -> memref<1x128xi32, #tpu.memory_space<vmem>>
          %dma_wait3A_150 = tpu.memref_squeeze %dma_wait3A_149 : memref<1x128xi32, #tpu.memory_space<vmem>> -> memref<128xi32, #tpu.memory_space<vmem>>
          %dma_wait3A_151 = arith.constant 0 : i32
          %dma_wait3A_152 = arith.constant 0 : i32
          %dma_wait3A_153 = tpu.memref_slice %arg16[%dma_wait3A_151, %dma_wait3A_152] : memref<10008x64xf32, #tpu.memory_space<vmem_shared>> -> memref<10008x64xf32, #tpu.memory_space<vmem_shared>>
          tpu.wait_indirect_dma semaphore(%arg15 : memref<!tpu.dma_semaphore, #tpu.memory_space<semaphore_mem>>) src(%dma_wait3A_147 : memref<128x64xf32, #tpu.memory_space<vmem>>) dst(%dma_wait3A_153 : memref<10008x64xf32, #tpu.memory_space<vmem_shared>>)
        } else {
        }
        %dma_start3A_125 = arith.constant 0 : i32
        %dma_start3A_126 = arith.constant 0 : i32
        %dma_start3A_127 = tpu.memref_slice %arg9[%add3A_109, %dma_start3A_125, %dma_start3A_126] : memref<6x128x64xf32, #tpu.memory_space<vmem>> -> memref<1x128x64xf32, #tpu.memory_space<vmem>>
        %dma_start3A_128 = tpu.memref_squeeze %dma_start3A_127 : memref<1x128x64xf32, #tpu.memory_space<vmem>> -> memref<128x64xf32, #tpu.memory_space<vmem>>
        %dma_start3A_129 = arith.constant 0 : i32
        %dma_start3A_130 = tpu.memref_slice %arg8[%add3A_102, %dma_start3A_129] : memref<157x128xi32, #tpu.memory_space<vmem>> -> memref<1x128xi32, #tpu.memory_space<vmem>>
        %dma_start3A_131 = tpu.memref_squeeze %dma_start3A_130 : memref<1x128xi32, #tpu.memory_space<vmem>> -> memref<128xi32, #tpu.memory_space<vmem>>
        %dma_start3A_132 = arith.constant 0 : i32
        %dma_start3A_133 = arith.constant 0 : i32
        %dma_start3A_134 = tpu.memref_slice %arg16[%dma_start3A_132, %dma_start3A_133] : memref<10008x64xf32, #tpu.memory_space<vmem_shared>> -> memref<10008x64xf32, #tpu.memory_space<vmem_shared>>
        tpu.enqueue_indirect_dma source(%dma_start3A_128 : memref<128x64xf32, #tpu.memory_space<vmem>>) target(%dma_start3A_134 : memref<10008x64xf32, #tpu.memory_space<vmem_shared>>) offsets(%dma_start3A_131 : memref<128xi32, #tpu.memory_space<vmem>>) semaphore(%arg15 : memref<!tpu.dma_semaphore, #tpu.memory_space<semaphore_mem>>) {add = true}
        %add3A_135 = arith.constant 1 : i32
        %add3A_136 = arith.addi %add3A_102, %add3A_135 : i32
        %lt3A_137 = arith.constant 157 : i32
        %lt3A_138 = arith.cmpi slt, %add3A_136, %lt3A_137 : i32
        %convert_element_type3A_139 = arith.extui %lt3A_138 : i1 to i32
        %cond3A_140 = arith.constant 0 : i32
        %cond3A_141 = arith.cmpi ne, %convert_element_type3A_139, %cond3A_140 : i32
        scf.if %cond3A_141 {
          %add3A_142 = arith.constant 1 : i32
          %add3A_143 = arith.addi %add3A_102, %add3A_142 : i32
          %sub3A = arith.constant 1 : i32
          %sub3A_144 = arith.subi %sub3A, %rem3A_87 : i32
          %add3A_145 = arith.constant 4 : i32
          %add3A_146 = arith.addi %add3A_145, %sub3A_144 : i32
          %dma_start3A_147 = arith.constant 0 : i32
          %dma_start3A_148 = arith.constant 0 : i32
          %dma_start3A_149 = tpu.memref_slice %arg9[%add3A_146, %dma_start3A_147, %dma_start3A_148] : memref<6x128x64xf32, #tpu.memory_space<vmem>> -> memref<1x128x64xf32, #tpu.memory_space<vmem>>
          %dma_start3A_150 = tpu.memref_squeeze %dma_start3A_149 : memref<1x128x64xf32, #tpu.memory_space<vmem>> -> memref<128x64xf32, #tpu.memory_space<vmem>>
          %dma_start3A_151 = arith.constant 0 : i32
          %dma_start3A_152 = tpu.memref_slice %arg7[%add3A_143, %dma_start3A_151] : memref<157x128xi32, #tpu.memory_space<vmem>> -> memref<1x128xi32, #tpu.memory_space<vmem>>
          %dma_start3A_153 = tpu.memref_squeeze %dma_start3A_152 : memref<1x128xi32, #tpu.memory_space<vmem>> -> memref<128xi32, #tpu.memory_space<vmem>>
          %dma_start3A_154 = arith.constant 0 : i32
          %dma_start3A_155 = arith.constant 0 : i32
          %dma_start3A_156 = tpu.memref_slice %arg2[%dma_start3A_154, %dma_start3A_155] : memref<20000x64xf32, #tpu.memory_space<hbm>> -> memref<20000x64xf32, #tpu.memory_space<hbm>>
          tpu.enqueue_indirect_dma source(%dma_start3A_156 : memref<20000x64xf32, #tpu.memory_space<hbm>>) target(%dma_start3A_150 : memref<128x64xf32, #tpu.memory_space<vmem>>) offsets(%dma_start3A_153 : memref<128xi32, #tpu.memory_space<vmem>>) semaphore(%arg12 : memref<!tpu.dma_semaphore, #tpu.memory_space<semaphore_mem>>)
        } else {
        }
      } else {
      }
    }
    %scan3A_42 = arith.constant 53 : i32
    %dma_wait3A = arith.constant 0 : i32
    %dma_wait3A_43 = arith.constant 0 : i32
    %dma_wait3A_44 = arith.constant 0 : i32
    %dma_wait3A_45 = arith.constant 0 : i32
    %dma_wait3A_46 = tpu.memref_slice %arg9[%dma_wait3A, %dma_wait3A_44, %dma_wait3A_45] : memref<6x128x64xf32, #tpu.memory_space<vmem>> -> memref<1x128x64xf32, #tpu.memory_space<vmem>>
    %dma_wait3A_47 = tpu.memref_squeeze %dma_wait3A_46 : memref<1x128x64xf32, #tpu.memory_space<vmem>> -> memref<128x64xf32, #tpu.memory_space<vmem>>
    %dma_wait3A_48 = arith.constant 0 : i32
    %dma_wait3A_49 = tpu.memref_slice %arg8[%dma_wait3A_43, %dma_wait3A_48] : memref<157x128xi32, #tpu.memory_space<vmem>> -> memref<1x128xi32, #tpu.memory_space<vmem>>
    %dma_wait3A_50 = tpu.memref_squeeze %dma_wait3A_49 : memref<1x128xi32, #tpu.memory_space<vmem>> -> memref<128xi32, #tpu.memory_space<vmem>>
    %dma_wait3A_51 = arith.constant 0 : i32
    %dma_wait3A_52 = arith.constant 0 : i32
    %dma_wait3A_53 = tpu.memref_slice %arg16[%dma_wait3A_51, %dma_wait3A_52] : memref<10008x64xf32, #tpu.memory_space<vmem_shared>> -> memref<10008x64xf32, #tpu.memory_space<vmem_shared>>
    tpu.wait_indirect_dma semaphore(%arg13 : memref<!tpu.dma_semaphore, #tpu.memory_space<semaphore_mem>>) src(%dma_wait3A_47 : memref<128x64xf32, #tpu.memory_space<vmem>>) dst(%dma_wait3A_53 : memref<10008x64xf32, #tpu.memory_space<vmem_shared>>)
    %dma_wait3A_54 = arith.constant 0 : i32
    %dma_wait3A_55 = arith.constant 0 : i32
    %dma_wait3A_56 = arith.constant 0 : i32
    %dma_wait3A_57 = arith.constant 0 : i32
    %dma_wait3A_58 = tpu.memref_slice %arg9[%dma_wait3A_54, %dma_wait3A_56, %dma_wait3A_57] : memref<6x128x64xf32, #tpu.memory_space<vmem>> -> memref<1x128x64xf32, #tpu.memory_space<vmem>>
    %dma_wait3A_59 = tpu.memref_squeeze %dma_wait3A_58 : memref<1x128x64xf32, #tpu.memory_space<vmem>> -> memref<128x64xf32, #tpu.memory_space<vmem>>
    %dma_wait3A_60 = arith.constant 0 : i32
    %dma_wait3A_61 = tpu.memref_slice %arg8[%dma_wait3A_55, %dma_wait3A_60] : memref<157x128xi32, #tpu.memory_space<vmem>> -> memref<1x128xi32, #tpu.memory_space<vmem>>
    %dma_wait3A_62 = tpu.memref_squeeze %dma_wait3A_61 : memref<1x128xi32, #tpu.memory_space<vmem>> -> memref<128xi32, #tpu.memory_space<vmem>>
    %dma_wait3A_63 = arith.constant 0 : i32
    %dma_wait3A_64 = arith.constant 0 : i32
    %dma_wait3A_65 = tpu.memref_slice %arg16[%dma_wait3A_63, %dma_wait3A_64] : memref<10008x64xf32, #tpu.memory_space<vmem_shared>> -> memref<10008x64xf32, #tpu.memory_space<vmem_shared>>
    tpu.wait_indirect_dma semaphore(%arg14 : memref<!tpu.dma_semaphore, #tpu.memory_space<semaphore_mem>>) src(%dma_wait3A_59 : memref<128x64xf32, #tpu.memory_space<vmem>>) dst(%dma_wait3A_65 : memref<10008x64xf32, #tpu.memory_space<vmem_shared>>)
    %dma_wait3A_66 = arith.constant 0 : i32
    %dma_wait3A_67 = arith.constant 0 : i32
    %dma_wait3A_68 = arith.constant 0 : i32
    %dma_wait3A_69 = arith.constant 0 : i32
    %dma_wait3A_70 = tpu.memref_slice %arg9[%dma_wait3A_66, %dma_wait3A_68, %dma_wait3A_69] : memref<6x128x64xf32, #tpu.memory_space<vmem>> -> memref<1x128x64xf32, #tpu.memory_space<vmem>>
    %dma_wait3A_71 = tpu.memref_squeeze %dma_wait3A_70 : memref<1x128x64xf32, #tpu.memory_space<vmem>> -> memref<128x64xf32, #tpu.memory_space<vmem>>
    %dma_wait3A_72 = arith.constant 0 : i32
    %dma_wait3A_73 = tpu.memref_slice %arg8[%dma_wait3A_67, %dma_wait3A_72] : memref<157x128xi32, #tpu.memory_space<vmem>> -> memref<1x128xi32, #tpu.memory_space<vmem>>
    %dma_wait3A_74 = tpu.memref_squeeze %dma_wait3A_73 : memref<1x128xi32, #tpu.memory_space<vmem>> -> memref<128xi32, #tpu.memory_space<vmem>>
    %dma_wait3A_75 = arith.constant 0 : i32
    %dma_wait3A_76 = arith.constant 0 : i32
    %dma_wait3A_77 = tpu.memref_slice %arg16[%dma_wait3A_75, %dma_wait3A_76] : memref<10008x64xf32, #tpu.memory_space<vmem_shared>> -> memref<10008x64xf32, #tpu.memory_space<vmem_shared>>
    tpu.wait_indirect_dma semaphore(%arg15 : memref<!tpu.dma_semaphore, #tpu.memory_space<semaphore_mem>>) src(%dma_wait3A_71 : memref<128x64xf32, #tpu.memory_space<vmem>>) dst(%dma_wait3A_77 : memref<10008x64xf32, #tpu.memory_space<vmem_shared>>)
    %barrier3A_78 = arith.constant 0 : index
    tpu.barrier barrier_id(%barrier3A_78)
    %mul3A_79 = arith.constant 10000 : i32
    %mul3A_80 = arith.muli %arg0, %mul3A_79 : i32
    %add3A = arith.addi %mul3A_80, %mul3A_0 : i32
    "tpu.region"() ({
      %run_scoped3A = tpu.sem_alloc : memref<!tpu.dma_semaphore, #tpu.memory_space<semaphore_mem>>
      %dma_start3A_86 = arith.constant 0 : i32
      %dma_start3A_87 = tpu.memref_slice %arg6[%add3A, %dma_start3A_86] : memref<20000x64xf32, #tpu.memory_space<hbm>> -> memref<624x64xf32, #tpu.memory_space<hbm>>
      %dma_start3A_88 = arith.constant 0 : i32
      %dma_start3A_89 = tpu.memref_slice %arg16[%mul3A_0, %dma_start3A_88] : memref<10008x64xf32, #tpu.memory_space<vmem_shared>> -> memref<624x64xf32, #tpu.memory_space<vmem_shared>>
      tpu.enqueue_dma source(%dma_start3A_89 : memref<624x64xf32, #tpu.memory_space<vmem_shared>>) target(%dma_start3A_87 : memref<624x64xf32, #tpu.memory_space<hbm>>) target_semaphore(%run_scoped3A : memref<!tpu.dma_semaphore, #tpu.memory_space<semaphore_mem>>)
      %dma_wait3A_90 = arith.constant 0 : i32
      %dma_wait3A_91 = tpu.memref_slice %arg6[%add3A, %dma_wait3A_90] : memref<20000x64xf32, #tpu.memory_space<hbm>> -> memref<624x64xf32, #tpu.memory_space<hbm>>
      %dma_wait3A_92 = arith.constant 0 : i32
      %dma_wait3A_93 = tpu.memref_slice %arg16[%mul3A_0, %dma_wait3A_92] : memref<10008x64xf32, #tpu.memory_space<vmem_shared>> -> memref<624x64xf32, #tpu.memory_space<vmem_shared>>
      tpu.wait_dma2 semaphore(%run_scoped3A : memref<!tpu.dma_semaphore, #tpu.memory_space<semaphore_mem>>) src(%dma_wait3A_93 : memref<624x64xf32, #tpu.memory_space<vmem_shared>>) dst(%dma_wait3A_91 : memref<624x64xf32, #tpu.memory_space<hbm>>)
      tpu.yield
    }) : () -> ()
    %eq3A_81 = arith.constant 15 : i32
    %eq3A_82 = arith.cmpi eq, %arg1, %eq3A_81 : i32
    %convert_element_type3A_83 = arith.extui %eq3A_82 : i1 to i32
    %cond3A_84 = arith.constant 0 : i32
    %cond3A_85 = arith.cmpi ne, %convert_element_type3A_83, %cond3A_84 : i32
    scf.if %cond3A_85 {
      %add3A_86 = arith.constant 9984 : i32
      %add3A_87 = arith.addi %mul3A_80, %add3A_86 : i32
      "tpu.region"() ({
        %run_scoped3A = tpu.sem_alloc : memref<!tpu.dma_semaphore, #tpu.memory_space<semaphore_mem>>
        %dma_start3A_88 = arith.constant 0 : i32
        %dma_start3A_89 = tpu.memref_slice %arg6[%add3A_87, %dma_start3A_88] : memref<20000x64xf32, #tpu.memory_space<hbm>> -> memref<16x64xf32, #tpu.memory_space<hbm>>
        %dma_start3A_90 = arith.constant 9984 : i32
        %dma_start3A_91 = arith.constant 0 : i32
        %dma_start3A_92 = tpu.memref_slice %arg16[%dma_start3A_90, %dma_start3A_91] : memref<10008x64xf32, #tpu.memory_space<vmem_shared>> -> memref<16x64xf32, #tpu.memory_space<vmem_shared>>
        tpu.enqueue_dma source(%dma_start3A_92 : memref<16x64xf32, #tpu.memory_space<vmem_shared>>) target(%dma_start3A_89 : memref<16x64xf32, #tpu.memory_space<hbm>>) target_semaphore(%run_scoped3A : memref<!tpu.dma_semaphore, #tpu.memory_space<semaphore_mem>>)
        %dma_wait3A_93 = arith.constant 0 : i32
        %dma_wait3A_94 = tpu.memref_slice %arg6[%add3A_87, %dma_wait3A_93] : memref<20000x64xf32, #tpu.memory_space<hbm>> -> memref<16x64xf32, #tpu.memory_space<hbm>>
        %dma_wait3A_95 = arith.constant 9984 : i32
        %dma_wait3A_96 = arith.constant 0 : i32
        %dma_wait3A_97 = tpu.memref_slice %arg16[%dma_wait3A_95, %dma_wait3A_96] : memref<10008x64xf32, #tpu.memory_space<vmem_shared>> -> memref<16x64xf32, #tpu.memory_space<vmem_shared>>
        tpu.wait_dma2 semaphore(%run_scoped3A : memref<!tpu.dma_semaphore, #tpu.memory_space<semaphore_mem>>) src(%dma_wait3A_97 : memref<16x64xf32, #tpu.memory_space<vmem_shared>>) dst(%dma_wait3A_94 : memref<16x64xf32, #tpu.memory_space<hbm>>)
        tpu.yield
      }) : () -> ()
    } else {
    }
    return
  }
}

#map = affine_map<(d0, d1) -> (0, 0)>
#map1 = affine_map<(d0, d1) -> (0, 0, 0, 0)>
#map2 = affine_map<(d0, d1) -> (0, 0, 0)>
module attributes {stable_mosaic.version = 14 : i64} {
  func.func @_sc_body(%arg0: i32, %arg1: i32, %arg2: memref<20000x64xf32, #tpu.memory_space<hbm>>, %arg3: memref<2x16x157x128xi32, #tpu.memory_space<hbm>>, %arg4: memref<16x157x128xi32, #tpu.memory_space<hbm>>, %arg5: memref<10000x64xf32, #tpu.memory_space<hbm>>, %arg6: memref<20000x64xf32, #tpu.memory_space<hbm>>, %arg7: memref<157x128xi32, #tpu.memory_space<vmem>>, %arg8: memref<157x128xi32, #tpu.memory_space<vmem>>, %arg9: memref<6x128x64xf32, #tpu.memory_space<vmem>>, %arg10: memref<!tpu.dma_semaphore, #tpu.memory_space<semaphore_mem>>, %arg11: memref<!tpu.dma_semaphore, #tpu.memory_space<semaphore_mem>>, %arg12: memref<!tpu.dma_semaphore, #tpu.memory_space<semaphore_mem>>, %arg13: memref<!tpu.dma_semaphore, #tpu.memory_space<semaphore_mem>>, %arg14: memref<!tpu.dma_semaphore, #tpu.memory_space<semaphore_mem>>, %arg15: memref<!tpu.dma_semaphore, #tpu.memory_space<semaphore_mem>>, %arg16: memref<10008x64xf32, #tpu.memory_space<vmem_shared>>) attributes {dimension_semantics = [#tpu.dimension_semantics<core_parallel>, #tpu.dimension_semantics<subcore_parallel>], iteration_bounds = array<i64: 2, 16>, scalar_prefetch = 0 : i64, scratch_operands = 10 : i64, tpu.core_type = #tpu.core_type<sc_vector_subcore>, window_params = [{transform_indices = #map}, {transform_indices = #map1}, {transform_indices = #map2}, {transform_indices = #map}, {transform_indices = #map}]} {
    %mul3A = arith.constant 624 : i32
    %mul3A_0 = arith.muli %arg1, %mul3A : i32
    "tpu.region"() ({
      %run_scoped3A = tpu.sem_alloc : memref<!tpu.dma_semaphore, #tpu.memory_space<semaphore_mem>>
      %dma_start3A_86 = arith.constant 0 : i32
      %dma_start3A_87 = tpu.memref_slice %arg16[%mul3A_0, %dma_start3A_86] : memref<10008x64xf32, #tpu.memory_space<vmem_shared>> -> memref<624x64xf32, #tpu.memory_space<vmem_shared>>
      %dma_start3A_88 = arith.constant 0 : i32
      %dma_start3A_89 = tpu.memref_slice %arg5[%mul3A_0, %dma_start3A_88] : memref<10000x64xf32, #tpu.memory_space<hbm>> -> memref<624x64xf32, #tpu.memory_space<hbm>>
      tpu.enqueue_dma source(%dma_start3A_89 : memref<624x64xf32, #tpu.memory_space<hbm>>) target(%dma_start3A_87 : memref<624x64xf32, #tpu.memory_space<vmem_shared>>) target_semaphore(%run_scoped3A : memref<!tpu.dma_semaphore, #tpu.memory_space<semaphore_mem>>)
      %dma_wait3A_90 = arith.constant 0 : i32
      %dma_wait3A_91 = tpu.memref_slice %arg16[%mul3A_0, %dma_wait3A_90] : memref<10008x64xf32, #tpu.memory_space<vmem_shared>> -> memref<624x64xf32, #tpu.memory_space<vmem_shared>>
      %dma_wait3A_92 = arith.constant 0 : i32
      %dma_wait3A_93 = tpu.memref_slice %arg5[%mul3A_0, %dma_wait3A_92] : memref<10000x64xf32, #tpu.memory_space<hbm>> -> memref<624x64xf32, #tpu.memory_space<hbm>>
      tpu.wait_dma2 semaphore(%run_scoped3A : memref<!tpu.dma_semaphore, #tpu.memory_space<semaphore_mem>>) src(%dma_wait3A_93 : memref<624x64xf32, #tpu.memory_space<hbm>>) dst(%dma_wait3A_91 : memref<624x64xf32, #tpu.memory_space<vmem_shared>>)
      tpu.yield
    }) : () -> ()
    %eq3A = arith.constant 15 : i32
    %eq3A_1 = arith.cmpi eq, %arg1, %eq3A : i32
    %convert_element_type3A = arith.extui %eq3A_1 : i1 to i32
    %cond3A = arith.constant 0 : i32
    %cond3A_2 = arith.cmpi ne, %convert_element_type3A, %cond3A : i32
    scf.if %cond3A_2 {
      "tpu.region"() ({
        %run_scoped3A = tpu.sem_alloc : memref<!tpu.dma_semaphore, #tpu.memory_space<semaphore_mem>>
        %dma_start3A_86 = arith.constant 9984 : i32
        %dma_start3A_87 = arith.constant 0 : i32
        %dma_start3A_88 = tpu.memref_slice %arg16[%dma_start3A_86, %dma_start3A_87] : memref<10008x64xf32, #tpu.memory_space<vmem_shared>> -> memref<16x64xf32, #tpu.memory_space<vmem_shared>>
        %dma_start3A_89 = arith.constant 9984 : i32
        %dma_start3A_90 = arith.constant 0 : i32
        %dma_start3A_91 = tpu.memref_slice %arg5[%dma_start3A_89, %dma_start3A_90] : memref<10000x64xf32, #tpu.memory_space<hbm>> -> memref<16x64xf32, #tpu.memory_space<hbm>>
        tpu.enqueue_dma source(%dma_start3A_91 : memref<16x64xf32, #tpu.memory_space<hbm>>) target(%dma_start3A_88 : memref<16x64xf32, #tpu.memory_space<vmem_shared>>) target_semaphore(%run_scoped3A : memref<!tpu.dma_semaphore, #tpu.memory_space<semaphore_mem>>)
        %dma_wait3A_92 = arith.constant 9984 : i32
        %dma_wait3A_93 = arith.constant 0 : i32
        %dma_wait3A_94 = tpu.memref_slice %arg16[%dma_wait3A_92, %dma_wait3A_93] : memref<10008x64xf32, #tpu.memory_space<vmem_shared>> -> memref<16x64xf32, #tpu.memory_space<vmem_shared>>
        %dma_wait3A_95 = arith.constant 9984 : i32
        %dma_wait3A_96 = arith.constant 0 : i32
        %dma_wait3A_97 = tpu.memref_slice %arg5[%dma_wait3A_95, %dma_wait3A_96] : memref<10000x64xf32, #tpu.memory_space<hbm>> -> memref<16x64xf32, #tpu.memory_space<hbm>>
        tpu.wait_dma2 semaphore(%run_scoped3A : memref<!tpu.dma_semaphore, #tpu.memory_space<semaphore_mem>>) src(%dma_wait3A_97 : memref<16x64xf32, #tpu.memory_space<hbm>>) dst(%dma_wait3A_94 : memref<16x64xf32, #tpu.memory_space<vmem_shared>>)
        tpu.yield
      }) : () -> ()
    } else {
    }
    "tpu.region"() ({
      %run_scoped3A = tpu.sem_alloc : memref<!tpu.dma_semaphore, #tpu.memory_space<semaphore_mem>>
      %dma_start3A_86 = arith.constant 0 : i32
      %dma_start3A_87 = arith.constant 0 : i32
      %dma_start3A_88 = tpu.memref_slice %arg3[%arg0, %arg1, %dma_start3A_86, %dma_start3A_87] : memref<2x16x157x128xi32, #tpu.memory_space<hbm>> -> memref<1x1x157x128xi32, #tpu.memory_space<hbm>>
      %dma_start3A_89 = tpu.memref_squeeze %dma_start3A_88 : memref<1x1x157x128xi32, #tpu.memory_space<hbm>> -> memref<157x128xi32, #tpu.memory_space<hbm>>
      %dma_start3A_90 = arith.constant 0 : i32
      %dma_start3A_91 = arith.constant 0 : i32
      %dma_start3A_92 = tpu.memref_slice %arg3[%arg0, %arg1, %dma_start3A_90, %dma_start3A_91] : memref<2x16x157x128xi32, #tpu.memory_space<hbm>> -> memref<1x1x157x128xi32, #tpu.memory_space<hbm>>
      %dma_start3A_93 = tpu.memref_squeeze %dma_start3A_92 : memref<1x1x157x128xi32, #tpu.memory_space<hbm>> -> memref<157x128xi32, #tpu.memory_space<hbm>>
      tpu.enqueue_dma source(%dma_start3A_93 : memref<157x128xi32, #tpu.memory_space<hbm>>) target(%arg7 : memref<157x128xi32, #tpu.memory_space<vmem>>) target_semaphore(%run_scoped3A : memref<!tpu.dma_semaphore, #tpu.memory_space<semaphore_mem>>)
      %dma_wait3A_94 = arith.constant 0 : i32
      %dma_wait3A_95 = arith.constant 0 : i32
      %dma_wait3A_96 = tpu.memref_slice %arg3[%arg0, %arg1, %dma_wait3A_94, %dma_wait3A_95] : memref<2x16x157x128xi32, #tpu.memory_space<hbm>> -> memref<1x1x157x128xi32, #tpu.memory_space<hbm>>
      %dma_wait3A_97 = tpu.memref_squeeze %dma_wait3A_96 : memref<1x1x157x128xi32, #tpu.memory_space<hbm>> -> memref<157x128xi32, #tpu.memory_space<hbm>>
      %dma_wait3A_98 = arith.constant 0 : i32
      %dma_wait3A_99 = arith.constant 0 : i32
      %dma_wait3A_100 = tpu.memref_slice %arg3[%arg0, %arg1, %dma_wait3A_98, %dma_wait3A_99] : memref<2x16x157x128xi32, #tpu.memory_space<hbm>> -> memref<1x1x157x128xi32, #tpu.memory_space<hbm>>
      %dma_wait3A_101 = tpu.memref_squeeze %dma_wait3A_100 : memref<1x1x157x128xi32, #tpu.memory_space<hbm>> -> memref<157x128xi32, #tpu.memory_space<hbm>>
      tpu.wait_dma2 semaphore(%run_scoped3A : memref<!tpu.dma_semaphore, #tpu.memory_space<semaphore_mem>>) src(%dma_wait3A_101 : memref<157x128xi32, #tpu.memory_space<hbm>>) dst(%arg7 : memref<157x128xi32, #tpu.memory_space<vmem>>)
      tpu.yield
    }) : () -> ()
    "tpu.region"() ({
      %run_scoped3A = tpu.sem_alloc : memref<!tpu.dma_semaphore, #tpu.memory_space<semaphore_mem>>
      %dma_start3A_86 = arith.constant 0 : i32
      %dma_start3A_87 = arith.constant 0 : i32
      %dma_start3A_88 = tpu.memref_slice %arg4[%arg1, %dma_start3A_86, %dma_start3A_87] : memref<16x157x128xi32, #tpu.memory_space<hbm>> -> memref<1x157x128xi32, #tpu.memory_space<hbm>>
      %dma_start3A_89 = tpu.memref_squeeze %dma_start3A_88 : memref<1x157x128xi32, #tpu.memory_space<hbm>> -> memref<157x128xi32, #tpu.memory_space<hbm>>
      %dma_start3A_90 = arith.constant 0 : i32
      %dma_start3A_91 = arith.constant 0 : i32
      %dma_start3A_92 = tpu.memref_slice %arg4[%arg1, %dma_start3A_90, %dma_start3A_91] : memref<16x157x128xi32, #tpu.memory_space<hbm>> -> memref<1x157x128xi32, #tpu.memory_space<hbm>>
      %dma_start3A_93 = tpu.memref_squeeze %dma_start3A_92 : memref<1x157x128xi32, #tpu.memory_space<hbm>> -> memref<157x128xi32, #tpu.memory_space<hbm>>
      tpu.enqueue_dma source(%dma_start3A_93 : memref<157x128xi32, #tpu.memory_space<hbm>>) target(%arg8 : memref<157x128xi32, #tpu.memory_space<vmem>>) target_semaphore(%run_scoped3A : memref<!tpu.dma_semaphore, #tpu.memory_space<semaphore_mem>>)
      %dma_wait3A_94 = arith.constant 0 : i32
      %dma_wait3A_95 = arith.constant 0 : i32
      %dma_wait3A_96 = tpu.memref_slice %arg4[%arg1, %dma_wait3A_94, %dma_wait3A_95] : memref<16x157x128xi32, #tpu.memory_space<hbm>> -> memref<1x157x128xi32, #tpu.memory_space<hbm>>
      %dma_wait3A_97 = tpu.memref_squeeze %dma_wait3A_96 : memref<1x157x128xi32, #tpu.memory_space<hbm>> -> memref<157x128xi32, #tpu.memory_space<hbm>>
      %dma_wait3A_98 = arith.constant 0 : i32
      %dma_wait3A_99 = arith.constant 0 : i32
      %dma_wait3A_100 = tpu.memref_slice %arg4[%arg1, %dma_wait3A_98, %dma_wait3A_99] : memref<16x157x128xi32, #tpu.memory_space<hbm>> -> memref<1x157x128xi32, #tpu.memory_space<hbm>>
      %dma_wait3A_101 = tpu.memref_squeeze %dma_wait3A_100 : memref<1x157x128xi32, #tpu.memory_space<hbm>> -> memref<157x128xi32, #tpu.memory_space<hbm>>
      tpu.wait_dma2 semaphore(%run_scoped3A : memref<!tpu.dma_semaphore, #tpu.memory_space<semaphore_mem>>) src(%dma_wait3A_101 : memref<157x128xi32, #tpu.memory_space<hbm>>) dst(%arg8 : memref<157x128xi32, #tpu.memory_space<vmem>>)
      tpu.yield
    }) : () -> ()
    %barrier3A = arith.constant 0 : index
    tpu.barrier barrier_id(%barrier3A)
    %dma_start3A = arith.constant 0 : i32
    %dma_start3A_3 = arith.constant 0 : i32
    %dma_start3A_4 = arith.constant 0 : i32
    %dma_start3A_5 = arith.constant 0 : i32
    %dma_start3A_6 = tpu.memref_slice %arg9[%dma_start3A_3, %dma_start3A_4, %dma_start3A_5] : memref<6x128x64xf32, #tpu.memory_space<vmem>> -> memref<1x128x64xf32, #tpu.memory_space<vmem>>
    %dma_start3A_7 = tpu.memref_squeeze %dma_start3A_6 : memref<1x128x64xf32, #tpu.memory_space<vmem>> -> memref<128x64xf32, #tpu.memory_space<vmem>>
    %dma_start3A_8 = arith.constant 0 : i32
    %dma_start3A_9 = tpu.memref_slice %arg7[%dma_start3A, %dma_start3A_8] : memref<157x128xi32, #tpu.memory_space<vmem>> -> memref<1x128xi32, #tpu.memory_space<vmem>>
    %dma_start3A_10 = tpu.memref_squeeze %dma_start3A_9 : memref<1x128xi32, #tpu.memory_space<vmem>> -> memref<128xi32, #tpu.memory_space<vmem>>
    %dma_start3A_11 = arith.constant 0 : i32
    %dma_start3A_12 = arith.constant 0 : i32
    %dma_start3A_13 = tpu.memref_slice %arg2[%dma_start3A_11, %dma_start3A_12] : memref<20000x64xf32, #tpu.memory_space<hbm>> -> memref<20000x64xf32, #tpu.memory_space<hbm>>
    tpu.enqueue_indirect_dma source(%dma_start3A_13 : memref<20000x64xf32, #tpu.memory_space<hbm>>) target(%dma_start3A_7 : memref<128x64xf32, #tpu.memory_space<vmem>>) offsets(%dma_start3A_10 : memref<128xi32, #tpu.memory_space<vmem>>) semaphore(%arg10 : memref<!tpu.dma_semaphore, #tpu.memory_space<semaphore_mem>>)
    %dma_start3A_14 = arith.constant 53 : i32
    %dma_start3A_15 = arith.constant 2 : i32
    %dma_start3A_16 = arith.constant 0 : i32
    %dma_start3A_17 = arith.constant 0 : i32
    %dma_start3A_18 = tpu.memref_slice %arg9[%dma_start3A_15, %dma_start3A_16, %dma_start3A_17] : memref<6x128x64xf32, #tpu.memory_space<vmem>> -> memref<1x128x64xf32, #tpu.memory_space<vmem>>
    %dma_start3A_19 = tpu.memref_squeeze %dma_start3A_18 : memref<1x128x64xf32, #tpu.memory_space<vmem>> -> memref<128x64xf32, #tpu.memory_space<vmem>>
    %dma_start3A_20 = arith.constant 0 : i32
    %dma_start3A_21 = tpu.memref_slice %arg7[%dma_start3A_14, %dma_start3A_20] : memref<157x128xi32, #tpu.memory_space<vmem>> -> memref<1x128xi32, #tpu.memory_space<vmem>>
    %dma_start3A_22 = tpu.memref_squeeze %dma_start3A_21 : memref<1x128xi32, #tpu.memory_space<vmem>> -> memref<128xi32, #tpu.memory_space<vmem>>
    %dma_start3A_23 = arith.constant 0 : i32
    %dma_start3A_24 = arith.constant 0 : i32
    %dma_start3A_25 = tpu.memref_slice %arg2[%dma_start3A_23, %dma_start3A_24] : memref<20000x64xf32, #tpu.memory_space<hbm>> -> memref<20000x64xf32, #tpu.memory_space<hbm>>
    tpu.enqueue_indirect_dma source(%dma_start3A_25 : memref<20000x64xf32, #tpu.memory_space<hbm>>) target(%dma_start3A_19 : memref<128x64xf32, #tpu.memory_space<vmem>>) offsets(%dma_start3A_22 : memref<128xi32, #tpu.memory_space<vmem>>) semaphore(%arg11 : memref<!tpu.dma_semaphore, #tpu.memory_space<semaphore_mem>>)
    %dma_start3A_26 = arith.constant 106 : i32
    %dma_start3A_27 = arith.constant 4 : i32
    %dma_start3A_28 = arith.constant 0 : i32
    %dma_start3A_29 = arith.constant 0 : i32
    %dma_start3A_30 = tpu.memref_slice %arg9[%dma_start3A_27, %dma_start3A_28, %dma_start3A_29] : memref<6x128x64xf32, #tpu.memory_space<vmem>> -> memref<1x128x64xf32, #tpu.memory_space<vmem>>
    %dma_start3A_31 = tpu.memref_squeeze %dma_start3A_30 : memref<1x128x64xf32, #tpu.memory_space<vmem>> -> memref<128x64xf32, #tpu.memory_space<vmem>>
    %dma_start3A_32 = arith.constant 0 : i32
    %dma_start3A_33 = tpu.memref_slice %arg7[%dma_start3A_26, %dma_start3A_32] : memref<157x128xi32, #tpu.memory_space<vmem>> -> memref<1x128xi32, #tpu.memory_space<vmem>>
    %dma_start3A_34 = tpu.memref_squeeze %dma_start3A_33 : memref<1x128xi32, #tpu.memory_space<vmem>> -> memref<128xi32, #tpu.memory_space<vmem>>
    %dma_start3A_35 = arith.constant 0 : i32
    %dma_start3A_36 = arith.constant 0 : i32
    %dma_start3A_37 = tpu.memref_slice %arg2[%dma_start3A_35, %dma_start3A_36] : memref<20000x64xf32, #tpu.memory_space<hbm>> -> memref<20000x64xf32, #tpu.memory_space<hbm>>
    tpu.enqueue_indirect_dma source(%dma_start3A_37 : memref<20000x64xf32, #tpu.memory_space<hbm>>) target(%dma_start3A_31 : memref<128x64xf32, #tpu.memory_space<vmem>>) offsets(%dma_start3A_34 : memref<128xi32, #tpu.memory_space<vmem>>) semaphore(%arg12 : memref<!tpu.dma_semaphore, #tpu.memory_space<semaphore_mem>>)
    %scan3A = arith.constant 0 : i32
    %scan3A_38 = arith.constant 0 : i32
    %scan3A_39 = arith.constant 53 : i32
    %scan3A_40 = arith.addi %scan3A_38, %scan3A_39 : i32
    %scan3A_41 = arith.constant 1 : i32
    scf.for %scan3A_86 = %scan3A_38 to %scan3A_40 step %scan3A_41  : i32 {
      %rem3A = arith.constant 2 : i32
      %rem3A_87 = arith.remsi %scan3A_86, %rem3A : i32
      %add3A_88 = arith.constant 0 : i32
      %add3A_89 = arith.addi %add3A_88, %scan3A_86 : i32
      %lt3A = arith.constant 53 : i32
      %lt3A_90 = arith.cmpi slt, %add3A_89, %lt3A : i32
      %convert_element_type3A_91 = arith.extui %lt3A_90 : i1 to i32
      %cond3A_92 = arith.constant 0 : i32
      %cond3A_93 = arith.cmpi ne, %convert_element_type3A_91, %cond3A_92 : i32
      scf.if %cond3A_93 {
        %add3A_108 = arith.constant 0 : i32
        %add3A_109 = arith.addi %add3A_108, %rem3A_87 : i32
        %dma_wait3A_110 = arith.constant 0 : i32
        %dma_wait3A_111 = arith.constant 0 : i32
        %dma_wait3A_112 = arith.constant 0 : i32
        %dma_wait3A_113 = tpu.memref_slice %arg9[%add3A_109, %dma_wait3A_111, %dma_wait3A_112] : memref<6x128x64xf32, #tpu.memory_space<vmem>> -> memref<1x128x64xf32, #tpu.memory_space<vmem>>
        %dma_wait3A_114 = tpu.memref_squeeze %dma_wait3A_113 : memref<1x128x64xf32, #tpu.memory_space<vmem>> -> memref<128x64xf32, #tpu.memory_space<vmem>>
        %dma_wait3A_115 = arith.constant 0 : i32
        %dma_wait3A_116 = tpu.memref_slice %arg7[%dma_wait3A_110, %dma_wait3A_115] : memref<157x128xi32, #tpu.memory_space<vmem>> -> memref<1x128xi32, #tpu.memory_space<vmem>>
        %dma_wait3A_117 = tpu.memref_squeeze %dma_wait3A_116 : memref<1x128xi32, #tpu.memory_space<vmem>> -> memref<128xi32, #tpu.memory_space<vmem>>
        %dma_wait3A_118 = arith.constant 0 : i32
        %dma_wait3A_119 = arith.constant 0 : i32
        %dma_wait3A_120 = tpu.memref_slice %arg2[%dma_wait3A_118, %dma_wait3A_119] : memref<20000x64xf32, #tpu.memory_space<hbm>> -> memref<20000x64xf32, #tpu.memory_space<hbm>>
        tpu.wait_indirect_dma semaphore(%arg10 : memref<!tpu.dma_semaphore, #tpu.memory_space<semaphore_mem>>) src(%dma_wait3A_120 : memref<20000x64xf32, #tpu.memory_space<hbm>>) dst(%dma_wait3A_114 : memref<128x64xf32, #tpu.memory_space<vmem>>)
        %gt3A = arith.constant 0 : i32
        %gt3A_121 = arith.cmpi sgt, %scan3A_86, %gt3A : i32
        %convert_element_type3A_122 = arith.extui %gt3A_121 : i1 to i32
        %cond3A_123 = arith.constant 0 : i32
        %cond3A_124 = arith.cmpi ne, %convert_element_type3A_122, %cond3A_123 : i32
        scf.if %cond3A_124 {
          %dma_wait3A_142 = arith.constant 0 : i32
          %dma_wait3A_143 = arith.constant 0 : i32
          %dma_wait3A_144 = arith.constant 0 : i32
          %dma_wait3A_145 = arith.constant 0 : i32
          %dma_wait3A_146 = tpu.memref_slice %arg9[%dma_wait3A_142, %dma_wait3A_144, %dma_wait3A_145] : memref<6x128x64xf32, #tpu.memory_space<vmem>> -> memref<1x128x64xf32, #tpu.memory_space<vmem>>
          %dma_wait3A_147 = tpu.memref_squeeze %dma_wait3A_146 : memref<1x128x64xf32, #tpu.memory_space<vmem>> -> memref<128x64xf32, #tpu.memory_space<vmem>>
          %dma_wait3A_148 = arith.constant 0 : i32
          %dma_wait3A_149 = tpu.memref_slice %arg8[%dma_wait3A_143, %dma_wait3A_148] : memref<157x128xi32, #tpu.memory_space<vmem>> -> memref<1x128xi32, #tpu.memory_space<vmem>>
          %dma_wait3A_150 = tpu.memref_squeeze %dma_wait3A_149 : memref<1x128xi32, #tpu.memory_space<vmem>> -> memref<128xi32, #tpu.memory_space<vmem>>
          %dma_wait3A_151 = arith.constant 0 : i32
          %dma_wait3A_152 = arith.constant 0 : i32
          %dma_wait3A_153 = tpu.memref_slice %arg16[%dma_wait3A_151, %dma_wait3A_152] : memref<10008x64xf32, #tpu.memory_space<vmem_shared>> -> memref<10008x64xf32, #tpu.memory_space<vmem_shared>>
          tpu.wait_indirect_dma semaphore(%arg13 : memref<!tpu.dma_semaphore, #tpu.memory_space<semaphore_mem>>) src(%dma_wait3A_147 : memref<128x64xf32, #tpu.memory_space<vmem>>) dst(%dma_wait3A_153 : memref<10008x64xf32, #tpu.memory_space<vmem_shared>>)
        } else {
        }
        %dma_start3A_125 = arith.constant 0 : i32
        %dma_start3A_126 = arith.constant 0 : i32
        %dma_start3A_127 = tpu.memref_slice %arg9[%add3A_109, %dma_start3A_125, %dma_start3A_126] : memref<6x128x64xf32, #tpu.memory_space<vmem>> -> memref<1x128x64xf32, #tpu.memory_space<vmem>>
        %dma_start3A_128 = tpu.memref_squeeze %dma_start3A_127 : memref<1x128x64xf32, #tpu.memory_space<vmem>> -> memref<128x64xf32, #tpu.memory_space<vmem>>
        %dma_start3A_129 = arith.constant 0 : i32
        %dma_start3A_130 = tpu.memref_slice %arg8[%add3A_89, %dma_start3A_129] : memref<157x128xi32, #tpu.memory_space<vmem>> -> memref<1x128xi32, #tpu.memory_space<vmem>>
        %dma_start3A_131 = tpu.memref_squeeze %dma_start3A_130 : memref<1x128xi32, #tpu.memory_space<vmem>> -> memref<128xi32, #tpu.memory_space<vmem>>
        %dma_start3A_132 = arith.constant 0 : i32
        %dma_start3A_133 = arith.constant 0 : i32
        %dma_start3A_134 = tpu.memref_slice %arg16[%dma_start3A_132, %dma_start3A_133] : memref<10008x64xf32, #tpu.memory_space<vmem_shared>> -> memref<10008x64xf32, #tpu.memory_space<vmem_shared>>
        tpu.enqueue_indirect_dma source(%dma_start3A_128 : memref<128x64xf32, #tpu.memory_space<vmem>>) target(%dma_start3A_134 : memref<10008x64xf32, #tpu.memory_space<vmem_shared>>) offsets(%dma_start3A_131 : memref<128xi32, #tpu.memory_space<vmem>>) semaphore(%arg13 : memref<!tpu.dma_semaphore, #tpu.memory_space<semaphore_mem>>) {add = true}
        %add3A_135 = arith.constant 1 : i32
        %add3A_136 = arith.addi %add3A_89, %add3A_135 : i32
        %lt3A_137 = arith.constant 53 : i32
        %lt3A_138 = arith.cmpi slt, %add3A_136, %lt3A_137 : i32
        %convert_element_type3A_139 = arith.extui %lt3A_138 : i1 to i32
        %cond3A_140 = arith.constant 0 : i32
        %cond3A_141 = arith.cmpi ne, %convert_element_type3A_139, %cond3A_140 : i32
        scf.if %cond3A_141 {
          %add3A_142 = arith.constant 1 : i32
          %add3A_143 = arith.addi %add3A_89, %add3A_142 : i32
          %sub3A = arith.constant 1 : i32
          %sub3A_144 = arith.subi %sub3A, %rem3A_87 : i32
          %add3A_145 = arith.constant 0 : i32
          %add3A_146 = arith.addi %add3A_145, %sub3A_144 : i32
          %dma_start3A_147 = arith.constant 0 : i32
          %dma_start3A_148 = arith.constant 0 : i32
          %dma_start3A_149 = tpu.memref_slice %arg9[%add3A_146, %dma_start3A_147, %dma_start3A_148] : memref<6x128x64xf32, #tpu.memory_space<vmem>> -> memref<1x128x64xf32, #tpu.memory_space<vmem>>
          %dma_start3A_150 = tpu.memref_squeeze %dma_start3A_149 : memref<1x128x64xf32, #tpu.memory_space<vmem>> -> memref<128x64xf32, #tpu.memory_space<vmem>>
          %dma_start3A_151 = arith.constant 0 : i32
          %dma_start3A_152 = tpu.memref_slice %arg7[%add3A_143, %dma_start3A_151] : memref<157x128xi32, #tpu.memory_space<vmem>> -> memref<1x128xi32, #tpu.memory_space<vmem>>
          %dma_start3A_153 = tpu.memref_squeeze %dma_start3A_152 : memref<1x128xi32, #tpu.memory_space<vmem>> -> memref<128xi32, #tpu.memory_space<vmem>>
          %dma_start3A_154 = arith.constant 0 : i32
          %dma_start3A_155 = arith.constant 0 : i32
          %dma_start3A_156 = tpu.memref_slice %arg2[%dma_start3A_154, %dma_start3A_155] : memref<20000x64xf32, #tpu.memory_space<hbm>> -> memref<20000x64xf32, #tpu.memory_space<hbm>>
          tpu.enqueue_indirect_dma source(%dma_start3A_156 : memref<20000x64xf32, #tpu.memory_space<hbm>>) target(%dma_start3A_150 : memref<128x64xf32, #tpu.memory_space<vmem>>) offsets(%dma_start3A_153 : memref<128xi32, #tpu.memory_space<vmem>>) semaphore(%arg10 : memref<!tpu.dma_semaphore, #tpu.memory_space<semaphore_mem>>)
        } else {
        }
      } else {
      }
      %add3A_94 = arith.constant 53 : i32
      %add3A_95 = arith.addi %add3A_94, %scan3A_86 : i32
      %lt3A_96 = arith.constant 106 : i32
      %lt3A_97 = arith.cmpi slt, %add3A_95, %lt3A_96 : i32
      %convert_element_type3A_98 = arith.extui %lt3A_97 : i1 to i32
      %cond3A_99 = arith.constant 0 : i32
      %cond3A_100 = arith.cmpi ne, %convert_element_type3A_98, %cond3A_99 : i32
      scf.if %cond3A_100 {
        %add3A_108 = arith.constant 2 : i32
        %add3A_109 = arith.addi %add3A_108, %rem3A_87 : i32
        %dma_wait3A_110 = arith.constant 0 : i32
        %dma_wait3A_111 = arith.constant 0 : i32
        %dma_wait3A_112 = arith.constant 0 : i32
        %dma_wait3A_113 = tpu.memref_slice %arg9[%add3A_109, %dma_wait3A_111, %dma_wait3A_112] : memref<6x128x64xf32, #tpu.memory_space<vmem>> -> memref<1x128x64xf32, #tpu.memory_space<vmem>>
        %dma_wait3A_114 = tpu.memref_squeeze %dma_wait3A_113 : memref<1x128x64xf32, #tpu.memory_space<vmem>> -> memref<128x64xf32, #tpu.memory_space<vmem>>
        %dma_wait3A_115 = arith.constant 0 : i32
        %dma_wait3A_116 = tpu.memref_slice %arg7[%dma_wait3A_110, %dma_wait3A_115] : memref<157x128xi32, #tpu.memory_space<vmem>> -> memref<1x128xi32, #tpu.memory_space<vmem>>
        %dma_wait3A_117 = tpu.memref_squeeze %dma_wait3A_116 : memref<1x128xi32, #tpu.memory_space<vmem>> -> memref<128xi32, #tpu.memory_space<vmem>>
        %dma_wait3A_118 = arith.constant 0 : i32
        %dma_wait3A_119 = arith.constant 0 : i32
        %dma_wait3A_120 = tpu.memref_slice %arg2[%dma_wait3A_118, %dma_wait3A_119] : memref<20000x64xf32, #tpu.memory_space<hbm>> -> memref<20000x64xf32, #tpu.memory_space<hbm>>
        tpu.wait_indirect_dma semaphore(%arg11 : memref<!tpu.dma_semaphore, #tpu.memory_space<semaphore_mem>>) src(%dma_wait3A_120 : memref<20000x64xf32, #tpu.memory_space<hbm>>) dst(%dma_wait3A_114 : memref<128x64xf32, #tpu.memory_space<vmem>>)
        %gt3A = arith.constant 0 : i32
        %gt3A_121 = arith.cmpi sgt, %scan3A_86, %gt3A : i32
        %convert_element_type3A_122 = arith.extui %gt3A_121 : i1 to i32
        %cond3A_123 = arith.constant 0 : i32
        %cond3A_124 = arith.cmpi ne, %convert_element_type3A_122, %cond3A_123 : i32
        scf.if %cond3A_124 {
          %dma_wait3A_142 = arith.constant 0 : i32
          %dma_wait3A_143 = arith.constant 0 : i32
          %dma_wait3A_144 = arith.constant 0 : i32
          %dma_wait3A_145 = arith.constant 0 : i32
          %dma_wait3A_146 = tpu.memref_slice %arg9[%dma_wait3A_142, %dma_wait3A_144, %dma_wait3A_145] : memref<6x128x64xf32, #tpu.memory_space<vmem>> -> memref<1x128x64xf32, #tpu.memory_space<vmem>>
          %dma_wait3A_147 = tpu.memref_squeeze %dma_wait3A_146 : memref<1x128x64xf32, #tpu.memory_space<vmem>> -> memref<128x64xf32, #tpu.memory_space<vmem>>
          %dma_wait3A_148 = arith.constant 0 : i32
          %dma_wait3A_149 = tpu.memref_slice %arg8[%dma_wait3A_143, %dma_wait3A_148] : memref<157x128xi32, #tpu.memory_space<vmem>> -> memref<1x128xi32, #tpu.memory_space<vmem>>
          %dma_wait3A_150 = tpu.memref_squeeze %dma_wait3A_149 : memref<1x128xi32, #tpu.memory_space<vmem>> -> memref<128xi32, #tpu.memory_space<vmem>>
          %dma_wait3A_151 = arith.constant 0 : i32
          %dma_wait3A_152 = arith.constant 0 : i32
          %dma_wait3A_153 = tpu.memref_slice %arg16[%dma_wait3A_151, %dma_wait3A_152] : memref<10008x64xf32, #tpu.memory_space<vmem_shared>> -> memref<10008x64xf32, #tpu.memory_space<vmem_shared>>
          tpu.wait_indirect_dma semaphore(%arg14 : memref<!tpu.dma_semaphore, #tpu.memory_space<semaphore_mem>>) src(%dma_wait3A_147 : memref<128x64xf32, #tpu.memory_space<vmem>>) dst(%dma_wait3A_153 : memref<10008x64xf32, #tpu.memory_space<vmem_shared>>)
        } else {
        }
        %dma_start3A_125 = arith.constant 0 : i32
        %dma_start3A_126 = arith.constant 0 : i32
        %dma_start3A_127 = tpu.memref_slice %arg9[%add3A_109, %dma_start3A_125, %dma_start3A_126] : memref<6x128x64xf32, #tpu.memory_space<vmem>> -> memref<1x128x64xf32, #tpu.memory_space<vmem>>
        %dma_start3A_128 = tpu.memref_squeeze %dma_start3A_127 : memref<1x128x64xf32, #tpu.memory_space<vmem>> -> memref<128x64xf32, #tpu.memory_space<vmem>>
        %dma_start3A_129 = arith.constant 0 : i32
        %dma_start3A_130 = tpu.memref_slice %arg8[%add3A_95, %dma_start3A_129] : memref<157x128xi32, #tpu.memory_space<vmem>> -> memref<1x128xi32, #tpu.memory_space<vmem>>
        %dma_start3A_131 = tpu.memref_squeeze %dma_start3A_130 : memref<1x128xi32, #tpu.memory_space<vmem>> -> memref<128xi32, #tpu.memory_space<vmem>>
        %dma_start3A_132 = arith.constant 0 : i32
        %dma_start3A_133 = arith.constant 0 : i32
        %dma_start3A_134 = tpu.memref_slice %arg16[%dma_start3A_132, %dma_start3A_133] : memref<10008x64xf32, #tpu.memory_space<vmem_shared>> -> memref<10008x64xf32, #tpu.memory_space<vmem_shared>>
        tpu.enqueue_indirect_dma source(%dma_start3A_128 : memref<128x64xf32, #tpu.memory_space<vmem>>) target(%dma_start3A_134 : memref<10008x64xf32, #tpu.memory_space<vmem_shared>>) offsets(%dma_start3A_131 : memref<128xi32, #tpu.memory_space<vmem>>) semaphore(%arg14 : memref<!tpu.dma_semaphore, #tpu.memory_space<semaphore_mem>>) {add = true}
        %add3A_135 = arith.constant 1 : i32
        %add3A_136 = arith.addi %add3A_95, %add3A_135 : i32
        %lt3A_137 = arith.constant 106 : i32
        %lt3A_138 = arith.cmpi slt, %add3A_136, %lt3A_137 : i32
        %convert_element_type3A_139 = arith.extui %lt3A_138 : i1 to i32
        %cond3A_140 = arith.constant 0 : i32
        %cond3A_141 = arith.cmpi ne, %convert_element_type3A_139, %cond3A_140 : i32
        scf.if %cond3A_141 {
          %add3A_142 = arith.constant 1 : i32
          %add3A_143 = arith.addi %add3A_95, %add3A_142 : i32
          %sub3A = arith.constant 1 : i32
          %sub3A_144 = arith.subi %sub3A, %rem3A_87 : i32
          %add3A_145 = arith.constant 2 : i32
          %add3A_146 = arith.addi %add3A_145, %sub3A_144 : i32
          %dma_start3A_147 = arith.constant 0 : i32
          %dma_start3A_148 = arith.constant 0 : i32
          %dma_start3A_149 = tpu.memref_slice %arg9[%add3A_146, %dma_start3A_147, %dma_start3A_148] : memref<6x128x64xf32, #tpu.memory_space<vmem>> -> memref<1x128x64xf32, #tpu.memory_space<vmem>>
          %dma_start3A_150 = tpu.memref_squeeze %dma_start3A_149 : memref<1x128x64xf32, #tpu.memory_space<vmem>> -> memref<128x64xf32, #tpu.memory_space<vmem>>
          %dma_start3A_151 = arith.constant 0 : i32
          %dma_start3A_152 = tpu.memref_slice %arg7[%add3A_143, %dma_start3A_151] : memref<157x128xi32, #tpu.memory_space<vmem>> -> memref<1x128xi32, #tpu.memory_space<vmem>>
          %dma_start3A_153 = tpu.memref_squeeze %dma_start3A_152 : memref<1x128xi32, #tpu.memory_space<vmem>> -> memref<128xi32, #tpu.memory_space<vmem>>
          %dma_start3A_154 = arith.constant 0 : i32
          %dma_start3A_155 = arith.constant 0 : i32
          %dma_start3A_156 = tpu.memref_slice %arg2[%dma_start3A_154, %dma_start3A_155] : memref<20000x64xf32, #tpu.memory_space<hbm>> -> memref<20000x64xf32, #tpu.memory_space<hbm>>
          tpu.enqueue_indirect_dma source(%dma_start3A_156 : memref<20000x64xf32, #tpu.memory_space<hbm>>) target(%dma_start3A_150 : memref<128x64xf32, #tpu.memory_space<vmem>>) offsets(%dma_start3A_153 : memref<128xi32, #tpu.memory_space<vmem>>) semaphore(%arg11 : memref<!tpu.dma_semaphore, #tpu.memory_space<semaphore_mem>>)
        } else {
        }
      } else {
      }
      %add3A_101 = arith.constant 106 : i32
      %add3A_102 = arith.addi %add3A_101, %scan3A_86 : i32
      %lt3A_103 = arith.constant 157 : i32
      %lt3A_104 = arith.cmpi slt, %add3A_102, %lt3A_103 : i32
      %convert_element_type3A_105 = arith.extui %lt3A_104 : i1 to i32
      %cond3A_106 = arith.constant 0 : i32
      %cond3A_107 = arith.cmpi ne, %convert_element_type3A_105, %cond3A_106 : i32
      scf.if %cond3A_107 {
        %add3A_108 = arith.constant 4 : i32
        %add3A_109 = arith.addi %add3A_108, %rem3A_87 : i32
        %dma_wait3A_110 = arith.constant 0 : i32
        %dma_wait3A_111 = arith.constant 0 : i32
        %dma_wait3A_112 = arith.constant 0 : i32
        %dma_wait3A_113 = tpu.memref_slice %arg9[%add3A_109, %dma_wait3A_111, %dma_wait3A_112] : memref<6x128x64xf32, #tpu.memory_space<vmem>> -> memref<1x128x64xf32, #tpu.memory_space<vmem>>
        %dma_wait3A_114 = tpu.memref_squeeze %dma_wait3A_113 : memref<1x128x64xf32, #tpu.memory_space<vmem>> -> memref<128x64xf32, #tpu.memory_space<vmem>>
        %dma_wait3A_115 = arith.constant 0 : i32
        %dma_wait3A_116 = tpu.memref_slice %arg7[%dma_wait3A_110, %dma_wait3A_115] : memref<157x128xi32, #tpu.memory_space<vmem>> -> memref<1x128xi32, #tpu.memory_space<vmem>>
        %dma_wait3A_117 = tpu.memref_squeeze %dma_wait3A_116 : memref<1x128xi32, #tpu.memory_space<vmem>> -> memref<128xi32, #tpu.memory_space<vmem>>
        %dma_wait3A_118 = arith.constant 0 : i32
        %dma_wait3A_119 = arith.constant 0 : i32
        %dma_wait3A_120 = tpu.memref_slice %arg2[%dma_wait3A_118, %dma_wait3A_119] : memref<20000x64xf32, #tpu.memory_space<hbm>> -> memref<20000x64xf32, #tpu.memory_space<hbm>>
        tpu.wait_indirect_dma semaphore(%arg12 : memref<!tpu.dma_semaphore, #tpu.memory_space<semaphore_mem>>) src(%dma_wait3A_120 : memref<20000x64xf32, #tpu.memory_space<hbm>>) dst(%dma_wait3A_114 : memref<128x64xf32, #tpu.memory_space<vmem>>)
        %gt3A = arith.constant 0 : i32
        %gt3A_121 = arith.cmpi sgt, %scan3A_86, %gt3A : i32
        %convert_element_type3A_122 = arith.extui %gt3A_121 : i1 to i32
        %cond3A_123 = arith.constant 0 : i32
        %cond3A_124 = arith.cmpi ne, %convert_element_type3A_122, %cond3A_123 : i32
        scf.if %cond3A_124 {
          %dma_wait3A_142 = arith.constant 0 : i32
          %dma_wait3A_143 = arith.constant 0 : i32
          %dma_wait3A_144 = arith.constant 0 : i32
          %dma_wait3A_145 = arith.constant 0 : i32
          %dma_wait3A_146 = tpu.memref_slice %arg9[%dma_wait3A_142, %dma_wait3A_144, %dma_wait3A_145] : memref<6x128x64xf32, #tpu.memory_space<vmem>> -> memref<1x128x64xf32, #tpu.memory_space<vmem>>
          %dma_wait3A_147 = tpu.memref_squeeze %dma_wait3A_146 : memref<1x128x64xf32, #tpu.memory_space<vmem>> -> memref<128x64xf32, #tpu.memory_space<vmem>>
          %dma_wait3A_148 = arith.constant 0 : i32
          %dma_wait3A_149 = tpu.memref_slice %arg8[%dma_wait3A_143, %dma_wait3A_148] : memref<157x128xi32, #tpu.memory_space<vmem>> -> memref<1x128xi32, #tpu.memory_space<vmem>>
          %dma_wait3A_150 = tpu.memref_squeeze %dma_wait3A_149 : memref<1x128xi32, #tpu.memory_space<vmem>> -> memref<128xi32, #tpu.memory_space<vmem>>
          %dma_wait3A_151 = arith.constant 0 : i32
          %dma_wait3A_152 = arith.constant 0 : i32
          %dma_wait3A_153 = tpu.memref_slice %arg16[%dma_wait3A_151, %dma_wait3A_152] : memref<10008x64xf32, #tpu.memory_space<vmem_shared>> -> memref<10008x64xf32, #tpu.memory_space<vmem_shared>>
          tpu.wait_indirect_dma semaphore(%arg15 : memref<!tpu.dma_semaphore, #tpu.memory_space<semaphore_mem>>) src(%dma_wait3A_147 : memref<128x64xf32, #tpu.memory_space<vmem>>) dst(%dma_wait3A_153 : memref<10008x64xf32, #tpu.memory_space<vmem_shared>>)
        } else {
        }
        %dma_start3A_125 = arith.constant 0 : i32
        %dma_start3A_126 = arith.constant 0 : i32
        %dma_start3A_127 = tpu.memref_slice %arg9[%add3A_109, %dma_start3A_125, %dma_start3A_126] : memref<6x128x64xf32, #tpu.memory_space<vmem>> -> memref<1x128x64xf32, #tpu.memory_space<vmem>>
        %dma_start3A_128 = tpu.memref_squeeze %dma_start3A_127 : memref<1x128x64xf32, #tpu.memory_space<vmem>> -> memref<128x64xf32, #tpu.memory_space<vmem>>
        %dma_start3A_129 = arith.constant 0 : i32
        %dma_start3A_130 = tpu.memref_slice %arg8[%add3A_102, %dma_start3A_129] : memref<157x128xi32, #tpu.memory_space<vmem>> -> memref<1x128xi32, #tpu.memory_space<vmem>>
        %dma_start3A_131 = tpu.memref_squeeze %dma_start3A_130 : memref<1x128xi32, #tpu.memory_space<vmem>> -> memref<128xi32, #tpu.memory_space<vmem>>
        %dma_start3A_132 = arith.constant 0 : i32
        %dma_start3A_133 = arith.constant 0 : i32
        %dma_start3A_134 = tpu.memref_slice %arg16[%dma_start3A_132, %dma_start3A_133] : memref<10008x64xf32, #tpu.memory_space<vmem_shared>> -> memref<10008x64xf32, #tpu.memory_space<vmem_shared>>
        tpu.enqueue_indirect_dma source(%dma_start3A_128 : memref<128x64xf32, #tpu.memory_space<vmem>>) target(%dma_start3A_134 : memref<10008x64xf32, #tpu.memory_space<vmem_shared>>) offsets(%dma_start3A_131 : memref<128xi32, #tpu.memory_space<vmem>>) semaphore(%arg15 : memref<!tpu.dma_semaphore, #tpu.memory_space<semaphore_mem>>) {add = true}
        %add3A_135 = arith.constant 1 : i32
        %add3A_136 = arith.addi %add3A_102, %add3A_135 : i32
        %lt3A_137 = arith.constant 157 : i32
        %lt3A_138 = arith.cmpi slt, %add3A_136, %lt3A_137 : i32
        %convert_element_type3A_139 = arith.extui %lt3A_138 : i1 to i32
        %cond3A_140 = arith.constant 0 : i32
        %cond3A_141 = arith.cmpi ne, %convert_element_type3A_139, %cond3A_140 : i32
        scf.if %cond3A_141 {
          %add3A_142 = arith.constant 1 : i32
          %add3A_143 = arith.addi %add3A_102, %add3A_142 : i32
          %sub3A = arith.constant 1 : i32
          %sub3A_144 = arith.subi %sub3A, %rem3A_87 : i32
          %add3A_145 = arith.constant 4 : i32
          %add3A_146 = arith.addi %add3A_145, %sub3A_144 : i32
          %dma_start3A_147 = arith.constant 0 : i32
          %dma_start3A_148 = arith.constant 0 : i32
          %dma_start3A_149 = tpu.memref_slice %arg9[%add3A_146, %dma_start3A_147, %dma_start3A_148] : memref<6x128x64xf32, #tpu.memory_space<vmem>> -> memref<1x128x64xf32, #tpu.memory_space<vmem>>
          %dma_start3A_150 = tpu.memref_squeeze %dma_start3A_149 : memref<1x128x64xf32, #tpu.memory_space<vmem>> -> memref<128x64xf32, #tpu.memory_space<vmem>>
          %dma_start3A_151 = arith.constant 0 : i32
          %dma_start3A_152 = tpu.memref_slice %arg7[%add3A_143, %dma_start3A_151] : memref<157x128xi32, #tpu.memory_space<vmem>> -> memref<1x128xi32, #tpu.memory_space<vmem>>
          %dma_start3A_153 = tpu.memref_squeeze %dma_start3A_152 : memref<1x128xi32, #tpu.memory_space<vmem>> -> memref<128xi32, #tpu.memory_space<vmem>>
          %dma_start3A_154 = arith.constant 0 : i32
          %dma_start3A_155 = arith.constant 0 : i32
          %dma_start3A_156 = tpu.memref_slice %arg2[%dma_start3A_154, %dma_start3A_155] : memref<20000x64xf32, #tpu.memory_space<hbm>> -> memref<20000x64xf32, #tpu.memory_space<hbm>>
          tpu.enqueue_indirect_dma source(%dma_start3A_156 : memref<20000x64xf32, #tpu.memory_space<hbm>>) target(%dma_start3A_150 : memref<128x64xf32, #tpu.memory_space<vmem>>) offsets(%dma_start3A_153 : memref<128xi32, #tpu.memory_space<vmem>>) semaphore(%arg12 : memref<!tpu.dma_semaphore, #tpu.memory_space<semaphore_mem>>)
        } else {
        }
      } else {
      }
    }
    %scan3A_42 = arith.constant 53 : i32
    %dma_wait3A = arith.constant 0 : i32
    %dma_wait3A_43 = arith.constant 0 : i32
    %dma_wait3A_44 = arith.constant 0 : i32
    %dma_wait3A_45 = arith.constant 0 : i32
    %dma_wait3A_46 = tpu.memref_slice %arg9[%dma_wait3A, %dma_wait3A_44, %dma_wait3A_45] : memref<6x128x64xf32, #tpu.memory_space<vmem>> -> memref<1x128x64xf32, #tpu.memory_space<vmem>>
    %dma_wait3A_47 = tpu.memref_squeeze %dma_wait3A_46 : memref<1x128x64xf32, #tpu.memory_space<vmem>> -> memref<128x64xf32, #tpu.memory_space<vmem>>
    %dma_wait3A_48 = arith.constant 0 : i32
    %dma_wait3A_49 = tpu.memref_slice %arg8[%dma_wait3A_43, %dma_wait3A_48] : memref<157x128xi32, #tpu.memory_space<vmem>> -> memref<1x128xi32, #tpu.memory_space<vmem>>
    %dma_wait3A_50 = tpu.memref_squeeze %dma_wait3A_49 : memref<1x128xi32, #tpu.memory_space<vmem>> -> memref<128xi32, #tpu.memory_space<vmem>>
    %dma_wait3A_51 = arith.constant 0 : i32
    %dma_wait3A_52 = arith.constant 0 : i32
    %dma_wait3A_53 = tpu.memref_slice %arg16[%dma_wait3A_51, %dma_wait3A_52] : memref<10008x64xf32, #tpu.memory_space<vmem_shared>> -> memref<10008x64xf32, #tpu.memory_space<vmem_shared>>
    tpu.wait_indirect_dma semaphore(%arg13 : memref<!tpu.dma_semaphore, #tpu.memory_space<semaphore_mem>>) src(%dma_wait3A_47 : memref<128x64xf32, #tpu.memory_space<vmem>>) dst(%dma_wait3A_53 : memref<10008x64xf32, #tpu.memory_space<vmem_shared>>)
    %dma_wait3A_54 = arith.constant 0 : i32
    %dma_wait3A_55 = arith.constant 0 : i32
    %dma_wait3A_56 = arith.constant 0 : i32
    %dma_wait3A_57 = arith.constant 0 : i32
    %dma_wait3A_58 = tpu.memref_slice %arg9[%dma_wait3A_54, %dma_wait3A_56, %dma_wait3A_57] : memref<6x128x64xf32, #tpu.memory_space<vmem>> -> memref<1x128x64xf32, #tpu.memory_space<vmem>>
    %dma_wait3A_59 = tpu.memref_squeeze %dma_wait3A_58 : memref<1x128x64xf32, #tpu.memory_space<vmem>> -> memref<128x64xf32, #tpu.memory_space<vmem>>
    %dma_wait3A_60 = arith.constant 0 : i32
    %dma_wait3A_61 = tpu.memref_slice %arg8[%dma_wait3A_55, %dma_wait3A_60] : memref<157x128xi32, #tpu.memory_space<vmem>> -> memref<1x128xi32, #tpu.memory_space<vmem>>
    %dma_wait3A_62 = tpu.memref_squeeze %dma_wait3A_61 : memref<1x128xi32, #tpu.memory_space<vmem>> -> memref<128xi32, #tpu.memory_space<vmem>>
    %dma_wait3A_63 = arith.constant 0 : i32
    %dma_wait3A_64 = arith.constant 0 : i32
    %dma_wait3A_65 = tpu.memref_slice %arg16[%dma_wait3A_63, %dma_wait3A_64] : memref<10008x64xf32, #tpu.memory_space<vmem_shared>> -> memref<10008x64xf32, #tpu.memory_space<vmem_shared>>
    tpu.wait_indirect_dma semaphore(%arg14 : memref<!tpu.dma_semaphore, #tpu.memory_space<semaphore_mem>>) src(%dma_wait3A_59 : memref<128x64xf32, #tpu.memory_space<vmem>>) dst(%dma_wait3A_65 : memref<10008x64xf32, #tpu.memory_space<vmem_shared>>)
    %dma_wait3A_66 = arith.constant 0 : i32
    %dma_wait3A_67 = arith.constant 0 : i32
    %dma_wait3A_68 = arith.constant 0 : i32
    %dma_wait3A_69 = arith.constant 0 : i32
    %dma_wait3A_70 = tpu.memref_slice %arg9[%dma_wait3A_66, %dma_wait3A_68, %dma_wait3A_69] : memref<6x128x64xf32, #tpu.memory_space<vmem>> -> memref<1x128x64xf32, #tpu.memory_space<vmem>>
    %dma_wait3A_71 = tpu.memref_squeeze %dma_wait3A_70 : memref<1x128x64xf32, #tpu.memory_space<vmem>> -> memref<128x64xf32, #tpu.memory_space<vmem>>
    %dma_wait3A_72 = arith.constant 0 : i32
    %dma_wait3A_73 = tpu.memref_slice %arg8[%dma_wait3A_67, %dma_wait3A_72] : memref<157x128xi32, #tpu.memory_space<vmem>> -> memref<1x128xi32, #tpu.memory_space<vmem>>
    %dma_wait3A_74 = tpu.memref_squeeze %dma_wait3A_73 : memref<1x128xi32, #tpu.memory_space<vmem>> -> memref<128xi32, #tpu.memory_space<vmem>>
    %dma_wait3A_75 = arith.constant 0 : i32
    %dma_wait3A_76 = arith.constant 0 : i32
    %dma_wait3A_77 = tpu.memref_slice %arg16[%dma_wait3A_75, %dma_wait3A_76] : memref<10008x64xf32, #tpu.memory_space<vmem_shared>> -> memref<10008x64xf32, #tpu.memory_space<vmem_shared>>
    tpu.wait_indirect_dma semaphore(%arg15 : memref<!tpu.dma_semaphore, #tpu.memory_space<semaphore_mem>>) src(%dma_wait3A_71 : memref<128x64xf32, #tpu.memory_space<vmem>>) dst(%dma_wait3A_77 : memref<10008x64xf32, #tpu.memory_space<vmem_shared>>)
    %barrier3A_78 = arith.constant 0 : index
    tpu.barrier barrier_id(%barrier3A_78)
    %mul3A_79 = arith.constant 10000 : i32
    %mul3A_80 = arith.muli %arg0, %mul3A_79 : i32
    %add3A = arith.addi %mul3A_80, %mul3A_0 : i32
    "tpu.region"() ({
      %run_scoped3A = tpu.sem_alloc : memref<!tpu.dma_semaphore, #tpu.memory_space<semaphore_mem>>
      %dma_start3A_86 = arith.constant 0 : i32
      %dma_start3A_87 = tpu.memref_slice %arg6[%add3A, %dma_start3A_86] : memref<20000x64xf32, #tpu.memory_space<hbm>> -> memref<624x64xf32, #tpu.memory_space<hbm>>
      %dma_start3A_88 = arith.constant 0 : i32
      %dma_start3A_89 = tpu.memref_slice %arg16[%mul3A_0, %dma_start3A_88] : memref<10008x64xf32, #tpu.memory_space<vmem_shared>> -> memref<624x64xf32, #tpu.memory_space<vmem_shared>>
      tpu.enqueue_dma source(%dma_start3A_89 : memref<624x64xf32, #tpu.memory_space<vmem_shared>>) target(%dma_start3A_87 : memref<624x64xf32, #tpu.memory_space<hbm>>) target_semaphore(%run_scoped3A : memref<!tpu.dma_semaphore, #tpu.memory_space<semaphore_mem>>)
      %dma_wait3A_90 = arith.constant 0 : i32
      %dma_wait3A_91 = tpu.memref_slice %arg6[%add3A, %dma_wait3A_90] : memref<20000x64xf32, #tpu.memory_space<hbm>> -> memref<624x64xf32, #tpu.memory_space<hbm>>
      %dma_wait3A_92 = arith.constant 0 : i32
      %dma_wait3A_93 = tpu.memref_slice %arg16[%mul3A_0, %dma_wait3A_92] : memref<10008x64xf32, #tpu.memory_space<vmem_shared>> -> memref<624x64xf32, #tpu.memory_space<vmem_shared>>
      tpu.wait_dma2 semaphore(%run_scoped3A : memref<!tpu.dma_semaphore, #tpu.memory_space<semaphore_mem>>) src(%dma_wait3A_93 : memref<624x64xf32, #tpu.memory_space<vmem_shared>>) dst(%dma_wait3A_91 : memref<624x64xf32, #tpu.memory_space<hbm>>)
      tpu.yield
    }) : () -> ()
    %eq3A_81 = arith.constant 15 : i32
    %eq3A_82 = arith.cmpi eq, %arg1, %eq3A_81 : i32
    %convert_element_type3A_83 = arith.extui %eq3A_82 : i1 to i32
    %cond3A_84 = arith.constant 0 : i32
    %cond3A_85 = arith.cmpi ne, %convert_element_type3A_83, %cond3A_84 : i32
    scf.if %cond3A_85 {
      %add3A_86 = arith.constant 9984 : i32
      %add3A_87 = arith.addi %mul3A_80, %add3A_86 : i32
      "tpu.region"() ({
        %run_scoped3A = tpu.sem_alloc : memref<!tpu.dma_semaphore, #tpu.memory_space<semaphore_mem>>
        %dma_start3A_88 = arith.constant 0 : i32
        %dma_start3A_89 = tpu.memref_slice %arg6[%add3A_87, %dma_start3A_88] : memref<20000x64xf32, #tpu.memory_space<hbm>> -> memref<16x64xf32, #tpu.memory_space<hbm>>
        %dma_start3A_90 = arith.constant 9984 : i32
        %dma_start3A_91 = arith.constant 0 : i32
        %dma_start3A_92 = tpu.memref_slice %arg16[%dma_start3A_90, %dma_start3A_91] : memref<10008x64xf32, #tpu.memory_space<vmem_shared>> -> memref<16x64xf32, #tpu.memory_space<vmem_shared>>
        tpu.enqueue_dma source(%dma_start3A_92 : memref<16x64xf32, #tpu.memory_space<vmem_shared>>) target(%dma_start3A_89 : memref<16x64xf32, #tpu.memory_space<hbm>>) target_semaphore(%run_scoped3A : memref<!tpu.dma_semaphore, #tpu.memory_space<semaphore_mem>>)
        %dma_wait3A_93 = arith.constant 0 : i32
        %dma_wait3A_94 = tpu.memref_slice %arg6[%add3A_87, %dma_wait3A_93] : memref<20000x64xf32, #tpu.memory_space<hbm>> -> memref<16x64xf32, #tpu.memory_space<hbm>>
        %dma_wait3A_95 = arith.constant 9984 : i32
        %dma_wait3A_96 = arith.constant 0 : i32
        %dma_wait3A_97 = tpu.memref_slice %arg16[%dma_wait3A_95, %dma_wait3A_96] : memref<10008x64xf32, #tpu.memory_space<vmem_shared>> -> memref<16x64xf32, #tpu.memory_space<vmem_shared>>
        tpu.wait_dma2 semaphore(%run_scoped3A : memref<!tpu.dma_semaphore, #tpu.memory_space<semaphore_mem>>) src(%dma_wait3A_97 : memref<16x64xf32, #tpu.memory_space<vmem_shared>>) dst(%dma_wait3A_94 : memref<16x64xf32, #tpu.memory_space<hbm>>)
        tpu.yield
      }) : () -> ()
    } else {
    }
    return
  }
}

module attributes {stable_mosaic.version = 14 : i64} {
  func.func @_tc_layer_body(%arg0: i32, %arg1: memref<2000x64xf32, #tpu.memory_space<vmem>>, %arg2: memref<2000x64xf32, #tpu.memory_space<vmem>>, %arg3: memref<2000x64xf32, #tpu.memory_space<vmem>>, %arg4: memref<2000x64xf32, #tpu.memory_space<vmem>>, %arg5: memref<128x128xf32, #tpu.memory_space<vmem>>, %arg6: memref<128x128xf32, #tpu.memory_space<vmem>>, %arg7: memref<1x128xf32, #tpu.memory_space<vmem>>, %arg8: memref<2x2000x64xf32, #tpu.memory_space<vmem>>) attributes {dimension_semantics = [#tpu.dimension_semantics<arbitrary>], iteration_bounds = array<i64: 5>, scalar_prefetch = 0 : i64, scratch_operands = 0 : i64, tpu.core_type = #tpu.core_type<tc>, window_params = [{transform_indices = @transform_0, window_bounds = array<i64: 2000, 64>}, {transform_indices = @transform_1, window_bounds = array<i64: 2000, 64>}, {transform_indices = @transform_2, window_bounds = array<i64: 2000, 64>}, {transform_indices = @transform_3, window_bounds = array<i64: 2000, 64>}, {pipeline_mode = #tpu.pipeline_mode<synchronous>, transform_indices = @transform_4, window_bounds = array<i64: 128, 128>}, {pipeline_mode = #tpu.pipeline_mode<synchronous>, transform_indices = @transform_5, window_bounds = array<i64: 128, 128>}, {pipeline_mode = #tpu.pipeline_mode<synchronous>, transform_indices = @transform_6, window_bounds = array<i64: 1, 128>}, {transform_indices = @transform_7, window_bounds = array<i64: 2, 2000, 64>}]} {
    %get3A = arith.constant 0 : index
    %get3A_0 = arith.constant 0 : index
    %get3A_1 = vector.load %arg1[%get3A, %get3A_0] : memref<2000x64xf32, #tpu.memory_space<vmem>>, vector<2000x64xf32>
    %get3A_2 = arith.constant 0 : index
    %get3A_3 = arith.constant 0 : index
    %get3A_4 = vector.load %arg2[%get3A_2, %get3A_3] : memref<2000x64xf32, #tpu.memory_space<vmem>>, vector<2000x64xf32>
    %concatenate3A = tpu.concatenate %get3A_1, %get3A_4 in 1 : vector<2000x64xf32>, vector<2000x64xf32> -> vector<2000x128xf32>
    %get3A_5 = arith.constant 0 : index
    %get3A_6 = arith.constant 0 : index
    %get3A_7 = vector.load %arg3[%get3A_5, %get3A_6] : memref<2000x64xf32, #tpu.memory_space<vmem>>, vector<2000x64xf32>
    %get3A_8 = arith.constant 0 : index
    %get3A_9 = arith.constant 0 : index
    %get3A_10 = vector.load %arg4[%get3A_8, %get3A_9] : memref<2000x64xf32, #tpu.memory_space<vmem>>, vector<2000x64xf32>
    %concatenate3A_11 = tpu.concatenate %get3A_7, %get3A_10 in 1 : vector<2000x64xf32>, vector<2000x64xf32> -> vector<2000x128xf32>
    %get3A_12 = arith.constant 0 : index
    %get3A_13 = arith.constant 0 : index
    %get3A_14 = vector.load %arg5[%get3A_12, %get3A_13] : memref<128x128xf32, #tpu.memory_space<vmem>>, vector<128x128xf32>
    %convert_element_type3A = arith.truncf %concatenate3A : vector<2000x128xf32> to vector<2000x128xbf16>
    %convert_element_type3A_15 = arith.truncf %get3A_14 : vector<128x128xf32> to vector<128x128xbf16>
    %dot_general3A = arith.constant dense<0.000000e+00> : vector<2000x128xf32>
    %dot_general3A_16 = tpu.matmul %convert_element_type3A, %convert_element_type3A_15, %dot_general3A {dimension_numbers = #tpu.dot_dimension_numbers<[1], [0], [0], [1], [0, 0, 1, 1], [], []>, transpose_lhs_hint = false} : vector<2000x128xbf16>, vector<128x128xbf16>, vector<2000x128xf32> -> vector<2000x128xf32>
    %get3A_17 = arith.constant 0 : index
    %get3A_18 = arith.constant 0 : index
    %get3A_19 = vector.load %arg7[%get3A_17, %get3A_18] : memref<1x128xf32, #tpu.memory_space<vmem>>, vector<1x128xf32>
    %add3A = vector.broadcast %get3A_19 : vector<1x128xf32> to vector<2000x128xf32>
    %add3A_20 = arith.addf %dot_general3A_16, %add3A : vector<2000x128xf32>
    %get3A_21 = arith.constant 0 : index
    %get3A_22 = arith.constant 0 : index
    %get3A_23 = vector.load %arg6[%get3A_21, %get3A_22] : memref<128x128xf32, #tpu.memory_space<vmem>>, vector<128x128xf32>
    %convert_element_type3A_24 = arith.truncf %concatenate3A_11 : vector<2000x128xf32> to vector<2000x128xbf16>
    %convert_element_type3A_25 = arith.truncf %get3A_23 : vector<128x128xf32> to vector<128x128xbf16>
    %dot_general3A_26 = arith.constant dense<0.000000e+00> : vector<2000x128xf32>
    %dot_general3A_27 = tpu.matmul %convert_element_type3A_24, %convert_element_type3A_25, %dot_general3A_26 {dimension_numbers = #tpu.dot_dimension_numbers<[1], [0], [0], [1], [0, 0, 1, 1], [], []>, transpose_lhs_hint = false} : vector<2000x128xbf16>, vector<128x128xbf16>, vector<2000x128xf32> -> vector<2000x128xf32>
    %add3A_28 = arith.addf %add3A_20, %dot_general3A_27 : vector<2000x128xf32>
    %slice3A = vector.extract_strided_slice %add3A_28 {offsets = [0, 0], sizes = [2000, 64], strides = [1, 1]} : vector<2000x128xf32> to vector<2000x64xf32>
    %swap3A = arith.constant 0 : index
    %swap3A_29 = arith.constant 0 : index
    %swap3A_30 = arith.constant 0 : index
    %swap3A_31 = vector.load %arg8[%swap3A, %swap3A_29, %swap3A_30] : memref<2x2000x64xf32, #tpu.memory_space<vmem>>, vector<1x2000x64xf32>
    %swap3A_32 = vector.shape_cast %swap3A_31 : vector<1x2000x64xf32> to vector<2000x64xf32>
    %swap3A_33 = vector.shape_cast %slice3A : vector<2000x64xf32> to vector<1x2000x64xf32>
    tpu.vector_store %arg8[%swap3A, %swap3A_29, %swap3A_30], %swap3A_33 {strides = array<i32>} : memref<2x2000x64xf32, #tpu.memory_space<vmem>>, vector<1x2000x64xf32>,
    %slice3A_34 = vector.extract_strided_slice %add3A_28 {offsets = [0, 64], sizes = [2000, 64], strides = [1, 1]} : vector<2000x128xf32> to vector<2000x64xf32>
    %swap3A_35 = arith.constant 1 : index
    %swap3A_36 = arith.constant 0 : index
    %swap3A_37 = arith.constant 0 : index
    %swap3A_38 = vector.load %arg8[%swap3A_35, %swap3A_36, %swap3A_37] : memref<2x2000x64xf32, #tpu.memory_space<vmem>>, vector<1x2000x64xf32>
    %swap3A_39 = vector.shape_cast %swap3A_38 : vector<1x2000x64xf32> to vector<2000x64xf32>
    %swap3A_40 = vector.shape_cast %slice3A_34 : vector<2000x64xf32> to vector<1x2000x64xf32>
    tpu.vector_store %arg8[%swap3A_35, %swap3A_36, %swap3A_37], %swap3A_40 {strides = array<i32>} : memref<2x2000x64xf32, #tpu.memory_space<vmem>>, vector<1x2000x64xf32>,
    return
  }
  func.func @transform_0(%arg0: i32) -> (i32, i32) {
    %c0_i32 = arith.constant 0 : i32
    %c0_i32_0 = arith.constant 0 : i32
    return %arg0, %c0_i32 : i32, i32
  }
  func.func @transform_1(%arg0: i32) -> (i32, i32) {
    %c0_i32 = arith.constant 0 : i32
    %c0_i32_0 = arith.constant 0 : i32
    return %arg0, %c0_i32 : i32, i32
  }
  func.func @transform_2(%arg0: i32) -> (i32, i32) {
    %c0_i32 = arith.constant 0 : i32
    %c0_i32_0 = arith.constant 0 : i32
    return %arg0, %c0_i32 : i32, i32
  }
  func.func @transform_3(%arg0: i32) -> (i32, i32) {
    %c0_i32 = arith.constant 0 : i32
    %c0_i32_0 = arith.constant 0 : i32
    return %arg0, %c0_i32 : i32, i32
  }
  func.func @transform_4(%arg0: i32) -> (i32, i32) {
    %c0_i32 = arith.constant 0 : i32
    %c0_i32_0 = arith.constant 0 : i32
    %c0_i32_1 = arith.constant 0 : i32
    return %c0_i32, %c0_i32_0 : i32, i32
  }
  func.func @transform_5(%arg0: i32) -> (i32, i32) {
    %c0_i32 = arith.constant 0 : i32
    %c0_i32_0 = arith.constant 0 : i32
    %c0_i32_1 = arith.constant 0 : i32
    return %c0_i32, %c0_i32_0 : i32, i32
  }
  func.func @transform_6(%arg0: i32) -> (i32, i32) {
    %c0_i32 = arith.constant 0 : i32
    %c0_i32_0 = arith.constant 0 : i32
    %c0_i32_1 = arith.constant 0 : i32
    return %c0_i32, %c0_i32_0 : i32, i32
  }
  func.func @transform_7(%arg0: i32) -> (i32, i32, i32) {
    %c0_i32 = arith.constant 0 : i32
    %c0_i32_0 = arith.constant 0 : i32
    %c0_i32_1 = arith.constant 0 : i32
    return %c0_i32, %arg0, %c0_i32_0 : i32, i32, i32
  }
}

module attributes {stable_mosaic.version = 14 : i64} {
  func.func @_tc_final_body(%arg0: i32, %arg1: memref<2000x64xf32, #tpu.memory_space<vmem>>, %arg2: memref<2000x64xf32, #tpu.memory_space<vmem>>, %arg3: memref<2000x64xf32, #tpu.memory_space<vmem>>, %arg4: memref<64x50xf32, #tpu.memory_space<vmem>>, %arg5: memref<64x10xf32, #tpu.memory_space<vmem>>, %arg6: memref<50x128xf32, #tpu.memory_space<vmem>>, %arg7: memref<1x128xf32, #tpu.memory_space<vmem>>, %arg8: memref<10x128xf32, #tpu.memory_space<vmem>>, %arg9: memref<1x128xf32, #tpu.memory_space<vmem>>, %arg10: memref<128x512xf32, #tpu.memory_space<vmem>>, %arg11: memref<1x512xf32, #tpu.memory_space<vmem>>, %arg12: memref<128x512xf32, #tpu.memory_space<vmem>>, %arg13: memref<1x512xf32, #tpu.memory_space<vmem>>, %arg14: memref<128x512xf32, #tpu.memory_space<vmem>>, %arg15: memref<1x512xf32, #tpu.memory_space<vmem>>, %arg16: memref<512x128xf32, #tpu.memory_space<vmem>>, %arg17: memref<1x128xf32, #tpu.memory_space<vmem>>, %arg18: memref<1x1xf32, #tpu.memory_space<vmem>>, %arg19: memref<128x128xf32, #tpu.memory_space<vmem>>, %arg20: memref<1x128xf32, #tpu.memory_space<vmem>>, %arg21: memref<128x128xf32, #tpu.memory_space<vmem>>, %arg22: memref<1x128xf32, #tpu.memory_space<vmem>>, %arg23: memref<64x128xf32, #tpu.memory_space<vmem>>, %arg24: memref<2x64x64xf32, #tpu.memory_space<vmem>>) attributes {dimension_semantics = [#tpu.dimension_semantics<arbitrary>], iteration_bounds = array<i64: 5>, scalar_prefetch = 0 : i64, scratch_operands = 1 : i64, tpu.core_type = #tpu.core_type<tc>, window_params = [{transform_indices = @transform_0, window_bounds = array<i64: 2000, 64>}, {transform_indices = @transform_1, window_bounds = array<i64: 2000, 64>}, {transform_indices = @transform_2, window_bounds = array<i64: 2000, 64>}, {pipeline_mode = #tpu.pipeline_mode<synchronous>, transform_indices = @transform_3, window_bounds = array<i64: 64, 50>}, {pipeline_mode = #tpu.pipeline_mode<synchronous>, transform_indices = @transform_4, window_bounds = array<i64: 64, 10>}, {pipeline_mode = #tpu.pipeline_mode<synchronous>, transform_indices = @transform_5, window_bounds = array<i64: 50, 128>}, {pipeline_mode = #tpu.pipeline_mode<synchronous>, transform_indices = @transform_6, window_bounds = array<i64: 1, 128>}, {pipeline_mode = #tpu.pipeline_mode<synchronous>, transform_indices = @transform_7, window_bounds = array<i64: 10, 128>}, {pipeline_mode = #tpu.pipeline_mode<synchronous>, transform_indices = @transform_8, window_bounds = array<i64: 1, 128>}, {pipeline_mode = #tpu.pipeline_mode<synchronous>, transform_indices = @transform_9, window_bounds = array<i64: 128, 512>}, {pipeline_mode = #tpu.pipeline_mode<synchronous>, transform_indices = @transform_10, window_bounds = array<i64: 1, 512>}, {pipeline_mode = #tpu.pipeline_mode<synchronous>, transform_indices = @transform_11, window_bounds = array<i64: 128, 512>}, {pipeline_mode = #tpu.pipeline_mode<synchronous>, transform_indices = @transform_12, window_bounds = array<i64: 1, 512>}, {pipeline_mode = #tpu.pipeline_mode<synchronous>, transform_indices = @transform_13, window_bounds = array<i64: 128, 512>}, {pipeline_mode = #tpu.pipeline_mode<synchronous>, transform_indices = @transform_14, window_bounds = array<i64: 1, 512>}, {pipeline_mode = #tpu.pipeline_mode<synchronous>, transform_indices = @transform_15, window_bounds = array<i64: 512, 128>}, {pipeline_mode = #tpu.pipeline_mode<synchronous>, transform_indices = @transform_16, window_bounds = array<i64: 1, 128>}, {pipeline_mode = #tpu.pipeline_mode<synchronous>, transform_indices = @transform_17, window_bounds = array<i64: 1, 1>}, {pipeline_mode = #tpu.pipeline_mode<synchronous>, transform_indices = @transform_18, window_bounds = array<i64: 128, 128>}, {pipeline_mode = #tpu.pipeline_mode<synchronous>, transform_indices = @transform_19, window_bounds = array<i64: 1, 128>}, {pipeline_mode = #tpu.pipeline_mode<synchronous>, transform_indices = @transform_20, window_bounds = array<i64: 128, 128>}, {pipeline_mode = #tpu.pipeline_mode<synchronous>, transform_indices = @transform_21, window_bounds = array<i64: 1, 128>}, {pipeline_mode = #tpu.pipeline_mode<synchronous>, transform_indices = @transform_22, window_bounds = array<i64: 64, 128>}]} {
    %eq3A = arith.constant 0 : i32
    %eq3A_0 = arith.cmpi eq, %arg0, %eq3A : i32
    %convert_element_type3A = arith.extui %eq3A_0 : i1 to i32
    %cond3A = arith.constant 0 : i32
    %cond3A_1 = arith.cmpi ne, %convert_element_type3A, %cond3A : i32
    scf.if %cond3A_1 {
      %broadcast_in_dim3A = arith.constant 0.000000e+00 : f32
      %broadcast_in_dim3A_40 = vector.broadcast %broadcast_in_dim3A : f32 to vector<2x64x64xf32>
      %swap3A_41 = arith.constant 0 : index
      %swap3A_42 = arith.constant 0 : index
      %swap3A_43 = arith.constant 0 : index
      %swap3A_44 = vector.load %arg24[%swap3A_41, %swap3A_42, %swap3A_43] : memref<2x64x64xf32, #tpu.memory_space<vmem>>, vector<2x64x64xf32>
      tpu.vector_store %arg24[%swap3A_41, %swap3A_42, %swap3A_43], %broadcast_in_dim3A_40 {strides = array<i32>} : memref<2x64x64xf32, #tpu.memory_space<vmem>>, vector<2x64x64xf32>,
    } else {
    }
    %get3A = arith.constant 0 : index
    %get3A_2 = arith.constant 0 : index
    %get3A_3 = vector.load %arg3[%get3A, %get3A_2] : memref<2000x64xf32, #tpu.memory_space<vmem>>, vector<2000x64xf32>
    %get3A_4 = arith.constant 0 : index
    %get3A_5 = arith.constant 0 : index
    %get3A_6 = arith.constant 0 : index
    %get3A_7 = vector.load %arg24[%get3A_4, %get3A_5, %get3A_6] : memref<2x64x64xf32, #tpu.memory_space<vmem>>, vector<1x64x64xf32>
    %get3A_8 = vector.shape_cast %get3A_7 : vector<1x64x64xf32> to vector<64x64xf32>
    %get3A_9 = arith.constant 0 : index
    %get3A_10 = arith.constant 0 : index
    %get3A_11 = vector.load %arg1[%get3A_9, %get3A_10] : memref<2000x64xf32, #tpu.memory_space<vmem>>, vector<2000x64xf32>
    %dot_general3A = arith.constant dense<0.000000e+00> : vector<64x64xf32>
    %dot_general3A_12 = tpu.matmul %get3A_3, %get3A_11, %dot_general3A {dimension_numbers = #tpu.dot_dimension_numbers<[0], [0], [1], [1], [0, 1, 1, 1], [], []>, precision = #tpu.contract_precision<fp32>, transpose_lhs_hint = false} : vector<2000x64xf32>, vector<2000x64xf32>, vector<64x64xf32> -> vector<64x64xf32>
    %add3A = arith.addf %get3A_8, %dot_general3A_12 : vector<64x64xf32>
    %swap3A = arith.constant 0 : index
    %swap3A_13 = arith.constant 0 : index
    %swap3A_14 = arith.constant 0 : index
    %swap3A_15 = vector.load %arg24[%swap3A, %swap3A_13, %swap3A_14] : memref<2x64x64xf32, #tpu.memory_space<vmem>>, vector<1x64x64xf32>
    %swap3A_16 = vector.shape_cast %swap3A_15 : vector<1x64x64xf32> to vector<64x64xf32>
    %swap3A_17 = vector.shape_cast %add3A : vector<64x64xf32> to vector<1x64x64xf32>
    tpu.vector_store %arg24[%swap3A, %swap3A_13, %swap3A_14], %swap3A_17 {strides = array<i32>} : memref<2x64x64xf32, #tpu.memory_space<vmem>>, vector<1x64x64xf32>,
    %get3A_18 = arith.constant 1 : index
    %get3A_19 = arith.constant 0 : index
    %get3A_20 = arith.constant 0 : index
    %get3A_21 = vector.load %arg24[%get3A_18, %get3A_19, %get3A_20] : memref<2x64x64xf32, #tpu.memory_space<vmem>>, vector<1x64x64xf32>
    %get3A_22 = vector.shape_cast %get3A_21 : vector<1x64x64xf32> to vector<64x64xf32>
    %get3A_23 = arith.constant 0 : index
    %get3A_24 = arith.constant 0 : index
    %get3A_25 = vector.load %arg2[%get3A_23, %get3A_24] : memref<2000x64xf32, #tpu.memory_space<vmem>>, vector<2000x64xf32>
    %dot_general3A_26 = arith.constant dense<0.000000e+00> : vector<64x64xf32>
    %dot_general3A_27 = tpu.matmul %get3A_3, %get3A_25, %dot_general3A_26 {dimension_numbers = #tpu.dot_dimension_numbers<[0], [0], [1], [1], [0, 1, 1, 1], [], []>, precision = #tpu.contract_precision<fp32>, transpose_lhs_hint = false} : vector<2000x64xf32>, vector<2000x64xf32>, vector<64x64xf32> -> vector<64x64xf32>
    %add3A_28 = arith.addf %get3A_22, %dot_general3A_27 : vector<64x64xf32>
    %swap3A_29 = arith.constant 1 : index
    %swap3A_30 = arith.constant 0 : index
    %swap3A_31 = arith.constant 0 : index
    %swap3A_32 = vector.load %arg24[%swap3A_29, %swap3A_30, %swap3A_31] : memref<2x64x64xf32, #tpu.memory_space<vmem>>, vector<1x64x64xf32>
    %swap3A_33 = vector.shape_cast %swap3A_32 : vector<1x64x64xf32> to vector<64x64xf32>
    %swap3A_34 = vector.shape_cast %add3A_28 : vector<64x64xf32> to vector<1x64x64xf32>
    tpu.vector_store %arg24[%swap3A_29, %swap3A_30, %swap3A_31], %swap3A_34 {strides = array<i32>} : memref<2x64x64xf32, #tpu.memory_space<vmem>>, vector<1x64x64xf32>,
    %eq3A_35 = arith.constant 4 : i32
    %eq3A_36 = arith.cmpi eq, %arg0, %eq3A_35 : i32
    %convert_element_type3A_37 = arith.extui %eq3A_36 : i1 to i32
    %cond3A_38 = arith.constant 0 : i32
    %cond3A_39 = arith.cmpi ne, %convert_element_type3A_37, %cond3A_38 : i32
    scf.if %cond3A_39 {
      %get3A_40 = arith.constant 0 : index
      %get3A_41 = arith.constant 0 : index
      %get3A_42 = arith.constant 0 : index
      %get3A_43 = vector.load %arg24[%get3A_40, %get3A_41, %get3A_42] : memref<2x64x64xf32, #tpu.memory_space<vmem>>, vector<1x64x64xf32>
      %get3A_44 = vector.shape_cast %get3A_43 : vector<1x64x64xf32> to vector<64x64xf32>
      %get3A_45 = arith.constant 1 : index
      %get3A_46 = arith.constant 0 : index
      %get3A_47 = arith.constant 0 : index
      %get3A_48 = vector.load %arg24[%get3A_45, %get3A_46, %get3A_47] : memref<2x64x64xf32, #tpu.memory_space<vmem>>, vector<1x64x64xf32>
      %get3A_49 = vector.shape_cast %get3A_48 : vector<1x64x64xf32> to vector<64x64xf32>
      %concatenate3A = tpu.concatenate %get3A_44, %get3A_49 in 1 : vector<64x64xf32>, vector<64x64xf32> -> vector<64x128xf32>
      %get3A_50 = arith.constant 0 : index
      %get3A_51 = arith.constant 0 : index
      %get3A_52 = vector.load %arg4[%get3A_50, %get3A_51] : memref<64x50xf32, #tpu.memory_space<vmem>>, vector<64x50xf32>
      %get3A_53 = arith.constant 0 : index
      %get3A_54 = arith.constant 0 : index
      %get3A_55 = vector.load %arg6[%get3A_53, %get3A_54] : memref<50x128xf32, #tpu.memory_space<vmem>>, vector<50x128xf32>
      %convert_element_type3A_56 = arith.truncf %get3A_52 : vector<64x50xf32> to vector<64x50xbf16>
      %convert_element_type3A_57 = arith.truncf %get3A_55 : vector<50x128xf32> to vector<50x128xbf16>
      %dot_general3A_58 = arith.constant dense<0.000000e+00> : vector<64x128xf32>
      %dot_general3A_59 = tpu.matmul %convert_element_type3A_56, %convert_element_type3A_57, %dot_general3A_58 {dimension_numbers = #tpu.dot_dimension_numbers<[1], [0], [0], [1], [0, 0, 1, 1], [], []>, transpose_lhs_hint = false} : vector<64x50xbf16>, vector<50x128xbf16>, vector<64x128xf32> -> vector<64x128xf32>
      %get3A_60 = arith.constant 0 : index
      %get3A_61 = arith.constant 0 : index
      %get3A_62 = vector.load %arg7[%get3A_60, %get3A_61] : memref<1x128xf32, #tpu.memory_space<vmem>>, vector<1x128xf32>
      %add3A_63 = vector.broadcast %get3A_62 : vector<1x128xf32> to vector<64x128xf32>
      %add3A_64 = arith.addf %dot_general3A_59, %add3A_63 : vector<64x128xf32>
      %gt3A = arith.constant 0.000000e+00 : f32
      %gt3A_65 = vector.broadcast %gt3A : f32 to vector<64x128xf32>
      %gt3A_66 = arith.cmpf ogt, %add3A_64, %gt3A_65 : vector<64x128xf32>
      %mul3A = arith.constant 1.000000e-01 : f32
      %mul3A_67 = vector.broadcast %mul3A : f32 to vector<64x128xf32>
      %mul3A_68 = arith.mulf %mul3A_67, %add3A_64 : vector<64x128xf32>
      %select_n3A = arith.select %gt3A_66, %add3A_64, %mul3A_68 : vector<64x128xi1>, vector<64x128xf32>
      %get3A_69 = arith.constant 0 : index
      %get3A_70 = arith.constant 0 : index
      %get3A_71 = vector.load %arg5[%get3A_69, %get3A_70] : memref<64x10xf32, #tpu.memory_space<vmem>>, vector<64x10xf32>
      %get3A_72 = arith.constant 0 : index
      %get3A_73 = arith.constant 0 : index
      %get3A_74 = vector.load %arg8[%get3A_72, %get3A_73] : memref<10x128xf32, #tpu.memory_space<vmem>>, vector<10x128xf32>
      %convert_element_type3A_75 = arith.truncf %get3A_71 : vector<64x10xf32> to vector<64x10xbf16>
      %convert_element_type3A_76 = arith.truncf %get3A_74 : vector<10x128xf32> to vector<10x128xbf16>
      %dot_general3A_77 = arith.constant dense<0.000000e+00> : vector<64x128xf32>
      %dot_general3A_78 = tpu.matmul %convert_element_type3A_75, %convert_element_type3A_76, %dot_general3A_77 {dimension_numbers = #tpu.dot_dimension_numbers<[1], [0], [0], [1], [0, 0, 1, 1], [], []>, transpose_lhs_hint = false} : vector<64x10xbf16>, vector<10x128xbf16>, vector<64x128xf32> -> vector<64x128xf32>
      %get3A_79 = arith.constant 0 : index
      %get3A_80 = arith.constant 0 : index
      %get3A_81 = vector.load %arg9[%get3A_79, %get3A_80] : memref<1x128xf32, #tpu.memory_space<vmem>>, vector<1x128xf32>
      %add3A_82 = vector.broadcast %get3A_81 : vector<1x128xf32> to vector<64x128xf32>
      %add3A_83 = arith.addf %dot_general3A_78, %add3A_82 : vector<64x128xf32>
      %gt3A_84 = arith.constant 0.000000e+00 : f32
      %gt3A_85 = vector.broadcast %gt3A_84 : f32 to vector<64x128xf32>
      %gt3A_86 = arith.cmpf ogt, %add3A_83, %gt3A_85 : vector<64x128xf32>
      %mul3A_87 = arith.constant 1.000000e-01 : f32
      %mul3A_88 = vector.broadcast %mul3A_87 : f32 to vector<64x128xf32>
      %mul3A_89 = arith.mulf %mul3A_88, %add3A_83 : vector<64x128xf32>
      %select_n3A_90 = arith.select %gt3A_86, %add3A_83, %mul3A_89 : vector<64x128xi1>, vector<64x128xf32>
      %get3A_91 = arith.constant 0 : index
      %get3A_92 = arith.constant 0 : index
      %get3A_93 = vector.load %arg10[%get3A_91, %get3A_92] : memref<128x512xf32, #tpu.memory_space<vmem>>, vector<128x512xf32>
      %convert_element_type3A_94 = arith.truncf %concatenate3A : vector<64x128xf32> to vector<64x128xbf16>
      %convert_element_type3A_95 = arith.truncf %get3A_93 : vector<128x512xf32> to vector<128x512xbf16>
      %dot_general3A_96 = arith.constant dense<0.000000e+00> : vector<64x512xf32>
      %dot_general3A_97 = tpu.matmul %convert_element_type3A_94, %convert_element_type3A_95, %dot_general3A_96 {dimension_numbers = #tpu.dot_dimension_numbers<[1], [0], [0], [1], [0, 0, 1, 1], [], []>, transpose_lhs_hint = false} : vector<64x128xbf16>, vector<128x512xbf16>, vector<64x512xf32> -> vector<64x512xf32>
      %get3A_98 = arith.constant 0 : index
      %get3A_99 = arith.constant 0 : index
      %get3A_100 = vector.load %arg11[%get3A_98, %get3A_99] : memref<1x512xf32, #tpu.memory_space<vmem>>, vector<1x512xf32>
      %add3A_101 = vector.broadcast %get3A_100 : vector<1x512xf32> to vector<64x512xf32>
      %add3A_102 = arith.addf %dot_general3A_97, %add3A_101 : vector<64x512xf32>
      %get3A_103 = arith.constant 0 : index
      %get3A_104 = arith.constant 0 : index
      %get3A_105 = vector.load %arg10[%get3A_103, %get3A_104] : memref<128x512xf32, #tpu.memory_space<vmem>>, vector<128x512xf32>
      %convert_element_type3A_106 = arith.truncf %select_n3A : vector<64x128xf32> to vector<64x128xbf16>
      %convert_element_type3A_107 = arith.truncf %get3A_105 : vector<128x512xf32> to vector<128x512xbf16>
      %dot_general3A_108 = arith.constant dense<0.000000e+00> : vector<64x512xf32>
      %dot_general3A_109 = tpu.matmul %convert_element_type3A_106, %convert_element_type3A_107, %dot_general3A_108 {dimension_numbers = #tpu.dot_dimension_numbers<[1], [0], [0], [1], [0, 0, 1, 1], [], []>, transpose_lhs_hint = false} : vector<64x128xbf16>, vector<128x512xbf16>, vector<64x512xf32> -> vector<64x512xf32>
      %get3A_110 = arith.constant 0 : index
      %get3A_111 = arith.constant 0 : index
      %get3A_112 = vector.load %arg11[%get3A_110, %get3A_111] : memref<1x512xf32, #tpu.memory_space<vmem>>, vector<1x512xf32>
      %add3A_113 = vector.broadcast %get3A_112 : vector<1x512xf32> to vector<64x512xf32>
      %add3A_114 = arith.addf %dot_general3A_109, %add3A_113 : vector<64x512xf32>
      %get3A_115 = arith.constant 0 : index
      %get3A_116 = arith.constant 0 : index
      %get3A_117 = vector.load %arg10[%get3A_115, %get3A_116] : memref<128x512xf32, #tpu.memory_space<vmem>>, vector<128x512xf32>
      %convert_element_type3A_118 = arith.truncf %select_n3A_90 : vector<64x128xf32> to vector<64x128xbf16>
      %convert_element_type3A_119 = arith.truncf %get3A_117 : vector<128x512xf32> to vector<128x512xbf16>
      %dot_general3A_120 = arith.constant dense<0.000000e+00> : vector<64x512xf32>
      %dot_general3A_121 = tpu.matmul %convert_element_type3A_118, %convert_element_type3A_119, %dot_general3A_120 {dimension_numbers = #tpu.dot_dimension_numbers<[1], [0], [0], [1], [0, 0, 1, 1], [], []>, transpose_lhs_hint = false} : vector<64x128xbf16>, vector<128x512xbf16>, vector<64x512xf32> -> vector<64x512xf32>
      %get3A_122 = arith.constant 0 : index
      %get3A_123 = arith.constant 0 : index
      %get3A_124 = vector.load %arg11[%get3A_122, %get3A_123] : memref<1x512xf32, #tpu.memory_space<vmem>>, vector<1x512xf32>
      %add3A_125 = vector.broadcast %get3A_124 : vector<1x512xf32> to vector<64x512xf32>
      %add3A_126 = arith.addf %dot_general3A_121, %add3A_125 : vector<64x512xf32>
      %get3A_127 = arith.constant 0 : index
      %get3A_128 = arith.constant 0 : index
      %get3A_129 = vector.load %arg12[%get3A_127, %get3A_128] : memref<128x512xf32, #tpu.memory_space<vmem>>, vector<128x512xf32>
      %convert_element_type3A_130 = arith.truncf %concatenate3A : vector<64x128xf32> to vector<64x128xbf16>
      %convert_element_type3A_131 = arith.truncf %get3A_129 : vector<128x512xf32> to vector<128x512xbf16>
      %dot_general3A_132 = arith.constant dense<0.000000e+00> : vector<64x512xf32>
      %dot_general3A_133 = tpu.matmul %convert_element_type3A_130, %convert_element_type3A_131, %dot_general3A_132 {dimension_numbers = #tpu.dot_dimension_numbers<[1], [0], [0], [1], [0, 0, 1, 1], [], []>, transpose_lhs_hint = false} : vector<64x128xbf16>, vector<128x512xbf16>, vector<64x512xf32> -> vector<64x512xf32>
      %get3A_134 = arith.constant 0 : index
      %get3A_135 = arith.constant 0 : index
      %get3A_136 = vector.load %arg13[%get3A_134, %get3A_135] : memref<1x512xf32, #tpu.memory_space<vmem>>, vector<1x512xf32>
      %add3A_137 = vector.broadcast %get3A_136 : vector<1x512xf32> to vector<64x512xf32>
      %add3A_138 = arith.addf %dot_general3A_133, %add3A_137 : vector<64x512xf32>
      %get3A_139 = arith.constant 0 : index
      %get3A_140 = arith.constant 0 : index
      %get3A_141 = vector.load %arg12[%get3A_139, %get3A_140] : memref<128x512xf32, #tpu.memory_space<vmem>>, vector<128x512xf32>
      %convert_element_type3A_142 = arith.truncf %select_n3A : vector<64x128xf32> to vector<64x128xbf16>
      %convert_element_type3A_143 = arith.truncf %get3A_141 : vector<128x512xf32> to vector<128x512xbf16>
      %dot_general3A_144 = arith.constant dense<0.000000e+00> : vector<64x512xf32>
      %dot_general3A_145 = tpu.matmul %convert_element_type3A_142, %convert_element_type3A_143, %dot_general3A_144 {dimension_numbers = #tpu.dot_dimension_numbers<[1], [0], [0], [1], [0, 0, 1, 1], [], []>, transpose_lhs_hint = false} : vector<64x128xbf16>, vector<128x512xbf16>, vector<64x512xf32> -> vector<64x512xf32>
      %get3A_146 = arith.constant 0 : index
      %get3A_147 = arith.constant 0 : index
      %get3A_148 = vector.load %arg13[%get3A_146, %get3A_147] : memref<1x512xf32, #tpu.memory_space<vmem>>, vector<1x512xf32>
      %add3A_149 = vector.broadcast %get3A_148 : vector<1x512xf32> to vector<64x512xf32>
      %add3A_150 = arith.addf %dot_general3A_145, %add3A_149 : vector<64x512xf32>
      %get3A_151 = arith.constant 0 : index
      %get3A_152 = arith.constant 0 : index
      %get3A_153 = vector.load %arg12[%get3A_151, %get3A_152] : memref<128x512xf32, #tpu.memory_space<vmem>>, vector<128x512xf32>
      %convert_element_type3A_154 = arith.truncf %select_n3A_90 : vector<64x128xf32> to vector<64x128xbf16>
      %convert_element_type3A_155 = arith.truncf %get3A_153 : vector<128x512xf32> to vector<128x512xbf16>
      %dot_general3A_156 = arith.constant dense<0.000000e+00> : vector<64x512xf32>
      %dot_general3A_157 = tpu.matmul %convert_element_type3A_154, %convert_element_type3A_155, %dot_general3A_156 {dimension_numbers = #tpu.dot_dimension_numbers<[1], [0], [0], [1], [0, 0, 1, 1], [], []>, transpose_lhs_hint = false} : vector<64x128xbf16>, vector<128x512xbf16>, vector<64x512xf32> -> vector<64x512xf32>
      %get3A_158 = arith.constant 0 : index
      %get3A_159 = arith.constant 0 : index
      %get3A_160 = vector.load %arg13[%get3A_158, %get3A_159] : memref<1x512xf32, #tpu.memory_space<vmem>>, vector<1x512xf32>
      %add3A_161 = vector.broadcast %get3A_160 : vector<1x512xf32> to vector<64x512xf32>
      %add3A_162 = arith.addf %dot_general3A_157, %add3A_161 : vector<64x512xf32>
      %get3A_163 = arith.constant 0 : index
      %get3A_164 = arith.constant 0 : index
      %get3A_165 = vector.load %arg14[%get3A_163, %get3A_164] : memref<128x512xf32, #tpu.memory_space<vmem>>, vector<128x512xf32>
      %convert_element_type3A_166 = arith.truncf %concatenate3A : vector<64x128xf32> to vector<64x128xbf16>
      %convert_element_type3A_167 = arith.truncf %get3A_165 : vector<128x512xf32> to vector<128x512xbf16>
      %dot_general3A_168 = arith.constant dense<0.000000e+00> : vector<64x512xf32>
      %dot_general3A_169 = tpu.matmul %convert_element_type3A_166, %convert_element_type3A_167, %dot_general3A_168 {dimension_numbers = #tpu.dot_dimension_numbers<[1], [0], [0], [1], [0, 0, 1, 1], [], []>, transpose_lhs_hint = false} : vector<64x128xbf16>, vector<128x512xbf16>, vector<64x512xf32> -> vector<64x512xf32>
      %get3A_170 = arith.constant 0 : index
      %get3A_171 = arith.constant 0 : index
      %get3A_172 = vector.load %arg15[%get3A_170, %get3A_171] : memref<1x512xf32, #tpu.memory_space<vmem>>, vector<1x512xf32>
      %add3A_173 = vector.broadcast %get3A_172 : vector<1x512xf32> to vector<64x512xf32>
      %add3A_174 = arith.addf %dot_general3A_169, %add3A_173 : vector<64x512xf32>
      %get3A_175 = arith.constant 0 : index
      %get3A_176 = arith.constant 0 : index
      %get3A_177 = vector.load %arg14[%get3A_175, %get3A_176] : memref<128x512xf32, #tpu.memory_space<vmem>>, vector<128x512xf32>
      %convert_element_type3A_178 = arith.truncf %select_n3A : vector<64x128xf32> to vector<64x128xbf16>
      %convert_element_type3A_179 = arith.truncf %get3A_177 : vector<128x512xf32> to vector<128x512xbf16>
      %dot_general3A_180 = arith.constant dense<0.000000e+00> : vector<64x512xf32>
      %dot_general3A_181 = tpu.matmul %convert_element_type3A_178, %convert_element_type3A_179, %dot_general3A_180 {dimension_numbers = #tpu.dot_dimension_numbers<[1], [0], [0], [1], [0, 0, 1, 1], [], []>, transpose_lhs_hint = false} : vector<64x128xbf16>, vector<128x512xbf16>, vector<64x512xf32> -> vector<64x512xf32>
      %get3A_182 = arith.constant 0 : index
      %get3A_183 = arith.constant 0 : index
      %get3A_184 = vector.load %arg15[%get3A_182, %get3A_183] : memref<1x512xf32, #tpu.memory_space<vmem>>, vector<1x512xf32>
      %add3A_185 = vector.broadcast %get3A_184 : vector<1x512xf32> to vector<64x512xf32>
      %add3A_186 = arith.addf %dot_general3A_181, %add3A_185 : vector<64x512xf32>
      %get3A_187 = arith.constant 0 : index
      %get3A_188 = arith.constant 0 : index
      %get3A_189 = vector.load %arg14[%get3A_187, %get3A_188] : memref<128x512xf32, #tpu.memory_space<vmem>>, vector<128x512xf32>
      %convert_element_type3A_190 = arith.truncf %select_n3A_90 : vector<64x128xf32> to vector<64x128xbf16>
      %convert_element_type3A_191 = arith.truncf %get3A_189 : vector<128x512xf32> to vector<128x512xbf16>
      %dot_general3A_192 = arith.constant dense<0.000000e+00> : vector<64x512xf32>
      %dot_general3A_193 = tpu.matmul %convert_element_type3A_190, %convert_element_type3A_191, %dot_general3A_192 {dimension_numbers = #tpu.dot_dimension_numbers<[1], [0], [0], [1], [0, 0, 1, 1], [], []>, transpose_lhs_hint = false} : vector<64x128xbf16>, vector<128x512xbf16>, vector<64x512xf32> -> vector<64x512xf32>
      %get3A_194 = arith.constant 0 : index
      %get3A_195 = arith.constant 0 : index
      %get3A_196 = vector.load %arg15[%get3A_194, %get3A_195] : memref<1x512xf32, #tpu.memory_space<vmem>>, vector<1x512xf32>
      %add3A_197 = vector.broadcast %get3A_196 : vector<1x512xf32> to vector<64x512xf32>
      %add3A_198 = arith.addf %dot_general3A_193, %add3A_197 : vector<64x512xf32>
      %get3A_199 = arith.constant 0 : index
      %get3A_200 = arith.constant 0 : index
      %get3A_201 = vector.load %arg18[%get3A_199, %get3A_200] : memref<1x1xf32, #tpu.memory_space<vmem>>, vector<1x1xf32>
      %broadcast_in_dim3A = arith.constant 0.000000e+00 : f32
      %broadcast_in_dim3A_202 = vector.broadcast %broadcast_in_dim3A : f32 to vector<64x128xf32>
      %slice3A = vector.extract_strided_slice %add3A_102 {offsets = [0, 0], sizes = [64, 128], strides = [1, 1]} : vector<64x512xf32> to vector<64x128xf32>
      %convert_element_type3A_203 = arith.truncf %slice3A : vector<64x128xf32> to vector<64x128xbf16>
      %convert_element_type3A_204 = arith.extf %convert_element_type3A_203 : vector<64x128xbf16> to vector<64x128xf32>
      %slice3A_205 = vector.extract_strided_slice %add3A_138 {offsets = [0, 0], sizes = [64, 128], strides = [1, 1]} : vector<64x512xf32> to vector<64x128xf32>
      %convert_element_type3A_206 = arith.truncf %slice3A_205 : vector<64x128xf32> to vector<64x128xbf16>
      %convert_element_type3A_207 = arith.extf %convert_element_type3A_206 : vector<64x128xbf16> to vector<64x128xf32>
      %mul3A_208 = arith.mulf %convert_element_type3A_204, %convert_element_type3A_207 : vector<64x128xf32>
      %reduce_sum3A = arith.constant dense<0.000000e+00> : vector<64xf32>
      %reduce_sum3A_209 = vector.multi_reduction <add>, %mul3A_208, %reduce_sum3A [1] : vector<64x128xf32> to vector<64xf32>
      %broadcast_in_dim3A_210 = vector.shape_cast %reduce_sum3A_209 : vector<64xf32> to vector<64x1xf32>
      %div3A = vector.broadcast %get3A_201 : vector<1x1xf32> to vector<64x1xf32>
      %div3A_211 = arith.divf %broadcast_in_dim3A_210, %div3A : vector<64x1xf32>
      %slice3A_212 = vector.extract_strided_slice %add3A_150 {offsets = [0, 0], sizes = [64, 128], strides = [1, 1]} : vector<64x512xf32> to vector<64x128xf32>
      %convert_element_type3A_213 = arith.truncf %slice3A_212 : vector<64x128xf32> to vector<64x128xbf16>
      %convert_element_type3A_214 = arith.extf %convert_element_type3A_213 : vector<64x128xbf16> to vector<64x128xf32>
      %mul3A_215 = arith.mulf %convert_element_type3A_204, %convert_element_type3A_214 : vector<64x128xf32>
      %reduce_sum3A_216 = arith.constant dense<0.000000e+00> : vector<64xf32>
      %reduce_sum3A_217 = vector.multi_reduction <add>, %mul3A_215, %reduce_sum3A_216 [1] : vector<64x128xf32> to vector<64xf32>
      %broadcast_in_dim3A_218 = vector.shape_cast %reduce_sum3A_217 : vector<64xf32> to vector<64x1xf32>
      %div3A_219 = vector.broadcast %get3A_201 : vector<1x1xf32> to vector<64x1xf32>
      %div3A_220 = arith.divf %broadcast_in_dim3A_218, %div3A_219 : vector<64x1xf32>
      %slice3A_221 = vector.extract_strided_slice %add3A_162 {offsets = [0, 0], sizes = [64, 128], strides = [1, 1]} : vector<64x512xf32> to vector<64x128xf32>
      %convert_element_type3A_222 = arith.truncf %slice3A_221 : vector<64x128xf32> to vector<64x128xbf16>
      %convert_element_type3A_223 = arith.extf %convert_element_type3A_222 : vector<64x128xbf16> to vector<64x128xf32>
      %mul3A_224 = arith.mulf %convert_element_type3A_204, %convert_element_type3A_223 : vector<64x128xf32>
      %reduce_sum3A_225 = arith.constant dense<0.000000e+00> : vector<64xf32>
      %reduce_sum3A_226 = vector.multi_reduction <add>, %mul3A_224, %reduce_sum3A_225 [1] : vector<64x128xf32> to vector<64xf32>
      %broadcast_in_dim3A_227 = vector.shape_cast %reduce_sum3A_226 : vector<64xf32> to vector<64x1xf32>
      %div3A_228 = vector.broadcast %get3A_201 : vector<1x1xf32> to vector<64x1xf32>
      %div3A_229 = arith.divf %broadcast_in_dim3A_227, %div3A_228 : vector<64x1xf32>
      %max3A = arith.maximumf %div3A_211, %div3A_220 : vector<64x1xf32>
      %max3A_230 = arith.maximumf %max3A, %div3A_229 : vector<64x1xf32>
      %sub3A = arith.subf %div3A_211, %max3A_230 : vector<64x1xf32>
      %exp3A = math.exp %sub3A : vector<64x1xf32>
      %sub3A_231 = arith.subf %div3A_220, %max3A_230 : vector<64x1xf32>
      %exp3A_232 = math.exp %sub3A_231 : vector<64x1xf32>
      %sub3A_233 = arith.subf %div3A_229, %max3A_230 : vector<64x1xf32>
      %exp3A_234 = math.exp %sub3A_233 : vector<64x1xf32>
      %add3A_235 = arith.addf %exp3A, %exp3A_232 : vector<64x1xf32>
      %add3A_236 = arith.addf %add3A_235, %exp3A_234 : vector<64x1xf32>
      %broadcast_in_dim3A_237 = arith.constant 0.000000e+00 : f32
      %broadcast_in_dim3A_238 = vector.broadcast %broadcast_in_dim3A_237 : f32 to vector<64x128xf32>
      %div3A_239 = arith.divf %exp3A, %add3A_236 : vector<64x1xf32>
      %convert_element_type3A_240 = arith.truncf %div3A_239 : vector<64x1xf32> to vector<64x1xbf16>
      %convert_element_type3A_241 = arith.extf %convert_element_type3A_240 : vector<64x1xbf16> to vector<64x1xf32>
      %slice3A_242 = vector.extract_strided_slice %add3A_174 {offsets = [0, 0], sizes = [64, 128], strides = [1, 1]} : vector<64x512xf32> to vector<64x128xf32>
      %convert_element_type3A_243 = arith.truncf %slice3A_242 : vector<64x128xf32> to vector<64x128xbf16>
      %convert_element_type3A_244 = arith.extf %convert_element_type3A_243 : vector<64x128xbf16> to vector<64x128xf32>
      %mul3A_245 = vector.broadcast %convert_element_type3A_241 : vector<64x1xf32> to vector<64x128xf32>
      %mul3A_246 = arith.mulf %mul3A_245, %convert_element_type3A_244 : vector<64x128xf32>
      %add3A_247 = arith.addf %broadcast_in_dim3A_238, %mul3A_246 : vector<64x128xf32>
      %div3A_248 = arith.divf %exp3A_232, %add3A_236 : vector<64x1xf32>
      %convert_element_type3A_249 = arith.truncf %div3A_248 : vector<64x1xf32> to vector<64x1xbf16>
      %convert_element_type3A_250 = arith.extf %convert_element_type3A_249 : vector<64x1xbf16> to vector<64x1xf32>
      %slice3A_251 = vector.extract_strided_slice %add3A_186 {offsets = [0, 0], sizes = [64, 128], strides = [1, 1]} : vector<64x512xf32> to vector<64x128xf32>
      %convert_element_type3A_252 = arith.truncf %slice3A_251 : vector<64x128xf32> to vector<64x128xbf16>
      %convert_element_type3A_253 = arith.extf %convert_element_type3A_252 : vector<64x128xbf16> to vector<64x128xf32>
      %mul3A_254 = vector.broadcast %convert_element_type3A_250 : vector<64x1xf32> to vector<64x128xf32>
      %mul3A_255 = arith.mulf %mul3A_254, %convert_element_type3A_253 : vector<64x128xf32>
      %add3A_256 = arith.addf %add3A_247, %mul3A_255 : vector<64x128xf32>
      %div3A_257 = arith.divf %exp3A_234, %add3A_236 : vector<64x1xf32>
      %convert_element_type3A_258 = arith.truncf %div3A_257 : vector<64x1xf32> to vector<64x1xbf16>
      %convert_element_type3A_259 = arith.extf %convert_element_type3A_258 : vector<64x1xbf16> to vector<64x1xf32>
      %slice3A_260 = vector.extract_strided_slice %add3A_198 {offsets = [0, 0], sizes = [64, 128], strides = [1, 1]} : vector<64x512xf32> to vector<64x128xf32>
      %convert_element_type3A_261 = arith.truncf %slice3A_260 : vector<64x128xf32> to vector<64x128xbf16>
      %convert_element_type3A_262 = arith.extf %convert_element_type3A_261 : vector<64x128xbf16> to vector<64x128xf32>
      %mul3A_263 = vector.broadcast %convert_element_type3A_259 : vector<64x1xf32> to vector<64x128xf32>
      %mul3A_264 = arith.mulf %mul3A_263, %convert_element_type3A_262 : vector<64x128xf32>
      %add3A_265 = arith.addf %add3A_256, %mul3A_264 : vector<64x128xf32>
      %slice3A_266 = vector.extract_strided_slice %add3A_102 {offsets = [0, 128], sizes = [64, 128], strides = [1, 1]} : vector<64x512xf32> to vector<64x128xf32>
      %convert_element_type3A_267 = arith.truncf %slice3A_266 : vector<64x128xf32> to vector<64x128xbf16>
      %convert_element_type3A_268 = arith.extf %convert_element_type3A_267 : vector<64x128xbf16> to vector<64x128xf32>
      %slice3A_269 = vector.extract_strided_slice %add3A_138 {offsets = [0, 128], sizes = [64, 128], strides = [1, 1]} : vector<64x512xf32> to vector<64x128xf32>
      %convert_element_type3A_270 = arith.truncf %slice3A_269 : vector<64x128xf32> to vector<64x128xbf16>
      %convert_element_type3A_271 = arith.extf %convert_element_type3A_270 : vector<64x128xbf16> to vector<64x128xf32>
      %mul3A_272 = arith.mulf %convert_element_type3A_268, %convert_element_type3A_271 : vector<64x128xf32>
      %reduce_sum3A_273 = arith.constant dense<0.000000e+00> : vector<64xf32>
      %reduce_sum3A_274 = vector.multi_reduction <add>, %mul3A_272, %reduce_sum3A_273 [1] : vector<64x128xf32> to vector<64xf32>
      %broadcast_in_dim3A_275 = vector.shape_cast %reduce_sum3A_274 : vector<64xf32> to vector<64x1xf32>
      %div3A_276 = vector.broadcast %get3A_201 : vector<1x1xf32> to vector<64x1xf32>
      %div3A_277 = arith.divf %broadcast_in_dim3A_275, %div3A_276 : vector<64x1xf32>
      %slice3A_278 = vector.extract_strided_slice %add3A_150 {offsets = [0, 128], sizes = [64, 128], strides = [1, 1]} : vector<64x512xf32> to vector<64x128xf32>
      %convert_element_type3A_279 = arith.truncf %slice3A_278 : vector<64x128xf32> to vector<64x128xbf16>
      %convert_element_type3A_280 = arith.extf %convert_element_type3A_279 : vector<64x128xbf16> to vector<64x128xf32>
      %mul3A_281 = arith.mulf %convert_element_type3A_268, %convert_element_type3A_280 : vector<64x128xf32>
      %reduce_sum3A_282 = arith.constant dense<0.000000e+00> : vector<64xf32>
      %reduce_sum3A_283 = vector.multi_reduction <add>, %mul3A_281, %reduce_sum3A_282 [1] : vector<64x128xf32> to vector<64xf32>
      %broadcast_in_dim3A_284 = vector.shape_cast %reduce_sum3A_283 : vector<64xf32> to vector<64x1xf32>
      %div3A_285 = vector.broadcast %get3A_201 : vector<1x1xf32> to vector<64x1xf32>
      %div3A_286 = arith.divf %broadcast_in_dim3A_284, %div3A_285 : vector<64x1xf32>
      %slice3A_287 = vector.extract_strided_slice %add3A_162 {offsets = [0, 128], sizes = [64, 128], strides = [1, 1]} : vector<64x512xf32> to vector<64x128xf32>
      %convert_element_type3A_288 = arith.truncf %slice3A_287 : vector<64x128xf32> to vector<64x128xbf16>
      %convert_element_type3A_289 = arith.extf %convert_element_type3A_288 : vector<64x128xbf16> to vector<64x128xf32>
      %mul3A_290 = arith.mulf %convert_element_type3A_268, %convert_element_type3A_289 : vector<64x128xf32>
      %reduce_sum3A_291 = arith.constant dense<0.000000e+00> : vector<64xf32>
      %reduce_sum3A_292 = vector.multi_reduction <add>, %mul3A_290, %reduce_sum3A_291 [1] : vector<64x128xf32> to vector<64xf32>
      %broadcast_in_dim3A_293 = vector.shape_cast %reduce_sum3A_292 : vector<64xf32> to vector<64x1xf32>
      %div3A_294 = vector.broadcast %get3A_201 : vector<1x1xf32> to vector<64x1xf32>
      %div3A_295 = arith.divf %broadcast_in_dim3A_293, %div3A_294 : vector<64x1xf32>
      %max3A_296 = arith.maximumf %div3A_277, %div3A_286 : vector<64x1xf32>
      %max3A_297 = arith.maximumf %max3A_296, %div3A_295 : vector<64x1xf32>
      %sub3A_298 = arith.subf %div3A_277, %max3A_297 : vector<64x1xf32>
      %exp3A_299 = math.exp %sub3A_298 : vector<64x1xf32>
      %sub3A_300 = arith.subf %div3A_286, %max3A_297 : vector<64x1xf32>
      %exp3A_301 = math.exp %sub3A_300 : vector<64x1xf32>
      %sub3A_302 = arith.subf %div3A_295, %max3A_297 : vector<64x1xf32>
      %exp3A_303 = math.exp %sub3A_302 : vector<64x1xf32>
      %add3A_304 = arith.addf %exp3A_299, %exp3A_301 : vector<64x1xf32>
      %add3A_305 = arith.addf %add3A_304, %exp3A_303 : vector<64x1xf32>
      %broadcast_in_dim3A_306 = arith.constant 0.000000e+00 : f32
      %broadcast_in_dim3A_307 = vector.broadcast %broadcast_in_dim3A_306 : f32 to vector<64x128xf32>
      %div3A_308 = arith.divf %exp3A_299, %add3A_305 : vector<64x1xf32>
      %convert_element_type3A_309 = arith.truncf %div3A_308 : vector<64x1xf32> to vector<64x1xbf16>
      %convert_element_type3A_310 = arith.extf %convert_element_type3A_309 : vector<64x1xbf16> to vector<64x1xf32>
      %slice3A_311 = vector.extract_strided_slice %add3A_174 {offsets = [0, 128], sizes = [64, 128], strides = [1, 1]} : vector<64x512xf32> to vector<64x128xf32>
      %convert_element_type3A_312 = arith.truncf %slice3A_311 : vector<64x128xf32> to vector<64x128xbf16>
      %convert_element_type3A_313 = arith.extf %convert_element_type3A_312 : vector<64x128xbf16> to vector<64x128xf32>
      %mul3A_314 = vector.broadcast %convert_element_type3A_310 : vector<64x1xf32> to vector<64x128xf32>
      %mul3A_315 = arith.mulf %mul3A_314, %convert_element_type3A_313 : vector<64x128xf32>
      %add3A_316 = arith.addf %broadcast_in_dim3A_307, %mul3A_315 : vector<64x128xf32>
      %div3A_317 = arith.divf %exp3A_301, %add3A_305 : vector<64x1xf32>
      %convert_element_type3A_318 = arith.truncf %div3A_317 : vector<64x1xf32> to vector<64x1xbf16>
      %convert_element_type3A_319 = arith.extf %convert_element_type3A_318 : vector<64x1xbf16> to vector<64x1xf32>
      %slice3A_320 = vector.extract_strided_slice %add3A_186 {offsets = [0, 128], sizes = [64, 128], strides = [1, 1]} : vector<64x512xf32> to vector<64x128xf32>
      %convert_element_type3A_321 = arith.truncf %slice3A_320 : vector<64x128xf32> to vector<64x128xbf16>
      %convert_element_type3A_322 = arith.extf %convert_element_type3A_321 : vector<64x128xbf16> to vector<64x128xf32>
      %mul3A_323 = vector.broadcast %convert_element_type3A_319 : vector<64x1xf32> to vector<64x128xf32>
      %mul3A_324 = arith.mulf %mul3A_323, %convert_element_type3A_322 : vector<64x128xf32>
      %add3A_325 = arith.addf %add3A_316, %mul3A_324 : vector<64x128xf32>
      %div3A_326 = arith.divf %exp3A_303, %add3A_305 : vector<64x1xf32>
      %convert_element_type3A_327 = arith.truncf %div3A_326 : vector<64x1xf32> to vector<64x1xbf16>
      %convert_element_type3A_328 = arith.extf %convert_element_type3A_327 : vector<64x1xbf16> to vector<64x1xf32>
      %slice3A_329 = vector.extract_strided_slice %add3A_198 {offsets = [0, 128], sizes = [64, 128], strides = [1, 1]} : vector<64x512xf32> to vector<64x128xf32>
      %convert_element_type3A_330 = arith.truncf %slice3A_329 : vector<64x128xf32> to vector<64x128xbf16>
      %convert_element_type3A_331 = arith.extf %convert_element_type3A_330 : vector<64x128xbf16> to vector<64x128xf32>
      %mul3A_332 = vector.broadcast %convert_element_type3A_328 : vector<64x1xf32> to vector<64x128xf32>
      %mul3A_333 = arith.mulf %mul3A_332, %convert_element_type3A_331 : vector<64x128xf32>
      %add3A_334 = arith.addf %add3A_325, %mul3A_333 : vector<64x128xf32>
      %slice3A_335 = vector.extract_strided_slice %add3A_102 {offsets = [0, 256], sizes = [64, 128], strides = [1, 1]} : vector<64x512xf32> to vector<64x128xf32>
      %convert_element_type3A_336 = arith.truncf %slice3A_335 : vector<64x128xf32> to vector<64x128xbf16>
      %convert_element_type3A_337 = arith.extf %convert_element_type3A_336 : vector<64x128xbf16> to vector<64x128xf32>
      %slice3A_338 = vector.extract_strided_slice %add3A_138 {offsets = [0, 256], sizes = [64, 128], strides = [1, 1]} : vector<64x512xf32> to vector<64x128xf32>
      %convert_element_type3A_339 = arith.truncf %slice3A_338 : vector<64x128xf32> to vector<64x128xbf16>
      %convert_element_type3A_340 = arith.extf %convert_element_type3A_339 : vector<64x128xbf16> to vector<64x128xf32>
      %mul3A_341 = arith.mulf %convert_element_type3A_337, %convert_element_type3A_340 : vector<64x128xf32>
      %reduce_sum3A_342 = arith.constant dense<0.000000e+00> : vector<64xf32>
      %reduce_sum3A_343 = vector.multi_reduction <add>, %mul3A_341, %reduce_sum3A_342 [1] : vector<64x128xf32> to vector<64xf32>
      %broadcast_in_dim3A_344 = vector.shape_cast %reduce_sum3A_343 : vector<64xf32> to vector<64x1xf32>
      %div3A_345 = vector.broadcast %get3A_201 : vector<1x1xf32> to vector<64x1xf32>
      %div3A_346 = arith.divf %broadcast_in_dim3A_344, %div3A_345 : vector<64x1xf32>
      %slice3A_347 = vector.extract_strided_slice %add3A_150 {offsets = [0, 256], sizes = [64, 128], strides = [1, 1]} : vector<64x512xf32> to vector<64x128xf32>
      %convert_element_type3A_348 = arith.truncf %slice3A_347 : vector<64x128xf32> to vector<64x128xbf16>
      %convert_element_type3A_349 = arith.extf %convert_element_type3A_348 : vector<64x128xbf16> to vector<64x128xf32>
      %mul3A_350 = arith.mulf %convert_element_type3A_337, %convert_element_type3A_349 : vector<64x128xf32>
      %reduce_sum3A_351 = arith.constant dense<0.000000e+00> : vector<64xf32>
      %reduce_sum3A_352 = vector.multi_reduction <add>, %mul3A_350, %reduce_sum3A_351 [1] : vector<64x128xf32> to vector<64xf32>
      %broadcast_in_dim3A_353 = vector.shape_cast %reduce_sum3A_352 : vector<64xf32> to vector<64x1xf32>
      %div3A_354 = vector.broadcast %get3A_201 : vector<1x1xf32> to vector<64x1xf32>
      %div3A_355 = arith.divf %broadcast_in_dim3A_353, %div3A_354 : vector<64x1xf32>
      %slice3A_356 = vector.extract_strided_slice %add3A_162 {offsets = [0, 256], sizes = [64, 128], strides = [1, 1]} : vector<64x512xf32> to vector<64x128xf32>
      %convert_element_type3A_357 = arith.truncf %slice3A_356 : vector<64x128xf32> to vector<64x128xbf16>
      %convert_element_type3A_358 = arith.extf %convert_element_type3A_357 : vector<64x128xbf16> to vector<64x128xf32>
      %mul3A_359 = arith.mulf %convert_element_type3A_337, %convert_element_type3A_358 : vector<64x128xf32>
      %reduce_sum3A_360 = arith.constant dense<0.000000e+00> : vector<64xf32>
      %reduce_sum3A_361 = vector.multi_reduction <add>, %mul3A_359, %reduce_sum3A_360 [1] : vector<64x128xf32> to vector<64xf32>
      %broadcast_in_dim3A_362 = vector.shape_cast %reduce_sum3A_361 : vector<64xf32> to vector<64x1xf32>
      %div3A_363 = vector.broadcast %get3A_201 : vector<1x1xf32> to vector<64x1xf32>
      %div3A_364 = arith.divf %broadcast_in_dim3A_362, %div3A_363 : vector<64x1xf32>
      %max3A_365 = arith.maximumf %div3A_346, %div3A_355 : vector<64x1xf32>
      %max3A_366 = arith.maximumf %max3A_365, %div3A_364 : vector<64x1xf32>
      %sub3A_367 = arith.subf %div3A_346, %max3A_366 : vector<64x1xf32>
      %exp3A_368 = math.exp %sub3A_367 : vector<64x1xf32>
      %sub3A_369 = arith.subf %div3A_355, %max3A_366 : vector<64x1xf32>
      %exp3A_370 = math.exp %sub3A_369 : vector<64x1xf32>
      %sub3A_371 = arith.subf %div3A_364, %max3A_366 : vector<64x1xf32>
      %exp3A_372 = math.exp %sub3A_371 : vector<64x1xf32>
      %add3A_373 = arith.addf %exp3A_368, %exp3A_370 : vector<64x1xf32>
      %add3A_374 = arith.addf %add3A_373, %exp3A_372 : vector<64x1xf32>
      %broadcast_in_dim3A_375 = arith.constant 0.000000e+00 : f32
      %broadcast_in_dim3A_376 = vector.broadcast %broadcast_in_dim3A_375 : f32 to vector<64x128xf32>
      %div3A_377 = arith.divf %exp3A_368, %add3A_374 : vector<64x1xf32>
      %convert_element_type3A_378 = arith.truncf %div3A_377 : vector<64x1xf32> to vector<64x1xbf16>
      %convert_element_type3A_379 = arith.extf %convert_element_type3A_378 : vector<64x1xbf16> to vector<64x1xf32>
      %slice3A_380 = vector.extract_strided_slice %add3A_174 {offsets = [0, 256], sizes = [64, 128], strides = [1, 1]} : vector<64x512xf32> to vector<64x128xf32>
      %convert_element_type3A_381 = arith.truncf %slice3A_380 : vector<64x128xf32> to vector<64x128xbf16>
      %convert_element_type3A_382 = arith.extf %convert_element_type3A_381 : vector<64x128xbf16> to vector<64x128xf32>
      %mul3A_383 = vector.broadcast %convert_element_type3A_379 : vector<64x1xf32> to vector<64x128xf32>
      %mul3A_384 = arith.mulf %mul3A_383, %convert_element_type3A_382 : vector<64x128xf32>
      %add3A_385 = arith.addf %broadcast_in_dim3A_376, %mul3A_384 : vector<64x128xf32>
      %div3A_386 = arith.divf %exp3A_370, %add3A_374 : vector<64x1xf32>
      %convert_element_type3A_387 = arith.truncf %div3A_386 : vector<64x1xf32> to vector<64x1xbf16>
      %convert_element_type3A_388 = arith.extf %convert_element_type3A_387 : vector<64x1xbf16> to vector<64x1xf32>
      %slice3A_389 = vector.extract_strided_slice %add3A_186 {offsets = [0, 256], sizes = [64, 128], strides = [1, 1]} : vector<64x512xf32> to vector<64x128xf32>
      %convert_element_type3A_390 = arith.truncf %slice3A_389 : vector<64x128xf32> to vector<64x128xbf16>
      %convert_element_type3A_391 = arith.extf %convert_element_type3A_390 : vector<64x128xbf16> to vector<64x128xf32>
      %mul3A_392 = vector.broadcast %convert_element_type3A_388 : vector<64x1xf32> to vector<64x128xf32>
      %mul3A_393 = arith.mulf %mul3A_392, %convert_element_type3A_391 : vector<64x128xf32>
      %add3A_394 = arith.addf %add3A_385, %mul3A_393 : vector<64x128xf32>
      %div3A_395 = arith.divf %exp3A_372, %add3A_374 : vector<64x1xf32>
      %convert_element_type3A_396 = arith.truncf %div3A_395 : vector<64x1xf32> to vector<64x1xbf16>
      %convert_element_type3A_397 = arith.extf %convert_element_type3A_396 : vector<64x1xbf16> to vector<64x1xf32>
      %slice3A_398 = vector.extract_strided_slice %add3A_198 {offsets = [0, 256], sizes = [64, 128], strides = [1, 1]} : vector<64x512xf32> to vector<64x128xf32>
      %convert_element_type3A_399 = arith.truncf %slice3A_398 : vector<64x128xf32> to vector<64x128xbf16>
      %convert_element_type3A_400 = arith.extf %convert_element_type3A_399 : vector<64x128xbf16> to vector<64x128xf32>
      %mul3A_401 = vector.broadcast %convert_element_type3A_397 : vector<64x1xf32> to vector<64x128xf32>
      %mul3A_402 = arith.mulf %mul3A_401, %convert_element_type3A_400 : vector<64x128xf32>
      %add3A_403 = arith.addf %add3A_394, %mul3A_402 : vector<64x128xf32>
      %slice3A_404 = vector.extract_strided_slice %add3A_102 {offsets = [0, 384], sizes = [64, 128], strides = [1, 1]} : vector<64x512xf32> to vector<64x128xf32>
      %convert_element_type3A_405 = arith.truncf %slice3A_404 : vector<64x128xf32> to vector<64x128xbf16>
      %convert_element_type3A_406 = arith.extf %convert_element_type3A_405 : vector<64x128xbf16> to vector<64x128xf32>
      %slice3A_407 = vector.extract_strided_slice %add3A_138 {offsets = [0, 384], sizes = [64, 128], strides = [1, 1]} : vector<64x512xf32> to vector<64x128xf32>
      %convert_element_type3A_408 = arith.truncf %slice3A_407 : vector<64x128xf32> to vector<64x128xbf16>
      %convert_element_type3A_409 = arith.extf %convert_element_type3A_408 : vector<64x128xbf16> to vector<64x128xf32>
      %mul3A_410 = arith.mulf %convert_element_type3A_406, %convert_element_type3A_409 : vector<64x128xf32>
      %reduce_sum3A_411 = arith.constant dense<0.000000e+00> : vector<64xf32>
      %reduce_sum3A_412 = vector.multi_reduction <add>, %mul3A_410, %reduce_sum3A_411 [1] : vector<64x128xf32> to vector<64xf32>
      %broadcast_in_dim3A_413 = vector.shape_cast %reduce_sum3A_412 : vector<64xf32> to vector<64x1xf32>
      %div3A_414 = vector.broadcast %get3A_201 : vector<1x1xf32> to vector<64x1xf32>
      %div3A_415 = arith.divf %broadcast_in_dim3A_413, %div3A_414 : vector<64x1xf32>
      %slice3A_416 = vector.extract_strided_slice %add3A_150 {offsets = [0, 384], sizes = [64, 128], strides = [1, 1]} : vector<64x512xf32> to vector<64x128xf32>
      %convert_element_type3A_417 = arith.truncf %slice3A_416 : vector<64x128xf32> to vector<64x128xbf16>
      %convert_element_type3A_418 = arith.extf %convert_element_type3A_417 : vector<64x128xbf16> to vector<64x128xf32>
      %mul3A_419 = arith.mulf %convert_element_type3A_406, %convert_element_type3A_418 : vector<64x128xf32>
      %reduce_sum3A_420 = arith.constant dense<0.000000e+00> : vector<64xf32>
      %reduce_sum3A_421 = vector.multi_reduction <add>, %mul3A_419, %reduce_sum3A_420 [1] : vector<64x128xf32> to vector<64xf32>
      %broadcast_in_dim3A_422 = vector.shape_cast %reduce_sum3A_421 : vector<64xf32> to vector<64x1xf32>
      %div3A_423 = vector.broadcast %get3A_201 : vector<1x1xf32> to vector<64x1xf32>
      %div3A_424 = arith.divf %broadcast_in_dim3A_422, %div3A_423 : vector<64x1xf32>
      %slice3A_425 = vector.extract_strided_slice %add3A_162 {offsets = [0, 384], sizes = [64, 128], strides = [1, 1]} : vector<64x512xf32> to vector<64x128xf32>
      %convert_element_type3A_426 = arith.truncf %slice3A_425 : vector<64x128xf32> to vector<64x128xbf16>
      %convert_element_type3A_427 = arith.extf %convert_element_type3A_426 : vector<64x128xbf16> to vector<64x128xf32>
      %mul3A_428 = arith.mulf %convert_element_type3A_406, %convert_element_type3A_427 : vector<64x128xf32>
      %reduce_sum3A_429 = arith.constant dense<0.000000e+00> : vector<64xf32>
      %reduce_sum3A_430 = vector.multi_reduction <add>, %mul3A_428, %reduce_sum3A_429 [1] : vector<64x128xf32> to vector<64xf32>
      %broadcast_in_dim3A_431 = vector.shape_cast %reduce_sum3A_430 : vector<64xf32> to vector<64x1xf32>
      %div3A_432 = vector.broadcast %get3A_201 : vector<1x1xf32> to vector<64x1xf32>
      %div3A_433 = arith.divf %broadcast_in_dim3A_431, %div3A_432 : vector<64x1xf32>
      %max3A_434 = arith.maximumf %div3A_415, %div3A_424 : vector<64x1xf32>
      %max3A_435 = arith.maximumf %max3A_434, %div3A_433 : vector<64x1xf32>
      %sub3A_436 = arith.subf %div3A_415, %max3A_435 : vector<64x1xf32>
      %exp3A_437 = math.exp %sub3A_436 : vector<64x1xf32>
      %sub3A_438 = arith.subf %div3A_424, %max3A_435 : vector<64x1xf32>
      %exp3A_439 = math.exp %sub3A_438 : vector<64x1xf32>
      %sub3A_440 = arith.subf %div3A_433, %max3A_435 : vector<64x1xf32>
      %exp3A_441 = math.exp %sub3A_440 : vector<64x1xf32>
      %add3A_442 = arith.addf %exp3A_437, %exp3A_439 : vector<64x1xf32>
      %add3A_443 = arith.addf %add3A_442, %exp3A_441 : vector<64x1xf32>
      %broadcast_in_dim3A_444 = arith.constant 0.000000e+00 : f32
      %broadcast_in_dim3A_445 = vector.broadcast %broadcast_in_dim3A_444 : f32 to vector<64x128xf32>
      %div3A_446 = arith.divf %exp3A_437, %add3A_443 : vector<64x1xf32>
      %convert_element_type3A_447 = arith.truncf %div3A_446 : vector<64x1xf32> to vector<64x1xbf16>
      %convert_element_type3A_448 = arith.extf %convert_element_type3A_447 : vector<64x1xbf16> to vector<64x1xf32>
      %slice3A_449 = vector.extract_strided_slice %add3A_174 {offsets = [0, 384], sizes = [64, 128], strides = [1, 1]} : vector<64x512xf32> to vector<64x128xf32>
      %convert_element_type3A_450 = arith.truncf %slice3A_449 : vector<64x128xf32> to vector<64x128xbf16>
      %convert_element_type3A_451 = arith.extf %convert_element_type3A_450 : vector<64x128xbf16> to vector<64x128xf32>
      %mul3A_452 = vector.broadcast %convert_element_type3A_448 : vector<64x1xf32> to vector<64x128xf32>
      %mul3A_453 = arith.mulf %mul3A_452, %convert_element_type3A_451 : vector<64x128xf32>
      %add3A_454 = arith.addf %broadcast_in_dim3A_445, %mul3A_453 : vector<64x128xf32>
      %div3A_455 = arith.divf %exp3A_439, %add3A_443 : vector<64x1xf32>
      %convert_element_type3A_456 = arith.truncf %div3A_455 : vector<64x1xf32> to vector<64x1xbf16>
      %convert_element_type3A_457 = arith.extf %convert_element_type3A_456 : vector<64x1xbf16> to vector<64x1xf32>
      %slice3A_458 = vector.extract_strided_slice %add3A_186 {offsets = [0, 384], sizes = [64, 128], strides = [1, 1]} : vector<64x512xf32> to vector<64x128xf32>
      %convert_element_type3A_459 = arith.truncf %slice3A_458 : vector<64x128xf32> to vector<64x128xbf16>
      %convert_element_type3A_460 = arith.extf %convert_element_type3A_459 : vector<64x128xbf16> to vector<64x128xf32>
      %mul3A_461 = vector.broadcast %convert_element_type3A_457 : vector<64x1xf32> to vector<64x128xf32>
      %mul3A_462 = arith.mulf %mul3A_461, %convert_element_type3A_460 : vector<64x128xf32>
      %add3A_463 = arith.addf %add3A_454, %mul3A_462 : vector<64x128xf32>
      %div3A_464 = arith.divf %exp3A_441, %add3A_443 : vector<64x1xf32>
      %convert_element_type3A_465 = arith.truncf %div3A_464 : vector<64x1xf32> to vector<64x1xbf16>
      %convert_element_type3A_466 = arith.extf %convert_element_type3A_465 : vector<64x1xbf16> to vector<64x1xf32>
      %slice3A_467 = vector.extract_strided_slice %add3A_198 {offsets = [0, 384], sizes = [64, 128], strides = [1, 1]} : vector<64x512xf32> to vector<64x128xf32>
      %convert_element_type3A_468 = arith.truncf %slice3A_467 : vector<64x128xf32> to vector<64x128xbf16>
      %convert_element_type3A_469 = arith.extf %convert_element_type3A_468 : vector<64x128xbf16> to vector<64x128xf32>
      %mul3A_470 = vector.broadcast %convert_element_type3A_466 : vector<64x1xf32> to vector<64x128xf32>
      %mul3A_471 = arith.mulf %mul3A_470, %convert_element_type3A_469 : vector<64x128xf32>
      %add3A_472 = arith.addf %add3A_463, %mul3A_471 : vector<64x128xf32>
      %concatenate3A_473 = tpu.concatenate %add3A_265, %add3A_334, %add3A_403, %add3A_472 in 1 : vector<64x128xf32>, vector<64x128xf32>, vector<64x128xf32>, vector<64x128xf32> -> vector<64x512xf32>
      %get3A_474 = arith.constant 0 : index
      %get3A_475 = arith.constant 0 : index
      %get3A_476 = vector.load %arg16[%get3A_474, %get3A_475] : memref<512x128xf32, #tpu.memory_space<vmem>>, vector<512x128xf32>
      %convert_element_type3A_477 = arith.truncf %concatenate3A_473 : vector<64x512xf32> to vector<64x512xbf16>
      %convert_element_type3A_478 = arith.truncf %get3A_476 : vector<512x128xf32> to vector<512x128xbf16>
      %dot_general3A_479 = arith.constant dense<0.000000e+00> : vector<64x128xf32>
      %dot_general3A_480 = tpu.matmul %convert_element_type3A_477, %convert_element_type3A_478, %dot_general3A_479 {dimension_numbers = #tpu.dot_dimension_numbers<[1], [0], [0], [1], [0, 0, 1, 1], [], []>, transpose_lhs_hint = false} : vector<64x512xbf16>, vector<512x128xbf16>, vector<64x128xf32> -> vector<64x128xf32>
      %get3A_481 = arith.constant 0 : index
      %get3A_482 = arith.constant 0 : index
      %get3A_483 = vector.load %arg17[%get3A_481, %get3A_482] : memref<1x128xf32, #tpu.memory_space<vmem>>, vector<1x128xf32>
      %add3A_484 = vector.broadcast %get3A_483 : vector<1x128xf32> to vector<64x128xf32>
      %add3A_485 = arith.addf %dot_general3A_480, %add3A_484 : vector<64x128xf32>
      %add3A_486 = arith.addf %broadcast_in_dim3A_202, %add3A_485 : vector<64x128xf32>
      %slice3A_487 = vector.extract_strided_slice %add3A_114 {offsets = [0, 0], sizes = [64, 128], strides = [1, 1]} : vector<64x512xf32> to vector<64x128xf32>
      %convert_element_type3A_488 = arith.truncf %slice3A_487 : vector<64x128xf32> to vector<64x128xbf16>
      %convert_element_type3A_489 = arith.extf %convert_element_type3A_488 : vector<64x128xbf16> to vector<64x128xf32>
      %slice3A_490 = vector.extract_strided_slice %add3A_138 {offsets = [0, 0], sizes = [64, 128], strides = [1, 1]} : vector<64x512xf32> to vector<64x128xf32>
      %convert_element_type3A_491 = arith.truncf %slice3A_490 : vector<64x128xf32> to vector<64x128xbf16>
      %convert_element_type3A_492 = arith.extf %convert_element_type3A_491 : vector<64x128xbf16> to vector<64x128xf32>
      %mul3A_493 = arith.mulf %convert_element_type3A_489, %convert_element_type3A_492 : vector<64x128xf32>
      %reduce_sum3A_494 = arith.constant dense<0.000000e+00> : vector<64xf32>
      %reduce_sum3A_495 = vector.multi_reduction <add>, %mul3A_493, %reduce_sum3A_494 [1] : vector<64x128xf32> to vector<64xf32>
      %broadcast_in_dim3A_496 = vector.shape_cast %reduce_sum3A_495 : vector<64xf32> to vector<64x1xf32>
      %div3A_497 = vector.broadcast %get3A_201 : vector<1x1xf32> to vector<64x1xf32>
      %div3A_498 = arith.divf %broadcast_in_dim3A_496, %div3A_497 : vector<64x1xf32>
      %slice3A_499 = vector.extract_strided_slice %add3A_150 {offsets = [0, 0], sizes = [64, 128], strides = [1, 1]} : vector<64x512xf32> to vector<64x128xf32>
      %convert_element_type3A_500 = arith.truncf %slice3A_499 : vector<64x128xf32> to vector<64x128xbf16>
      %convert_element_type3A_501 = arith.extf %convert_element_type3A_500 : vector<64x128xbf16> to vector<64x128xf32>
      %mul3A_502 = arith.mulf %convert_element_type3A_489, %convert_element_type3A_501 : vector<64x128xf32>
      %reduce_sum3A_503 = arith.constant dense<0.000000e+00> : vector<64xf32>
      %reduce_sum3A_504 = vector.multi_reduction <add>, %mul3A_502, %reduce_sum3A_503 [1] : vector<64x128xf32> to vector<64xf32>
      %broadcast_in_dim3A_505 = vector.shape_cast %reduce_sum3A_504 : vector<64xf32> to vector<64x1xf32>
      %div3A_506 = vector.broadcast %get3A_201 : vector<1x1xf32> to vector<64x1xf32>
      %div3A_507 = arith.divf %broadcast_in_dim3A_505, %div3A_506 : vector<64x1xf32>
      %slice3A_508 = vector.extract_strided_slice %add3A_162 {offsets = [0, 0], sizes = [64, 128], strides = [1, 1]} : vector<64x512xf32> to vector<64x128xf32>
      %convert_element_type3A_509 = arith.truncf %slice3A_508 : vector<64x128xf32> to vector<64x128xbf16>
      %convert_element_type3A_510 = arith.extf %convert_element_type3A_509 : vector<64x128xbf16> to vector<64x128xf32>
      %mul3A_511 = arith.mulf %convert_element_type3A_489, %convert_element_type3A_510 : vector<64x128xf32>
      %reduce_sum3A_512 = arith.constant dense<0.000000e+00> : vector<64xf32>
      %reduce_sum3A_513 = vector.multi_reduction <add>, %mul3A_511, %reduce_sum3A_512 [1] : vector<64x128xf32> to vector<64xf32>
      %broadcast_in_dim3A_514 = vector.shape_cast %reduce_sum3A_513 : vector<64xf32> to vector<64x1xf32>
      %div3A_515 = vector.broadcast %get3A_201 : vector<1x1xf32> to vector<64x1xf32>
      %div3A_516 = arith.divf %broadcast_in_dim3A_514, %div3A_515 : vector<64x1xf32>
      %max3A_517 = arith.maximumf %div3A_498, %div3A_507 : vector<64x1xf32>
      %max3A_518 = arith.maximumf %max3A_517, %div3A_516 : vector<64x1xf32>
      %sub3A_519 = arith.subf %div3A_498, %max3A_518 : vector<64x1xf32>
      %exp3A_520 = math.exp %sub3A_519 : vector<64x1xf32>
      %sub3A_521 = arith.subf %div3A_507, %max3A_518 : vector<64x1xf32>
      %exp3A_522 = math.exp %sub3A_521 : vector<64x1xf32>
      %sub3A_523 = arith.subf %div3A_516, %max3A_518 : vector<64x1xf32>
      %exp3A_524 = math.exp %sub3A_523 : vector<64x1xf32>
      %add3A_525 = arith.addf %exp3A_520, %exp3A_522 : vector<64x1xf32>
      %add3A_526 = arith.addf %add3A_525, %exp3A_524 : vector<64x1xf32>
      %broadcast_in_dim3A_527 = arith.constant 0.000000e+00 : f32
      %broadcast_in_dim3A_528 = vector.broadcast %broadcast_in_dim3A_527 : f32 to vector<64x128xf32>
      %div3A_529 = arith.divf %exp3A_520, %add3A_526 : vector<64x1xf32>
      %convert_element_type3A_530 = arith.truncf %div3A_529 : vector<64x1xf32> to vector<64x1xbf16>
      %convert_element_type3A_531 = arith.extf %convert_element_type3A_530 : vector<64x1xbf16> to vector<64x1xf32>
      %slice3A_532 = vector.extract_strided_slice %add3A_174 {offsets = [0, 0], sizes = [64, 128], strides = [1, 1]} : vector<64x512xf32> to vector<64x128xf32>
      %convert_element_type3A_533 = arith.truncf %slice3A_532 : vector<64x128xf32> to vector<64x128xbf16>
      %convert_element_type3A_534 = arith.extf %convert_element_type3A_533 : vector<64x128xbf16> to vector<64x128xf32>
      %mul3A_535 = vector.broadcast %convert_element_type3A_531 : vector<64x1xf32> to vector<64x128xf32>
      %mul3A_536 = arith.mulf %mul3A_535, %convert_element_type3A_534 : vector<64x128xf32>
      %add3A_537 = arith.addf %broadcast_in_dim3A_528, %mul3A_536 : vector<64x128xf32>
      %div3A_538 = arith.divf %exp3A_522, %add3A_526 : vector<64x1xf32>
      %convert_element_type3A_539 = arith.truncf %div3A_538 : vector<64x1xf32> to vector<64x1xbf16>
      %convert_element_type3A_540 = arith.extf %convert_element_type3A_539 : vector<64x1xbf16> to vector<64x1xf32>
      %slice3A_541 = vector.extract_strided_slice %add3A_186 {offsets = [0, 0], sizes = [64, 128], strides = [1, 1]} : vector<64x512xf32> to vector<64x128xf32>
      %convert_element_type3A_542 = arith.truncf %slice3A_541 : vector<64x128xf32> to vector<64x128xbf16>
      %convert_element_type3A_543 = arith.extf %convert_element_type3A_542 : vector<64x128xbf16> to vector<64x128xf32>
      %mul3A_544 = vector.broadcast %convert_element_type3A_540 : vector<64x1xf32> to vector<64x128xf32>
      %mul3A_545 = arith.mulf %mul3A_544, %convert_element_type3A_543 : vector<64x128xf32>
      %add3A_546 = arith.addf %add3A_537, %mul3A_545 : vector<64x128xf32>
      %div3A_547 = arith.divf %exp3A_524, %add3A_526 : vector<64x1xf32>
      %convert_element_type3A_548 = arith.truncf %div3A_547 : vector<64x1xf32> to vector<64x1xbf16>
      %convert_element_type3A_549 = arith.extf %convert_element_type3A_548 : vector<64x1xbf16> to vector<64x1xf32>
      %slice3A_550 = vector.extract_strided_slice %add3A_198 {offsets = [0, 0], sizes = [64, 128], strides = [1, 1]} : vector<64x512xf32> to vector<64x128xf32>
      %convert_element_type3A_551 = arith.truncf %slice3A_550 : vector<64x128xf32> to vector<64x128xbf16>
      %convert_element_type3A_552 = arith.extf %convert_element_type3A_551 : vector<64x128xbf16> to vector<64x128xf32>
      %mul3A_553 = vector.broadcast %convert_element_type3A_549 : vector<64x1xf32> to vector<64x128xf32>
      %mul3A_554 = arith.mulf %mul3A_553, %convert_element_type3A_552 : vector<64x128xf32>
      %add3A_555 = arith.addf %add3A_546, %mul3A_554 : vector<64x128xf32>
      %slice3A_556 = vector.extract_strided_slice %add3A_114 {offsets = [0, 128], sizes = [64, 128], strides = [1, 1]} : vector<64x512xf32> to vector<64x128xf32>
      %convert_element_type3A_557 = arith.truncf %slice3A_556 : vector<64x128xf32> to vector<64x128xbf16>
      %convert_element_type3A_558 = arith.extf %convert_element_type3A_557 : vector<64x128xbf16> to vector<64x128xf32>
      %slice3A_559 = vector.extract_strided_slice %add3A_138 {offsets = [0, 128], sizes = [64, 128], strides = [1, 1]} : vector<64x512xf32> to vector<64x128xf32>
      %convert_element_type3A_560 = arith.truncf %slice3A_559 : vector<64x128xf32> to vector<64x128xbf16>
      %convert_element_type3A_561 = arith.extf %convert_element_type3A_560 : vector<64x128xbf16> to vector<64x128xf32>
      %mul3A_562 = arith.mulf %convert_element_type3A_558, %convert_element_type3A_561 : vector<64x128xf32>
      %reduce_sum3A_563 = arith.constant dense<0.000000e+00> : vector<64xf32>
      %reduce_sum3A_564 = vector.multi_reduction <add>, %mul3A_562, %reduce_sum3A_563 [1] : vector<64x128xf32> to vector<64xf32>
      %broadcast_in_dim3A_565 = vector.shape_cast %reduce_sum3A_564 : vector<64xf32> to vector<64x1xf32>
      %div3A_566 = vector.broadcast %get3A_201 : vector<1x1xf32> to vector<64x1xf32>
      %div3A_567 = arith.divf %broadcast_in_dim3A_565, %div3A_566 : vector<64x1xf32>
      %slice3A_568 = vector.extract_strided_slice %add3A_150 {offsets = [0, 128], sizes = [64, 128], strides = [1, 1]} : vector<64x512xf32> to vector<64x128xf32>
      %convert_element_type3A_569 = arith.truncf %slice3A_568 : vector<64x128xf32> to vector<64x128xbf16>
      %convert_element_type3A_570 = arith.extf %convert_element_type3A_569 : vector<64x128xbf16> to vector<64x128xf32>
      %mul3A_571 = arith.mulf %convert_element_type3A_558, %convert_element_type3A_570 : vector<64x128xf32>
      %reduce_sum3A_572 = arith.constant dense<0.000000e+00> : vector<64xf32>
      %reduce_sum3A_573 = vector.multi_reduction <add>, %mul3A_571, %reduce_sum3A_572 [1] : vector<64x128xf32> to vector<64xf32>
      %broadcast_in_dim3A_574 = vector.shape_cast %reduce_sum3A_573 : vector<64xf32> to vector<64x1xf32>
      %div3A_575 = vector.broadcast %get3A_201 : vector<1x1xf32> to vector<64x1xf32>
      %div3A_576 = arith.divf %broadcast_in_dim3A_574, %div3A_575 : vector<64x1xf32>
      %slice3A_577 = vector.extract_strided_slice %add3A_162 {offsets = [0, 128], sizes = [64, 128], strides = [1, 1]} : vector<64x512xf32> to vector<64x128xf32>
      %convert_element_type3A_578 = arith.truncf %slice3A_577 : vector<64x128xf32> to vector<64x128xbf16>
      %convert_element_type3A_579 = arith.extf %convert_element_type3A_578 : vector<64x128xbf16> to vector<64x128xf32>
      %mul3A_580 = arith.mulf %convert_element_type3A_558, %convert_element_type3A_579 : vector<64x128xf32>
      %reduce_sum3A_581 = arith.constant dense<0.000000e+00> : vector<64xf32>
      %reduce_sum3A_582 = vector.multi_reduction <add>, %mul3A_580, %reduce_sum3A_581 [1] : vector<64x128xf32> to vector<64xf32>
      %broadcast_in_dim3A_583 = vector.shape_cast %reduce_sum3A_582 : vector<64xf32> to vector<64x1xf32>
      %div3A_584 = vector.broadcast %get3A_201 : vector<1x1xf32> to vector<64x1xf32>
      %div3A_585 = arith.divf %broadcast_in_dim3A_583, %div3A_584 : vector<64x1xf32>
      %max3A_586 = arith.maximumf %div3A_567, %div3A_576 : vector<64x1xf32>
      %max3A_587 = arith.maximumf %max3A_586, %div3A_585 : vector<64x1xf32>
      %sub3A_588 = arith.subf %div3A_567, %max3A_587 : vector<64x1xf32>
      %exp3A_589 = math.exp %sub3A_588 : vector<64x1xf32>
      %sub3A_590 = arith.subf %div3A_576, %max3A_587 : vector<64x1xf32>
      %exp3A_591 = math.exp %sub3A_590 : vector<64x1xf32>
      %sub3A_592 = arith.subf %div3A_585, %max3A_587 : vector<64x1xf32>
      %exp3A_593 = math.exp %sub3A_592 : vector<64x1xf32>
      %add3A_594 = arith.addf %exp3A_589, %exp3A_591 : vector<64x1xf32>
      %add3A_595 = arith.addf %add3A_594, %exp3A_593 : vector<64x1xf32>
      %broadcast_in_dim3A_596 = arith.constant 0.000000e+00 : f32
      %broadcast_in_dim3A_597 = vector.broadcast %broadcast_in_dim3A_596 : f32 to vector<64x128xf32>
      %div3A_598 = arith.divf %exp3A_589, %add3A_595 : vector<64x1xf32>
      %convert_element_type3A_599 = arith.truncf %div3A_598 : vector<64x1xf32> to vector<64x1xbf16>
      %convert_element_type3A_600 = arith.extf %convert_element_type3A_599 : vector<64x1xbf16> to vector<64x1xf32>
      %slice3A_601 = vector.extract_strided_slice %add3A_174 {offsets = [0, 128], sizes = [64, 128], strides = [1, 1]} : vector<64x512xf32> to vector<64x128xf32>
      %convert_element_type3A_602 = arith.truncf %slice3A_601 : vector<64x128xf32> to vector<64x128xbf16>
      %convert_element_type3A_603 = arith.extf %convert_element_type3A_602 : vector<64x128xbf16> to vector<64x128xf32>
      %mul3A_604 = vector.broadcast %convert_element_type3A_600 : vector<64x1xf32> to vector<64x128xf32>
      %mul3A_605 = arith.mulf %mul3A_604, %convert_element_type3A_603 : vector<64x128xf32>
      %add3A_606 = arith.addf %broadcast_in_dim3A_597, %mul3A_605 : vector<64x128xf32>
      %div3A_607 = arith.divf %exp3A_591, %add3A_595 : vector<64x1xf32>
      %convert_element_type3A_608 = arith.truncf %div3A_607 : vector<64x1xf32> to vector<64x1xbf16>
      %convert_element_type3A_609 = arith.extf %convert_element_type3A_608 : vector<64x1xbf16> to vector<64x1xf32>
      %slice3A_610 = vector.extract_strided_slice %add3A_186 {offsets = [0, 128], sizes = [64, 128], strides = [1, 1]} : vector<64x512xf32> to vector<64x128xf32>
      %convert_element_type3A_611 = arith.truncf %slice3A_610 : vector<64x128xf32> to vector<64x128xbf16>
      %convert_element_type3A_612 = arith.extf %convert_element_type3A_611 : vector<64x128xbf16> to vector<64x128xf32>
      %mul3A_613 = vector.broadcast %convert_element_type3A_609 : vector<64x1xf32> to vector<64x128xf32>
      %mul3A_614 = arith.mulf %mul3A_613, %convert_element_type3A_612 : vector<64x128xf32>
      %add3A_615 = arith.addf %add3A_606, %mul3A_614 : vector<64x128xf32>
      %div3A_616 = arith.divf %exp3A_593, %add3A_595 : vector<64x1xf32>
      %convert_element_type3A_617 = arith.truncf %div3A_616 : vector<64x1xf32> to vector<64x1xbf16>
      %convert_element_type3A_618 = arith.extf %convert_element_type3A_617 : vector<64x1xbf16> to vector<64x1xf32>
      %slice3A_619 = vector.extract_strided_slice %add3A_198 {offsets = [0, 128], sizes = [64, 128], strides = [1, 1]} : vector<64x512xf32> to vector<64x128xf32>
      %convert_element_type3A_620 = arith.truncf %slice3A_619 : vector<64x128xf32> to vector<64x128xbf16>
      %convert_element_type3A_621 = arith.extf %convert_element_type3A_620 : vector<64x128xbf16> to vector<64x128xf32>
      %mul3A_622 = vector.broadcast %convert_element_type3A_618 : vector<64x1xf32> to vector<64x128xf32>
      %mul3A_623 = arith.mulf %mul3A_622, %convert_element_type3A_621 : vector<64x128xf32>
      %add3A_624 = arith.addf %add3A_615, %mul3A_623 : vector<64x128xf32>
      %slice3A_625 = vector.extract_strided_slice %add3A_114 {offsets = [0, 256], sizes = [64, 128], strides = [1, 1]} : vector<64x512xf32> to vector<64x128xf32>
      %convert_element_type3A_626 = arith.truncf %slice3A_625 : vector<64x128xf32> to vector<64x128xbf16>
      %convert_element_type3A_627 = arith.extf %convert_element_type3A_626 : vector<64x128xbf16> to vector<64x128xf32>
      %slice3A_628 = vector.extract_strided_slice %add3A_138 {offsets = [0, 256], sizes = [64, 128], strides = [1, 1]} : vector<64x512xf32> to vector<64x128xf32>
      %convert_element_type3A_629 = arith.truncf %slice3A_628 : vector<64x128xf32> to vector<64x128xbf16>
      %convert_element_type3A_630 = arith.extf %convert_element_type3A_629 : vector<64x128xbf16> to vector<64x128xf32>
      %mul3A_631 = arith.mulf %convert_element_type3A_627, %convert_element_type3A_630 : vector<64x128xf32>
      %reduce_sum3A_632 = arith.constant dense<0.000000e+00> : vector<64xf32>
      %reduce_sum3A_633 = vector.multi_reduction <add>, %mul3A_631, %reduce_sum3A_632 [1] : vector<64x128xf32> to vector<64xf32>
      %broadcast_in_dim3A_634 = vector.shape_cast %reduce_sum3A_633 : vector<64xf32> to vector<64x1xf32>
      %div3A_635 = vector.broadcast %get3A_201 : vector<1x1xf32> to vector<64x1xf32>
      %div3A_636 = arith.divf %broadcast_in_dim3A_634, %div3A_635 : vector<64x1xf32>
      %slice3A_637 = vector.extract_strided_slice %add3A_150 {offsets = [0, 256], sizes = [64, 128], strides = [1, 1]} : vector<64x512xf32> to vector<64x128xf32>
      %convert_element_type3A_638 = arith.truncf %slice3A_637 : vector<64x128xf32> to vector<64x128xbf16>
      %convert_element_type3A_639 = arith.extf %convert_element_type3A_638 : vector<64x128xbf16> to vector<64x128xf32>
      %mul3A_640 = arith.mulf %convert_element_type3A_627, %convert_element_type3A_639 : vector<64x128xf32>
      %reduce_sum3A_641 = arith.constant dense<0.000000e+00> : vector<64xf32>
      %reduce_sum3A_642 = vector.multi_reduction <add>, %mul3A_640, %reduce_sum3A_641 [1] : vector<64x128xf32> to vector<64xf32>
      %broadcast_in_dim3A_643 = vector.shape_cast %reduce_sum3A_642 : vector<64xf32> to vector<64x1xf32>
      %div3A_644 = vector.broadcast %get3A_201 : vector<1x1xf32> to vector<64x1xf32>
      %div3A_645 = arith.divf %broadcast_in_dim3A_643, %div3A_644 : vector<64x1xf32>
      %slice3A_646 = vector.extract_strided_slice %add3A_162 {offsets = [0, 256], sizes = [64, 128], strides = [1, 1]} : vector<64x512xf32> to vector<64x128xf32>
      %convert_element_type3A_647 = arith.truncf %slice3A_646 : vector<64x128xf32> to vector<64x128xbf16>
      %convert_element_type3A_648 = arith.extf %convert_element_type3A_647 : vector<64x128xbf16> to vector<64x128xf32>
      %mul3A_649 = arith.mulf %convert_element_type3A_627, %convert_element_type3A_648 : vector<64x128xf32>
      %reduce_sum3A_650 = arith.constant dense<0.000000e+00> : vector<64xf32>
      %reduce_sum3A_651 = vector.multi_reduction <add>, %mul3A_649, %reduce_sum3A_650 [1] : vector<64x128xf32> to vector<64xf32>
      %broadcast_in_dim3A_652 = vector.shape_cast %reduce_sum3A_651 : vector<64xf32> to vector<64x1xf32>
      %div3A_653 = vector.broadcast %get3A_201 : vector<1x1xf32> to vector<64x1xf32>
      %div3A_654 = arith.divf %broadcast_in_dim3A_652, %div3A_653 : vector<64x1xf32>
      %max3A_655 = arith.maximumf %div3A_636, %div3A_645 : vector<64x1xf32>
      %max3A_656 = arith.maximumf %max3A_655, %div3A_654 : vector<64x1xf32>
      %sub3A_657 = arith.subf %div3A_636, %max3A_656 : vector<64x1xf32>
      %exp3A_658 = math.exp %sub3A_657 : vector<64x1xf32>
      %sub3A_659 = arith.subf %div3A_645, %max3A_656 : vector<64x1xf32>
      %exp3A_660 = math.exp %sub3A_659 : vector<64x1xf32>
      %sub3A_661 = arith.subf %div3A_654, %max3A_656 : vector<64x1xf32>
      %exp3A_662 = math.exp %sub3A_661 : vector<64x1xf32>
      %add3A_663 = arith.addf %exp3A_658, %exp3A_660 : vector<64x1xf32>
      %add3A_664 = arith.addf %add3A_663, %exp3A_662 : vector<64x1xf32>
      %broadcast_in_dim3A_665 = arith.constant 0.000000e+00 : f32
      %broadcast_in_dim3A_666 = vector.broadcast %broadcast_in_dim3A_665 : f32 to vector<64x128xf32>
      %div3A_667 = arith.divf %exp3A_658, %add3A_664 : vector<64x1xf32>
      %convert_element_type3A_668 = arith.truncf %div3A_667 : vector<64x1xf32> to vector<64x1xbf16>
      %convert_element_type3A_669 = arith.extf %convert_element_type3A_668 : vector<64x1xbf16> to vector<64x1xf32>
      %slice3A_670 = vector.extract_strided_slice %add3A_174 {offsets = [0, 256], sizes = [64, 128], strides = [1, 1]} : vector<64x512xf32> to vector<64x128xf32>
      %convert_element_type3A_671 = arith.truncf %slice3A_670 : vector<64x128xf32> to vector<64x128xbf16>
      %convert_element_type3A_672 = arith.extf %convert_element_type3A_671 : vector<64x128xbf16> to vector<64x128xf32>
      %mul3A_673 = vector.broadcast %convert_element_type3A_669 : vector<64x1xf32> to vector<64x128xf32>
      %mul3A_674 = arith.mulf %mul3A_673, %convert_element_type3A_672 : vector<64x128xf32>
      %add3A_675 = arith.addf %broadcast_in_dim3A_666, %mul3A_674 : vector<64x128xf32>
      %div3A_676 = arith.divf %exp3A_660, %add3A_664 : vector<64x1xf32>
      %convert_element_type3A_677 = arith.truncf %div3A_676 : vector<64x1xf32> to vector<64x1xbf16>
      %convert_element_type3A_678 = arith.extf %convert_element_type3A_677 : vector<64x1xbf16> to vector<64x1xf32>
      %slice3A_679 = vector.extract_strided_slice %add3A_186 {offsets = [0, 256], sizes = [64, 128], strides = [1, 1]} : vector<64x512xf32> to vector<64x128xf32>
      %convert_element_type3A_680 = arith.truncf %slice3A_679 : vector<64x128xf32> to vector<64x128xbf16>
      %convert_element_type3A_681 = arith.extf %convert_element_type3A_680 : vector<64x128xbf16> to vector<64x128xf32>
      %mul3A_682 = vector.broadcast %convert_element_type3A_678 : vector<64x1xf32> to vector<64x128xf32>
      %mul3A_683 = arith.mulf %mul3A_682, %convert_element_type3A_681 : vector<64x128xf32>
      %add3A_684 = arith.addf %add3A_675, %mul3A_683 : vector<64x128xf32>
      %div3A_685 = arith.divf %exp3A_662, %add3A_664 : vector<64x1xf32>
      %convert_element_type3A_686 = arith.truncf %div3A_685 : vector<64x1xf32> to vector<64x1xbf16>
      %convert_element_type3A_687 = arith.extf %convert_element_type3A_686 : vector<64x1xbf16> to vector<64x1xf32>
      %slice3A_688 = vector.extract_strided_slice %add3A_198 {offsets = [0, 256], sizes = [64, 128], strides = [1, 1]} : vector<64x512xf32> to vector<64x128xf32>
      %convert_element_type3A_689 = arith.truncf %slice3A_688 : vector<64x128xf32> to vector<64x128xbf16>
      %convert_element_type3A_690 = arith.extf %convert_element_type3A_689 : vector<64x128xbf16> to vector<64x128xf32>
      %mul3A_691 = vector.broadcast %convert_element_type3A_687 : vector<64x1xf32> to vector<64x128xf32>
      %mul3A_692 = arith.mulf %mul3A_691, %convert_element_type3A_690 : vector<64x128xf32>
      %add3A_693 = arith.addf %add3A_684, %mul3A_692 : vector<64x128xf32>
      %slice3A_694 = vector.extract_strided_slice %add3A_114 {offsets = [0, 384], sizes = [64, 128], strides = [1, 1]} : vector<64x512xf32> to vector<64x128xf32>
      %convert_element_type3A_695 = arith.truncf %slice3A_694 : vector<64x128xf32> to vector<64x128xbf16>
      %convert_element_type3A_696 = arith.extf %convert_element_type3A_695 : vector<64x128xbf16> to vector<64x128xf32>
      %slice3A_697 = vector.extract_strided_slice %add3A_138 {offsets = [0, 384], sizes = [64, 128], strides = [1, 1]} : vector<64x512xf32> to vector<64x128xf32>
      %convert_element_type3A_698 = arith.truncf %slice3A_697 : vector<64x128xf32> to vector<64x128xbf16>
      %convert_element_type3A_699 = arith.extf %convert_element_type3A_698 : vector<64x128xbf16> to vector<64x128xf32>
      %mul3A_700 = arith.mulf %convert_element_type3A_696, %convert_element_type3A_699 : vector<64x128xf32>
      %reduce_sum3A_701 = arith.constant dense<0.000000e+00> : vector<64xf32>
      %reduce_sum3A_702 = vector.multi_reduction <add>, %mul3A_700, %reduce_sum3A_701 [1] : vector<64x128xf32> to vector<64xf32>
      %broadcast_in_dim3A_703 = vector.shape_cast %reduce_sum3A_702 : vector<64xf32> to vector<64x1xf32>
      %div3A_704 = vector.broadcast %get3A_201 : vector<1x1xf32> to vector<64x1xf32>
      %div3A_705 = arith.divf %broadcast_in_dim3A_703, %div3A_704 : vector<64x1xf32>
      %slice3A_706 = vector.extract_strided_slice %add3A_150 {offsets = [0, 384], sizes = [64, 128], strides = [1, 1]} : vector<64x512xf32> to vector<64x128xf32>
      %convert_element_type3A_707 = arith.truncf %slice3A_706 : vector<64x128xf32> to vector<64x128xbf16>
      %convert_element_type3A_708 = arith.extf %convert_element_type3A_707 : vector<64x128xbf16> to vector<64x128xf32>
      %mul3A_709 = arith.mulf %convert_element_type3A_696, %convert_element_type3A_708 : vector<64x128xf32>
      %reduce_sum3A_710 = arith.constant dense<0.000000e+00> : vector<64xf32>
      %reduce_sum3A_711 = vector.multi_reduction <add>, %mul3A_709, %reduce_sum3A_710 [1] : vector<64x128xf32> to vector<64xf32>
      %broadcast_in_dim3A_712 = vector.shape_cast %reduce_sum3A_711 : vector<64xf32> to vector<64x1xf32>
      %div3A_713 = vector.broadcast %get3A_201 : vector<1x1xf32> to vector<64x1xf32>
      %div3A_714 = arith.divf %broadcast_in_dim3A_712, %div3A_713 : vector<64x1xf32>
      %slice3A_715 = vector.extract_strided_slice %add3A_162 {offsets = [0, 384], sizes = [64, 128], strides = [1, 1]} : vector<64x512xf32> to vector<64x128xf32>
      %convert_element_type3A_716 = arith.truncf %slice3A_715 : vector<64x128xf32> to vector<64x128xbf16>
      %convert_element_type3A_717 = arith.extf %convert_element_type3A_716 : vector<64x128xbf16> to vector<64x128xf32>
      %mul3A_718 = arith.mulf %convert_element_type3A_696, %convert_element_type3A_717 : vector<64x128xf32>
      %reduce_sum3A_719 = arith.constant dense<0.000000e+00> : vector<64xf32>
      %reduce_sum3A_720 = vector.multi_reduction <add>, %mul3A_718, %reduce_sum3A_719 [1] : vector<64x128xf32> to vector<64xf32>
      %broadcast_in_dim3A_721 = vector.shape_cast %reduce_sum3A_720 : vector<64xf32> to vector<64x1xf32>
      %div3A_722 = vector.broadcast %get3A_201 : vector<1x1xf32> to vector<64x1xf32>
      %div3A_723 = arith.divf %broadcast_in_dim3A_721, %div3A_722 : vector<64x1xf32>
      %max3A_724 = arith.maximumf %div3A_705, %div3A_714 : vector<64x1xf32>
      %max3A_725 = arith.maximumf %max3A_724, %div3A_723 : vector<64x1xf32>
      %sub3A_726 = arith.subf %div3A_705, %max3A_725 : vector<64x1xf32>
      %exp3A_727 = math.exp %sub3A_726 : vector<64x1xf32>
      %sub3A_728 = arith.subf %div3A_714, %max3A_725 : vector<64x1xf32>
      %exp3A_729 = math.exp %sub3A_728 : vector<64x1xf32>
      %sub3A_730 = arith.subf %div3A_723, %max3A_725 : vector<64x1xf32>
      %exp3A_731 = math.exp %sub3A_730 : vector<64x1xf32>
      %add3A_732 = arith.addf %exp3A_727, %exp3A_729 : vector<64x1xf32>
      %add3A_733 = arith.addf %add3A_732, %exp3A_731 : vector<64x1xf32>
      %broadcast_in_dim3A_734 = arith.constant 0.000000e+00 : f32
      %broadcast_in_dim3A_735 = vector.broadcast %broadcast_in_dim3A_734 : f32 to vector<64x128xf32>
      %div3A_736 = arith.divf %exp3A_727, %add3A_733 : vector<64x1xf32>
      %convert_element_type3A_737 = arith.truncf %div3A_736 : vector<64x1xf32> to vector<64x1xbf16>
      %convert_element_type3A_738 = arith.extf %convert_element_type3A_737 : vector<64x1xbf16> to vector<64x1xf32>
      %slice3A_739 = vector.extract_strided_slice %add3A_174 {offsets = [0, 384], sizes = [64, 128], strides = [1, 1]} : vector<64x512xf32> to vector<64x128xf32>
      %convert_element_type3A_740 = arith.truncf %slice3A_739 : vector<64x128xf32> to vector<64x128xbf16>
      %convert_element_type3A_741 = arith.extf %convert_element_type3A_740 : vector<64x128xbf16> to vector<64x128xf32>
      %mul3A_742 = vector.broadcast %convert_element_type3A_738 : vector<64x1xf32> to vector<64x128xf32>
      %mul3A_743 = arith.mulf %mul3A_742, %convert_element_type3A_741 : vector<64x128xf32>
      %add3A_744 = arith.addf %broadcast_in_dim3A_735, %mul3A_743 : vector<64x128xf32>
      %div3A_745 = arith.divf %exp3A_729, %add3A_733 : vector<64x1xf32>
      %convert_element_type3A_746 = arith.truncf %div3A_745 : vector<64x1xf32> to vector<64x1xbf16>
      %convert_element_type3A_747 = arith.extf %convert_element_type3A_746 : vector<64x1xbf16> to vector<64x1xf32>
      %slice3A_748 = vector.extract_strided_slice %add3A_186 {offsets = [0, 384], sizes = [64, 128], strides = [1, 1]} : vector<64x512xf32> to vector<64x128xf32>
      %convert_element_type3A_749 = arith.truncf %slice3A_748 : vector<64x128xf32> to vector<64x128xbf16>
      %convert_element_type3A_750 = arith.extf %convert_element_type3A_749 : vector<64x128xbf16> to vector<64x128xf32>
      %mul3A_751 = vector.broadcast %convert_element_type3A_747 : vector<64x1xf32> to vector<64x128xf32>
      %mul3A_752 = arith.mulf %mul3A_751, %convert_element_type3A_750 : vector<64x128xf32>
      %add3A_753 = arith.addf %add3A_744, %mul3A_752 : vector<64x128xf32>
      %div3A_754 = arith.divf %exp3A_731, %add3A_733 : vector<64x1xf32>
      %convert_element_type3A_755 = arith.truncf %div3A_754 : vector<64x1xf32> to vector<64x1xbf16>
      %convert_element_type3A_756 = arith.extf %convert_element_type3A_755 : vector<64x1xbf16> to vector<64x1xf32>
      %slice3A_757 = vector.extract_strided_slice %add3A_198 {offsets = [0, 384], sizes = [64, 128], strides = [1, 1]} : vector<64x512xf32> to vector<64x128xf32>
      %convert_element_type3A_758 = arith.truncf %slice3A_757 : vector<64x128xf32> to vector<64x128xbf16>
      %convert_element_type3A_759 = arith.extf %convert_element_type3A_758 : vector<64x128xbf16> to vector<64x128xf32>
      %mul3A_760 = vector.broadcast %convert_element_type3A_756 : vector<64x1xf32> to vector<64x128xf32>
      %mul3A_761 = arith.mulf %mul3A_760, %convert_element_type3A_759 : vector<64x128xf32>
      %add3A_762 = arith.addf %add3A_753, %mul3A_761 : vector<64x128xf32>
      %concatenate3A_763 = tpu.concatenate %add3A_555, %add3A_624, %add3A_693, %add3A_762 in 1 : vector<64x128xf32>, vector<64x128xf32>, vector<64x128xf32>, vector<64x128xf32> -> vector<64x512xf32>
      %get3A_764 = arith.constant 0 : index
      %get3A_765 = arith.constant 0 : index
      %get3A_766 = vector.load %arg16[%get3A_764, %get3A_765] : memref<512x128xf32, #tpu.memory_space<vmem>>, vector<512x128xf32>
      %convert_element_type3A_767 = arith.truncf %concatenate3A_763 : vector<64x512xf32> to vector<64x512xbf16>
      %convert_element_type3A_768 = arith.truncf %get3A_766 : vector<512x128xf32> to vector<512x128xbf16>
      %dot_general3A_769 = arith.constant dense<0.000000e+00> : vector<64x128xf32>
      %dot_general3A_770 = tpu.matmul %convert_element_type3A_767, %convert_element_type3A_768, %dot_general3A_769 {dimension_numbers = #tpu.dot_dimension_numbers<[1], [0], [0], [1], [0, 0, 1, 1], [], []>, transpose_lhs_hint = false} : vector<64x512xbf16>, vector<512x128xbf16>, vector<64x128xf32> -> vector<64x128xf32>
      %get3A_771 = arith.constant 0 : index
      %get3A_772 = arith.constant 0 : index
      %get3A_773 = vector.load %arg17[%get3A_771, %get3A_772] : memref<1x128xf32, #tpu.memory_space<vmem>>, vector<1x128xf32>
      %add3A_774 = vector.broadcast %get3A_773 : vector<1x128xf32> to vector<64x128xf32>
      %add3A_775 = arith.addf %dot_general3A_770, %add3A_774 : vector<64x128xf32>
      %add3A_776 = arith.addf %add3A_486, %add3A_775 : vector<64x128xf32>
      %slice3A_777 = vector.extract_strided_slice %add3A_126 {offsets = [0, 0], sizes = [64, 128], strides = [1, 1]} : vector<64x512xf32> to vector<64x128xf32>
      %convert_element_type3A_778 = arith.truncf %slice3A_777 : vector<64x128xf32> to vector<64x128xbf16>
      %convert_element_type3A_779 = arith.extf %convert_element_type3A_778 : vector<64x128xbf16> to vector<64x128xf32>
      %slice3A_780 = vector.extract_strided_slice %add3A_138 {offsets = [0, 0], sizes = [64, 128], strides = [1, 1]} : vector<64x512xf32> to vector<64x128xf32>
      %convert_element_type3A_781 = arith.truncf %slice3A_780 : vector<64x128xf32> to vector<64x128xbf16>
      %convert_element_type3A_782 = arith.extf %convert_element_type3A_781 : vector<64x128xbf16> to vector<64x128xf32>
      %mul3A_783 = arith.mulf %convert_element_type3A_779, %convert_element_type3A_782 : vector<64x128xf32>
      %reduce_sum3A_784 = arith.constant dense<0.000000e+00> : vector<64xf32>
      %reduce_sum3A_785 = vector.multi_reduction <add>, %mul3A_783, %reduce_sum3A_784 [1] : vector<64x128xf32> to vector<64xf32>
      %broadcast_in_dim3A_786 = vector.shape_cast %reduce_sum3A_785 : vector<64xf32> to vector<64x1xf32>
      %div3A_787 = vector.broadcast %get3A_201 : vector<1x1xf32> to vector<64x1xf32>
      %div3A_788 = arith.divf %broadcast_in_dim3A_786, %div3A_787 : vector<64x1xf32>
      %slice3A_789 = vector.extract_strided_slice %add3A_150 {offsets = [0, 0], sizes = [64, 128], strides = [1, 1]} : vector<64x512xf32> to vector<64x128xf32>
      %convert_element_type3A_790 = arith.truncf %slice3A_789 : vector<64x128xf32> to vector<64x128xbf16>
      %convert_element_type3A_791 = arith.extf %convert_element_type3A_790 : vector<64x128xbf16> to vector<64x128xf32>
      %mul3A_792 = arith.mulf %convert_element_type3A_779, %convert_element_type3A_791 : vector<64x128xf32>
      %reduce_sum3A_793 = arith.constant dense<0.000000e+00> : vector<64xf32>
      %reduce_sum3A_794 = vector.multi_reduction <add>, %mul3A_792, %reduce_sum3A_793 [1] : vector<64x128xf32> to vector<64xf32>
      %broadcast_in_dim3A_795 = vector.shape_cast %reduce_sum3A_794 : vector<64xf32> to vector<64x1xf32>
      %div3A_796 = vector.broadcast %get3A_201 : vector<1x1xf32> to vector<64x1xf32>
      %div3A_797 = arith.divf %broadcast_in_dim3A_795, %div3A_796 : vector<64x1xf32>
      %slice3A_798 = vector.extract_strided_slice %add3A_162 {offsets = [0, 0], sizes = [64, 128], strides = [1, 1]} : vector<64x512xf32> to vector<64x128xf32>
      %convert_element_type3A_799 = arith.truncf %slice3A_798 : vector<64x128xf32> to vector<64x128xbf16>
      %convert_element_type3A_800 = arith.extf %convert_element_type3A_799 : vector<64x128xbf16> to vector<64x128xf32>
      %mul3A_801 = arith.mulf %convert_element_type3A_779, %convert_element_type3A_800 : vector<64x128xf32>
      %reduce_sum3A_802 = arith.constant dense<0.000000e+00> : vector<64xf32>
      %reduce_sum3A_803 = vector.multi_reduction <add>, %mul3A_801, %reduce_sum3A_802 [1] : vector<64x128xf32> to vector<64xf32>
      %broadcast_in_dim3A_804 = vector.shape_cast %reduce_sum3A_803 : vector<64xf32> to vector<64x1xf32>
      %div3A_805 = vector.broadcast %get3A_201 : vector<1x1xf32> to vector<64x1xf32>
      %div3A_806 = arith.divf %broadcast_in_dim3A_804, %div3A_805 : vector<64x1xf32>
      %max3A_807 = arith.maximumf %div3A_788, %div3A_797 : vector<64x1xf32>
      %max3A_808 = arith.maximumf %max3A_807, %div3A_806 : vector<64x1xf32>
      %sub3A_809 = arith.subf %div3A_788, %max3A_808 : vector<64x1xf32>
      %exp3A_810 = math.exp %sub3A_809 : vector<64x1xf32>
      %sub3A_811 = arith.subf %div3A_797, %max3A_808 : vector<64x1xf32>
      %exp3A_812 = math.exp %sub3A_811 : vector<64x1xf32>
      %sub3A_813 = arith.subf %div3A_806, %max3A_808 : vector<64x1xf32>
      %exp3A_814 = math.exp %sub3A_813 : vector<64x1xf32>
      %add3A_815 = arith.addf %exp3A_810, %exp3A_812 : vector<64x1xf32>
      %add3A_816 = arith.addf %add3A_815, %exp3A_814 : vector<64x1xf32>
      %broadcast_in_dim3A_817 = arith.constant 0.000000e+00 : f32
      %broadcast_in_dim3A_818 = vector.broadcast %broadcast_in_dim3A_817 : f32 to vector<64x128xf32>
      %div3A_819 = arith.divf %exp3A_810, %add3A_816 : vector<64x1xf32>
      %convert_element_type3A_820 = arith.truncf %div3A_819 : vector<64x1xf32> to vector<64x1xbf16>
      %convert_element_type3A_821 = arith.extf %convert_element_type3A_820 : vector<64x1xbf16> to vector<64x1xf32>
      %slice3A_822 = vector.extract_strided_slice %add3A_174 {offsets = [0, 0], sizes = [64, 128], strides = [1, 1]} : vector<64x512xf32> to vector<64x128xf32>
      %convert_element_type3A_823 = arith.truncf %slice3A_822 : vector<64x128xf32> to vector<64x128xbf16>
      %convert_element_type3A_824 = arith.extf %convert_element_type3A_823 : vector<64x128xbf16> to vector<64x128xf32>
      %mul3A_825 = vector.broadcast %convert_element_type3A_821 : vector<64x1xf32> to vector<64x128xf32>
      %mul3A_826 = arith.mulf %mul3A_825, %convert_element_type3A_824 : vector<64x128xf32>
      %add3A_827 = arith.addf %broadcast_in_dim3A_818, %mul3A_826 : vector<64x128xf32>
      %div3A_828 = arith.divf %exp3A_812, %add3A_816 : vector<64x1xf32>
      %convert_element_type3A_829 = arith.truncf %div3A_828 : vector<64x1xf32> to vector<64x1xbf16>
      %convert_element_type3A_830 = arith.extf %convert_element_type3A_829 : vector<64x1xbf16> to vector<64x1xf32>
      %slice3A_831 = vector.extract_strided_slice %add3A_186 {offsets = [0, 0], sizes = [64, 128], strides = [1, 1]} : vector<64x512xf32> to vector<64x128xf32>
      %convert_element_type3A_832 = arith.truncf %slice3A_831 : vector<64x128xf32> to vector<64x128xbf16>
      %convert_element_type3A_833 = arith.extf %convert_element_type3A_832 : vector<64x128xbf16> to vector<64x128xf32>
      %mul3A_834 = vector.broadcast %convert_element_type3A_830 : vector<64x1xf32> to vector<64x128xf32>
      %mul3A_835 = arith.mulf %mul3A_834, %convert_element_type3A_833 : vector<64x128xf32>
      %add3A_836 = arith.addf %add3A_827, %mul3A_835 : vector<64x128xf32>
      %div3A_837 = arith.divf %exp3A_814, %add3A_816 : vector<64x1xf32>
      %convert_element_type3A_838 = arith.truncf %div3A_837 : vector<64x1xf32> to vector<64x1xbf16>
      %convert_element_type3A_839 = arith.extf %convert_element_type3A_838 : vector<64x1xbf16> to vector<64x1xf32>
      %slice3A_840 = vector.extract_strided_slice %add3A_198 {offsets = [0, 0], sizes = [64, 128], strides = [1, 1]} : vector<64x512xf32> to vector<64x128xf32>
      %convert_element_type3A_841 = arith.truncf %slice3A_840 : vector<64x128xf32> to vector<64x128xbf16>
      %convert_element_type3A_842 = arith.extf %convert_element_type3A_841 : vector<64x128xbf16> to vector<64x128xf32>
      %mul3A_843 = vector.broadcast %convert_element_type3A_839 : vector<64x1xf32> to vector<64x128xf32>
      %mul3A_844 = arith.mulf %mul3A_843, %convert_element_type3A_842 : vector<64x128xf32>
      %add3A_845 = arith.addf %add3A_836, %mul3A_844 : vector<64x128xf32>
      %slice3A_846 = vector.extract_strided_slice %add3A_126 {offsets = [0, 128], sizes = [64, 128], strides = [1, 1]} : vector<64x512xf32> to vector<64x128xf32>
      %convert_element_type3A_847 = arith.truncf %slice3A_846 : vector<64x128xf32> to vector<64x128xbf16>
      %convert_element_type3A_848 = arith.extf %convert_element_type3A_847 : vector<64x128xbf16> to vector<64x128xf32>
      %slice3A_849 = vector.extract_strided_slice %add3A_138 {offsets = [0, 128], sizes = [64, 128], strides = [1, 1]} : vector<64x512xf32> to vector<64x128xf32>
      %convert_element_type3A_850 = arith.truncf %slice3A_849 : vector<64x128xf32> to vector<64x128xbf16>
      %convert_element_type3A_851 = arith.extf %convert_element_type3A_850 : vector<64x128xbf16> to vector<64x128xf32>
      %mul3A_852 = arith.mulf %convert_element_type3A_848, %convert_element_type3A_851 : vector<64x128xf32>
      %reduce_sum3A_853 = arith.constant dense<0.000000e+00> : vector<64xf32>
      %reduce_sum3A_854 = vector.multi_reduction <add>, %mul3A_852, %reduce_sum3A_853 [1] : vector<64x128xf32> to vector<64xf32>
      %broadcast_in_dim3A_855 = vector.shape_cast %reduce_sum3A_854 : vector<64xf32> to vector<64x1xf32>
      %div3A_856 = vector.broadcast %get3A_201 : vector<1x1xf32> to vector<64x1xf32>
      %div3A_857 = arith.divf %broadcast_in_dim3A_855, %div3A_856 : vector<64x1xf32>
      %slice3A_858 = vector.extract_strided_slice %add3A_150 {offsets = [0, 128], sizes = [64, 128], strides = [1, 1]} : vector<64x512xf32> to vector<64x128xf32>
      %convert_element_type3A_859 = arith.truncf %slice3A_858 : vector<64x128xf32> to vector<64x128xbf16>
      %convert_element_type3A_860 = arith.extf %convert_element_type3A_859 : vector<64x128xbf16> to vector<64x128xf32>
      %mul3A_861 = arith.mulf %convert_element_type3A_848, %convert_element_type3A_860 : vector<64x128xf32>
      %reduce_sum3A_862 = arith.constant dense<0.000000e+00> : vector<64xf32>
      %reduce_sum3A_863 = vector.multi_reduction <add>, %mul3A_861, %reduce_sum3A_862 [1] : vector<64x128xf32> to vector<64xf32>
      %broadcast_in_dim3A_864 = vector.shape_cast %reduce_sum3A_863 : vector<64xf32> to vector<64x1xf32>
      %div3A_865 = vector.broadcast %get3A_201 : vector<1x1xf32> to vector<64x1xf32>
      %div3A_866 = arith.divf %broadcast_in_dim3A_864, %div3A_865 : vector<64x1xf32>
      %slice3A_867 = vector.extract_strided_slice %add3A_162 {offsets = [0, 128], sizes = [64, 128], strides = [1, 1]} : vector<64x512xf32> to vector<64x128xf32>
      %convert_element_type3A_868 = arith.truncf %slice3A_867 : vector<64x128xf32> to vector<64x128xbf16>
      %convert_element_type3A_869 = arith.extf %convert_element_type3A_868 : vector<64x128xbf16> to vector<64x128xf32>
      %mul3A_870 = arith.mulf %convert_element_type3A_848, %convert_element_type3A_869 : vector<64x128xf32>
      %reduce_sum3A_871 = arith.constant dense<0.000000e+00> : vector<64xf32>
      %reduce_sum3A_872 = vector.multi_reduction <add>, %mul3A_870, %reduce_sum3A_871 [1] : vector<64x128xf32> to vector<64xf32>
      %broadcast_in_dim3A_873 = vector.shape_cast %reduce_sum3A_872 : vector<64xf32> to vector<64x1xf32>
      %div3A_874 = vector.broadcast %get3A_201 : vector<1x1xf32> to vector<64x1xf32>
      %div3A_875 = arith.divf %broadcast_in_dim3A_873, %div3A_874 : vector<64x1xf32>
      %max3A_876 = arith.maximumf %div3A_857, %div3A_866 : vector<64x1xf32>
      %max3A_877 = arith.maximumf %max3A_876, %div3A_875 : vector<64x1xf32>
      %sub3A_878 = arith.subf %div3A_857, %max3A_877 : vector<64x1xf32>
      %exp3A_879 = math.exp %sub3A_878 : vector<64x1xf32>
      %sub3A_880 = arith.subf %div3A_866, %max3A_877 : vector<64x1xf32>
      %exp3A_881 = math.exp %sub3A_880 : vector<64x1xf32>
      %sub3A_882 = arith.subf %div3A_875, %max3A_877 : vector<64x1xf32>
      %exp3A_883 = math.exp %sub3A_882 : vector<64x1xf32>
      %add3A_884 = arith.addf %exp3A_879, %exp3A_881 : vector<64x1xf32>
      %add3A_885 = arith.addf %add3A_884, %exp3A_883 : vector<64x1xf32>
      %broadcast_in_dim3A_886 = arith.constant 0.000000e+00 : f32
      %broadcast_in_dim3A_887 = vector.broadcast %broadcast_in_dim3A_886 : f32 to vector<64x128xf32>
      %div3A_888 = arith.divf %exp3A_879, %add3A_885 : vector<64x1xf32>
      %convert_element_type3A_889 = arith.truncf %div3A_888 : vector<64x1xf32> to vector<64x1xbf16>
      %convert_element_type3A_890 = arith.extf %convert_element_type3A_889 : vector<64x1xbf16> to vector<64x1xf32>
      %slice3A_891 = vector.extract_strided_slice %add3A_174 {offsets = [0, 128], sizes = [64, 128], strides = [1, 1]} : vector<64x512xf32> to vector<64x128xf32>
      %convert_element_type3A_892 = arith.truncf %slice3A_891 : vector<64x128xf32> to vector<64x128xbf16>
      %convert_element_type3A_893 = arith.extf %convert_element_type3A_892 : vector<64x128xbf16> to vector<64x128xf32>
      %mul3A_894 = vector.broadcast %convert_element_type3A_890 : vector<64x1xf32> to vector<64x128xf32>
      %mul3A_895 = arith.mulf %mul3A_894, %convert_element_type3A_893 : vector<64x128xf32>
      %add3A_896 = arith.addf %broadcast_in_dim3A_887, %mul3A_895 : vector<64x128xf32>
      %div3A_897 = arith.divf %exp3A_881, %add3A_885 : vector<64x1xf32>
      %convert_element_type3A_898 = arith.truncf %div3A_897 : vector<64x1xf32> to vector<64x1xbf16>
      %convert_element_type3A_899 = arith.extf %convert_element_type3A_898 : vector<64x1xbf16> to vector<64x1xf32>
      %slice3A_900 = vector.extract_strided_slice %add3A_186 {offsets = [0, 128], sizes = [64, 128], strides = [1, 1]} : vector<64x512xf32> to vector<64x128xf32>
      %convert_element_type3A_901 = arith.truncf %slice3A_900 : vector<64x128xf32> to vector<64x128xbf16>
      %convert_element_type3A_902 = arith.extf %convert_element_type3A_901 : vector<64x128xbf16> to vector<64x128xf32>
      %mul3A_903 = vector.broadcast %convert_element_type3A_899 : vector<64x1xf32> to vector<64x128xf32>
      %mul3A_904 = arith.mulf %mul3A_903, %convert_element_type3A_902 : vector<64x128xf32>
      %add3A_905 = arith.addf %add3A_896, %mul3A_904 : vector<64x128xf32>
      %div3A_906 = arith.divf %exp3A_883, %add3A_885 : vector<64x1xf32>
      %convert_element_type3A_907 = arith.truncf %div3A_906 : vector<64x1xf32> to vector<64x1xbf16>
      %convert_element_type3A_908 = arith.extf %convert_element_type3A_907 : vector<64x1xbf16> to vector<64x1xf32>
      %slice3A_909 = vector.extract_strided_slice %add3A_198 {offsets = [0, 128], sizes = [64, 128], strides = [1, 1]} : vector<64x512xf32> to vector<64x128xf32>
      %convert_element_type3A_910 = arith.truncf %slice3A_909 : vector<64x128xf32> to vector<64x128xbf16>
      %convert_element_type3A_911 = arith.extf %convert_element_type3A_910 : vector<64x128xbf16> to vector<64x128xf32>
      %mul3A_912 = vector.broadcast %convert_element_type3A_908 : vector<64x1xf32> to vector<64x128xf32>
      %mul3A_913 = arith.mulf %mul3A_912, %convert_element_type3A_911 : vector<64x128xf32>
      %add3A_914 = arith.addf %add3A_905, %mul3A_913 : vector<64x128xf32>
      %slice3A_915 = vector.extract_strided_slice %add3A_126 {offsets = [0, 256], sizes = [64, 128], strides = [1, 1]} : vector<64x512xf32> to vector<64x128xf32>
      %convert_element_type3A_916 = arith.truncf %slice3A_915 : vector<64x128xf32> to vector<64x128xbf16>
      %convert_element_type3A_917 = arith.extf %convert_element_type3A_916 : vector<64x128xbf16> to vector<64x128xf32>
      %slice3A_918 = vector.extract_strided_slice %add3A_138 {offsets = [0, 256], sizes = [64, 128], strides = [1, 1]} : vector<64x512xf32> to vector<64x128xf32>
      %convert_element_type3A_919 = arith.truncf %slice3A_918 : vector<64x128xf32> to vector<64x128xbf16>
      %convert_element_type3A_920 = arith.extf %convert_element_type3A_919 : vector<64x128xbf16> to vector<64x128xf32>
      %mul3A_921 = arith.mulf %convert_element_type3A_917, %convert_element_type3A_920 : vector<64x128xf32>
      %reduce_sum3A_922 = arith.constant dense<0.000000e+00> : vector<64xf32>
      %reduce_sum3A_923 = vector.multi_reduction <add>, %mul3A_921, %reduce_sum3A_922 [1] : vector<64x128xf32> to vector<64xf32>
      %broadcast_in_dim3A_924 = vector.shape_cast %reduce_sum3A_923 : vector<64xf32> to vector<64x1xf32>
      %div3A_925 = vector.broadcast %get3A_201 : vector<1x1xf32> to vector<64x1xf32>
      %div3A_926 = arith.divf %broadcast_in_dim3A_924, %div3A_925 : vector<64x1xf32>
      %slice3A_927 = vector.extract_strided_slice %add3A_150 {offsets = [0, 256], sizes = [64, 128], strides = [1, 1]} : vector<64x512xf32> to vector<64x128xf32>
      %convert_element_type3A_928 = arith.truncf %slice3A_927 : vector<64x128xf32> to vector<64x128xbf16>
      %convert_element_type3A_929 = arith.extf %convert_element_type3A_928 : vector<64x128xbf16> to vector<64x128xf32>
      %mul3A_930 = arith.mulf %convert_element_type3A_917, %convert_element_type3A_929 : vector<64x128xf32>
      %reduce_sum3A_931 = arith.constant dense<0.000000e+00> : vector<64xf32>
      %reduce_sum3A_932 = vector.multi_reduction <add>, %mul3A_930, %reduce_sum3A_931 [1] : vector<64x128xf32> to vector<64xf32>
      %broadcast_in_dim3A_933 = vector.shape_cast %reduce_sum3A_932 : vector<64xf32> to vector<64x1xf32>
      %div3A_934 = vector.broadcast %get3A_201 : vector<1x1xf32> to vector<64x1xf32>
      %div3A_935 = arith.divf %broadcast_in_dim3A_933, %div3A_934 : vector<64x1xf32>
      %slice3A_936 = vector.extract_strided_slice %add3A_162 {offsets = [0, 256], sizes = [64, 128], strides = [1, 1]} : vector<64x512xf32> to vector<64x128xf32>
      %convert_element_type3A_937 = arith.truncf %slice3A_936 : vector<64x128xf32> to vector<64x128xbf16>
      %convert_element_type3A_938 = arith.extf %convert_element_type3A_937 : vector<64x128xbf16> to vector<64x128xf32>
      %mul3A_939 = arith.mulf %convert_element_type3A_917, %convert_element_type3A_938 : vector<64x128xf32>
      %reduce_sum3A_940 = arith.constant dense<0.000000e+00> : vector<64xf32>
      %reduce_sum3A_941 = vector.multi_reduction <add>, %mul3A_939, %reduce_sum3A_940 [1] : vector<64x128xf32> to vector<64xf32>
      %broadcast_in_dim3A_942 = vector.shape_cast %reduce_sum3A_941 : vector<64xf32> to vector<64x1xf32>
      %div3A_943 = vector.broadcast %get3A_201 : vector<1x1xf32> to vector<64x1xf32>
      %div3A_944 = arith.divf %broadcast_in_dim3A_942, %div3A_943 : vector<64x1xf32>
      %max3A_945 = arith.maximumf %div3A_926, %div3A_935 : vector<64x1xf32>
      %max3A_946 = arith.maximumf %max3A_945, %div3A_944 : vector<64x1xf32>
      %sub3A_947 = arith.subf %div3A_926, %max3A_946 : vector<64x1xf32>
      %exp3A_948 = math.exp %sub3A_947 : vector<64x1xf32>
      %sub3A_949 = arith.subf %div3A_935, %max3A_946 : vector<64x1xf32>
      %exp3A_950 = math.exp %sub3A_949 : vector<64x1xf32>
      %sub3A_951 = arith.subf %div3A_944, %max3A_946 : vector<64x1xf32>
      %exp3A_952 = math.exp %sub3A_951 : vector<64x1xf32>
      %add3A_953 = arith.addf %exp3A_948, %exp3A_950 : vector<64x1xf32>
      %add3A_954 = arith.addf %add3A_953, %exp3A_952 : vector<64x1xf32>
      %broadcast_in_dim3A_955 = arith.constant 0.000000e+00 : f32
      %broadcast_in_dim3A_956 = vector.broadcast %broadcast_in_dim3A_955 : f32 to vector<64x128xf32>
      %div3A_957 = arith.divf %exp3A_948, %add3A_954 : vector<64x1xf32>
      %convert_element_type3A_958 = arith.truncf %div3A_957 : vector<64x1xf32> to vector<64x1xbf16>
      %convert_element_type3A_959 = arith.extf %convert_element_type3A_958 : vector<64x1xbf16> to vector<64x1xf32>
      %slice3A_960 = vector.extract_strided_slice %add3A_174 {offsets = [0, 256], sizes = [64, 128], strides = [1, 1]} : vector<64x512xf32> to vector<64x128xf32>
      %convert_element_type3A_961 = arith.truncf %slice3A_960 : vector<64x128xf32> to vector<64x128xbf16>
      %convert_element_type3A_962 = arith.extf %convert_element_type3A_961 : vector<64x128xbf16> to vector<64x128xf32>
      %mul3A_963 = vector.broadcast %convert_element_type3A_959 : vector<64x1xf32> to vector<64x128xf32>
      %mul3A_964 = arith.mulf %mul3A_963, %convert_element_type3A_962 : vector<64x128xf32>
      %add3A_965 = arith.addf %broadcast_in_dim3A_956, %mul3A_964 : vector<64x128xf32>
      %div3A_966 = arith.divf %exp3A_950, %add3A_954 : vector<64x1xf32>
      %convert_element_type3A_967 = arith.truncf %div3A_966 : vector<64x1xf32> to vector<64x1xbf16>
      %convert_element_type3A_968 = arith.extf %convert_element_type3A_967 : vector<64x1xbf16> to vector<64x1xf32>
      %slice3A_969 = vector.extract_strided_slice %add3A_186 {offsets = [0, 256], sizes = [64, 128], strides = [1, 1]} : vector<64x512xf32> to vector<64x128xf32>
      %convert_element_type3A_970 = arith.truncf %slice3A_969 : vector<64x128xf32> to vector<64x128xbf16>
      %convert_element_type3A_971 = arith.extf %convert_element_type3A_970 : vector<64x128xbf16> to vector<64x128xf32>
      %mul3A_972 = vector.broadcast %convert_element_type3A_968 : vector<64x1xf32> to vector<64x128xf32>
      %mul3A_973 = arith.mulf %mul3A_972, %convert_element_type3A_971 : vector<64x128xf32>
      %add3A_974 = arith.addf %add3A_965, %mul3A_973 : vector<64x128xf32>
      %div3A_975 = arith.divf %exp3A_952, %add3A_954 : vector<64x1xf32>
      %convert_element_type3A_976 = arith.truncf %div3A_975 : vector<64x1xf32> to vector<64x1xbf16>
      %convert_element_type3A_977 = arith.extf %convert_element_type3A_976 : vector<64x1xbf16> to vector<64x1xf32>
      %slice3A_978 = vector.extract_strided_slice %add3A_198 {offsets = [0, 256], sizes = [64, 128], strides = [1, 1]} : vector<64x512xf32> to vector<64x128xf32>
      %convert_element_type3A_979 = arith.truncf %slice3A_978 : vector<64x128xf32> to vector<64x128xbf16>
      %convert_element_type3A_980 = arith.extf %convert_element_type3A_979 : vector<64x128xbf16> to vector<64x128xf32>
      %mul3A_981 = vector.broadcast %convert_element_type3A_977 : vector<64x1xf32> to vector<64x128xf32>
      %mul3A_982 = arith.mulf %mul3A_981, %convert_element_type3A_980 : vector<64x128xf32>
      %add3A_983 = arith.addf %add3A_974, %mul3A_982 : vector<64x128xf32>
      %slice3A_984 = vector.extract_strided_slice %add3A_126 {offsets = [0, 384], sizes = [64, 128], strides = [1, 1]} : vector<64x512xf32> to vector<64x128xf32>
      %convert_element_type3A_985 = arith.truncf %slice3A_984 : vector<64x128xf32> to vector<64x128xbf16>
      %convert_element_type3A_986 = arith.extf %convert_element_type3A_985 : vector<64x128xbf16> to vector<64x128xf32>
      %slice3A_987 = vector.extract_strided_slice %add3A_138 {offsets = [0, 384], sizes = [64, 128], strides = [1, 1]} : vector<64x512xf32> to vector<64x128xf32>
      %convert_element_type3A_988 = arith.truncf %slice3A_987 : vector<64x128xf32> to vector<64x128xbf16>
      %convert_element_type3A_989 = arith.extf %convert_element_type3A_988 : vector<64x128xbf16> to vector<64x128xf32>
      %mul3A_990 = arith.mulf %convert_element_type3A_986, %convert_element_type3A_989 : vector<64x128xf32>
      %reduce_sum3A_991 = arith.constant dense<0.000000e+00> : vector<64xf32>
      %reduce_sum3A_992 = vector.multi_reduction <add>, %mul3A_990, %reduce_sum3A_991 [1] : vector<64x128xf32> to vector<64xf32>
      %broadcast_in_dim3A_993 = vector.shape_cast %reduce_sum3A_992 : vector<64xf32> to vector<64x1xf32>
      %div3A_994 = vector.broadcast %get3A_201 : vector<1x1xf32> to vector<64x1xf32>
      %div3A_995 = arith.divf %broadcast_in_dim3A_993, %div3A_994 : vector<64x1xf32>
      %slice3A_996 = vector.extract_strided_slice %add3A_150 {offsets = [0, 384], sizes = [64, 128], strides = [1, 1]} : vector<64x512xf32> to vector<64x128xf32>
      %convert_element_type3A_997 = arith.truncf %slice3A_996 : vector<64x128xf32> to vector<64x128xbf16>
      %convert_element_type3A_998 = arith.extf %convert_element_type3A_997 : vector<64x128xbf16> to vector<64x128xf32>
      %mul3A_999 = arith.mulf %convert_element_type3A_986, %convert_element_type3A_998 : vector<64x128xf32>
      %reduce_sum3A_1000 = arith.constant dense<0.000000e+00> : vector<64xf32>
      %reduce_sum3A_1001 = vector.multi_reduction <add>, %mul3A_999, %reduce_sum3A_1000 [1] : vector<64x128xf32> to vector<64xf32>
      %broadcast_in_dim3A_1002 = vector.shape_cast %reduce_sum3A_1001 : vector<64xf32> to vector<64x1xf32>
      %div3A_1003 = vector.broadcast %get3A_201 : vector<1x1xf32> to vector<64x1xf32>
      %div3A_1004 = arith.divf %broadcast_in_dim3A_1002, %div3A_1003 : vector<64x1xf32>
      %slice3A_1005 = vector.extract_strided_slice %add3A_162 {offsets = [0, 384], sizes = [64, 128], strides = [1, 1]} : vector<64x512xf32> to vector<64x128xf32>
      %convert_element_type3A_1006 = arith.truncf %slice3A_1005 : vector<64x128xf32> to vector<64x128xbf16>
      %convert_element_type3A_1007 = arith.extf %convert_element_type3A_1006 : vector<64x128xbf16> to vector<64x128xf32>
      %mul3A_1008 = arith.mulf %convert_element_type3A_986, %convert_element_type3A_1007 : vector<64x128xf32>
      %reduce_sum3A_1009 = arith.constant dense<0.000000e+00> : vector<64xf32>
      %reduce_sum3A_1010 = vector.multi_reduction <add>, %mul3A_1008, %reduce_sum3A_1009 [1] : vector<64x128xf32> to vector<64xf32>
      %broadcast_in_dim3A_1011 = vector.shape_cast %reduce_sum3A_1010 : vector<64xf32> to vector<64x1xf32>
      %div3A_1012 = vector.broadcast %get3A_201 : vector<1x1xf32> to vector<64x1xf32>
      %div3A_1013 = arith.divf %broadcast_in_dim3A_1011, %div3A_1012 : vector<64x1xf32>
      %max3A_1014 = arith.maximumf %div3A_995, %div3A_1004 : vector<64x1xf32>
      %max3A_1015 = arith.maximumf %max3A_1014, %div3A_1013 : vector<64x1xf32>
      %sub3A_1016 = arith.subf %div3A_995, %max3A_1015 : vector<64x1xf32>
      %exp3A_1017 = math.exp %sub3A_1016 : vector<64x1xf32>
      %sub3A_1018 = arith.subf %div3A_1004, %max3A_1015 : vector<64x1xf32>
      %exp3A_1019 = math.exp %sub3A_1018 : vector<64x1xf32>
      %sub3A_1020 = arith.subf %div3A_1013, %max3A_1015 : vector<64x1xf32>
      %exp3A_1021 = math.exp %sub3A_1020 : vector<64x1xf32>
      %add3A_1022 = arith.addf %exp3A_1017, %exp3A_1019 : vector<64x1xf32>
      %add3A_1023 = arith.addf %add3A_1022, %exp3A_1021 : vector<64x1xf32>
      %broadcast_in_dim3A_1024 = arith.constant 0.000000e+00 : f32
      %broadcast_in_dim3A_1025 = vector.broadcast %broadcast_in_dim3A_1024 : f32 to vector<64x128xf32>
      %div3A_1026 = arith.divf %exp3A_1017, %add3A_1023 : vector<64x1xf32>
      %convert_element_type3A_1027 = arith.truncf %div3A_1026 : vector<64x1xf32> to vector<64x1xbf16>
      %convert_element_type3A_1028 = arith.extf %convert_element_type3A_1027 : vector<64x1xbf16> to vector<64x1xf32>
      %slice3A_1029 = vector.extract_strided_slice %add3A_174 {offsets = [0, 384], sizes = [64, 128], strides = [1, 1]} : vector<64x512xf32> to vector<64x128xf32>
      %convert_element_type3A_1030 = arith.truncf %slice3A_1029 : vector<64x128xf32> to vector<64x128xbf16>
      %convert_element_type3A_1031 = arith.extf %convert_element_type3A_1030 : vector<64x128xbf16> to vector<64x128xf32>
      %mul3A_1032 = vector.broadcast %convert_element_type3A_1028 : vector<64x1xf32> to vector<64x128xf32>
      %mul3A_1033 = arith.mulf %mul3A_1032, %convert_element_type3A_1031 : vector<64x128xf32>
      %add3A_1034 = arith.addf %broadcast_in_dim3A_1025, %mul3A_1033 : vector<64x128xf32>
      %div3A_1035 = arith.divf %exp3A_1019, %add3A_1023 : vector<64x1xf32>
      %convert_element_type3A_1036 = arith.truncf %div3A_1035 : vector<64x1xf32> to vector<64x1xbf16>
      %convert_element_type3A_1037 = arith.extf %convert_element_type3A_1036 : vector<64x1xbf16> to vector<64x1xf32>
      %slice3A_1038 = vector.extract_strided_slice %add3A_186 {offsets = [0, 384], sizes = [64, 128], strides = [1, 1]} : vector<64x512xf32> to vector<64x128xf32>
      %convert_element_type3A_1039 = arith.truncf %slice3A_1038 : vector<64x128xf32> to vector<64x128xbf16>
      %convert_element_type3A_1040 = arith.extf %convert_element_type3A_1039 : vector<64x128xbf16> to vector<64x128xf32>
      %mul3A_1041 = vector.broadcast %convert_element_type3A_1037 : vector<64x1xf32> to vector<64x128xf32>
      %mul3A_1042 = arith.mulf %mul3A_1041, %convert_element_type3A_1040 : vector<64x128xf32>
      %add3A_1043 = arith.addf %add3A_1034, %mul3A_1042 : vector<64x128xf32>
      %div3A_1044 = arith.divf %exp3A_1021, %add3A_1023 : vector<64x1xf32>
      %convert_element_type3A_1045 = arith.truncf %div3A_1044 : vector<64x1xf32> to vector<64x1xbf16>
      %convert_element_type3A_1046 = arith.extf %convert_element_type3A_1045 : vector<64x1xbf16> to vector<64x1xf32>
      %slice3A_1047 = vector.extract_strided_slice %add3A_198 {offsets = [0, 384], sizes = [64, 128], strides = [1, 1]} : vector<64x512xf32> to vector<64x128xf32>
      %convert_element_type3A_1048 = arith.truncf %slice3A_1047 : vector<64x128xf32> to vector<64x128xbf16>
      %convert_element_type3A_1049 = arith.extf %convert_element_type3A_1048 : vector<64x128xbf16> to vector<64x128xf32>
      %mul3A_1050 = vector.broadcast %convert_element_type3A_1046 : vector<64x1xf32> to vector<64x128xf32>
      %mul3A_1051 = arith.mulf %mul3A_1050, %convert_element_type3A_1049 : vector<64x128xf32>
      %add3A_1052 = arith.addf %add3A_1043, %mul3A_1051 : vector<64x128xf32>
      %concatenate3A_1053 = tpu.concatenate %add3A_845, %add3A_914, %add3A_983, %add3A_1052 in 1 : vector<64x128xf32>, vector<64x128xf32>, vector<64x128xf32>, vector<64x128xf32> -> vector<64x512xf32>
      %get3A_1054 = arith.constant 0 : index
      %get3A_1055 = arith.constant 0 : index
      %get3A_1056 = vector.load %arg16[%get3A_1054, %get3A_1055] : memref<512x128xf32, #tpu.memory_space<vmem>>, vector<512x128xf32>
      %convert_element_type3A_1057 = arith.truncf %concatenate3A_1053 : vector<64x512xf32> to vector<64x512xbf16>
      %convert_element_type3A_1058 = arith.truncf %get3A_1056 : vector<512x128xf32> to vector<512x128xbf16>
      %dot_general3A_1059 = arith.constant dense<0.000000e+00> : vector<64x128xf32>
      %dot_general3A_1060 = tpu.matmul %convert_element_type3A_1057, %convert_element_type3A_1058, %dot_general3A_1059 {dimension_numbers = #tpu.dot_dimension_numbers<[1], [0], [0], [1], [0, 0, 1, 1], [], []>, transpose_lhs_hint = false} : vector<64x512xbf16>, vector<512x128xbf16>, vector<64x128xf32> -> vector<64x128xf32>
      %get3A_1061 = arith.constant 0 : index
      %get3A_1062 = arith.constant 0 : index
      %get3A_1063 = vector.load %arg17[%get3A_1061, %get3A_1062] : memref<1x128xf32, #tpu.memory_space<vmem>>, vector<1x128xf32>
      %add3A_1064 = vector.broadcast %get3A_1063 : vector<1x128xf32> to vector<64x128xf32>
      %add3A_1065 = arith.addf %dot_general3A_1060, %add3A_1064 : vector<64x128xf32>
      %add3A_1066 = arith.addf %add3A_776, %add3A_1065 : vector<64x128xf32>
      %get3A_1067 = arith.constant 0 : index
      %get3A_1068 = arith.constant 0 : index
      %get3A_1069 = vector.load %arg19[%get3A_1067, %get3A_1068] : memref<128x128xf32, #tpu.memory_space<vmem>>, vector<128x128xf32>
      %convert_element_type3A_1070 = arith.truncf %add3A_1066 : vector<64x128xf32> to vector<64x128xbf16>
      %convert_element_type3A_1071 = arith.truncf %get3A_1069 : vector<128x128xf32> to vector<128x128xbf16>
      %dot_general3A_1072 = arith.constant dense<0.000000e+00> : vector<64x128xf32>
      %dot_general3A_1073 = tpu.matmul %convert_element_type3A_1070, %convert_element_type3A_1071, %dot_general3A_1072 {dimension_numbers = #tpu.dot_dimension_numbers<[1], [0], [0], [1], [0, 0, 1, 1], [], []>, transpose_lhs_hint = false} : vector<64x128xbf16>, vector<128x128xbf16>, vector<64x128xf32> -> vector<64x128xf32>
      %get3A_1074 = arith.constant 0 : index
      %get3A_1075 = arith.constant 0 : index
      %get3A_1076 = vector.load %arg20[%get3A_1074, %get3A_1075] : memref<1x128xf32, #tpu.memory_space<vmem>>, vector<1x128xf32>
      %add3A_1077 = vector.broadcast %get3A_1076 : vector<1x128xf32> to vector<64x128xf32>
      %add3A_1078 = arith.addf %dot_general3A_1073, %add3A_1077 : vector<64x128xf32>
      %gt3A_1079 = arith.constant 0.000000e+00 : f32
      %gt3A_1080 = vector.broadcast %gt3A_1079 : f32 to vector<64x128xf32>
      %gt3A_1081 = arith.cmpf ogt, %add3A_1078, %gt3A_1080 : vector<64x128xf32>
      %mul3A_1082 = arith.constant 1.000000e-01 : f32
      %mul3A_1083 = vector.broadcast %mul3A_1082 : f32 to vector<64x128xf32>
      %mul3A_1084 = arith.mulf %mul3A_1083, %add3A_1078 : vector<64x128xf32>
      %select_n3A_1085 = arith.select %gt3A_1081, %add3A_1078, %mul3A_1084 : vector<64x128xi1>, vector<64x128xf32>
      %get3A_1086 = arith.constant 0 : index
      %get3A_1087 = arith.constant 0 : index
      %get3A_1088 = vector.load %arg21[%get3A_1086, %get3A_1087] : memref<128x128xf32, #tpu.memory_space<vmem>>, vector<128x128xf32>
      %convert_element_type3A_1089 = arith.truncf %select_n3A_1085 : vector<64x128xf32> to vector<64x128xbf16>
      %convert_element_type3A_1090 = arith.truncf %get3A_1088 : vector<128x128xf32> to vector<128x128xbf16>
      %dot_general3A_1091 = arith.constant dense<0.000000e+00> : vector<64x128xf32>
      %dot_general3A_1092 = tpu.matmul %convert_element_type3A_1089, %convert_element_type3A_1090, %dot_general3A_1091 {dimension_numbers = #tpu.dot_dimension_numbers<[1], [0], [0], [1], [0, 0, 1, 1], [], []>, transpose_lhs_hint = false} : vector<64x128xbf16>, vector<128x128xbf16>, vector<64x128xf32> -> vector<64x128xf32>
      %get3A_1093 = arith.constant 0 : index
      %get3A_1094 = arith.constant 0 : index
      %get3A_1095 = vector.load %arg22[%get3A_1093, %get3A_1094] : memref<1x128xf32, #tpu.memory_space<vmem>>, vector<1x128xf32>
      %add3A_1096 = vector.broadcast %get3A_1095 : vector<1x128xf32> to vector<64x128xf32>
      %add3A_1097 = arith.addf %dot_general3A_1092, %add3A_1096 : vector<64x128xf32>
      %swap3A_1098 = arith.constant 0 : index
      %swap3A_1099 = arith.constant 0 : index
      %swap3A_1100 = vector.load %arg23[%swap3A_1098, %swap3A_1099] : memref<64x128xf32, #tpu.memory_space<vmem>>, vector<64x128xf32>
      tpu.vector_store %arg23[%swap3A_1098, %swap3A_1099], %add3A_1097 {strides = array<i32>} : memref<64x128xf32, #tpu.memory_space<vmem>>, vector<64x128xf32>,
    } else {
    }
    return
  }
  func.func @transform_0(%arg0: i32) -> (i32, i32) {
    %c0_i32 = arith.constant 0 : i32
    %c0_i32_0 = arith.constant 0 : i32
    return %arg0, %c0_i32 : i32, i32
  }
  func.func @transform_1(%arg0: i32) -> (i32, i32) {
    %c0_i32 = arith.constant 0 : i32
    %c0_i32_0 = arith.constant 0 : i32
    return %arg0, %c0_i32 : i32, i32
  }
  func.func @transform_2(%arg0: i32) -> (i32, i32) {
    %c0_i32 = arith.constant 0 : i32
    %c0_i32_0 = arith.constant 0 : i32
    return %arg0, %c0_i32 : i32, i32
  }
  func.func @transform_3(%arg0: i32) -> (i32, i32) {
    %c0_i32 = arith.constant 0 : i32
    %c0_i32_0 = arith.constant 0 : i32
    %c0_i32_1 = arith.constant 0 : i32
    return %c0_i32, %c0_i32_0 : i32, i32
  }
  func.func @transform_4(%arg0: i32) -> (i32, i32) {
    %c0_i32 = arith.constant 0 : i32
    %c0_i32_0 = arith.constant 0 : i32
    %c0_i32_1 = arith.constant 0 : i32
    return %c0_i32, %c0_i32_0 : i32, i32
  }
  func.func @transform_5(%arg0: i32) -> (i32, i32) {
    %c0_i32 = arith.constant 0 : i32
    %c0_i32_0 = arith.constant 0 : i32
    %c0_i32_1 = arith.constant 0 : i32
    return %c0_i32, %c0_i32_0 : i32, i32
  }
  func.func @transform_6(%arg0: i32) -> (i32, i32) {
    %c0_i32 = arith.constant 0 : i32
    %c0_i32_0 = arith.constant 0 : i32
    %c0_i32_1 = arith.constant 0 : i32
    return %c0_i32, %c0_i32_0 : i32, i32
  }
  func.func @transform_7(%arg0: i32) -> (i32, i32) {
    %c0_i32 = arith.constant 0 : i32
    %c0_i32_0 = arith.constant 0 : i32
    %c0_i32_1 = arith.constant 0 : i32
    return %c0_i32, %c0_i32_0 : i32, i32
  }
  func.func @transform_8(%arg0: i32) -> (i32, i32) {
    %c0_i32 = arith.constant 0 : i32
    %c0_i32_0 = arith.constant 0 : i32
    %c0_i32_1 = arith.constant 0 : i32
    return %c0_i32, %c0_i32_0 : i32, i32
  }
  func.func @transform_9(%arg0: i32) -> (i32, i32) {
    %c0_i32 = arith.constant 0 : i32
    %c0_i32_0 = arith.constant 0 : i32
    %c0_i32_1 = arith.constant 0 : i32
    return %c0_i32, %c0_i32_0 : i32, i32
  }
  func.func @transform_10(%arg0: i32) -> (i32, i32) {
    %c0_i32 = arith.constant 0 : i32
    %c0_i32_0 = arith.constant 0 : i32
    %c0_i32_1 = arith.constant 0 : i32
    return %c0_i32, %c0_i32_0 : i32, i32
  }
  func.func @transform_11(%arg0: i32) -> (i32, i32) {
    %c0_i32 = arith.constant 0 : i32
    %c0_i32_0 = arith.constant 0 : i32
    %c0_i32_1 = arith.constant 0 : i32
    return %c0_i32, %c0_i32_0 : i32, i32
  }
  func.func @transform_12(%arg0: i32) -> (i32, i32) {
    %c0_i32 = arith.constant 0 : i32
    %c0_i32_0 = arith.constant 0 : i32
    %c0_i32_1 = arith.constant 0 : i32
    return %c0_i32, %c0_i32_0 : i32, i32
  }
  func.func @transform_13(%arg0: i32) -> (i32, i32) {
    %c0_i32 = arith.constant 0 : i32
    %c0_i32_0 = arith.constant 0 : i32
    %c0_i32_1 = arith.constant 0 : i32
    return %c0_i32, %c0_i32_0 : i32, i32
  }
  func.func @transform_14(%arg0: i32) -> (i32, i32) {
    %c0_i32 = arith.constant 0 : i32
    %c0_i32_0 = arith.constant 0 : i32
    %c0_i32_1 = arith.constant 0 : i32
    return %c0_i32, %c0_i32_0 : i32, i32
  }
  func.func @transform_15(%arg0: i32) -> (i32, i32) {
    %c0_i32 = arith.constant 0 : i32
    %c0_i32_0 = arith.constant 0 : i32
    %c0_i32_1 = arith.constant 0 : i32
    return %c0_i32, %c0_i32_0 : i32, i32
  }
  func.func @transform_16(%arg0: i32) -> (i32, i32) {
    %c0_i32 = arith.constant 0 : i32
    %c0_i32_0 = arith.constant 0 : i32
    %c0_i32_1 = arith.constant 0 : i32
    return %c0_i32, %c0_i32_0 : i32, i32
  }
  func.func @transform_17(%arg0: i32) -> (i32, i32) {
    %c0_i32 = arith.constant 0 : i32
    %c0_i32_0 = arith.constant 0 : i32
    %c0_i32_1 = arith.constant 0 : i32
    return %c0_i32, %c0_i32_0 : i32, i32
  }
  func.func @transform_18(%arg0: i32) -> (i32, i32) {
    %c0_i32 = arith.constant 0 : i32
    %c0_i32_0 = arith.constant 0 : i32
    %c0_i32_1 = arith.constant 0 : i32
    return %c0_i32, %c0_i32_0 : i32, i32
  }
  func.func @transform_19(%arg0: i32) -> (i32, i32) {
    %c0_i32 = arith.constant 0 : i32
    %c0_i32_0 = arith.constant 0 : i32
    %c0_i32_1 = arith.constant 0 : i32
    return %c0_i32, %c0_i32_0 : i32, i32
  }
  func.func @transform_20(%arg0: i32) -> (i32, i32) {
    %c0_i32 = arith.constant 0 : i32
    %c0_i32_0 = arith.constant 0 : i32
    %c0_i32_1 = arith.constant 0 : i32
    return %c0_i32, %c0_i32_0 : i32, i32
  }
  func.func @transform_21(%arg0: i32) -> (i32, i32) {
    %c0_i32 = arith.constant 0 : i32
    %c0_i32_0 = arith.constant 0 : i32
    %c0_i32_1 = arith.constant 0 : i32
    return %c0_i32, %c0_i32_0 : i32, i32
  }
  func.func @transform_22(%arg0: i32) -> (i32, i32) {
    %c0_i32 = arith.constant 0 : i32
    %c0_i32_0 = arith.constant 0 : i32
    %c0_i32_1 = arith.constant 0 : i32
    return %c0_i32, %c0_i32_0 : i32, i32
  }
}

</mosaic_0001>

<sc_bundles>
// kernel: gather_offload_async_start.1
scs
__scs_entry_jumppad:
0x0: {  	(pc) =	sbr.rel $0x88, $3  }
0x1: {  	(tag) =	ssettag $0x0;
	lr =	simm.s32 $0x1  }
0x2: {  	[smem:$0x3F82] =	sst lr;
	_ =	strace $0xD0000000  }
0x3: {  	_ = 	snop  }
0x4: {  	_ = 	snop  }
0x5: {  	_ = 	snop  }
0x6: {  	_ = 	snop  }
0x7: {  	_ = 	snop  }
__scs_overlays_trampoline_lowered:
0x8: {  	[smem:$0x3F91] =	sst s0  }
0x9: {  	[smem:$0x3F92] =	sst s1  }
0xa: {  	[smem:$0x3F93] =	sst s2  }
0xb: {  	[smem:$0x3F94] =	sst s3  }
0xc: {  	[smem:$0x3F95] =	sst s4  }
0xd: {  	[smem:$0x3F96] =	sst s5  }
0xe: {  	[smem:$0x3F97] =	sst s6  }
0xf: {  	[smem:$0x3F98] =	sst s7  }
0x10: {  	[smem:$0x3F99] =	sst s8  }
0x11: {  	[smem:$0x3F9A] =	sst s9;
	s0 =	simm.s32 @!p0 $0x0  }
0x12: {  	s1 =	sld [smem:$0x3F80];
	s0 =	simm.s32 @p0 $0x1  }
0x13: {  	[smem:$0x3F9B] =	sst s0;
	s0 =	simm.s32 @!p1 $0x0  }
0x14: {  	s2 =	sld [smem:$0x3F7F];
	s0 =	simm.s32 @p1 $0x1  }
0x15: {  	[smem:$0x3F9C] =	sst s0;
	s0 =	simm.s32 @!p2 $0x0  }
0x16: {  	s3 =	sld [smem:$0x3FDB];
	s0 =	simm.s32 @p2 $0x1  }
0x17: {  	s4 =	simm.s32 $0x1BF5;
	[smem:$0x3F9E] =	sst s0  }
0x18: {  	s0 =	sld [smem:$0x3F81];
	_ =	swait.ge [sflag:s4], $0x0  }
0x19: {  	s7 =	sld [smem:$0x3F82]  }
0x1a: {  	s8 =	sadd.s32 $0xFFFFE003, lr  }
0x1b: {  	s9 =	sadd.s32 $0xFFFFFEF7, lr;
	s5 =	simm.s32 $0xFFFFFFFF;
	p2 =	slt.u32 s8, $0xFFFFF086  }
0x1c: {  	p1 =	slt.u32 s9, $0xF7A;
	s5 =	simm.s32 @!p2 $0x0  }
0x1d: {  	s5 =	simm.s32 @p1 $0x1;
	p0 =	seq.s32 s7, s2  }
0x1e: {  	s7 =	smul.u32 @!p0 $0xF7A, s2;
	p2 =	seq.s32 @!p0 s5, $0x0  }
0x1f: {  	s9 =	smul.u32 $0xF7A, s1;
	s8 =	simm.s32 @!p0 $0x1BF5;
	p2 =	por !p2, p0  }
0x20: {  	[sflag:s8] =	ssyncset.s32 @!p0 $0xFFFFF086;
	s6 =	sadd.s32 @!p0 s3, s7;
	s7 =	simm.s32 @!p0 $0x108  }
0x21: {  	s3 =	sadd.s32 s3, s9;
	s6 =	sadd.s32 @!p0 $0x88, s6;
	s7 =	simm.s32 @p2 $0x1082  }
0x22: {  	[simem:s7], [sflag:s8] =	dma.local @!p0 [hbm:s6], $0xF7A  }
0x23: {  	s9 =	sor.u32 $0xD0000000, s2;
	s6 =	simm.s32 $0x108;
	_ =	swait.ge @!p0 [sflag:s8], $0x0  }
0x24: {  	s3 =	sadd.s32 $0x88, s3;
	s6 =	simm.s32 @!p1 $0x1082;
	[sflag:s4] =	ssyncset.s32 $0xFFFFF086  }
0x25: {  	[simem:s6], [sflag:s4] =	dma.local [hbm:s3], $0xF7A  }
0x26: {  	[smem:$0x3F82] =	sst s1;
	(tag) =	ssettag s2;
	_ =	strace s9  }
0x27: {  	s1 =	sld [smem:$0x3F92]  }
0x28: {  	s2 =	sld [smem:$0x3F93]  }
0x29: {  	s4 =	sld [smem:$0x3F95]  }
0x2a: {  	p0 =	seq.s32 s5, $0x0;
	s5 =	sld [smem:$0x3F96]  }
0x2b: {  	s6 =	sld [smem:$0x3F97]  }
0x2c: {  	s7 =	sld [smem:$0x3F98]  }
0x2d: {  	s3 =	simm.s32 $0x108;
	s8 =	sld [smem:$0x3F99]  }
0x2e: {  	s3 =	simm.s32 @!p0 $0x1082;
	s9 =	sld [smem:$0x3F9A]  }
0x2f: {  	lr =	sadd.s32 s0, s3;
	s0 =	sld [smem:$0x3F91]  }
0x30: {  	s3 =	sld [smem:$0x3F94]  }
0x31: {  	[smem:$0x3F9D] =	sst s10  }
0x32: {  	s10 =	sld [smem:$0x3F9B];
	_ =	sdelay $0x3  }
0x33: {  	p0 =	seq.s32 s10, $0x1;
	s10 =	sld [smem:$0x3F9D];
	_ =	sdelay $0x3  }
0x34: {  	[smem:$0x3F9D] =	sst s10  }
0x35: {  	s10 =	sld [smem:$0x3F9C];
	_ =	sdelay $0x3  }
0x36: {  	p1 =	seq.s32 s10, $0x1;
	s10 =	sld [smem:$0x3F9D];
	_ =	sdelay $0x3  }
0x37: {  	[smem:$0x3F9D] =	sst s10  }
0x38: {  	s10 =	sld [smem:$0x3F9E]  }
0x39: {  	_ = 	snop;
	(pc) =	sbr.ind lr, $3  }
0x3a: {  	_ = 	snop  }
0x3b: {  	_ = 	snop  }
0x3c: {  	p2 =	seq.s32 s10, $0x1;
	s10 =	sld [smem:$0x3F9D]  }
0x3d: {  	_ =	shalt  }
0x3e: {  	_ =	shalt  }
0x3f: {  	_ =	shalt  }
0x40: {  	_ =	shalt  }
0x41: {  	_ =	shalt  }
0x42: {  	_ =	shalt  }
0x43: {  	_ =	shalt  }
0x44: {  	_ =	shalt  }
0x45: {  	_ =	shalt  }
0x46: {  	_ =	shalt  }
0x47: {  	_ =	shalt  }
0x48: {  	_ =	shalt  }
0x49: {  	_ =	shalt  }
0x4a: {  	_ =	shalt  }
0x4b: {  	_ =	shalt  }
0x4c: {  	_ =	shalt  }
0x4d: {  	_ =	shalt  }
0x4e: {  	_ =	shalt  }
0x4f: {  	_ =	shalt  }
0x50: {  	_ =	shalt  }
0x51: {  	_ =	shalt  }
0x52: {  	_ =	shalt  }
0x53: {  	_ =	shalt  }
0x54: {  	_ =	shalt  }
0x55: {  	_ =	shalt  }
0x56: {  	_ =	shalt  }
0x57: {  	_ =	shalt  }
0x58: {  	_ =	shalt  }
0x59: {  	_ =	shalt  }
0x5a: {  	_ =	shalt  }
0x5b: {  	_ =	shalt  }
0x5c: {  	_ =	shalt  }
0x5d: {  	_ =	shalt  }
0x5e: {  	_ =	shalt  }
0x5f: {  	_ =	shalt  }
0x60: {  	_ =	shalt  }
0x61: {  	_ =	shalt  }
0x62: {  	_ =	shalt  }
0x63: {  	_ =	shalt  }
0x64: {  	_ =	shalt  }
0x65: {  	_ =	shalt  }
0x66: {  	_ =	shalt  }
0x67: {  	_ =	shalt  }
0x68: {  	_ =	shalt  }
0x69: {  	_ =	shalt  }
0x6a: {  	_ =	shalt  }
0x6b: {  	_ =	shalt  }
0x6c: {  	_ =	shalt  }
0x6d: {  	_ =	shalt  }
0x6e: {  	_ =	shalt  }
0x6f: {  	_ =	shalt  }
0x70: {  	_ =	shalt  }
0x71: {  	_ =	shalt  }
0x72: {  	_ =	shalt  }
0x73: {  	_ =	shalt  }
0x74: {  	_ =	shalt  }
0x75: {  	_ =	shalt  }
0x76: {  	_ =	shalt  }
0x77: {  	_ =	shalt  }
0x78: {  	_ =	shalt  }
0x79: {  	_ =	shalt  }
0x7a: {  	_ =	shalt  }
0x7b: {  	_ =	shalt  }
0x7c: {  	_ =	shalt  }
0x7d: {  	_ =	shalt  }
0x7e: {  	_ =	shalt  }
0x7f: {  	_ =	shalt  }
0x80: {  	_ =	shalt  }
0x81: {  	_ =	shalt  }
0x82: {  	_ =	shalt  }
0x83: {  	_ =	shalt  }
0x84: {  	_ =	shalt  }
0x85: {  	_ =	shalt  }
0x86: {  	_ =	shalt  }
0x87: {  	_ =	shalt  }
.Lfunc_end0:
.L_simem_size_0:
called_computation.1_lowered:
.L_overlay_start_0:
0x88: {  	s2 =	sld [smem:$0x3FD9]  }
0x89: {  	s3 =	sld [smem:$0x3FFE];
	_ =	sdelay $0x1  }
0x8a: {  	s1 =	srdreg.scid  }
0x8b: {  	s0 =	sand.u32 $0x1, s1  }
0x8c: {  	s16 =	sshll.u32 s0, $0xA;
	s2 =	sadd.s32 s3, s2  }
0x8d: {  	s2 =	sadd.s32 s2, s16  }
0x8e: {  	[smem:$0x3FA9] =	sst s2  }
0x8f: {  	_ = 	snop  }
0x90: {  	(tm) =	ssettm $0x1  }
0x91: {  	s17 =	sld [smem:$0x3FFB];
	_ =	sdelay $0x3  }
0x92: {  	_ =	strace s17  }
0x93: {  	s2 =	sld [smem:$0x3FFC];
	_ =	sdelay $0x3  }
0x94: {  	_ =	strace s2  }
0x95: {  	s2 =	sld [smem:$0x3FFD];
	_ =	sdelay $0x3  }
0x96: {  	_ =	strace s2  }
0x97: {  	_ =	strace $0x8FFFFFFF  }
0x98: {  	s18 =	sld [smem:$0x3FDB];
	_ =	sdelay $0x1  }
0x99: {  	s19 =	simm.s32 $_scs_section_size  }
0x9a: {  	s4 =	simm.s32 $_size__tile_overlayer_lowered;
	s5 =	simm.s32 $_tile_overlayer_lowered  }
0x9b: {  	s22 =	simm.s32 $0x1BFF;
	s21 =	sshll.u32 s5, $0x1;
	s2 =	sadd.s32 s19, s18  }
0x9c: {  	s6 =	simm.s32 $0x0;
	s20 =	sshll.u32 s4, $0x1;
	s4 =	sadd.s32 s21, s2  }
0x9d: {  	[timem:s6], [sflag:s22] =	dma.local [hbm:s4], s20  }
0x9e: {  	_ =	swait.ge [sflag:s22], s20  }
0x9f: {  	s3 =	ssub.s32 $0x0, s20;
	[sflag:s22] =	ssyncset.done $0x0  }
0xa0: {  	[sflag:s22] =	ssyncadd.s32 s3;
	_ =	sdelay $0x1  }
0xa1: {  	s23 =	simm.s32 $0x1B8B  }
0xa2: {  	_ =	swait.ge [sflag:s23], $0x1  }
0xa3: {  	[sflag:s23] =	ssyncset.done $0x0  }
0xa4: {  	s25 =	simm.s32 $0x1B8E;
	s24 =	sld [smem:$0x3FFE];
	[sflag:s23] =	ssyncadd.s32 $0xFFFFFFFF  }
0xa5: {  	s26 =	simm.s32 $execute0_lowered;
	[smem:$0x3FD2] =	sst s25  }
0xa6: {  	s4 =	sshll.u32 s26, $0x1;
	_ =	strace $0x80000049;
	[dreg:$0x1] =	wrdreg $0xFFFFFFFF  }
0xa7: {  	s28 =	simm.s32 $_size_execute0_lowered;
	s2 =	sadd.s32 s2, s4;
	[dreg:$0x0] =	wrdreg $0x0  }
0xa8: {  	s4 =	sshll.u32 s28, $0x1;
	[dreg:$0x2] =	wrdreg s2  }
0xa9: {  	[dreg:$0x3] =	wrdreg s4  }
0xaa: {  	[dreg:$0x4] =	wrdreg $0xC0  }
0xab: {  	_ =	task [dreg:s6], $0x5FFFF  }
0xac: {  	[dreg:$0x1] =	wrdreg $0xFFFFFFFF  }
0xad: {  	[dreg:$0x0] =	wrdreg $0x60  }
0xae: {  	[dreg:$0x2] =	wrdreg s24  }
0xaf: {  	[dreg:$0x3] =	wrdreg $0x9  }
0xb0: {  	_ =	task.clear_ibuf [dreg:s6], $0x4FFFF;
	_ =	strace $0x90000049  }
0xb1: {  	s29 =	simm.s32 $0x9;
	_ =	strace $0x8000004B  }
0xb2: {  	_ =	swait.ge [sflag:s29], $0x1  }
0xb3: {  	[sflag:s29] =	ssyncadd.s32 $0xFFFFFFFF  }
0xb4: {  	_ =	strace $0x9000004B  }
0xb5: {  	_ =	sfence  }
0xb6: {  	s30 =	sld [smem:$0x0];
	_ =	sdelay $0x2  }
0xb7: {  	s31 =	sshll.u32 s1, $0xD;
	s1 =	sshrl.u32 s1, $0x2  }
0xb8: {  	s3 =	sand.u32 $0x4000, s31;
	s1 =	sadd.s32 s1, s30  }
0xb9: {  	s0 =	sor.u32 s3, s0;
	s1 =	sshll.u32 s1, $0x11  }
0xba: {  	s0 =	sor.u32 s1, s0  }
0xbb: {  	s0 =	sadd.s32 $0x8F2B, s0  }
0xbc: {  	[sflag:s0] =	ssyncadd.remote.s32 $0x1  }
0xbd: {  	_ =	sfence.sel $0xFFFF  }
0xbe: {  	[dreg:$0x0] =	wrdreg $0xFFFFFFFF;
	(pc) =	sbr.abs _section_cstart, $3  }
0xbf: {  	[dreg:$0x1] =	wrdreg $0xFFFFFFFF  }
0xc0: {  	_ =	task.clear_ibuf [dreg:s6], $0x2FFFF;
	_ =	strace $0x9FFFFFFF  }
0xc1: {  	(tm) =	ssettm $0x7FFFFFFF  }
tec
execute0_lowered:
.L_overlay_start_1:
0x0: {  	(tag) =	ssettag $0x1  }
0x1: {  	s0 =	stileid.u32;
	s1 =	srdreg.scid  }
0x2: {  	s1 =	sand.u32 $0x1, s1;
	s2 =	sshll.u32 s0, $0x1  }
0x3: {  	s1 =	sor.u32 s2, s1  }
0x4: {  	s2 =	smul.u32 $0x13A0, s1;
	_ =	sdelay $0x1  }
0x5: {  	s6 =	ssub.s32 $0x4E800, s2  }
0x6: {  	s31 =	smulhi.u32 $0x685B5, s6  }
0x7: {  	s8 =	rddreg [dreg:$0x0];
	s5 =	simm.s32 $0x1;
	s10 =	simm.s32 $0x3  }
0x8: {  	s13 =	simm.s32 $0x0;
	s12 =	simm.s32 $0x0;
	s7 =	sshrl.u32 s31, $0x4  }
0x9: {  	s3 =	sadd.s32 $0x7400, s8;
	s4 =	sadd.s32 $0x11200, s8;
	s9 =	smul.u32 $0x27400, s7  }
.Ltmp0:
0xa: {  	s8 =	sadd.s32 $0x7D400, s8;
	s1 =	rddreg [dreg:$0x1];
	(pc) =	sbr.rel .LBB2_1-.Ltmp0, $4  }
0xb: {  	_ =	strace $0x8000004A;
	p0 =	sne.s32 s6, s9;
	s9 =	simm.s32 $0x1  }
0xc: {  	[sflag:s5] =	ssyncpa.u1 $0x0;
	s6 =	simm.s32 $0x2;
	s9 =	simm.s32 @!p0 $0x0  }
0xd: {  	s11 =	smov.u32 s2;
	[sflag:s6] =	ssyncpa.u1 $0x0;
	s7 =	sadd.s32 s9, s7  }
0xe: {  	vm0 =	vmmov $0xffff;
	[sflag:s10] =	ssyncpa.u1 $0x0;
	s10 =	simm.s32 $0x0;
	s9 =	sadd.s32 $0x1, s7  }
.LBB2_4:
0xf: {  	v2 =	vnsel vm1, $0x0, v2  }
0x10: {  	vm1 =	vgt.s32 v0, $0x0;
	v2 =	vmin.u32 v2, $0x4E7FF  }
0x11: {  	v0 =	vnsel vm1, $0x0, v0  }
0x12: {  	v0 =	vmin.u32 v0, $0x4E7FF  }
0x13: {  	[tilespmem:s18], [sflag:$0x1] =	stream.indirect_vreg.gather [hbm4b:s3+s10], $0x1, v1, vm0, $0x4038;
	[tilespmem:$0x4E80] =	vst v63  }
0x14: {  	(ifvalue) =	ssetifvalue $0x7FFFFFFF  }
0x15: {  	[tilespmem:s15], [sflag:$0x1] =	stream.indirect_vreg.gather [hbm4b:s3+s10], $0x1, v2, vm0, $0x4038;
	[tilespmem:$0x4E80] =	vst v63  }
0x16: {  	s29 =	sadd.s32 $0x10, s15;
	(ifvalue) =	ssetifvalue $0x7FFFFFFF  }
0x17: {  	[tilespmem:s29], [sflag:$0x1] =	stream.indirect_vreg.gather [hbm4b:s3+s10], $0x1, v0, vm0, $0x4038;
	[tilespmem:$0x4E80] =	vst v63  }
0x18: {  	_ =	swait.ge [sflag:s5], $0x13A0  }
0x19: {  	s30 =	sshrl.u32 s13, $0x3;
	[sflag:s5] =	ssyncset.done $0x0  }
0x1a: {  	s31 =	sand.u32 $0x7, s13;
	s15 =	sadd.s32 s8, s30;
	[sflag:s5] =	ssyncadd.s32 $0xFFFFEC60  }
0x1b: {  	[hbm4b:s15+s31] =	stream.linear.scatter [tilespmem:s14], [sflag:$0x3], $0x13A0, $0x38;
	[tilespmem:$0x4E80] =	vst v63  }
.LBB2_5:
0x1c: {  	s15 =	sadd.s32 $0x27400, s11  }
0x1d: {  	p1 =	sgt.s32 s15, $0x4E7FF  }
0x1e: {  	s15 =	smov.u32 @p1 s2;
	p1 =	sne.s32 s12, s9  }
.Ltmp1:
0x1f: {  	p0 =	slt.u32 s12, $0x2;
	(pc) =	sbr.rel @!p1 .LBB2_6-.Ltmp1, $4  }
0x20: {  	s14 =	simm.s32 @!p0 $0x3  }
0x21: {  	_ =	swait.ge @!p0 [sflag:s14], $0x13A0  }
0x22: {  	s16 =	sadd.s32 $0x1, s12;
	s13 =	smov.u32 s11;
	[sflag:s14] =	ssyncset.done @!p0 $0x0  }
0x23: {  	s12 =	smov.u32 s16;
	s11 =	smov.u32 s15;
	[sflag:s14] =	ssyncadd.s32 @!p0 $0xFFFFEC60  }
.LBB2_1:
0x24: {  	p0 =	sge.u32 s12, s7  }
0x25: {  	s14 =	sxor.u32 @!p0 $0xFFFFFFFF, s12  }
0x26: {  	s14 =	sand.u32 @!p0 $0x1, s14  }
0x27: {  	s14 =	smul.u32 @!p0 $0x4E80, s14  }
0x28: {  	s31 =	sadd.s32 $0xFFFFFFFF, s12;
	s15 =	sshrl.u32 @!p0 s11, $0x3  }
0x29: {  	s16 =	sand.u32 @!p0 $0x7, s11;
	s15 =	sadd.s32 @!p0 s4, s15;
	s14 =	sshrl.u32 @!p0 s14, $0x2  }
0x2a: {  	[tilespmem:s14], [sflag:$0x2] =	stream.linear.gather @!p0 [hbm4b:s15+s16], $0x13A0, $0x38;
	[tilespmem:$0x4E80] =	vst v63  }
0x2b: {  	p0 =	sge.u32 s31, s7  }
.Ltmp2:
0x2c: {  	_ = 	snop;
	(pc) =	sbr.rel @p0 .LBB2_5-.Ltmp2, $1  }
0x2d: {  	_ =	sdelay $0x3  }
0x2e: {  	s14 =	sand.u32 $0x1, s12  }
0x2f: {  	_ =	swait.ge [sflag:s6], $0x13A0;
	p0 =	seq.s32 s14, $0x1;
	s14 =	simm.s32 $0x13A0  }
0x30: {  	[sflag:s6] =	ssyncset.done $0x0;
	s14 =	simm.s32 @!p0 $0x0  }
0x31: {  	[sflag:s6] =	ssyncadd.s32 $0xFFFFEC60;
	(ifvalue) =	ssetifvalue $0x7FFFFFFF;
	v0 =	vld.msk [tilespmem:s14+$0x0 ss:$0x1], $0xffff;
	_ =	sdelay $0x4  }
0x32: {  	s15 =	sadd.s32 $0x10, s14;
	vm1 =	vgt.s32 v0, $0x0  }
0x33: {  	v2 =	vld.msk [tilespmem:s15+$0x0 ss:$0x1], $0xffff;
	v1 =	vnsel vm1, $0x0, v0  }
0x34: {  	v1 =	vmin.u32 v1, $0x4E7FF;
	_ =	sdelay $0x2  }
0x35: {  	s17 =	simm.s32 $0x20;
	s14 =	sadd.s32 $0x2740, s14;
	s16 =	sadd.s32 $0x10, s15  }
0x36: {  	s15 =	sadd.s32 $0x10, s14;
	s18 =	smov.u32 s14;
	v0 =	vld.msk [tilespmem:s16+$0x0 ss:$0x1], $0xffff;
	vm1 =	vgt.s32 v2, $0x0;
	(ifvalue) =	ssetifvalue $0x7FFFFFFF  }
.LBB2_3:
0x37: {  	[tilespmem:s18], [sflag:$0x1] =	stream.indirect_vreg.gather [hbm4b:s3+s10], $0x1, v1, vm0, $0x4038;
	[tilespmem:$0x4E80] =	vst v63  }
0x38: {  	s17 =	sadd.s32 $0x10, s17  }
0x39: {  	v2 =	vnsel vm1, $0x0, v2;
	p0 =	slt.u32 s17, $0x1390  }
.Ltmp3:
0x3a: {  	s18 =	smov.u32 s15;
	v1 =	vmin.u32 v2, $0x4E7FF;
	(pc) =	sbr.rel @p0 .LBB2_3-.Ltmp3, $3  }
0x3b: {  	_ =	sdelay $0x1  }
0x3c: {  	s16 =	sadd.s32 $0x10, s16  }
0x3d: {  	vm1 =	vgt.s32 v0, $0x0;
	s15 =	sadd.s32 $0x10, s15;
	v2 =	vmov v0;
	(ifvalue) =	ssetifvalue $0x7FFFFFFF;
	v0 =	vld.msk [tilespmem:s16+$0x0 ss:$0x1], $0xffff  }
.Ltmp4:
0x3e: {  	_ = 	snop;
	(pc) =	sbr.rel .LBB2_4-.Ltmp4, $1  }
0x3f: {  	_ =	sdelay $0x3  }
.LBB2_6:
0x40: {  	_ =	sfence.sel $0x180000  }
0x41: {  	s2 =	simm.s32 $0x2;
	[bflag:$0x0] =	sbarrier.arrive $0xFFFF  }
0x42: {  	s30 =	simm.s32 $0x3;
	[sflag:s2] =	ssyncpa.u1 $0x1  }
0x43: {  	s31 =	simm.s32 $0x1;
	[sflag:s30] =	ssyncpa.u1 $0x1  }
0x44: {  	[sflag:s31] =	ssyncpa.u1 $0x1  }
0x45: {  	p0 =	sne.s32 s0, $0x0;
	_ =	strace $0x9000004A  }
0x46: {  	s0 =	sadd.s32 @!p0 $0x100000, s1;
	[bflag:$0x2] =	sbarrier.arrive $0xFFFF  }
0x47: {  	[sflag:s0] =	ssyncadd.tile.s32 @!p0 $0x1;
	_ =	shalt  }
.Lfunc_end2:
_tile_overlayer_lowered:
.L_overlay_start_2:
0x48: {  	(tag) =	ssettag $0x2  }
0x49: {  	s0 =	rddreg [dreg:$0x0];
	s2 =	stileid.u32  }
0x4a: {  	s1 =	rddreg [dreg:$0x1];
	p0 =	sne.s32 s2, $0x0  }
0x4b: {  	s3 =	rddreg [dreg:$0x2];
	[bflag:$0x3] =	sbarrier.arrive $0xFFFF;
	s2 =	simm.s32 @!p0 $0x1C01  }
0x4c: {  	[timem:s3], [sflag:s2] =	dma.local @!p0 [hbm:s0], s1  }
0x4d: {  	s0 =	simm.s32 @!p0 $0x1  }
0x4e: {  	_ =	swait.ge @!p0 [sflag:s0], s1  }
0x4f: {  	s1 =	ssub.s32 @!p0 $0x0, s1;
	[sflag:s0] =	ssyncset.done @!p0 $0x0  }
0x50: {  	[sflag:s0] =	ssyncadd.s32 @!p0 s1  }
0x51: {  	[bflag:$0x3] =	sbarrier.arrive $0xFFFF  }
0x52: {  	_ =	shalt  }

// kernel: gather_offload_async_start
scs
__scs_entry_jumppad:
0x0: {  	(pc) =	sbr.rel $0x88, $3  }
0x1: {  	(tag) =	ssettag $0x0;
	lr =	simm.s32 $0x1  }
0x2: {  	[smem:$0x3F82] =	sst lr;
	_ =	strace $0xD0000000  }
0x3: {  	_ = 	snop  }
0x4: {  	_ = 	snop  }
0x5: {  	_ = 	snop  }
0x6: {  	_ = 	snop  }
0x7: {  	_ = 	snop  }
__scs_overlays_trampoline_lowered:
0x8: {  	[smem:$0x3F91] =	sst s0  }
0x9: {  	[smem:$0x3F92] =	sst s1  }
0xa: {  	[smem:$0x3F93] =	sst s2  }
0xb: {  	[smem:$0x3F94] =	sst s3  }
0xc: {  	[smem:$0x3F95] =	sst s4  }
0xd: {  	[smem:$0x3F96] =	sst s5  }
0xe: {  	[smem:$0x3F97] =	sst s6  }
0xf: {  	[smem:$0x3F98] =	sst s7  }
0x10: {  	[smem:$0x3F99] =	sst s8  }
0x11: {  	[smem:$0x3F9A] =	sst s9;
	s0 =	simm.s32 @!p0 $0x0  }
0x12: {  	s1 =	sld [smem:$0x3F80];
	s0 =	simm.s32 @p0 $0x1  }
0x13: {  	[smem:$0x3F9B] =	sst s0;
	s0 =	simm.s32 @!p1 $0x0  }
0x14: {  	s2 =	sld [smem:$0x3F7F];
	s0 =	simm.s32 @p1 $0x1  }
0x15: {  	[smem:$0x3F9C] =	sst s0;
	s0 =	simm.s32 @!p2 $0x0  }
0x16: {  	s3 =	sld [smem:$0x3FDB];
	s0 =	simm.s32 @p2 $0x1  }
0x17: {  	s4 =	simm.s32 $0x1BF5;
	[smem:$0x3F9E] =	sst s0  }
0x18: {  	s0 =	sld [smem:$0x3F81];
	_ =	swait.ge [sflag:s4], $0x0  }
0x19: {  	s7 =	sld [smem:$0x3F82]  }
0x1a: {  	s8 =	sadd.s32 $0xFFFFE003, lr  }
0x1b: {  	s9 =	sadd.s32 $0xFFFFFEF7, lr;
	s5 =	simm.s32 $0xFFFFFFFF;
	p2 =	slt.u32 s8, $0xFFFFF086  }
0x1c: {  	p1 =	slt.u32 s9, $0xF7A;
	s5 =	simm.s32 @!p2 $0x0  }
0x1d: {  	s5 =	simm.s32 @p1 $0x1;
	p0 =	seq.s32 s7, s2  }
0x1e: {  	s7 =	smul.u32 @!p0 $0xF7A, s2;
	p2 =	seq.s32 @!p0 s5, $0x0  }
0x1f: {  	s9 =	smul.u32 $0xF7A, s1;
	s8 =	simm.s32 @!p0 $0x1BF5;
	p2 =	por !p2, p0  }
0x20: {  	[sflag:s8] =	ssyncset.s32 @!p0 $0xFFFFF086;
	s6 =	sadd.s32 @!p0 s3, s7;
	s7 =	simm.s32 @!p0 $0x108  }
0x21: {  	s3 =	sadd.s32 s3, s9;
	s6 =	sadd.s32 @!p0 $0x88, s6;
	s7 =	simm.s32 @p2 $0x1082  }
0x22: {  	[simem:s7], [sflag:s8] =	dma.local @!p0 [hbm:s6], $0xF7A  }
0x23: {  	s9 =	sor.u32 $0xD0000000, s2;
	s6 =	simm.s32 $0x108;
	_ =	swait.ge @!p0 [sflag:s8], $0x0  }
0x24: {  	s3 =	sadd.s32 $0x88, s3;
	s6 =	simm.s32 @!p1 $0x1082;
	[sflag:s4] =	ssyncset.s32 $0xFFFFF086  }
0x25: {  	[simem:s6], [sflag:s4] =	dma.local [hbm:s3], $0xF7A  }
0x26: {  	[smem:$0x3F82] =	sst s1;
	(tag) =	ssettag s2;
	_ =	strace s9  }
0x27: {  	s1 =	sld [smem:$0x3F92]  }
0x28: {  	s2 =	sld [smem:$0x3F93]  }
0x29: {  	s4 =	sld [smem:$0x3F95]  }
0x2a: {  	p0 =	seq.s32 s5, $0x0;
	s5 =	sld [smem:$0x3F96]  }
0x2b: {  	s6 =	sld [smem:$0x3F97]  }
0x2c: {  	s7 =	sld [smem:$0x3F98]  }
0x2d: {  	s3 =	simm.s32 $0x108;
	s8 =	sld [smem:$0x3F99]  }
0x2e: {  	s3 =	simm.s32 @!p0 $0x1082;
	s9 =	sld [smem:$0x3F9A]  }
0x2f: {  	lr =	sadd.s32 s0, s3;
	s0 =	sld [smem:$0x3F91]  }
0x30: {  	s3 =	sld [smem:$0x3F94]  }
0x31: {  	[smem:$0x3F9D] =	sst s10  }
0x32: {  	s10 =	sld [smem:$0x3F9B];
	_ =	sdelay $0x3  }
0x33: {  	p0 =	seq.s32 s10, $0x1;
	s10 =	sld [smem:$0x3F9D];
	_ =	sdelay $0x3  }
0x34: {  	[smem:$0x3F9D] =	sst s10  }
0x35: {  	s10 =	sld [smem:$0x3F9C];
	_ =	sdelay $0x3  }
0x36: {  	p1 =	seq.s32 s10, $0x1;
	s10 =	sld [smem:$0x3F9D];
	_ =	sdelay $0x3  }
0x37: {  	[smem:$0x3F9D] =	sst s10  }
0x38: {  	s10 =	sld [smem:$0x3F9E]  }
0x39: {  	_ = 	snop;
	(pc) =	sbr.ind lr, $3  }
0x3a: {  	_ = 	snop  }
0x3b: {  	_ = 	snop  }
0x3c: {  	p2 =	seq.s32 s10, $0x1;
	s10 =	sld [smem:$0x3F9D]  }
0x3d: {  	_ =	shalt  }
0x3e: {  	_ =	shalt  }
0x3f: {  	_ =	shalt  }
0x40: {  	_ =	shalt  }
0x41: {  	_ =	shalt  }
0x42: {  	_ =	shalt  }
0x43: {  	_ =	shalt  }
0x44: {  	_ =	shalt  }
0x45: {  	_ =	shalt  }
0x46: {  	_ =	shalt  }
0x47: {  	_ =	shalt  }
0x48: {  	_ =	shalt  }
0x49: {  	_ =	shalt  }
0x4a: {  	_ =	shalt  }
0x4b: {  	_ =	shalt  }
0x4c: {  	_ =	shalt  }
0x4d: {  	_ =	shalt  }
0x4e: {  	_ =	shalt  }
0x4f: {  	_ =	shalt  }
0x50: {  	_ =	shalt  }
0x51: {  	_ =	shalt  }
0x52: {  	_ =	shalt  }
0x53: {  	_ =	shalt  }
0x54: {  	_ =	shalt  }
0x55: {  	_ =	shalt  }
0x56: {  	_ =	shalt  }
0x57: {  	_ =	shalt  }
0x58: {  	_ =	shalt  }
0x59: {  	_ =	shalt  }
0x5a: {  	_ =	shalt  }
0x5b: {  	_ =	shalt  }
0x5c: {  	_ =	shalt  }
0x5d: {  	_ =	shalt  }
0x5e: {  	_ =	shalt  }
0x5f: {  	_ =	shalt  }
0x60: {  	_ =	shalt  }
0x61: {  	_ =	shalt  }
0x62: {  	_ =	shalt  }
0x63: {  	_ =	shalt  }
0x64: {  	_ =	shalt  }
0x65: {  	_ =	shalt  }
0x66: {  	_ =	shalt  }
0x67: {  	_ =	shalt  }
0x68: {  	_ =	shalt  }
0x69: {  	_ =	shalt  }
0x6a: {  	_ =	shalt  }
0x6b: {  	_ =	shalt  }
0x6c: {  	_ =	shalt  }
0x6d: {  	_ =	shalt  }
0x6e: {  	_ =	shalt  }
0x6f: {  	_ =	shalt  }
0x70: {  	_ =	shalt  }
0x71: {  	_ =	shalt  }
0x72: {  	_ =	shalt  }
0x73: {  	_ =	shalt  }
0x74: {  	_ =	shalt  }
0x75: {  	_ =	shalt  }
0x76: {  	_ =	shalt  }
0x77: {  	_ =	shalt  }
0x78: {  	_ =	shalt  }
0x79: {  	_ =	shalt  }
0x7a: {  	_ =	shalt  }
0x7b: {  	_ =	shalt  }
0x7c: {  	_ =	shalt  }
0x7d: {  	_ =	shalt  }
0x7e: {  	_ =	shalt  }
0x7f: {  	_ =	shalt  }
0x80: {  	_ =	shalt  }
0x81: {  	_ =	shalt  }
0x82: {  	_ =	shalt  }
0x83: {  	_ =	shalt  }
0x84: {  	_ =	shalt  }
0x85: {  	_ =	shalt  }
0x86: {  	_ =	shalt  }
0x87: {  	_ =	shalt  }
.Lfunc_end0:
.L_simem_size_0:
called_computation_lowered:
.L_overlay_start_0:
0x88: {  	s2 =	sld [smem:$0x3FD9]  }
0x89: {  	s3 =	sld [smem:$0x3FFE];
	_ =	sdelay $0x1  }
0x8a: {  	s1 =	srdreg.scid  }
0x8b: {  	s0 =	sand.u32 $0x1, s1  }
0x8c: {  	s16 =	sshll.u32 s0, $0xA;
	s2 =	sadd.s32 s3, s2  }
0x8d: {  	s2 =	sadd.s32 s2, s16  }
0x8e: {  	[smem:$0x3FA9] =	sst s2  }
0x8f: {  	_ = 	snop  }
0x90: {  	(tm) =	ssettm $0x1  }
0x91: {  	s17 =	sld [smem:$0x3FFB];
	_ =	sdelay $0x3  }
0x92: {  	_ =	strace s17  }
0x93: {  	s2 =	sld [smem:$0x3FFC];
	_ =	sdelay $0x3  }
0x94: {  	_ =	strace s2  }
0x95: {  	s2 =	sld [smem:$0x3FFD];
	_ =	sdelay $0x3  }
0x96: {  	_ =	strace s2  }
0x97: {  	_ =	strace $0x8FFFFFFF  }
0x98: {  	s18 =	sld [smem:$0x3FDB];
	_ =	sdelay $0x1  }
0x99: {  	s19 =	simm.s32 $_scs_section_size  }
0x9a: {  	s4 =	simm.s32 $_size__tile_overlayer_lowered;
	s5 =	simm.s32 $_tile_overlayer_lowered  }
0x9b: {  	s22 =	simm.s32 $0x1BFF;
	s21 =	sshll.u32 s5, $0x1;
	s2 =	sadd.s32 s19, s18  }
0x9c: {  	s6 =	simm.s32 $0x0;
	s20 =	sshll.u32 s4, $0x1;
	s4 =	sadd.s32 s21, s2  }
0x9d: {  	[timem:s6], [sflag:s22] =	dma.local [hbm:s4], s20  }
0x9e: {  	_ =	swait.ge [sflag:s22], s20  }
0x9f: {  	s3 =	ssub.s32 $0x0, s20;
	[sflag:s22] =	ssyncset.done $0x0  }
0xa0: {  	[sflag:s22] =	ssyncadd.s32 s3;
	_ =	sdelay $0x1  }
0xa1: {  	s23 =	simm.s32 $0x1B8B  }
0xa2: {  	_ =	swait.ge [sflag:s23], $0x1  }
0xa3: {  	[sflag:s23] =	ssyncset.done $0x0  }
0xa4: {  	s25 =	simm.s32 $0x1B8E;
	s24 =	sld [smem:$0x3FFE];
	[sflag:s23] =	ssyncadd.s32 $0xFFFFFFFF  }
0xa5: {  	s26 =	simm.s32 $execute0_lowered;
	[smem:$0x3FD2] =	sst s25  }
0xa6: {  	s4 =	sshll.u32 s26, $0x1;
	_ =	strace $0x80000046;
	[dreg:$0x1] =	wrdreg $0xFFFFFFFF  }
0xa7: {  	s28 =	simm.s32 $_size_execute0_lowered;
	s2 =	sadd.s32 s2, s4;
	[dreg:$0x0] =	wrdreg $0x0  }
0xa8: {  	s4 =	sshll.u32 s28, $0x1;
	[dreg:$0x2] =	wrdreg s2  }
0xa9: {  	[dreg:$0x3] =	wrdreg s4  }
0xaa: {  	[dreg:$0x4] =	wrdreg $0xC0  }
0xab: {  	_ =	task [dreg:s6], $0x5FFFF  }
0xac: {  	[dreg:$0x1] =	wrdreg $0xFFFFFFFF  }
0xad: {  	[dreg:$0x0] =	wrdreg $0x60  }
0xae: {  	[dreg:$0x2] =	wrdreg s24  }
0xaf: {  	[dreg:$0x3] =	wrdreg $0x9  }
0xb0: {  	_ =	task.clear_ibuf [dreg:s6], $0x4FFFF;
	_ =	strace $0x90000046  }
0xb1: {  	s29 =	simm.s32 $0x9;
	_ =	strace $0x80000048  }
0xb2: {  	_ =	swait.ge [sflag:s29], $0x1  }
0xb3: {  	[sflag:s29] =	ssyncadd.s32 $0xFFFFFFFF  }
0xb4: {  	_ =	strace $0x90000048  }
0xb5: {  	_ =	sfence  }
0xb6: {  	s30 =	sld [smem:$0x0];
	_ =	sdelay $0x2  }
0xb7: {  	s31 =	sshll.u32 s1, $0xD;
	s1 =	sshrl.u32 s1, $0x2  }
0xb8: {  	s3 =	sand.u32 $0x4000, s31;
	s1 =	sadd.s32 s1, s30  }
0xb9: {  	s0 =	sor.u32 s3, s0;
	s1 =	sshll.u32 s1, $0x11  }
0xba: {  	s0 =	sor.u32 s1, s0  }
0xbb: {  	s0 =	sadd.s32 $0x8F2B, s0  }
0xbc: {  	[sflag:s0] =	ssyncadd.remote.s32 $0x1  }
0xbd: {  	_ =	sfence.sel $0xFFFF  }
0xbe: {  	[dreg:$0x0] =	wrdreg $0xFFFFFFFF;
	(pc) =	sbr.abs _section_cstart, $3  }
0xbf: {  	[dreg:$0x1] =	wrdreg $0xFFFFFFFF  }
0xc0: {  	_ =	task.clear_ibuf [dreg:s6], $0x2FFFF;
	_ =	strace $0x9FFFFFFF  }
0xc1: {  	(tm) =	ssettm $0x7FFFFFFF  }
tec
execute0_lowered:
.L_overlay_start_1:
0x0: {  	(tag) =	ssettag $0x1  }
0x1: {  	s0 =	stileid.u32;
	s1 =	srdreg.scid  }
0x2: {  	s1 =	sand.u32 $0x1, s1;
	s2 =	sshll.u32 s0, $0x1  }
0x3: {  	s1 =	sor.u32 s2, s1  }
0x4: {  	s2 =	smul.u32 $0x13A0, s1;
	_ =	sdelay $0x1  }
0x5: {  	s6 =	ssub.s32 $0x4E800, s2  }
0x6: {  	s31 =	smulhi.u32 $0x685B5, s6  }
0x7: {  	s8 =	rddreg [dreg:$0x0];
	s5 =	simm.s32 $0x1;
	s10 =	simm.s32 $0x3  }
0x8: {  	s13 =	simm.s32 $0x0;
	s12 =	simm.s32 $0x0;
	s7 =	sshrl.u32 s31, $0x4  }
0x9: {  	s3 =	sadd.s32 $0x69400, s8;
	s4 =	sadd.s32 $0x11200, s8;
	s9 =	smul.u32 $0x27400, s7  }
.Ltmp0:
0xa: {  	s8 =	sadd.s32 $0xC1400, s8;
	s1 =	rddreg [dreg:$0x1];
	(pc) =	sbr.rel .LBB2_1-.Ltmp0, $4  }
0xb: {  	_ =	strace $0x80000047;
	p0 =	sne.s32 s6, s9;
	s9 =	simm.s32 $0x1  }
0xc: {  	[sflag:s5] =	ssyncpa.u1 $0x0;
	s6 =	simm.s32 $0x2;
	s9 =	simm.s32 @!p0 $0x0  }
0xd: {  	s11 =	smov.u32 s2;
	[sflag:s6] =	ssyncpa.u1 $0x0;
	s7 =	sadd.s32 s9, s7  }
0xe: {  	vm0 =	vmmov $0xffff;
	[sflag:s10] =	ssyncpa.u1 $0x0;
	s10 =	simm.s32 $0x0;
	s9 =	sadd.s32 $0x1, s7  }
.LBB2_4:
0xf: {  	v2 =	vnsel vm1, $0x0, v2  }
0x10: {  	vm1 =	vgt.s32 v0, $0x0;
	v2 =	vmin.u32 v2, $0x4E7FF  }
0x11: {  	v0 =	vnsel vm1, $0x0, v0  }
0x12: {  	v0 =	vmin.u32 v0, $0x4E7FF  }
0x13: {  	[tilespmem:s18], [sflag:$0x1] =	stream.indirect_vreg.gather [hbm4b:s3+s10], $0x1, v1, vm0, $0x4038;
	[tilespmem:$0x4E80] =	vst v63  }
0x14: {  	(ifvalue) =	ssetifvalue $0x7FFFFFFF  }
0x15: {  	[tilespmem:s15], [sflag:$0x1] =	stream.indirect_vreg.gather [hbm4b:s3+s10], $0x1, v2, vm0, $0x4038;
	[tilespmem:$0x4E80] =	vst v63  }
0x16: {  	s29 =	sadd.s32 $0x10, s15;
	(ifvalue) =	ssetifvalue $0x7FFFFFFF  }
0x17: {  	[tilespmem:s29], [sflag:$0x1] =	stream.indirect_vreg.gather [hbm4b:s3+s10], $0x1, v0, vm0, $0x4038;
	[tilespmem:$0x4E80] =	vst v63  }
0x18: {  	_ =	swait.ge [sflag:s5], $0x13A0  }
0x19: {  	s30 =	sshrl.u32 s13, $0x3;
	[sflag:s5] =	ssyncset.done $0x0  }
0x1a: {  	s31 =	sand.u32 $0x7, s13;
	s15 =	sadd.s32 s8, s30;
	[sflag:s5] =	ssyncadd.s32 $0xFFFFEC60  }
0x1b: {  	[hbm4b:s15+s31] =	stream.linear.scatter [tilespmem:s14], [sflag:$0x3], $0x13A0, $0x38;
	[tilespmem:$0x4E80] =	vst v63  }
.LBB2_5:
0x1c: {  	s15 =	sadd.s32 $0x27400, s11  }
0x1d: {  	p1 =	sgt.s32 s15, $0x4E7FF  }
0x1e: {  	s15 =	smov.u32 @p1 s2;
	p1 =	sne.s32 s12, s9  }
.Ltmp1:
0x1f: {  	p0 =	slt.u32 s12, $0x2;
	(pc) =	sbr.rel @!p1 .LBB2_6-.Ltmp1, $4  }
0x20: {  	s14 =	simm.s32 @!p0 $0x3  }
0x21: {  	_ =	swait.ge @!p0 [sflag:s14], $0x13A0  }
0x22: {  	s16 =	sadd.s32 $0x1, s12;
	s13 =	smov.u32 s11;
	[sflag:s14] =	ssyncset.done @!p0 $0x0  }
0x23: {  	s12 =	smov.u32 s16;
	s11 =	smov.u32 s15;
	[sflag:s14] =	ssyncadd.s32 @!p0 $0xFFFFEC60  }
.LBB2_1:
0x24: {  	p0 =	sge.u32 s12, s7  }
0x25: {  	s14 =	sxor.u32 @!p0 $0xFFFFFFFF, s12  }
0x26: {  	s14 =	sand.u32 @!p0 $0x1, s14  }
0x27: {  	s14 =	smul.u32 @!p0 $0x4E80, s14  }
0x28: {  	s31 =	sadd.s32 $0xFFFFFFFF, s12;
	s15 =	sshrl.u32 @!p0 s11, $0x3  }
0x29: {  	s16 =	sand.u32 @!p0 $0x7, s11;
	s15 =	sadd.s32 @!p0 s4, s15;
	s14 =	sshrl.u32 @!p0 s14, $0x2  }
0x2a: {  	[tilespmem:s14], [sflag:$0x2] =	stream.linear.gather @!p0 [hbm4b:s15+s16], $0x13A0, $0x38;
	[tilespmem:$0x4E80] =	vst v63  }
0x2b: {  	p0 =	sge.u32 s31, s7  }
.Ltmp2:
0x2c: {  	_ = 	snop;
	(pc) =	sbr.rel @p0 .LBB2_5-.Ltmp2, $1  }
0x2d: {  	_ =	sdelay $0x3  }
0x2e: {  	s14 =	sand.u32 $0x1, s12  }
0x2f: {  	_ =	swait.ge [sflag:s6], $0x13A0;
	p0 =	seq.s32 s14, $0x1;
	s14 =	simm.s32 $0x13A0  }
0x30: {  	[sflag:s6] =	ssyncset.done $0x0;
	s14 =	simm.s32 @!p0 $0x0  }
0x31: {  	[sflag:s6] =	ssyncadd.s32 $0xFFFFEC60;
	(ifvalue) =	ssetifvalue $0x7FFFFFFF;
	v0 =	vld.msk [tilespmem:s14+$0x0 ss:$0x1], $0xffff;
	_ =	sdelay $0x4  }
0x32: {  	s15 =	sadd.s32 $0x10, s14;
	vm1 =	vgt.s32 v0, $0x0  }
0x33: {  	v2 =	vld.msk [tilespmem:s15+$0x0 ss:$0x1], $0xffff;
	v1 =	vnsel vm1, $0x0, v0  }
0x34: {  	v1 =	vmin.u32 v1, $0x4E7FF;
	_ =	sdelay $0x2  }
0x35: {  	s17 =	simm.s32 $0x20;
	s14 =	sadd.s32 $0x2740, s14;
	s16 =	sadd.s32 $0x10, s15  }
0x36: {  	s15 =	sadd.s32 $0x10, s14;
	s18 =	smov.u32 s14;
	v0 =	vld.msk [tilespmem:s16+$0x0 ss:$0x1], $0xffff;
	vm1 =	vgt.s32 v2, $0x0;
	(ifvalue) =	ssetifvalue $0x7FFFFFFF  }
.LBB2_3:
0x37: {  	[tilespmem:s18], [sflag:$0x1] =	stream.indirect_vreg.gather [hbm4b:s3+s10], $0x1, v1, vm0, $0x4038;
	[tilespmem:$0x4E80] =	vst v63  }
0x38: {  	s17 =	sadd.s32 $0x10, s17  }
0x39: {  	v2 =	vnsel vm1, $0x0, v2;
	p0 =	slt.u32 s17, $0x1390  }
.Ltmp3:
0x3a: {  	s18 =	smov.u32 s15;
	v1 =	vmin.u32 v2, $0x4E7FF;
	(pc) =	sbr.rel @p0 .LBB2_3-.Ltmp3, $3  }
0x3b: {  	_ =	sdelay $0x1  }
0x3c: {  	s16 =	sadd.s32 $0x10, s16  }
0x3d: {  	vm1 =	vgt.s32 v0, $0x0;
	s15 =	sadd.s32 $0x10, s15;
	v2 =	vmov v0;
	(ifvalue) =	ssetifvalue $0x7FFFFFFF;
	v0 =	vld.msk [tilespmem:s16+$0x0 ss:$0x1], $0xffff  }
.Ltmp4:
0x3e: {  	_ = 	snop;
	(pc) =	sbr.rel .LBB2_4-.Ltmp4, $1  }
0x3f: {  	_ =	sdelay $0x3  }
.LBB2_6:
0x40: {  	_ =	sfence.sel $0x180000  }
0x41: {  	s2 =	simm.s32 $0x2;
	[bflag:$0x0] =	sbarrier.arrive $0xFFFF  }
0x42: {  	s30 =	simm.s32 $0x3;
	[sflag:s2] =	ssyncpa.u1 $0x1  }
0x43: {  	s31 =	simm.s32 $0x1;
	[sflag:s30] =	ssyncpa.u1 $0x1  }
0x44: {  	[sflag:s31] =	ssyncpa.u1 $0x1  }
0x45: {  	p0 =	sne.s32 s0, $0x0;
	_ =	strace $0x90000047  }
0x46: {  	s0 =	sadd.s32 @!p0 $0x100000, s1;
	[bflag:$0x2] =	sbarrier.arrive $0xFFFF  }
0x47: {  	[sflag:s0] =	ssyncadd.tile.s32 @!p0 $0x1;
	_ =	shalt  }
.Lfunc_end2:
_tile_overlayer_lowered:
.L_overlay_start_2:
0x48: {  	(tag) =	ssettag $0x2  }
0x49: {  	s0 =	rddreg [dreg:$0x0];
	s2 =	stileid.u32  }
0x4a: {  	s1 =	rddreg [dreg:$0x1];
	p0 =	sne.s32 s2, $0x0  }
0x4b: {  	s3 =	rddreg [dreg:$0x2];
	[bflag:$0x3] =	sbarrier.arrive $0xFFFF;
	s2 =	simm.s32 @!p0 $0x1C01  }
0x4c: {  	[timem:s3], [sflag:s2] =	dma.local @!p0 [hbm:s0], s1  }
0x4d: {  	s0 =	simm.s32 @!p0 $0x1  }
0x4e: {  	_ =	swait.ge @!p0 [sflag:s0], s1  }
0x4f: {  	s1 =	ssub.s32 @!p0 $0x0, s1;
	[sflag:s0] =	ssyncset.done @!p0 $0x0  }
0x50: {  	[sflag:s0] =	ssyncadd.s32 @!p0 s1  }
0x51: {  	[bflag:$0x3] =	sbarrier.arrive $0xFFFF  }
0x52: {  	_ =	shalt  }

// kernel: kernel.12.cloned.1.call-start
scs
__scs_entry_jumppad:
0x0: {  	(pc) =	sbr.rel $0x88, $3  }
0x1: {  	(tag) =	ssettag $0x0;
	lr =	simm.s32 $0x1  }
0x2: {  	[smem:$0x3F82] =	sst lr;
	_ =	strace $0xD0000000  }
0x3: {  	_ = 	snop  }
0x4: {  	_ = 	snop  }
0x5: {  	_ = 	snop  }
0x6: {  	_ = 	snop  }
0x7: {  	_ = 	snop  }
__scs_overlays_trampoline_lowered:
0x8: {  	[smem:$0x3F91] =	sst s0  }
0x9: {  	[smem:$0x3F92] =	sst s1  }
0xa: {  	[smem:$0x3F93] =	sst s2  }
0xb: {  	[smem:$0x3F94] =	sst s3  }
0xc: {  	[smem:$0x3F95] =	sst s4  }
0xd: {  	[smem:$0x3F96] =	sst s5  }
0xe: {  	[smem:$0x3F97] =	sst s6  }
0xf: {  	[smem:$0x3F98] =	sst s7  }
0x10: {  	[smem:$0x3F99] =	sst s8  }
0x11: {  	[smem:$0x3F9A] =	sst s9;
	s0 =	simm.s32 @!p0 $0x0  }
0x12: {  	s1 =	sld [smem:$0x3F80];
	s0 =	simm.s32 @p0 $0x1  }
0x13: {  	[smem:$0x3F9B] =	sst s0;
	s0 =	simm.s32 @!p1 $0x0  }
0x14: {  	s2 =	sld [smem:$0x3F7F];
	s0 =	simm.s32 @p1 $0x1  }
0x15: {  	[smem:$0x3F9C] =	sst s0;
	s0 =	simm.s32 @!p2 $0x0  }
0x16: {  	s3 =	sld [smem:$0x3FDB];
	s0 =	simm.s32 @p2 $0x1  }
0x17: {  	s4 =	simm.s32 $0x1BF5;
	[smem:$0x3F9E] =	sst s0  }
0x18: {  	s0 =	sld [smem:$0x3F81];
	_ =	swait.ge [sflag:s4], $0x0  }
0x19: {  	s7 =	sld [smem:$0x3F82]  }
0x1a: {  	s8 =	sadd.s32 $0xFFFFE003, lr  }
0x1b: {  	s9 =	sadd.s32 $0xFFFFFEF7, lr;
	s5 =	simm.s32 $0xFFFFFFFF;
	p2 =	slt.u32 s8, $0xFFFFF086  }
0x1c: {  	p1 =	slt.u32 s9, $0xF7A;
	s5 =	simm.s32 @!p2 $0x0  }
0x1d: {  	s5 =	simm.s32 @p1 $0x1;
	p0 =	seq.s32 s7, s2  }
0x1e: {  	s7 =	smul.u32 @!p0 $0xF7A, s2;
	p2 =	seq.s32 @!p0 s5, $0x0  }
0x1f: {  	s9 =	smul.u32 $0xF7A, s1;
	s8 =	simm.s32 @!p0 $0x1BF5;
	p2 =	por !p2, p0  }
0x20: {  	[sflag:s8] =	ssyncset.s32 @!p0 $0xFFFFF086;
	s6 =	sadd.s32 @!p0 s3, s7;
	s7 =	simm.s32 @!p0 $0x108  }
0x21: {  	s3 =	sadd.s32 s3, s9;
	s6 =	sadd.s32 @!p0 $0x88, s6;
	s7 =	simm.s32 @p2 $0x1082  }
0x22: {  	[simem:s7], [sflag:s8] =	dma.local @!p0 [hbm:s6], $0xF7A  }
0x23: {  	s9 =	sor.u32 $0xD0000000, s2;
	s6 =	simm.s32 $0x108;
	_ =	swait.ge @!p0 [sflag:s8], $0x0  }
0x24: {  	s3 =	sadd.s32 $0x88, s3;
	s6 =	simm.s32 @!p1 $0x1082;
	[sflag:s4] =	ssyncset.s32 $0xFFFFF086  }
0x25: {  	[simem:s6], [sflag:s4] =	dma.local [hbm:s3], $0xF7A  }
0x26: {  	[smem:$0x3F82] =	sst s1;
	(tag) =	ssettag s2;
	_ =	strace s9  }
0x27: {  	s1 =	sld [smem:$0x3F92]  }
0x28: {  	s2 =	sld [smem:$0x3F93]  }
0x29: {  	s4 =	sld [smem:$0x3F95]  }
0x2a: {  	p0 =	seq.s32 s5, $0x0;
	s5 =	sld [smem:$0x3F96]  }
0x2b: {  	s6 =	sld [smem:$0x3F97]  }
0x2c: {  	s7 =	sld [smem:$0x3F98]  }
0x2d: {  	s3 =	simm.s32 $0x108;
	s8 =	sld [smem:$0x3F99]  }
0x2e: {  	s3 =	simm.s32 @!p0 $0x1082;
	s9 =	sld [smem:$0x3F9A]  }
0x2f: {  	lr =	sadd.s32 s0, s3;
	s0 =	sld [smem:$0x3F91]  }
0x30: {  	s3 =	sld [smem:$0x3F94]  }
0x31: {  	[smem:$0x3F9D] =	sst s10  }
0x32: {  	s10 =	sld [smem:$0x3F9B];
	_ =	sdelay $0x3  }
0x33: {  	p0 =	seq.s32 s10, $0x1;
	s10 =	sld [smem:$0x3F9D];
	_ =	sdelay $0x3  }
0x34: {  	[smem:$0x3F9D] =	sst s10  }
0x35: {  	s10 =	sld [smem:$0x3F9C];
	_ =	sdelay $0x3  }
0x36: {  	p1 =	seq.s32 s10, $0x1;
	s10 =	sld [smem:$0x3F9D];
	_ =	sdelay $0x3  }
0x37: {  	[smem:$0x3F9D] =	sst s10  }
0x38: {  	s10 =	sld [smem:$0x3F9E]  }
0x39: {  	_ = 	snop;
	(pc) =	sbr.ind lr, $3  }
0x3a: {  	_ = 	snop  }
0x3b: {  	_ = 	snop  }
0x3c: {  	p2 =	seq.s32 s10, $0x1;
	s10 =	sld [smem:$0x3F9D]  }
0x3d: {  	_ =	shalt  }
0x3e: {  	_ =	shalt  }
0x3f: {  	_ =	shalt  }
0x40: {  	_ =	shalt  }
0x41: {  	_ =	shalt  }
0x42: {  	_ =	shalt  }
0x43: {  	_ =	shalt  }
0x44: {  	_ =	shalt  }
0x45: {  	_ =	shalt  }
0x46: {  	_ =	shalt  }
0x47: {  	_ =	shalt  }
0x48: {  	_ =	shalt  }
0x49: {  	_ =	shalt  }
0x4a: {  	_ =	shalt  }
0x4b: {  	_ =	shalt  }
0x4c: {  	_ =	shalt  }
0x4d: {  	_ =	shalt  }
0x4e: {  	_ =	shalt  }
0x4f: {  	_ =	shalt  }
0x50: {  	_ =	shalt  }
0x51: {  	_ =	shalt  }
0x52: {  	_ =	shalt  }
0x53: {  	_ =	shalt  }
0x54: {  	_ =	shalt  }
0x55: {  	_ =	shalt  }
0x56: {  	_ =	shalt  }
0x57: {  	_ =	shalt  }
0x58: {  	_ =	shalt  }
0x59: {  	_ =	shalt  }
0x5a: {  	_ =	shalt  }
0x5b: {  	_ =	shalt  }
0x5c: {  	_ =	shalt  }
0x5d: {  	_ =	shalt  }
0x5e: {  	_ =	shalt  }
0x5f: {  	_ =	shalt  }
0x60: {  	_ =	shalt  }
0x61: {  	_ =	shalt  }
0x62: {  	_ =	shalt  }
0x63: {  	_ =	shalt  }
0x64: {  	_ =	shalt  }
0x65: {  	_ =	shalt  }
0x66: {  	_ =	shalt  }
0x67: {  	_ =	shalt  }
0x68: {  	_ =	shalt  }
0x69: {  	_ =	shalt  }
0x6a: {  	_ =	shalt  }
0x6b: {  	_ =	shalt  }
0x6c: {  	_ =	shalt  }
0x6d: {  	_ =	shalt  }
0x6e: {  	_ =	shalt  }
0x6f: {  	_ =	shalt  }
0x70: {  	_ =	shalt  }
0x71: {  	_ =	shalt  }
0x72: {  	_ =	shalt  }
0x73: {  	_ =	shalt  }
0x74: {  	_ =	shalt  }
0x75: {  	_ =	shalt  }
0x76: {  	_ =	shalt  }
0x77: {  	_ =	shalt  }
0x78: {  	_ =	shalt  }
0x79: {  	_ =	shalt  }
0x7a: {  	_ =	shalt  }
0x7b: {  	_ =	shalt  }
0x7c: {  	_ =	shalt  }
0x7d: {  	_ =	shalt  }
0x7e: {  	_ =	shalt  }
0x7f: {  	_ =	shalt  }
0x80: {  	_ =	shalt  }
0x81: {  	_ =	shalt  }
0x82: {  	_ =	shalt  }
0x83: {  	_ =	shalt  }
0x84: {  	_ =	shalt  }
0x85: {  	_ =	shalt  }
0x86: {  	_ =	shalt  }
0x87: {  	_ =	shalt  }
.Lfunc_end0:
.L_simem_size_0:
called_computation.3_lowered:
.L_overlay_start_0:
0x88: {  	s2 =	sld [smem:$0x3FD9]  }
0x89: {  	s3 =	sld [smem:$0x3FFE];
	_ =	sdelay $0x1  }
0x8a: {  	s1 =	srdreg.scid  }
0x8b: {  	s0 =	sand.u32 $0x1, s1  }
0x8c: {  	s16 =	sshll.u32 s0, $0xA;
	s2 =	sadd.s32 s3, s2  }
0x8d: {  	s2 =	sadd.s32 s2, s16  }
0x8e: {  	[smem:$0x3FA9] =	sst s2  }
0x8f: {  	_ = 	snop  }
0x90: {  	(tm) =	ssettm $0x1  }
0x91: {  	s17 =	sld [smem:$0x3FFB];
	_ =	sdelay $0x3  }
0x92: {  	_ =	strace s17  }
0x93: {  	s2 =	sld [smem:$0x3FFC];
	_ =	sdelay $0x3  }
0x94: {  	_ =	strace s2  }
0x95: {  	s2 =	sld [smem:$0x3FFD];
	_ =	sdelay $0x3  }
0x96: {  	_ =	strace s2  }
0x97: {  	_ =	strace $0x8FFFFFFF  }
0x98: {  	s18 =	sld [smem:$0x3FDB];
	_ =	sdelay $0x1  }
0x99: {  	s19 =	simm.s32 $_scs_section_size  }
0x9a: {  	s4 =	simm.s32 $_size__tile_overlayer_lowered;
	s5 =	simm.s32 $_tile_overlayer_lowered  }
0x9b: {  	s22 =	simm.s32 $0x1BFF;
	s21 =	sshll.u32 s5, $0x1;
	s2 =	sadd.s32 s19, s18  }
0x9c: {  	s6 =	simm.s32 $0x0;
	s20 =	sshll.u32 s4, $0x1;
	s4 =	sadd.s32 s21, s2  }
0x9d: {  	[timem:s6], [sflag:s22] =	dma.local [hbm:s4], s20  }
0x9e: {  	_ =	swait.ge [sflag:s22], s20  }
0x9f: {  	s3 =	ssub.s32 $0x0, s20;
	[sflag:s22] =	ssyncset.done $0x0  }
0xa0: {  	[sflag:s22] =	ssyncadd.s32 s3;
	_ =	sdelay $0x1  }
0xa1: {  	s23 =	simm.s32 $0x1B8B  }
0xa2: {  	_ =	swait.ge [sflag:s23], $0x1  }
0xa3: {  	[sflag:s23] =	ssyncset.done $0x0  }
0xa4: {  	s25 =	simm.s32 $0x1B8E;
	s24 =	sld [smem:$0x3FFE];
	[sflag:s23] =	ssyncadd.s32 $0xFFFFFFFF  }
0xa5: {  	s26 =	simm.s32 $execute0_lowered;
	[smem:$0x3FD2] =	sst s25  }
0xa6: {  	s4 =	sshll.u32 s26, $0x1;
	_ =	strace $0x8000004F;
	[dreg:$0x1] =	wrdreg $0xFFFFFFFF  }
0xa7: {  	s28 =	simm.s32 $_size_execute0_lowered;
	s2 =	sadd.s32 s2, s4;
	[dreg:$0x0] =	wrdreg $0x0  }
0xa8: {  	s4 =	sshll.u32 s28, $0x1;
	[dreg:$0x2] =	wrdreg s2  }
0xa9: {  	[dreg:$0x3] =	wrdreg s4  }
0xaa: {  	[dreg:$0x4] =	wrdreg $0xC0  }
0xab: {  	_ =	task [dreg:s6], $0x5FFFF  }
0xac: {  	[dreg:$0x1] =	wrdreg $0xFFFFFFFF  }
0xad: {  	[dreg:$0x0] =	wrdreg $0x60  }
0xae: {  	[dreg:$0x2] =	wrdreg s24  }
0xaf: {  	[dreg:$0x3] =	wrdreg $0x15D000  }
0xb0: {  	[dreg:$0x4] =	wrdreg $0x9  }
0xb1: {  	_ =	task.clear_ibuf [dreg:s6], $0x5FFFF;
	_ =	strace $0x9000004F  }
0xb2: {  	s29 =	simm.s32 $0x9;
	_ =	strace $0x80000051  }
0xb3: {  	_ =	swait.ge [sflag:s29], $0x1  }
0xb4: {  	[sflag:s29] =	ssyncadd.s32 $0xFFFFFFFF  }
0xb5: {  	_ =	strace $0x90000051  }
0xb6: {  	_ =	sfence  }
0xb7: {  	s30 =	sld [smem:$0x0];
	_ =	sdelay $0x2  }
0xb8: {  	s31 =	sshll.u32 s1, $0xD;
	s1 =	sshrl.u32 s1, $0x2  }
0xb9: {  	s3 =	sand.u32 $0x4000, s31;
	s1 =	sadd.s32 s1, s30  }
0xba: {  	s0 =	sor.u32 s3, s0;
	s1 =	sshll.u32 s1, $0x11  }
0xbb: {  	s0 =	sor.u32 s1, s0  }
0xbc: {  	s0 =	sadd.s32 $0x8F2B, s0  }
0xbd: {  	[sflag:s0] =	ssyncadd.remote.s32 $0x1  }
0xbe: {  	_ =	sfence.sel $0xFFFF  }
0xbf: {  	[dreg:$0x0] =	wrdreg $0xFFFFFFFF;
	(pc) =	sbr.abs _section_cstart, $3  }
0xc0: {  	[dreg:$0x1] =	wrdreg $0xFFFFFFFF  }
0xc1: {  	_ =	task.clear_ibuf [dreg:s6], $0x2FFFF;
	_ =	strace $0x9FFFFFFF  }
0xc2: {  	(tm) =	ssettm $0x7FFFFFFF  }
0xc3: {  	_ =	shalt  }
tec
execute0_lowered:
.L_overlay_start_1:
0x0: {  	(tag) =	ssettag $0x1  }
0x1: {  	s0 =	srdreg.scid  }
0x2: {  	s16 =	stileid.u32;
	s1 =	rddreg [dreg:$0x0]  }
0x3: {  	s2 =	rddreg [dreg:$0x1];
	s3 =	simm.s32 $0x0;
	s17 =	simm.s32 $0x80  }
0x4: {  	s22 =	simm.s32 $0x11D00;
	s28 =	simm.s32 $0x4;
	s5 =	smul.u32 $0x4E80, s16  }
0x5: {  	s29 =	simm.s32 $0x5;
	s30 =	simm.s32 $0x0;
	s7 =	smul.u32 $0x9C00, s16  }
0x6: {  	s0 =	sand.u32 $0x1, s0;
	[smem:$0x7FF] =	sst s3;
	s25 =	smul.u32 $0x1380, s16  }
0x7: {  	s10 =	sadd.s32 $0xAE400, s1;
	s26 =	sshll.u32 s16, $0x6;
	s4 =	smul.u32 $0x4E800, s0  }
0x8: {  	s15 =	sadd.s32 $0x9C000, s2;
	p0 =	sne.s32 s16, $0xF;
	s14 =	smul.u32 $0x9C400, s0  }
0x9: {  	_ =	strace $0x80000050;
	s24 =	ssub.s32 $0x2, s0;
	s0 =	smul.u32 $0x13880, s0  }
0xa: {  	s15 =	sshrl.u32 @!p0 s15, $0x3;
	s23 =	sshrl.u32 s7, $0x3;
	s11 =	sshrl.u32 s24, $0x1  }
0xb: {  	s13 =	sadd.s32 s7, s2;
	s7 =	sadd.s32 $0x1AC00, s1;
	s4 =	sadd.s32 s5, s4  }
0xc: {  	s5 =	sshrl.u32 s5, $0x3;
	s12 =	ssub.s32 s24, s11;
	s31 =	sshrl.u32 s14, $0x3  }
0xd: {  	s0 =	sadd.s32 s25, s0;
	s13 =	sshrl.u32 s13, $0x3;
	s14 =	simm.s32 $0x7  }
0xe: {  	s24 =	simm.s32 $0x2;
	s25 =	simm.s32 $0x3;
	s6 =	sshrl.u32 s4, $0x3  }
.Ltmp0:
0xf: {  	s4 =	sadd.s32 $0x87200, s1;
	s9 =	sadd.s32 s5, s1;
	(pc) =	sbr.rel .LBB2_1-.Ltmp0, $4  }
0x10: {  	s5 =	sadd.s32 s23, s1;
	s12 =	smax.u32 s12, $0x1;
	s23 =	simm.s32 $0x1  }
0x11: {  	s8 =	sadd.s32 s6, s1;
	s5 =	sadd.s32 $0x7400, s5;
	s6 =	sor.u32 $0x1C07, s26  }
0x12: {  	s9 =	sadd.s32 $0x7D400, s9;
	s1 =	sadd.s32 s10, s31;
	s10 =	sadd.s32 s10, s0  }
0x13: {  	s26 =	simm.s32 $0x6;
	s8 =	sadd.s32 $0x69400, s8;
	s11 =	sadd.s32 $0x13800, s1  }
.LBB2_13:
0x14: {  	_ =	swait.ge [sflag:s28], $0x2000  }
0x15: {  	[sflag:s28] =	ssyncset.done $0x0  }
0x16: {  	[sflag:s28] =	ssyncadd.s32 $0xFFFFE000  }
0x17: {  	_ =	swait.ge [sflag:s29], $0x2000  }
0x18: {  	[sflag:s29] =	ssyncset.done $0x0  }
0x19: {  	[sflag:s29] =	ssyncadd.s32 $0xFFFFE000  }
0x1a: {  	_ =	swait.ge [sflag:s26], $0x2000  }
0x1b: {  	[sflag:s26] =	ssyncset.done $0x0  }
0x1c: {  	[sflag:s26] =	ssyncadd.s32 $0xFFFFE000  }
0x1d: {  	[bflag:$0x0] =	sbarrier.arrive $0xFFFF  }
0x1e: {  	[hbm:s10], [sflag:s6] =	dma.local [spmem:s13], $0x1380  }
0x1f: {  	s30 =	sadd.s32 $0x1, s30;
	_ =	swait.ge [sflag:s14], $0x1380  }
0x20: {  	p1 =	sne.s32 s30, s12;
	[sflag:s14] =	ssyncset.done $0x0  }
.Ltmp1:
0x21: {  	s0 =	simm.s32 @!p0 $0x7;
	[sflag:s14] =	ssyncadd.s32 $0xFFFFEC80;
	(pc) =	sbr.rel @!p1 .LBB2_14-.Ltmp1, $4  }
0x22: {  	[hbm:s11], [sflag:s6] =	dma.local @!p0 [spmem:s15], $0x80  }
0x23: {  	_ =	swait.ge @!p0 [sflag:s0], $0x80  }
0x24: {  	[sflag:s0] =	ssyncset.done @!p0 $0x0  }
0x25: {  	[sflag:s0] =	ssyncadd.s32 @!p0 $0xFFFFFF80  }
.LBB2_1:
0x26: {  	[spmem:s13], [sflag:s6] =	dma.local [hbm:s5], $0x1380  }
0x27: {  	_ =	swait.ge [sflag:s14], $0x1380  }
0x28: {  	[sflag:s14] =	ssyncset.done $0x0  }
0x29: {  	s0 =	simm.s32 @!p0 $0x7;
	[sflag:s14] =	ssyncadd.s32 $0xFFFFEC80  }
0x2a: {  	[spmem:s15], [sflag:s6] =	dma.local @!p0 [hbm:s7], $0x80  }
0x2b: {  	_ =	swait.ge @!p0 [sflag:s0], $0x80  }
0x2c: {  	[sflag:s0] =	ssyncset.done @!p0 $0x0  }
0x2d: {  	[sflag:s0] =	ssyncadd.s32 @!p0 $0xFFFFFF80  }
0x2e: {  	[tilespmem:s3], [sflag:$0x7] =	stream.linear.gather [hbm4b:s8+s3], $0x4E80, $0x38;
	[tilespmem:$0x1F960] =	vst v63  }
0x2f: {  	_ =	swait.ge [sflag:s14], $0x4E80  }
0x30: {  	[sflag:s14] =	ssyncset.done $0x0  }
0x31: {  	s19 =	simm.s32 $0x4E80;
	[sflag:s14] =	ssyncadd.s32 $0xFFFFB180  }
0x32: {  	[tilespmem:s19], [sflag:$0x7] =	stream.linear.gather [hbm4b:s9+s3], $0x4E80, $0x38;
	[tilespmem:$0x1F960] =	vst v63  }
0x33: {  	_ =	swait.ge [sflag:s14], $0x4E80  }
0x34: {  	[sflag:s14] =	ssyncset.done $0x0  }
0x35: {  	[sflag:s14] =	ssyncadd.s32 $0xFFFFB180  }
0x36: {  	s20 =	simm.s32 $0x9D00;
	[bflag:$0x0] =	sbarrier.arrive $0xFFFF  }
0x37: {  	[tilespmem:s20], [sflag:$0x1] =	stream.indirect.gather [hbm4b:s4+s17], $0x40, s3, s17, $0xb8;
	[tilespmem:$0x1F960] =	vst v63  }
.Ltmp2:
0x38: {  	_ = 	snop;
	(pc) =	sbr.rel .LBB2_2-.Ltmp2, $4  }
0x39: {  	s21 =	simm.s32 $0x1A80;
	s1 =	simm.s32 $0xDD00  }
0x3a: {  	[tilespmem:s1], [sflag:$0x2] =	stream.indirect.gather [hbm4b:s4+s17], $0x40, s21, s17, $0xb8;
	[tilespmem:$0x1F960] =	vst v63  }
0x3b: {  	s31 =	simm.s32 $0x3500;
	s16 =	simm.s32 $0x0  }
0x3c: {  	[tilespmem:s22], [sflag:$0x3] =	stream.indirect.gather [hbm4b:s4+s17], $0x40, s31, s17, $0xb8;
	[tilespmem:$0x1F960] =	vst v63  }
.LBB2_9:
0x3d: {  	[spmem:s2] =	stream.indirect.scatter.add.f32 [tilespmem:s18], [sflag:$0x6], $0x40, s19, s17, $0xb8;
	[tilespmem:$0x1F960] =	vst v63  }
.LBB2_11:
0x3e: {  	s0 =	sshrl.u32 s0, $0x2  }
0x3f: {  	s1 =	sxor.u32 $0x13D00, s31;
	s0 =	sadd.s32 $0x3580, s0  }
0x40: {  	[tilespmem:s1], [sflag:$0x3] =	stream.indirect.gather [hbm4b:s4+s17], $0x40, s0, s17, $0xb8;
	[tilespmem:$0x1F960] =	vst v63  }
.LBB2_12:
0x41: {  	p1 =	slt.u32 s16, $0x35  }
.Ltmp3:
0x42: {  	_ = 	snop;
	(pc) =	sbr.rel @!p1 .LBB2_13-.Ltmp3, $1  }
0x43: {  	_ =	sdelay $0x3  }
.LBB2_2:
0x44: {  	p1 =	sne.s32 s16, $0x0  }
.Ltmp4:
0x45: {  	_ = 	snop;
	(pc) =	sbr.rel @!p1 .LBB2_3-.Ltmp4, $4  }
0x46: {  	_ = 	snop  }
0x47: {  	s18 =	sand.u32 $0x1, s16;
	_ =	swait.ge [sflag:s23], $0x2000  }
0x48: {  	s31 =	sshll.u32 s18, $0xD;
	[sflag:s23] =	ssyncset.done $0x0  }
0x49: {  	s1 =	smov.u32 s16;
	s16 =	sor.u32 $0x9D00, s31;
	[sflag:s23] =	ssyncadd.s32 $0xFFFFE000  }
0x4a: {  	p2 =	seq.s32 s1, $0x34  }
.Ltmp5:
0x4b: {  	_ = 	snop;
	(pc) =	sbr.rel @!p2 .LBB2_5-.Ltmp5, $4  }
0x4c: {  	_ =	swait.ge [sflag:s28], $0x2000;
	s0 =	sshll.u32 s1, $0x9  }
0x4d: {  	[sflag:s28] =	ssyncset.done $0x0;
	s19 =	sshrl.u32 s0, $0x2  }
0x4e: {  	[sflag:s28] =	ssyncadd.s32 $0xFFFFE000;
	s19 =	sadd.s32 $0x4E80, s19  }
0x4f: {  	[spmem:s2] =	stream.indirect.scatter.add.f32 [tilespmem:s16], [sflag:$0x4], $0x40, s19, s17, $0xb8;
	[tilespmem:$0x1F960] =	vst v63  }
.Ltmp6:
0x50: {  	(pc) =	sbr.rel .LBB2_7-.Ltmp6, $2  }
0x51: {  	_ =	sdelay $0x2  }
0x52: {  	s0 =	simm.s32 $0x6800;
	s16 =	simm.s32 $0x35;
	p2 =	por $0x1, $0x1  }
.LBB2_5:
.Ltmp7:
0x53: {  	(pc) =	sbr.rel .LBB2_6-.Ltmp7, $2  }
0x54: {  	_ =	sdelay $0x2  }
0x55: {  	s16 =	sadd.s32 $0x1, s1  }
.LBB2_3:
0x56: {  	s19 =	simm.s32 $0x4E80  }
0x57: {  	[spmem:s2] =	stream.indirect.scatter.add.f32 [tilespmem:s16], [sflag:$0x4], $0x40, s19, s17, $0xb8;
	[tilespmem:$0x1F960] =	vst v63  }
0x58: {  	s0 =	simm.s32 $0x0;
	s16 =	simm.s32 $0x1  }
.LBB2_6:
0x59: {  	s20 =	sshll.u32 s16, $0x7  }
0x5a: {  	s21 =	sxor.u32 $0xBD00, s31;
	p2 =	por $0x0, $0x0;
	s20 =	sand.u32 $0x3FFFFF80, s20  }
0x5b: {  	[tilespmem:s21], [sflag:$0x1] =	stream.indirect.gather [hbm4b:s4+s17], $0x40, s20, s17, $0xb8;
	[tilespmem:$0x1F960] =	vst v63  }
.LBB2_7:
0x5c: {  	_ =	swait.ge [sflag:s24], $0x2000  }
0x5d: {  	p3 =	seq.s32 s1, $0x0;
	[sflag:s24] =	ssyncset.done $0x0  }
0x5e: {  	s20 =	simm.s32 @!p3 $0x5;
	[sflag:s24] =	ssyncadd.s32 $0xFFFFE000  }
0x5f: {  	_ =	swait.ge @!p3 [sflag:s20], $0x2000  }
0x60: {  	[sflag:s20] =	ssyncset.done @!p3 $0x0  }
0x61: {  	s21 =	sadd.s32 $0xDD00, s31;
	[sflag:s20] =	ssyncadd.s32 @!p3 $0xFFFFE000;
	s20 =	sadd.s32 $0x1A80, s19  }
0x62: {  	[spmem:s2] =	stream.indirect.scatter.add.f32 [tilespmem:s21], [sflag:$0x5], $0x40, s20, s17, $0xb8;
	[tilespmem:$0x1F960] =	vst v63  }
0x63: {  	s18 =	sshll.u32 @!p2 s18, $0xD;
	s20 =	sshrl.u32 @!p2 s0, $0x2  }
0x64: {  	s18 =	sxor.u32 @!p2 $0xFD00, s18;
	s21 =	simm.s32 @!p2 $0x80;
	s20 =	sadd.s32 @!p2 $0x1B00, s20  }
0x65: {  	[tilespmem:s18], [sflag:$0x2] =	stream.indirect.gather @!p2 [hbm4b:s4+s21], $0x40, s20, s21, $0xb8;
	[tilespmem:$0x1F960] =	vst v63  }
0x66: {  	p2 =	sgt.u32 s1, $0x32  }
.Ltmp8:
0x67: {  	_ = 	snop;
	(pc) =	sbr.rel @p2 .LBB2_12-.Ltmp8, $1  }
0x68: {  	_ =	sdelay $0x3  }
.Ltmp9:
0x69: {  	(pc) =	sbr.rel @!p1 .LBB2_9-.Ltmp9, $4  }
0x6a: {  	_ = 	snop  }
0x6b: {  	_ =	swait.ge [sflag:s25], $0x2000  }
0x6c: {  	[sflag:s25] =	ssyncset.done $0x0  }
0x6d: {  	s18 =	sadd.s32 $0x11D00, s31;
	s19 =	sadd.s32 $0x3500, s19;
	[sflag:s25] =	ssyncadd.s32 $0xFFFFE000  }
0x6e: {  	p1 =	seq.s32 s1, $0x32  }
.Ltmp10:
0x6f: {  	_ = 	snop;
	(pc) =	sbr.rel @p1 .LBB2_12-.Ltmp10, $4  }
.Ltmp11:
0x70: {  	_ =	swait.ge [sflag:s26], $0x2000;
	(pc) =	sbr.rel @!p1 .LBB2_11-.Ltmp11, $4  }
0x71: {  	[sflag:s26] =	ssyncset.done $0x0  }
0x72: {  	[sflag:s26] =	ssyncadd.s32 $0xFFFFE000  }
0x73: {  	[spmem:s2] =	stream.indirect.scatter.add.f32 [tilespmem:s18], [sflag:$0x6], $0x40, s19, s17, $0xb8;
	[tilespmem:$0x1F960] =	vst v63  }
0x74: {  	_ = 	snop  }
.LBB2_14:
0x75: {  	_ =	sfence.sel $0x180000  }
0x76: {  	[bflag:$0x0] =	sbarrier.arrive $0xFFFF  }
0x77: {  	_ =	strace $0x90000050  }
0x78: {  	s0 =	stileid.u32;
	[bflag:$0x2] =	sbarrier.arrive $0xFFFF  }
0x79: {  	p0 =	sne.s32 s0, $0x0;
	s0 =	rddreg [dreg:$0x2]  }
0x7a: {  	s0 =	sadd.s32 @!p0 $0x100000, s0  }
0x7b: {  	[sflag:s0] =	ssyncadd.tile.s32 @!p0 $0x1;
	_ =	shalt  }
.Lfunc_end2:
_tile_overlayer_lowered:
.L_overlay_start_2:
0x7c: {  	(tag) =	ssettag $0x2  }
0x7d: {  	s0 =	rddreg [dreg:$0x0];
	s2 =	stileid.u32  }
0x7e: {  	s1 =	rddreg [dreg:$0x1];
	p0 =	sne.s32 s2, $0x0  }
0x7f: {  	s3 =	rddreg [dreg:$0x2];
	[bflag:$0x3] =	sbarrier.arrive $0xFFFF;
	s2 =	simm.s32 @!p0 $0x1C07  }
0x80: {  	[timem:s3], [sflag:s2] =	dma.local @!p0 [hbm:s0], s1  }
0x81: {  	s0 =	simm.s32 @!p0 $0x7  }
0x82: {  	_ =	swait.ge @!p0 [sflag:s0], s1  }
0x83: {  	s1 =	ssub.s32 @!p0 $0x0, s1;
	[sflag:s0] =	ssyncset.done @!p0 $0x0  }
0x84: {  	[sflag:s0] =	ssyncadd.s32 @!p0 s1  }
0x85: {  	[bflag:$0x3] =	sbarrier.arrive $0xFFFF  }
0x86: {  	_ =	shalt  }

// kernel: kernel.15.cloned.1.call-start
scs
__scs_entry_jumppad:
0x0: {  	(pc) =	sbr.rel $0x88, $3  }
0x1: {  	(tag) =	ssettag $0x0;
	lr =	simm.s32 $0x1  }
0x2: {  	[smem:$0x3F82] =	sst lr;
	_ =	strace $0xD0000000  }
0x3: {  	_ = 	snop  }
0x4: {  	_ = 	snop  }
0x5: {  	_ = 	snop  }
0x6: {  	_ = 	snop  }
0x7: {  	_ = 	snop  }
__scs_overlays_trampoline_lowered:
0x8: {  	[smem:$0x3F91] =	sst s0  }
0x9: {  	[smem:$0x3F92] =	sst s1  }
0xa: {  	[smem:$0x3F93] =	sst s2  }
0xb: {  	[smem:$0x3F94] =	sst s3  }
0xc: {  	[smem:$0x3F95] =	sst s4  }
0xd: {  	[smem:$0x3F96] =	sst s5  }
0xe: {  	[smem:$0x3F97] =	sst s6  }
0xf: {  	[smem:$0x3F98] =	sst s7  }
0x10: {  	[smem:$0x3F99] =	sst s8  }
0x11: {  	[smem:$0x3F9A] =	sst s9;
	s0 =	simm.s32 @!p0 $0x0  }
0x12: {  	s1 =	sld [smem:$0x3F80];
	s0 =	simm.s32 @p0 $0x1  }
0x13: {  	[smem:$0x3F9B] =	sst s0;
	s0 =	simm.s32 @!p1 $0x0  }
0x14: {  	s2 =	sld [smem:$0x3F7F];
	s0 =	simm.s32 @p1 $0x1  }
0x15: {  	[smem:$0x3F9C] =	sst s0;
	s0 =	simm.s32 @!p2 $0x0  }
0x16: {  	s3 =	sld [smem:$0x3FDB];
	s0 =	simm.s32 @p2 $0x1  }
0x17: {  	s4 =	simm.s32 $0x1BF5;
	[smem:$0x3F9E] =	sst s0  }
0x18: {  	s0 =	sld [smem:$0x3F81];
	_ =	swait.ge [sflag:s4], $0x0  }
0x19: {  	s7 =	sld [smem:$0x3F82]  }
0x1a: {  	s8 =	sadd.s32 $0xFFFFE003, lr  }
0x1b: {  	s9 =	sadd.s32 $0xFFFFFEF7, lr;
	s5 =	simm.s32 $0xFFFFFFFF;
	p2 =	slt.u32 s8, $0xFFFFF086  }
0x1c: {  	p1 =	slt.u32 s9, $0xF7A;
	s5 =	simm.s32 @!p2 $0x0  }
0x1d: {  	s5 =	simm.s32 @p1 $0x1;
	p0 =	seq.s32 s7, s2  }
0x1e: {  	s7 =	smul.u32 @!p0 $0xF7A, s2;
	p2 =	seq.s32 @!p0 s5, $0x0  }
0x1f: {  	s9 =	smul.u32 $0xF7A, s1;
	s8 =	simm.s32 @!p0 $0x1BF5;
	p2 =	por !p2, p0  }
0x20: {  	[sflag:s8] =	ssyncset.s32 @!p0 $0xFFFFF086;
	s6 =	sadd.s32 @!p0 s3, s7;
	s7 =	simm.s32 @!p0 $0x108  }
0x21: {  	s3 =	sadd.s32 s3, s9;
	s6 =	sadd.s32 @!p0 $0x88, s6;
	s7 =	simm.s32 @p2 $0x1082  }
0x22: {  	[simem:s7], [sflag:s8] =	dma.local @!p0 [hbm:s6], $0xF7A  }
0x23: {  	s9 =	sor.u32 $0xD0000000, s2;
	s6 =	simm.s32 $0x108;
	_ =	swait.ge @!p0 [sflag:s8], $0x0  }
0x24: {  	s3 =	sadd.s32 $0x88, s3;
	s6 =	simm.s32 @!p1 $0x1082;
	[sflag:s4] =	ssyncset.s32 $0xFFFFF086  }
0x25: {  	[simem:s6], [sflag:s4] =	dma.local [hbm:s3], $0xF7A  }
0x26: {  	[smem:$0x3F82] =	sst s1;
	(tag) =	ssettag s2;
	_ =	strace s9  }
0x27: {  	s1 =	sld [smem:$0x3F92]  }
0x28: {  	s2 =	sld [smem:$0x3F93]  }
0x29: {  	s4 =	sld [smem:$0x3F95]  }
0x2a: {  	p0 =	seq.s32 s5, $0x0;
	s5 =	sld [smem:$0x3F96]  }
0x2b: {  	s6 =	sld [smem:$0x3F97]  }
0x2c: {  	s7 =	sld [smem:$0x3F98]  }
0x2d: {  	s3 =	simm.s32 $0x108;
	s8 =	sld [smem:$0x3F99]  }
0x2e: {  	s3 =	simm.s32 @!p0 $0x1082;
	s9 =	sld [smem:$0x3F9A]  }
0x2f: {  	lr =	sadd.s32 s0, s3;
	s0 =	sld [smem:$0x3F91]  }
0x30: {  	s3 =	sld [smem:$0x3F94]  }
0x31: {  	[smem:$0x3F9D] =	sst s10  }
0x32: {  	s10 =	sld [smem:$0x3F9B];
	_ =	sdelay $0x3  }
0x33: {  	p0 =	seq.s32 s10, $0x1;
	s10 =	sld [smem:$0x3F9D];
	_ =	sdelay $0x3  }
0x34: {  	[smem:$0x3F9D] =	sst s10  }
0x35: {  	s10 =	sld [smem:$0x3F9C];
	_ =	sdelay $0x3  }
0x36: {  	p1 =	seq.s32 s10, $0x1;
	s10 =	sld [smem:$0x3F9D];
	_ =	sdelay $0x3  }
0x37: {  	[smem:$0x3F9D] =	sst s10  }
0x38: {  	s10 =	sld [smem:$0x3F9E]  }
0x39: {  	_ = 	snop;
	(pc) =	sbr.ind lr, $3  }
0x3a: {  	_ = 	snop  }
0x3b: {  	_ = 	snop  }
0x3c: {  	p2 =	seq.s32 s10, $0x1;
	s10 =	sld [smem:$0x3F9D]  }
0x3d: {  	_ =	shalt  }
0x3e: {  	_ =	shalt  }
0x3f: {  	_ =	shalt  }
0x40: {  	_ =	shalt  }
0x41: {  	_ =	shalt  }
0x42: {  	_ =	shalt  }
0x43: {  	_ =	shalt  }
0x44: {  	_ =	shalt  }
0x45: {  	_ =	shalt  }
0x46: {  	_ =	shalt  }
0x47: {  	_ =	shalt  }
0x48: {  	_ =	shalt  }
0x49: {  	_ =	shalt  }
0x4a: {  	_ =	shalt  }
0x4b: {  	_ =	shalt  }
0x4c: {  	_ =	shalt  }
0x4d: {  	_ =	shalt  }
0x4e: {  	_ =	shalt  }
0x4f: {  	_ =	shalt  }
0x50: {  	_ =	shalt  }
0x51: {  	_ =	shalt  }
0x52: {  	_ =	shalt  }
0x53: {  	_ =	shalt  }
0x54: {  	_ =	shalt  }
0x55: {  	_ =	shalt  }
0x56: {  	_ =	shalt  }
0x57: {  	_ =	shalt  }
0x58: {  	_ =	shalt  }
0x59: {  	_ =	shalt  }
0x5a: {  	_ =	shalt  }
0x5b: {  	_ =	shalt  }
0x5c: {  	_ =	shalt  }
0x5d: {  	_ =	shalt  }
0x5e: {  	_ =	shalt  }
0x5f: {  	_ =	shalt  }
0x60: {  	_ =	shalt  }
0x61: {  	_ =	shalt  }
0x62: {  	_ =	shalt  }
0x63: {  	_ =	shalt  }
0x64: {  	_ =	shalt  }
0x65: {  	_ =	shalt  }
0x66: {  	_ =	shalt  }
0x67: {  	_ =	shalt  }
0x68: {  	_ =	shalt  }
0x69: {  	_ =	shalt  }
0x6a: {  	_ =	shalt  }
0x6b: {  	_ =	shalt  }
0x6c: {  	_ =	shalt  }
0x6d: {  	_ =	shalt  }
0x6e: {  	_ =	shalt  }
0x6f: {  	_ =	shalt  }
0x70: {  	_ =	shalt  }
0x71: {  	_ =	shalt  }
0x72: {  	_ =	shalt  }
0x73: {  	_ =	shalt  }
0x74: {  	_ =	shalt  }
0x75: {  	_ =	shalt  }
0x76: {  	_ =	shalt  }
0x77: {  	_ =	shalt  }
0x78: {  	_ =	shalt  }
0x79: {  	_ =	shalt  }
0x7a: {  	_ =	shalt  }
0x7b: {  	_ =	shalt  }
0x7c: {  	_ =	shalt  }
0x7d: {  	_ =	shalt  }
0x7e: {  	_ =	shalt  }
0x7f: {  	_ =	shalt  }
0x80: {  	_ =	shalt  }
0x81: {  	_ =	shalt  }
0x82: {  	_ =	shalt  }
0x83: {  	_ =	shalt  }
0x84: {  	_ =	shalt  }
0x85: {  	_ =	shalt  }
0x86: {  	_ =	shalt  }
0x87: {  	_ =	shalt  }
.Lfunc_end0:
.L_simem_size_0:
called_computation.4_lowered:
.L_overlay_start_0:
0x88: {  	s2 =	sld [smem:$0x3FD9]  }
0x89: {  	s3 =	sld [smem:$0x3FFE];
	_ =	sdelay $0x1  }
0x8a: {  	s1 =	srdreg.scid  }
0x8b: {  	s0 =	sand.u32 $0x1, s1  }
0x8c: {  	s16 =	sshll.u32 s0, $0xA;
	s2 =	sadd.s32 s3, s2  }
0x8d: {  	s2 =	sadd.s32 s2, s16  }
0x8e: {  	[smem:$0x3FA9] =	sst s2  }
0x8f: {  	_ = 	snop  }
0x90: {  	(tm) =	ssettm $0x1  }
0x91: {  	s17 =	sld [smem:$0x3FFB];
	_ =	sdelay $0x3  }
0x92: {  	_ =	strace s17  }
0x93: {  	s2 =	sld [smem:$0x3FFC];
	_ =	sdelay $0x3  }
0x94: {  	_ =	strace s2  }
0x95: {  	s2 =	sld [smem:$0x3FFD];
	_ =	sdelay $0x3  }
0x96: {  	_ =	strace s2  }
0x97: {  	_ =	strace $0x8FFFFFFF  }
0x98: {  	s18 =	sld [smem:$0x3FDB];
	_ =	sdelay $0x1  }
0x99: {  	s19 =	simm.s32 $_scs_section_size  }
0x9a: {  	s4 =	simm.s32 $_size__tile_overlayer_lowered;
	s5 =	simm.s32 $_tile_overlayer_lowered  }
0x9b: {  	s22 =	simm.s32 $0x1BFF;
	s21 =	sshll.u32 s5, $0x1;
	s2 =	sadd.s32 s19, s18  }
0x9c: {  	s6 =	simm.s32 $0x0;
	s20 =	sshll.u32 s4, $0x1;
	s4 =	sadd.s32 s21, s2  }
0x9d: {  	[timem:s6], [sflag:s22] =	dma.local [hbm:s4], s20  }
0x9e: {  	_ =	swait.ge [sflag:s22], s20  }
0x9f: {  	s3 =	ssub.s32 $0x0, s20;
	[sflag:s22] =	ssyncset.done $0x0  }
0xa0: {  	[sflag:s22] =	ssyncadd.s32 s3;
	_ =	sdelay $0x1  }
0xa1: {  	s23 =	simm.s32 $0x1B8B  }
0xa2: {  	_ =	swait.ge [sflag:s23], $0x1  }
0xa3: {  	[sflag:s23] =	ssyncset.done $0x0  }
0xa4: {  	s25 =	simm.s32 $0x1B8E;
	s24 =	sld [smem:$0x3FFE];
	[sflag:s23] =	ssyncadd.s32 $0xFFFFFFFF  }
0xa5: {  	s26 =	simm.s32 $execute0_lowered;
	[smem:$0x3FD2] =	sst s25  }
0xa6: {  	s4 =	sshll.u32 s26, $0x1;
	_ =	strace $0x80000052;
	[dreg:$0x1] =	wrdreg $0xFFFFFFFF  }
0xa7: {  	s28 =	simm.s32 $_size_execute0_lowered;
	s2 =	sadd.s32 s2, s4;
	[dreg:$0x0] =	wrdreg $0x0  }
0xa8: {  	s4 =	sshll.u32 s28, $0x1;
	[dreg:$0x2] =	wrdreg s2  }
0xa9: {  	[dreg:$0x3] =	wrdreg s4  }
0xaa: {  	[dreg:$0x4] =	wrdreg $0xC0  }
0xab: {  	_ =	task [dreg:s6], $0x5FFFF  }
0xac: {  	[dreg:$0x1] =	wrdreg $0xFFFFFFFF  }
0xad: {  	[dreg:$0x0] =	wrdreg $0x60  }
0xae: {  	[dreg:$0x2] =	wrdreg s24  }
0xaf: {  	[dreg:$0x3] =	wrdreg $0x15D000  }
0xb0: {  	[dreg:$0x4] =	wrdreg $0x9  }
0xb1: {  	_ =	task.clear_ibuf [dreg:s6], $0x5FFFF;
	_ =	strace $0x90000052  }
0xb2: {  	s29 =	simm.s32 $0x9;
	_ =	strace $0x80000054  }
0xb3: {  	_ =	swait.ge [sflag:s29], $0x1  }
0xb4: {  	[sflag:s29] =	ssyncadd.s32 $0xFFFFFFFF  }
0xb5: {  	_ =	strace $0x90000054  }
0xb6: {  	_ =	sfence  }
0xb7: {  	s30 =	sld [smem:$0x0];
	_ =	sdelay $0x2  }
0xb8: {  	s31 =	sshll.u32 s1, $0xD;
	s1 =	sshrl.u32 s1, $0x2  }
0xb9: {  	s3 =	sand.u32 $0x4000, s31;
	s1 =	sadd.s32 s1, s30  }
0xba: {  	s0 =	sor.u32 s3, s0;
	s1 =	sshll.u32 s1, $0x11  }
0xbb: {  	s0 =	sor.u32 s1, s0  }
0xbc: {  	s0 =	sadd.s32 $0x8F2B, s0  }
0xbd: {  	[sflag:s0] =	ssyncadd.remote.s32 $0x1  }
0xbe: {  	_ =	sfence.sel $0xFFFF  }
0xbf: {  	[dreg:$0x0] =	wrdreg $0xFFFFFFFF;
	(pc) =	sbr.abs _section_cstart, $3  }
0xc0: {  	[dreg:$0x1] =	wrdreg $0xFFFFFFFF  }
0xc1: {  	_ =	task.clear_ibuf [dreg:s6], $0x2FFFF;
	_ =	strace $0x9FFFFFFF  }
0xc2: {  	(tm) =	ssettm $0x7FFFFFFF  }
0xc3: {  	_ =	shalt  }
tec
execute0_lowered:
.L_overlay_start_1:
0x0: {  	(tag) =	ssettag $0x1  }
0x1: {  	s0 =	srdreg.scid  }
0x2: {  	s16 =	stileid.u32;
	s1 =	rddreg [dreg:$0x0]  }
0x3: {  	s2 =	rddreg [dreg:$0x1];
	s3 =	simm.s32 $0x0;
	s17 =	simm.s32 $0x80  }
0x4: {  	s22 =	simm.s32 $0x11D00;
	s28 =	simm.s32 $0x4;
	s5 =	smul.u32 $0x4E80, s16  }
0x5: {  	s29 =	simm.s32 $0x5;
	s30 =	simm.s32 $0x0;
	s7 =	smul.u32 $0x9C00, s16  }
0x6: {  	s0 =	sand.u32 $0x1, s0;
	[smem:$0x7FF] =	sst s3;
	s25 =	smul.u32 $0x1380, s16  }
0x7: {  	s10 =	sadd.s32 $0xAE400, s1;
	s26 =	sshll.u32 s16, $0x6;
	s4 =	smul.u32 $0x4E800, s0  }
0x8: {  	s15 =	sadd.s32 $0x9C000, s2;
	p0 =	sne.s32 s16, $0xF;
	s14 =	smul.u32 $0x9C400, s0  }
0x9: {  	_ =	strace $0x80000053;
	s24 =	ssub.s32 $0x2, s0;
	s0 =	smul.u32 $0x13880, s0  }
0xa: {  	s15 =	sshrl.u32 @!p0 s15, $0x3;
	s23 =	sshrl.u32 s7, $0x3;
	s11 =	sshrl.u32 s24, $0x1  }
0xb: {  	s13 =	sadd.s32 s7, s2;
	s7 =	sadd.s32 $0x1AC00, s1;
	s4 =	sadd.s32 s5, s4  }
0xc: {  	s5 =	sshrl.u32 s5, $0x3;
	s12 =	ssub.s32 s24, s11;
	s31 =	sshrl.u32 s14, $0x3  }
0xd: {  	s0 =	sadd.s32 s25, s0;
	s13 =	sshrl.u32 s13, $0x3;
	s14 =	simm.s32 $0x7  }
0xe: {  	s24 =	simm.s32 $0x2;
	s25 =	simm.s32 $0x3;
	s6 =	sshrl.u32 s4, $0x3  }
.Ltmp0:
0xf: {  	s4 =	sadd.s32 $0x87200, s1;
	s9 =	sadd.s32 s5, s1;
	(pc) =	sbr.rel .LBB2_1-.Ltmp0, $4  }
0x10: {  	s5 =	sadd.s32 s23, s1;
	s12 =	smax.u32 s12, $0x1;
	s23 =	simm.s32 $0x1  }
0x11: {  	s8 =	sadd.s32 s6, s1;
	s5 =	sadd.s32 $0x7400, s5;
	s6 =	sor.u32 $0x1C07, s26  }
0x12: {  	s9 =	sadd.s32 $0x7D400, s9;
	s1 =	sadd.s32 s10, s31;
	s10 =	sadd.s32 s10, s0  }
0x13: {  	s26 =	simm.s32 $0x6;
	s8 =	sadd.s32 $0x69400, s8;
	s11 =	sadd.s32 $0x13800, s1  }
.LBB2_13:
0x14: {  	_ =	swait.ge [sflag:s28], $0x2000  }
0x15: {  	[sflag:s28] =	ssyncset.done $0x0  }
0x16: {  	[sflag:s28] =	ssyncadd.s32 $0xFFFFE000  }
0x17: {  	_ =	swait.ge [sflag:s29], $0x2000  }
0x18: {  	[sflag:s29] =	ssyncset.done $0x0  }
0x19: {  	[sflag:s29] =	ssyncadd.s32 $0xFFFFE000  }
0x1a: {  	_ =	swait.ge [sflag:s26], $0x2000  }
0x1b: {  	[sflag:s26] =	ssyncset.done $0x0  }
0x1c: {  	[sflag:s26] =	ssyncadd.s32 $0xFFFFE000  }
0x1d: {  	[bflag:$0x0] =	sbarrier.arrive $0xFFFF  }
0x1e: {  	[hbm:s10], [sflag:s6] =	dma.local [spmem:s13], $0x1380  }
0x1f: {  	s30 =	sadd.s32 $0x1, s30;
	_ =	swait.ge [sflag:s14], $0x1380  }
0x20: {  	p1 =	sne.s32 s30, s12;
	[sflag:s14] =	ssyncset.done $0x0  }
.Ltmp1:
0x21: {  	s0 =	simm.s32 @!p0 $0x7;
	[sflag:s14] =	ssyncadd.s32 $0xFFFFEC80;
	(pc) =	sbr.rel @!p1 .LBB2_14-.Ltmp1, $4  }
0x22: {  	[hbm:s11], [sflag:s6] =	dma.local @!p0 [spmem:s15], $0x80  }
0x23: {  	_ =	swait.ge @!p0 [sflag:s0], $0x80  }
0x24: {  	[sflag:s0] =	ssyncset.done @!p0 $0x0  }
0x25: {  	[sflag:s0] =	ssyncadd.s32 @!p0 $0xFFFFFF80  }
.LBB2_1:
0x26: {  	[spmem:s13], [sflag:s6] =	dma.local [hbm:s5], $0x1380  }
0x27: {  	_ =	swait.ge [sflag:s14], $0x1380  }
0x28: {  	[sflag:s14] =	ssyncset.done $0x0  }
0x29: {  	s0 =	simm.s32 @!p0 $0x7;
	[sflag:s14] =	ssyncadd.s32 $0xFFFFEC80  }
0x2a: {  	[spmem:s15], [sflag:s6] =	dma.local @!p0 [hbm:s7], $0x80  }
0x2b: {  	_ =	swait.ge @!p0 [sflag:s0], $0x80  }
0x2c: {  	[sflag:s0] =	ssyncset.done @!p0 $0x0  }
0x2d: {  	[sflag:s0] =	ssyncadd.s32 @!p0 $0xFFFFFF80  }
0x2e: {  	[tilespmem:s3], [sflag:$0x7] =	stream.linear.gather [hbm4b:s8+s3], $0x4E80, $0x38;
	[tilespmem:$0x1F960] =	vst v63  }
0x2f: {  	_ =	swait.ge [sflag:s14], $0x4E80  }
0x30: {  	[sflag:s14] =	ssyncset.done $0x0  }
0x31: {  	s19 =	simm.s32 $0x4E80;
	[sflag:s14] =	ssyncadd.s32 $0xFFFFB180  }
0x32: {  	[tilespmem:s19], [sflag:$0x7] =	stream.linear.gather [hbm4b:s9+s3], $0x4E80, $0x38;
	[tilespmem:$0x1F960] =	vst v63  }
0x33: {  	_ =	swait.ge [sflag:s14], $0x4E80  }
0x34: {  	[sflag:s14] =	ssyncset.done $0x0  }
0x35: {  	[sflag:s14] =	ssyncadd.s32 $0xFFFFB180  }
0x36: {  	s20 =	simm.s32 $0x9D00;
	[bflag:$0x0] =	sbarrier.arrive $0xFFFF  }
0x37: {  	[tilespmem:s20], [sflag:$0x1] =	stream.indirect.gather [hbm4b:s4+s17], $0x40, s3, s17, $0xb8;
	[tilespmem:$0x1F960] =	vst v63  }
.Ltmp2:
0x38: {  	_ = 	snop;
	(pc) =	sbr.rel .LBB2_2-.Ltmp2, $4  }
0x39: {  	s21 =	simm.s32 $0x1A80;
	s1 =	simm.s32 $0xDD00  }
0x3a: {  	[tilespmem:s1], [sflag:$0x2] =	stream.indirect.gather [hbm4b:s4+s17], $0x40, s21, s17, $0xb8;
	[tilespmem:$0x1F960] =	vst v63  }
0x3b: {  	s31 =	simm.s32 $0x3500;
	s16 =	simm.s32 $0x0  }
0x3c: {  	[tilespmem:s22], [sflag:$0x3] =	stream.indirect.gather [hbm4b:s4+s17], $0x40, s31, s17, $0xb8;
	[tilespmem:$0x1F960] =	vst v63  }
.LBB2_9:
0x3d: {  	[spmem:s2] =	stream.indirect.scatter.add.f32 [tilespmem:s18], [sflag:$0x6], $0x40, s19, s17, $0xb8;
	[tilespmem:$0x1F960] =	vst v63  }
.LBB2_11:
0x3e: {  	s0 =	sshrl.u32 s0, $0x2  }
0x3f: {  	s1 =	sxor.u32 $0x13D00, s31;
	s0 =	sadd.s32 $0x3580, s0  }
0x40: {  	[tilespmem:s1], [sflag:$0x3] =	stream.indirect.gather [hbm4b:s4+s17], $0x40, s0, s17, $0xb8;
	[tilespmem:$0x1F960] =	vst v63  }
.LBB2_12:
0x41: {  	p1 =	slt.u32 s16, $0x35  }
.Ltmp3:
0x42: {  	_ = 	snop;
	(pc) =	sbr.rel @!p1 .LBB2_13-.Ltmp3, $1  }
0x43: {  	_ =	sdelay $0x3  }
.LBB2_2:
0x44: {  	p1 =	sne.s32 s16, $0x0  }
.Ltmp4:
0x45: {  	_ = 	snop;
	(pc) =	sbr.rel @!p1 .LBB2_3-.Ltmp4, $4  }
0x46: {  	_ = 	snop  }
0x47: {  	s18 =	sand.u32 $0x1, s16;
	_ =	swait.ge [sflag:s23], $0x2000  }
0x48: {  	s31 =	sshll.u32 s18, $0xD;
	[sflag:s23] =	ssyncset.done $0x0  }
0x49: {  	s1 =	smov.u32 s16;
	s16 =	sor.u32 $0x9D00, s31;
	[sflag:s23] =	ssyncadd.s32 $0xFFFFE000  }
0x4a: {  	p2 =	seq.s32 s1, $0x34  }
.Ltmp5:
0x4b: {  	_ = 	snop;
	(pc) =	sbr.rel @!p2 .LBB2_5-.Ltmp5, $4  }
0x4c: {  	_ =	swait.ge [sflag:s28], $0x2000;
	s0 =	sshll.u32 s1, $0x9  }
0x4d: {  	[sflag:s28] =	ssyncset.done $0x0;
	s19 =	sshrl.u32 s0, $0x2  }
0x4e: {  	[sflag:s28] =	ssyncadd.s32 $0xFFFFE000;
	s19 =	sadd.s32 $0x4E80, s19  }
0x4f: {  	[spmem:s2] =	stream.indirect.scatter.add.f32 [tilespmem:s16], [sflag:$0x4], $0x40, s19, s17, $0xb8;
	[tilespmem:$0x1F960] =	vst v63  }
.Ltmp6:
0x50: {  	(pc) =	sbr.rel .LBB2_7-.Ltmp6, $2  }
0x51: {  	_ =	sdelay $0x2  }
0x52: {  	s0 =	simm.s32 $0x6800;
	s16 =	simm.s32 $0x35;
	p2 =	por $0x1, $0x1  }
.LBB2_5:
.Ltmp7:
0x53: {  	(pc) =	sbr.rel .LBB2_6-.Ltmp7, $2  }
0x54: {  	_ =	sdelay $0x2  }
0x55: {  	s16 =	sadd.s32 $0x1, s1  }
.LBB2_3:
0x56: {  	s19 =	simm.s32 $0x4E80  }
0x57: {  	[spmem:s2] =	stream.indirect.scatter.add.f32 [tilespmem:s16], [sflag:$0x4], $0x40, s19, s17, $0xb8;
	[tilespmem:$0x1F960] =	vst v63  }
0x58: {  	s0 =	simm.s32 $0x0;
	s16 =	simm.s32 $0x1  }
.LBB2_6:
0x59: {  	s20 =	sshll.u32 s16, $0x7  }
0x5a: {  	s21 =	sxor.u32 $0xBD00, s31;
	p2 =	por $0x0, $0x0;
	s20 =	sand.u32 $0x3FFFFF80, s20  }
0x5b: {  	[tilespmem:s21], [sflag:$0x1] =	stream.indirect.gather [hbm4b:s4+s17], $0x40, s20, s17, $0xb8;
	[tilespmem:$0x1F960] =	vst v63  }
.LBB2_7:
0x5c: {  	_ =	swait.ge [sflag:s24], $0x2000  }
0x5d: {  	p3 =	seq.s32 s1, $0x0;
	[sflag:s24] =	ssyncset.done $0x0  }
0x5e: {  	s20 =	simm.s32 @!p3 $0x5;
	[sflag:s24] =	ssyncadd.s32 $0xFFFFE000  }
0x5f: {  	_ =	swait.ge @!p3 [sflag:s20], $0x2000  }
0x60: {  	[sflag:s20] =	ssyncset.done @!p3 $0x0  }
0x61: {  	s21 =	sadd.s32 $0xDD00, s31;
	[sflag:s20] =	ssyncadd.s32 @!p3 $0xFFFFE000;
	s20 =	sadd.s32 $0x1A80, s19  }
0x62: {  	[spmem:s2] =	stream.indirect.scatter.add.f32 [tilespmem:s21], [sflag:$0x5], $0x40, s20, s17, $0xb8;
	[tilespmem:$0x1F960] =	vst v63  }
0x63: {  	s18 =	sshll.u32 @!p2 s18, $0xD;
	s20 =	sshrl.u32 @!p2 s0, $0x2  }
0x64: {  	s18 =	sxor.u32 @!p2 $0xFD00, s18;
	s21 =	simm.s32 @!p2 $0x80;
	s20 =	sadd.s32 @!p2 $0x1B00, s20  }
0x65: {  	[tilespmem:s18], [sflag:$0x2] =	stream.indirect.gather @!p2 [hbm4b:s4+s21], $0x40, s20, s21, $0xb8;
	[tilespmem:$0x1F960] =	vst v63  }
0x66: {  	p2 =	sgt.u32 s1, $0x32  }
.Ltmp8:
0x67: {  	_ = 	snop;
	(pc) =	sbr.rel @p2 .LBB2_12-.Ltmp8, $1  }
0x68: {  	_ =	sdelay $0x3  }
.Ltmp9:
0x69: {  	(pc) =	sbr.rel @!p1 .LBB2_9-.Ltmp9, $4  }
0x6a: {  	_ = 	snop  }
0x6b: {  	_ =	swait.ge [sflag:s25], $0x2000  }
0x6c: {  	[sflag:s25] =	ssyncset.done $0x0  }
0x6d: {  	s18 =	sadd.s32 $0x11D00, s31;
	s19 =	sadd.s32 $0x3500, s19;
	[sflag:s25] =	ssyncadd.s32 $0xFFFFE000  }
0x6e: {  	p1 =	seq.s32 s1, $0x32  }
.Ltmp10:
0x6f: {  	_ = 	snop;
	(pc) =	sbr.rel @p1 .LBB2_12-.Ltmp10, $4  }
.Ltmp11:
0x70: {  	_ =	swait.ge [sflag:s26], $0x2000;
	(pc) =	sbr.rel @!p1 .LBB2_11-.Ltmp11, $4  }
0x71: {  	[sflag:s26] =	ssyncset.done $0x0  }
0x72: {  	[sflag:s26] =	ssyncadd.s32 $0xFFFFE000  }
0x73: {  	[spmem:s2] =	stream.indirect.scatter.add.f32 [tilespmem:s18], [sflag:$0x6], $0x40, s19, s17, $0xb8;
	[tilespmem:$0x1F960] =	vst v63  }
0x74: {  	_ = 	snop  }
.LBB2_14:
0x75: {  	_ =	sfence.sel $0x180000  }
0x76: {  	[bflag:$0x0] =	sbarrier.arrive $0xFFFF  }
0x77: {  	_ =	strace $0x90000053  }
0x78: {  	s0 =	stileid.u32;
	[bflag:$0x2] =	sbarrier.arrive $0xFFFF  }
0x79: {  	p0 =	sne.s32 s0, $0x0;
	s0 =	rddreg [dreg:$0x2]  }
0x7a: {  	s0 =	sadd.s32 @!p0 $0x100000, s0  }
0x7b: {  	[sflag:s0] =	ssyncadd.tile.s32 @!p0 $0x1;
	_ =	shalt  }
.Lfunc_end2:
_tile_overlayer_lowered:
.L_overlay_start_2:
0x7c: {  	(tag) =	ssettag $0x2  }
0x7d: {  	s0 =	rddreg [dreg:$0x0];
	s2 =	stileid.u32  }
0x7e: {  	s1 =	rddreg [dreg:$0x1];
	p0 =	sne.s32 s2, $0x0  }
0x7f: {  	s3 =	rddreg [dreg:$0x2];
	[bflag:$0x3] =	sbarrier.arrive $0xFFFF;
	s2 =	simm.s32 @!p0 $0x1C07  }
0x80: {  	[timem:s3], [sflag:s2] =	dma.local @!p0 [hbm:s0], s1  }
0x81: {  	s0 =	simm.s32 @!p0 $0x7  }
0x82: {  	_ =	swait.ge @!p0 [sflag:s0], s1  }
0x83: {  	s1 =	ssub.s32 @!p0 $0x0, s1;
	[sflag:s0] =	ssyncset.done @!p0 $0x0  }
0x84: {  	[sflag:s0] =	ssyncadd.s32 @!p0 s1  }
0x85: {  	[bflag:$0x3] =	sbarrier.arrive $0xFFFF  }
0x86: {  	_ =	shalt  }

// kernel: kernel.9.cloned.1.call-start
scs
__scs_entry_jumppad:
0x0: {  	(pc) =	sbr.rel $0x88, $3  }
0x1: {  	(tag) =	ssettag $0x0;
	lr =	simm.s32 $0x1  }
0x2: {  	[smem:$0x3F82] =	sst lr;
	_ =	strace $0xD0000000  }
0x3: {  	_ = 	snop  }
0x4: {  	_ = 	snop  }
0x5: {  	_ = 	snop  }
0x6: {  	_ = 	snop  }
0x7: {  	_ = 	snop  }
__scs_overlays_trampoline_lowered:
0x8: {  	[smem:$0x3F91] =	sst s0  }
0x9: {  	[smem:$0x3F92] =	sst s1  }
0xa: {  	[smem:$0x3F93] =	sst s2  }
0xb: {  	[smem:$0x3F94] =	sst s3  }
0xc: {  	[smem:$0x3F95] =	sst s4  }
0xd: {  	[smem:$0x3F96] =	sst s5  }
0xe: {  	[smem:$0x3F97] =	sst s6  }
0xf: {  	[smem:$0x3F98] =	sst s7  }
0x10: {  	[smem:$0x3F99] =	sst s8  }
0x11: {  	[smem:$0x3F9A] =	sst s9;
	s0 =	simm.s32 @!p0 $0x0  }
0x12: {  	s1 =	sld [smem:$0x3F80];
	s0 =	simm.s32 @p0 $0x1  }
0x13: {  	[smem:$0x3F9B] =	sst s0;
	s0 =	simm.s32 @!p1 $0x0  }
0x14: {  	s2 =	sld [smem:$0x3F7F];
	s0 =	simm.s32 @p1 $0x1  }
0x15: {  	[smem:$0x3F9C] =	sst s0;
	s0 =	simm.s32 @!p2 $0x0  }
0x16: {  	s3 =	sld [smem:$0x3FDB];
	s0 =	simm.s32 @p2 $0x1  }
0x17: {  	s4 =	simm.s32 $0x1BF5;
	[smem:$0x3F9E] =	sst s0  }
0x18: {  	s0 =	sld [smem:$0x3F81];
	_ =	swait.ge [sflag:s4], $0x0  }
0x19: {  	s7 =	sld [smem:$0x3F82]  }
0x1a: {  	s8 =	sadd.s32 $0xFFFFE003, lr  }
0x1b: {  	s9 =	sadd.s32 $0xFFFFFEF7, lr;
	s5 =	simm.s32 $0xFFFFFFFF;
	p2 =	slt.u32 s8, $0xFFFFF086  }
0x1c: {  	p1 =	slt.u32 s9, $0xF7A;
	s5 =	simm.s32 @!p2 $0x0  }
0x1d: {  	s5 =	simm.s32 @p1 $0x1;
	p0 =	seq.s32 s7, s2  }
0x1e: {  	s7 =	smul.u32 @!p0 $0xF7A, s2;
	p2 =	seq.s32 @!p0 s5, $0x0  }
0x1f: {  	s9 =	smul.u32 $0xF7A, s1;
	s8 =	simm.s32 @!p0 $0x1BF5;
	p2 =	por !p2, p0  }
0x20: {  	[sflag:s8] =	ssyncset.s32 @!p0 $0xFFFFF086;
	s6 =	sadd.s32 @!p0 s3, s7;
	s7 =	simm.s32 @!p0 $0x108  }
0x21: {  	s3 =	sadd.s32 s3, s9;
	s6 =	sadd.s32 @!p0 $0x88, s6;
	s7 =	simm.s32 @p2 $0x1082  }
0x22: {  	[simem:s7], [sflag:s8] =	dma.local @!p0 [hbm:s6], $0xF7A  }
0x23: {  	s9 =	sor.u32 $0xD0000000, s2;
	s6 =	simm.s32 $0x108;
	_ =	swait.ge @!p0 [sflag:s8], $0x0  }
0x24: {  	s3 =	sadd.s32 $0x88, s3;
	s6 =	simm.s32 @!p1 $0x1082;
	[sflag:s4] =	ssyncset.s32 $0xFFFFF086  }
0x25: {  	[simem:s6], [sflag:s4] =	dma.local [hbm:s3], $0xF7A  }
0x26: {  	[smem:$0x3F82] =	sst s1;
	(tag) =	ssettag s2;
	_ =	strace s9  }
0x27: {  	s1 =	sld [smem:$0x3F92]  }
0x28: {  	s2 =	sld [smem:$0x3F93]  }
0x29: {  	s4 =	sld [smem:$0x3F95]  }
0x2a: {  	p0 =	seq.s32 s5, $0x0;
	s5 =	sld [smem:$0x3F96]  }
0x2b: {  	s6 =	sld [smem:$0x3F97]  }
0x2c: {  	s7 =	sld [smem:$0x3F98]  }
0x2d: {  	s3 =	simm.s32 $0x108;
	s8 =	sld [smem:$0x3F99]  }
0x2e: {  	s3 =	simm.s32 @!p0 $0x1082;
	s9 =	sld [smem:$0x3F9A]  }
0x2f: {  	lr =	sadd.s32 s0, s3;
	s0 =	sld [smem:$0x3F91]  }
0x30: {  	s3 =	sld [smem:$0x3F94]  }
0x31: {  	[smem:$0x3F9D] =	sst s10  }
0x32: {  	s10 =	sld [smem:$0x3F9B];
	_ =	sdelay $0x3  }
0x33: {  	p0 =	seq.s32 s10, $0x1;
	s10 =	sld [smem:$0x3F9D];
	_ =	sdelay $0x3  }
0x34: {  	[smem:$0x3F9D] =	sst s10  }
0x35: {  	s10 =	sld [smem:$0x3F9C];
	_ =	sdelay $0x3  }
0x36: {  	p1 =	seq.s32 s10, $0x1;
	s10 =	sld [smem:$0x3F9D];
	_ =	sdelay $0x3  }
0x37: {  	[smem:$0x3F9D] =	sst s10  }
0x38: {  	s10 =	sld [smem:$0x3F9E]  }
0x39: {  	_ = 	snop;
	(pc) =	sbr.ind lr, $3  }
0x3a: {  	_ = 	snop  }
0x3b: {  	_ = 	snop  }
0x3c: {  	p2 =	seq.s32 s10, $0x1;
	s10 =	sld [smem:$0x3F9D]  }
0x3d: {  	_ =	shalt  }
0x3e: {  	_ =	shalt  }
0x3f: {  	_ =	shalt  }
0x40: {  	_ =	shalt  }
0x41: {  	_ =	shalt  }
0x42: {  	_ =	shalt  }
0x43: {  	_ =	shalt  }
0x44: {  	_ =	shalt  }
0x45: {  	_ =	shalt  }
0x46: {  	_ =	shalt  }
0x47: {  	_ =	shalt  }
0x48: {  	_ =	shalt  }
0x49: {  	_ =	shalt  }
0x4a: {  	_ =	shalt  }
0x4b: {  	_ =	shalt  }
0x4c: {  	_ =	shalt  }
0x4d: {  	_ =	shalt  }
0x4e: {  	_ =	shalt  }
0x4f: {  	_ =	shalt  }
0x50: {  	_ =	shalt  }
0x51: {  	_ =	shalt  }
0x52: {  	_ =	shalt  }
0x53: {  	_ =	shalt  }
0x54: {  	_ =	shalt  }
0x55: {  	_ =	shalt  }
0x56: {  	_ =	shalt  }
0x57: {  	_ =	shalt  }
0x58: {  	_ =	shalt  }
0x59: {  	_ =	shalt  }
0x5a: {  	_ =	shalt  }
0x5b: {  	_ =	shalt  }
0x5c: {  	_ =	shalt  }
0x5d: {  	_ =	shalt  }
0x5e: {  	_ =	shalt  }
0x5f: {  	_ =	shalt  }
0x60: {  	_ =	shalt  }
0x61: {  	_ =	shalt  }
0x62: {  	_ =	shalt  }
0x63: {  	_ =	shalt  }
0x64: {  	_ =	shalt  }
0x65: {  	_ =	shalt  }
0x66: {  	_ =	shalt  }
0x67: {  	_ =	shalt  }
0x68: {  	_ =	shalt  }
0x69: {  	_ =	shalt  }
0x6a: {  	_ =	shalt  }
0x6b: {  	_ =	shalt  }
0x6c: {  	_ =	shalt  }
0x6d: {  	_ =	shalt  }
0x6e: {  	_ =	shalt  }
0x6f: {  	_ =	shalt  }
0x70: {  	_ =	shalt  }
0x71: {  	_ =	shalt  }
0x72: {  	_ =	shalt  }
0x73: {  	_ =	shalt  }
0x74: {  	_ =	shalt  }
0x75: {  	_ =	shalt  }
0x76: {  	_ =	shalt  }
0x77: {  	_ =	shalt  }
0x78: {  	_ =	shalt  }
0x79: {  	_ =	shalt  }
0x7a: {  	_ =	shalt  }
0x7b: {  	_ =	shalt  }
0x7c: {  	_ =	shalt  }
0x7d: {  	_ =	shalt  }
0x7e: {  	_ =	shalt  }
0x7f: {  	_ =	shalt  }
0x80: {  	_ =	shalt  }
0x81: {  	_ =	shalt  }
0x82: {  	_ =	shalt  }
0x83: {  	_ =	shalt  }
0x84: {  	_ =	shalt  }
0x85: {  	_ =	shalt  }
0x86: {  	_ =	shalt  }
0x87: {  	_ =	shalt  }
.Lfunc_end0:
.L_simem_size_0:
called_computation.2_lowered:
.L_overlay_start_0:
0x88: {  	s2 =	sld [smem:$0x3FD9]  }
0x89: {  	s3 =	sld [smem:$0x3FFE];
	_ =	sdelay $0x1  }
0x8a: {  	s1 =	srdreg.scid  }
0x8b: {  	s0 =	sand.u32 $0x1, s1  }
0x8c: {  	s16 =	sshll.u32 s0, $0xA;
	s2 =	sadd.s32 s3, s2  }
0x8d: {  	s2 =	sadd.s32 s2, s16  }
0x8e: {  	[smem:$0x3FA9] =	sst s2  }
0x8f: {  	_ = 	snop  }
0x90: {  	(tm) =	ssettm $0x1  }
0x91: {  	s17 =	sld [smem:$0x3FFB];
	_ =	sdelay $0x3  }
0x92: {  	_ =	strace s17  }
0x93: {  	s2 =	sld [smem:$0x3FFC];
	_ =	sdelay $0x3  }
0x94: {  	_ =	strace s2  }
0x95: {  	s2 =	sld [smem:$0x3FFD];
	_ =	sdelay $0x3  }
0x96: {  	_ =	strace s2  }
0x97: {  	_ =	strace $0x8FFFFFFF  }
0x98: {  	s18 =	sld [smem:$0x3FDB];
	_ =	sdelay $0x1  }
0x99: {  	s19 =	simm.s32 $_scs_section_size  }
0x9a: {  	s4 =	simm.s32 $_size__tile_overlayer_lowered;
	s5 =	simm.s32 $_tile_overlayer_lowered  }
0x9b: {  	s22 =	simm.s32 $0x1BFF;
	s21 =	sshll.u32 s5, $0x1;
	s2 =	sadd.s32 s19, s18  }
0x9c: {  	s6 =	simm.s32 $0x0;
	s20 =	sshll.u32 s4, $0x1;
	s4 =	sadd.s32 s21, s2  }
0x9d: {  	[timem:s6], [sflag:s22] =	dma.local [hbm:s4], s20  }
0x9e: {  	_ =	swait.ge [sflag:s22], s20  }
0x9f: {  	s3 =	ssub.s32 $0x0, s20;
	[sflag:s22] =	ssyncset.done $0x0  }
0xa0: {  	[sflag:s22] =	ssyncadd.s32 s3;
	_ =	sdelay $0x1  }
0xa1: {  	s23 =	simm.s32 $0x1B8B  }
0xa2: {  	_ =	swait.ge [sflag:s23], $0x1  }
0xa3: {  	[sflag:s23] =	ssyncset.done $0x0  }
0xa4: {  	s25 =	simm.s32 $0x1B8E;
	s24 =	sld [smem:$0x3FFE];
	[sflag:s23] =	ssyncadd.s32 $0xFFFFFFFF  }
0xa5: {  	s26 =	simm.s32 $execute0_lowered;
	[smem:$0x3FD2] =	sst s25  }
0xa6: {  	s4 =	sshll.u32 s26, $0x1;
	_ =	strace $0x8000004C;
	[dreg:$0x1] =	wrdreg $0xFFFFFFFF  }
0xa7: {  	s28 =	simm.s32 $_size_execute0_lowered;
	s2 =	sadd.s32 s2, s4;
	[dreg:$0x0] =	wrdreg $0x0  }
0xa8: {  	s4 =	sshll.u32 s28, $0x1;
	[dreg:$0x2] =	wrdreg s2  }
0xa9: {  	[dreg:$0x3] =	wrdreg s4  }
0xaa: {  	[dreg:$0x4] =	wrdreg $0xC0  }
0xab: {  	_ =	task [dreg:s6], $0x5FFFF  }
0xac: {  	[dreg:$0x1] =	wrdreg $0xFFFFFFFF  }
0xad: {  	[dreg:$0x0] =	wrdreg $0x60  }
0xae: {  	[dreg:$0x2] =	wrdreg s24  }
0xaf: {  	[dreg:$0x3] =	wrdreg $0x15D000  }
0xb0: {  	[dreg:$0x4] =	wrdreg $0x9  }
0xb1: {  	_ =	task.clear_ibuf [dreg:s6], $0x5FFFF;
	_ =	strace $0x9000004C  }
0xb2: {  	s29 =	simm.s32 $0x9;
	_ =	strace $0x8000004E  }
0xb3: {  	_ =	swait.ge [sflag:s29], $0x1  }
0xb4: {  	[sflag:s29] =	ssyncadd.s32 $0xFFFFFFFF  }
0xb5: {  	_ =	strace $0x9000004E  }
0xb6: {  	_ =	sfence  }
0xb7: {  	s30 =	sld [smem:$0x0];
	_ =	sdelay $0x2  }
0xb8: {  	s31 =	sshll.u32 s1, $0xD;
	s1 =	sshrl.u32 s1, $0x2  }
0xb9: {  	s3 =	sand.u32 $0x4000, s31;
	s1 =	sadd.s32 s1, s30  }
0xba: {  	s0 =	sor.u32 s3, s0;
	s1 =	sshll.u32 s1, $0x11  }
0xbb: {  	s0 =	sor.u32 s1, s0  }
0xbc: {  	s0 =	sadd.s32 $0x8F2B, s0  }
0xbd: {  	[sflag:s0] =	ssyncadd.remote.s32 $0x1  }
0xbe: {  	_ =	sfence.sel $0xFFFF  }
0xbf: {  	[dreg:$0x0] =	wrdreg $0xFFFFFFFF;
	(pc) =	sbr.abs _section_cstart, $3  }
0xc0: {  	[dreg:$0x1] =	wrdreg $0xFFFFFFFF  }
0xc1: {  	_ =	task.clear_ibuf [dreg:s6], $0x2FFFF;
	_ =	strace $0x9FFFFFFF  }
0xc2: {  	(tm) =	ssettm $0x7FFFFFFF  }
0xc3: {  	_ =	shalt  }
tec
execute0_lowered:
.L_overlay_start_1:
0x0: {  	(tag) =	ssettag $0x1  }
0x1: {  	s0 =	srdreg.scid  }
0x2: {  	s16 =	stileid.u32;
	s1 =	rddreg [dreg:$0x0]  }
0x3: {  	s2 =	rddreg [dreg:$0x1];
	s3 =	simm.s32 $0x0;
	s17 =	simm.s32 $0x80  }
0x4: {  	s22 =	simm.s32 $0x11D00;
	s28 =	simm.s32 $0x4;
	s5 =	smul.u32 $0x4E80, s16  }
0x5: {  	s29 =	simm.s32 $0x5;
	s30 =	simm.s32 $0x0;
	s7 =	smul.u32 $0x9C00, s16  }
0x6: {  	s0 =	sand.u32 $0x1, s0;
	[smem:$0x7FF] =	sst s3;
	s25 =	smul.u32 $0x1380, s16  }
0x7: {  	s10 =	sadd.s32 $0x87200, s1;
	s26 =	sshll.u32 s16, $0x6;
	s4 =	smul.u32 $0x4E800, s0  }
0x8: {  	s15 =	sadd.s32 $0x9C000, s2;
	p0 =	sne.s32 s16, $0xF;
	s14 =	smul.u32 $0x9C400, s0  }
0x9: {  	_ =	strace $0x8000004D;
	s24 =	ssub.s32 $0x2, s0;
	s0 =	smul.u32 $0x13880, s0  }
0xa: {  	s15 =	sshrl.u32 @!p0 s15, $0x3;
	s23 =	sshrl.u32 s7, $0x3;
	s11 =	sshrl.u32 s24, $0x1  }
0xb: {  	s13 =	sadd.s32 s7, s2;
	s7 =	sadd.s32 $0x1AC00, s1;
	s4 =	sadd.s32 s5, s4  }
0xc: {  	s5 =	sshrl.u32 s5, $0x3;
	s12 =	ssub.s32 s24, s11;
	s31 =	sshrl.u32 s14, $0x3  }
0xd: {  	s0 =	sadd.s32 s25, s0;
	s13 =	sshrl.u32 s13, $0x3;
	s14 =	simm.s32 $0x7  }
0xe: {  	s24 =	simm.s32 $0x2;
	s25 =	simm.s32 $0x3;
	s6 =	sshrl.u32 s4, $0x3  }
.Ltmp0:
0xf: {  	s4 =	sadd.s32 $0xCB200, s1;
	s9 =	sadd.s32 s5, s1;
	(pc) =	sbr.rel .LBB2_1-.Ltmp0, $4  }
0x10: {  	s5 =	sadd.s32 s23, s1;
	s12 =	smax.u32 s12, $0x1;
	s23 =	simm.s32 $0x1  }
0x11: {  	s8 =	sadd.s32 s6, s1;
	s5 =	sadd.s32 $0x7400, s5;
	s6 =	sor.u32 $0x1C07, s26  }
0x12: {  	s9 =	sadd.s32 $0x7D400, s9;
	s1 =	sadd.s32 s10, s31;
	s10 =	sadd.s32 s10, s0  }
0x13: {  	s26 =	simm.s32 $0x6;
	s8 =	sadd.s32 $0x69400, s8;
	s11 =	sadd.s32 $0x13800, s1  }
.LBB2_13:
0x14: {  	_ =	swait.ge [sflag:s28], $0x2000  }
0x15: {  	[sflag:s28] =	ssyncset.done $0x0  }
0x16: {  	[sflag:s28] =	ssyncadd.s32 $0xFFFFE000  }
0x17: {  	_ =	swait.ge [sflag:s29], $0x2000  }
0x18: {  	[sflag:s29] =	ssyncset.done $0x0  }
0x19: {  	[sflag:s29] =	ssyncadd.s32 $0xFFFFE000  }
0x1a: {  	_ =	swait.ge [sflag:s26], $0x2000  }
0x1b: {  	[sflag:s26] =	ssyncset.done $0x0  }
0x1c: {  	[sflag:s26] =	ssyncadd.s32 $0xFFFFE000  }
0x1d: {  	[bflag:$0x0] =	sbarrier.arrive $0xFFFF  }
0x1e: {  	[hbm:s10], [sflag:s6] =	dma.local [spmem:s13], $0x1380  }
0x1f: {  	s30 =	sadd.s32 $0x1, s30;
	_ =	swait.ge [sflag:s14], $0x1380  }
0x20: {  	p1 =	sne.s32 s30, s12;
	[sflag:s14] =	ssyncset.done $0x0  }
.Ltmp1:
0x21: {  	s0 =	simm.s32 @!p0 $0x7;
	[sflag:s14] =	ssyncadd.s32 $0xFFFFEC80;
	(pc) =	sbr.rel @!p1 .LBB2_14-.Ltmp1, $4  }
0x22: {  	[hbm:s11], [sflag:s6] =	dma.local @!p0 [spmem:s15], $0x80  }
0x23: {  	_ =	swait.ge @!p0 [sflag:s0], $0x80  }
0x24: {  	[sflag:s0] =	ssyncset.done @!p0 $0x0  }
0x25: {  	[sflag:s0] =	ssyncadd.s32 @!p0 $0xFFFFFF80  }
.LBB2_1:
0x26: {  	[spmem:s13], [sflag:s6] =	dma.local [hbm:s5], $0x1380  }
0x27: {  	_ =	swait.ge [sflag:s14], $0x1380  }
0x28: {  	[sflag:s14] =	ssyncset.done $0x0  }
0x29: {  	s0 =	simm.s32 @!p0 $0x7;
	[sflag:s14] =	ssyncadd.s32 $0xFFFFEC80  }
0x2a: {  	[spmem:s15], [sflag:s6] =	dma.local @!p0 [hbm:s7], $0x80  }
0x2b: {  	_ =	swait.ge @!p0 [sflag:s0], $0x80  }
0x2c: {  	[sflag:s0] =	ssyncset.done @!p0 $0x0  }
0x2d: {  	[sflag:s0] =	ssyncadd.s32 @!p0 $0xFFFFFF80  }
0x2e: {  	[tilespmem:s3], [sflag:$0x7] =	stream.linear.gather [hbm4b:s8+s3], $0x4E80, $0x38;
	[tilespmem:$0x1F960] =	vst v63  }
0x2f: {  	_ =	swait.ge [sflag:s14], $0x4E80  }
0x30: {  	[sflag:s14] =	ssyncset.done $0x0  }
0x31: {  	s19 =	simm.s32 $0x4E80;
	[sflag:s14] =	ssyncadd.s32 $0xFFFFB180  }
0x32: {  	[tilespmem:s19], [sflag:$0x7] =	stream.linear.gather [hbm4b:s9+s3], $0x4E80, $0x38;
	[tilespmem:$0x1F960] =	vst v63  }
0x33: {  	_ =	swait.ge [sflag:s14], $0x4E80  }
0x34: {  	[sflag:s14] =	ssyncset.done $0x0  }
0x35: {  	[sflag:s14] =	ssyncadd.s32 $0xFFFFB180  }
0x36: {  	s20 =	simm.s32 $0x9D00;
	[bflag:$0x0] =	sbarrier.arrive $0xFFFF  }
0x37: {  	[tilespmem:s20], [sflag:$0x1] =	stream.indirect.gather [hbm4b:s4+s17], $0x40, s3, s17, $0xb8;
	[tilespmem:$0x1F960] =	vst v63  }
.Ltmp2:
0x38: {  	_ = 	snop;
	(pc) =	sbr.rel .LBB2_2-.Ltmp2, $4  }
0x39: {  	s21 =	simm.s32 $0x1A80;
	s1 =	simm.s32 $0xDD00  }
0x3a: {  	[tilespmem:s1], [sflag:$0x2] =	stream.indirect.gather [hbm4b:s4+s17], $0x40, s21, s17, $0xb8;
	[tilespmem:$0x1F960] =	vst v63  }
0x3b: {  	s31 =	simm.s32 $0x3500;
	s16 =	simm.s32 $0x0  }
0x3c: {  	[tilespmem:s22], [sflag:$0x3] =	stream.indirect.gather [hbm4b:s4+s17], $0x40, s31, s17, $0xb8;
	[tilespmem:$0x1F960] =	vst v63  }
.LBB2_9:
0x3d: {  	[spmem:s2] =	stream.indirect.scatter.add.f32 [tilespmem:s18], [sflag:$0x6], $0x40, s19, s17, $0xb8;
	[tilespmem:$0x1F960] =	vst v63  }
.LBB2_11:
0x3e: {  	s0 =	sshrl.u32 s0, $0x2  }
0x3f: {  	s1 =	sxor.u32 $0x13D00, s31;
	s0 =	sadd.s32 $0x3580, s0  }
0x40: {  	[tilespmem:s1], [sflag:$0x3] =	stream.indirect.gather [hbm4b:s4+s17], $0x40, s0, s17, $0xb8;
	[tilespmem:$0x1F960] =	vst v63  }
.LBB2_12:
0x41: {  	p1 =	slt.u32 s16, $0x35  }
.Ltmp3:
0x42: {  	_ = 	snop;
	(pc) =	sbr.rel @!p1 .LBB2_13-.Ltmp3, $1  }
0x43: {  	_ =	sdelay $0x3  }
.LBB2_2:
0x44: {  	p1 =	sne.s32 s16, $0x0  }
.Ltmp4:
0x45: {  	_ = 	snop;
	(pc) =	sbr.rel @!p1 .LBB2_3-.Ltmp4, $4  }
0x46: {  	_ = 	snop  }
0x47: {  	s18 =	sand.u32 $0x1, s16;
	_ =	swait.ge [sflag:s23], $0x2000  }
0x48: {  	s31 =	sshll.u32 s18, $0xD;
	[sflag:s23] =	ssyncset.done $0x0  }
0x49: {  	s1 =	smov.u32 s16;
	s16 =	sor.u32 $0x9D00, s31;
	[sflag:s23] =	ssyncadd.s32 $0xFFFFE000  }
0x4a: {  	p2 =	seq.s32 s1, $0x34  }
.Ltmp5:
0x4b: {  	_ = 	snop;
	(pc) =	sbr.rel @!p2 .LBB2_5-.Ltmp5, $4  }
0x4c: {  	_ =	swait.ge [sflag:s28], $0x2000;
	s0 =	sshll.u32 s1, $0x9  }
0x4d: {  	[sflag:s28] =	ssyncset.done $0x0;
	s19 =	sshrl.u32 s0, $0x2  }
0x4e: {  	[sflag:s28] =	ssyncadd.s32 $0xFFFFE000;
	s19 =	sadd.s32 $0x4E80, s19  }
0x4f: {  	[spmem:s2] =	stream.indirect.scatter.add.f32 [tilespmem:s16], [sflag:$0x4], $0x40, s19, s17, $0xb8;
	[tilespmem:$0x1F960] =	vst v63  }
.Ltmp6:
0x50: {  	(pc) =	sbr.rel .LBB2_7-.Ltmp6, $2  }
0x51: {  	_ =	sdelay $0x2  }
0x52: {  	s0 =	simm.s32 $0x6800;
	s16 =	simm.s32 $0x35;
	p2 =	por $0x1, $0x1  }
.LBB2_5:
.Ltmp7:
0x53: {  	(pc) =	sbr.rel .LBB2_6-.Ltmp7, $2  }
0x54: {  	_ =	sdelay $0x2  }
0x55: {  	s16 =	sadd.s32 $0x1, s1  }
.LBB2_3:
0x56: {  	s19 =	simm.s32 $0x4E80  }
0x57: {  	[spmem:s2] =	stream.indirect.scatter.add.f32 [tilespmem:s16], [sflag:$0x4], $0x40, s19, s17, $0xb8;
	[tilespmem:$0x1F960] =	vst v63  }
0x58: {  	s0 =	simm.s32 $0x0;
	s16 =	simm.s32 $0x1  }
.LBB2_6:
0x59: {  	s20 =	sshll.u32 s16, $0x7  }
0x5a: {  	s21 =	sxor.u32 $0xBD00, s31;
	p2 =	por $0x0, $0x0;
	s20 =	sand.u32 $0x3FFFFF80, s20  }
0x5b: {  	[tilespmem:s21], [sflag:$0x1] =	stream.indirect.gather [hbm4b:s4+s17], $0x40, s20, s17, $0xb8;
	[tilespmem:$0x1F960] =	vst v63  }
.LBB2_7:
0x5c: {  	_ =	swait.ge [sflag:s24], $0x2000  }
0x5d: {  	p3 =	seq.s32 s1, $0x0;
	[sflag:s24] =	ssyncset.done $0x0  }
0x5e: {  	s20 =	simm.s32 @!p3 $0x5;
	[sflag:s24] =	ssyncadd.s32 $0xFFFFE000  }
0x5f: {  	_ =	swait.ge @!p3 [sflag:s20], $0x2000  }
0x60: {  	[sflag:s20] =	ssyncset.done @!p3 $0x0  }
0x61: {  	s21 =	sadd.s32 $0xDD00, s31;
	[sflag:s20] =	ssyncadd.s32 @!p3 $0xFFFFE000;
	s20 =	sadd.s32 $0x1A80, s19  }
0x62: {  	[spmem:s2] =	stream.indirect.scatter.add.f32 [tilespmem:s21], [sflag:$0x5], $0x40, s20, s17, $0xb8;
	[tilespmem:$0x1F960] =	vst v63  }
0x63: {  	s18 =	sshll.u32 @!p2 s18, $0xD;
	s20 =	sshrl.u32 @!p2 s0, $0x2  }
0x64: {  	s18 =	sxor.u32 @!p2 $0xFD00, s18;
	s21 =	simm.s32 @!p2 $0x80;
	s20 =	sadd.s32 @!p2 $0x1B00, s20  }
0x65: {  	[tilespmem:s18], [sflag:$0x2] =	stream.indirect.gather @!p2 [hbm4b:s4+s21], $0x40, s20, s21, $0xb8;
	[tilespmem:$0x1F960] =	vst v63  }
0x66: {  	p2 =	sgt.u32 s1, $0x32  }
.Ltmp8:
0x67: {  	_ = 	snop;
	(pc) =	sbr.rel @p2 .LBB2_12-.Ltmp8, $1  }
0x68: {  	_ =	sdelay $0x3  }
.Ltmp9:
0x69: {  	(pc) =	sbr.rel @!p1 .LBB2_9-.Ltmp9, $4  }
0x6a: {  	_ = 	snop  }
0x6b: {  	_ =	swait.ge [sflag:s25], $0x2000  }
0x6c: {  	[sflag:s25] =	ssyncset.done $0x0  }
0x6d: {  	s18 =	sadd.s32 $0x11D00, s31;
	s19 =	sadd.s32 $0x3500, s19;
	[sflag:s25] =	ssyncadd.s32 $0xFFFFE000  }
0x6e: {  	p1 =	seq.s32 s1, $0x32  }
.Ltmp10:
0x6f: {  	_ = 	snop;
	(pc) =	sbr.rel @p1 .LBB2_12-.Ltmp10, $4  }
.Ltmp11:
0x70: {  	_ =	swait.ge [sflag:s26], $0x2000;
	(pc) =	sbr.rel @!p1 .LBB2_11-.Ltmp11, $4  }
0x71: {  	[sflag:s26] =	ssyncset.done $0x0  }
0x72: {  	[sflag:s26] =	ssyncadd.s32 $0xFFFFE000  }
0x73: {  	[spmem:s2] =	stream.indirect.scatter.add.f32 [tilespmem:s18], [sflag:$0x6], $0x40, s19, s17, $0xb8;
	[tilespmem:$0x1F960] =	vst v63  }
0x74: {  	_ = 	snop  }
.LBB2_14:
0x75: {  	_ =	sfence.sel $0x180000  }
0x76: {  	[bflag:$0x0] =	sbarrier.arrive $0xFFFF  }
0x77: {  	_ =	strace $0x9000004D  }
0x78: {  	s0 =	stileid.u32;
	[bflag:$0x2] =	sbarrier.arrive $0xFFFF  }
0x79: {  	p0 =	sne.s32 s0, $0x0;
	s0 =	rddreg [dreg:$0x2]  }
0x7a: {  	s0 =	sadd.s32 @!p0 $0x100000, s0  }
0x7b: {  	[sflag:s0] =	ssyncadd.tile.s32 @!p0 $0x1;
	_ =	shalt  }
.Lfunc_end2:
_tile_overlayer_lowered:
.L_overlay_start_2:
0x7c: {  	(tag) =	ssettag $0x2  }
0x7d: {  	s0 =	rddreg [dreg:$0x0];
	s2 =	stileid.u32  }
0x7e: {  	s1 =	rddreg [dreg:$0x1];
	p0 =	sne.s32 s2, $0x0  }
0x7f: {  	s3 =	rddreg [dreg:$0x2];
	[bflag:$0x3] =	sbarrier.arrive $0xFFFF;
	s2 =	simm.s32 @!p0 $0x1C07  }
0x80: {  	[timem:s3], [sflag:s2] =	dma.local @!p0 [hbm:s0], s1  }
0x81: {  	s0 =	simm.s32 @!p0 $0x7  }
0x82: {  	_ =	swait.ge @!p0 [sflag:s0], s1  }
0x83: {  	s1 =	ssub.s32 @!p0 $0x0, s1;
	[sflag:s0] =	ssyncset.done @!p0 $0x0  }
0x84: {  	[sflag:s0] =	ssyncadd.s32 @!p0 s1  }
0x85: {  	[bflag:$0x3] =	sbarrier.arrive $0xFFFF  }
0x86: {  	_ =	shalt  }

</sc_bundles>
